<compile_context>
chip_gen: v7x
topology: tpu7x:2x2x1
jax: 0.10.2.dev20260603
libtpu: 0.0.44.dev20260713+nightly
codegen_flags: <defaults>
</compile_context>

<pallas_src>
import functools

import jax
import jax.numpy as jnp
from jax import lax
from jax.experimental import pallas as pl
from jax.experimental.pallas import tpu as pltpu
from jax.experimental.pallas import tpu_sc as plsc


def _make_sc_kernel(B, L, E, NC, NS):
    NW = NC * NS
    BLK = 128
    assert B == NW * BLK
    EO, ES = E // 8, 8
    UL = 2
    NBUF = 4
    NU = L // UL
    assert EO * ES == E and L % UL == 0 and NU % NBUF == 0

    mesh = plsc.VectorSubcoreMesh(core_axis_name="c", subcore_axis_name="s")

    @functools.partial(
        pl.kernel,
        out_type=jax.ShapeDtypeStruct((L, EO, NW, ES, BLK), jnp.float32),
        mesh=mesh,
        scratch_types=[
            pltpu.VMEM((L, E), jnp.float32),
            pltpu.VMEM((16, L), jnp.int32),
            pltpu.VMEM((L, BLK), jnp.int32),
            pltpu.VMEM((NBUF, UL * BLK, E), jnp.float32),
            pltpu.VMEM((UL * BLK, E + 1), jnp.float32),
            pltpu.VMEM((NBUF, UL, EO, ES, BLK), jnp.float32),
            pltpu.SemaphoreType.DMA((NBUF,)),
            pltpu.SemaphoreType.DMA((NBUF,)),
        ],
        compiler_params=pltpu.CompilerParams(
            use_tc_tiling_on_sc=False, needs_layout_passes=False),
    )
    def emb(tok_hbm, idx_hbm, pos_hbm, out_hbm, pos_v, idxr_v, idxt_v,
            rows_v, pad_v, outb_v, gsem, osem):
        wid = lax.axis_index("s") * NC + lax.axis_index("c")
        b0 = wid * BLK
        pltpu.sync_copy(pos_hbm, pos_v)
        lanes = lax.iota(jnp.int32, 16)

        for j in range(BLK // 16):
            pltpu.sync_copy(idx_hbm.at[pl.ds(b0 + j * 16, 16), :], idxr_v)

            @pl.loop(0, L)
            def _transpose_idx(l):
                lvec = lanes * 0 + l
                idxt_v[l, pl.ds(j * 16, 16)] = plsc.load_gather(
                    idxr_v, [lanes, lvec])

        def fire_unit_gathers(u, b):
            for k in range(UL):
                pltpu.async_copy(
                    tok_hbm.at[idxt_v.at[u * UL + k, :]],
                    rows_v.at[b, pl.ds(k * BLK, BLK), :],
                    gsem.at[b])

        for b in range(NBUF - 1):
            fire_unit_gathers(b, b)

        @pl.loop(0, NU // NBUF)
        def _ring(g):
            for b in range(NBUF):
                u = g * NBUF + b
                pltpu.make_async_copy(
                    tok_hbm.at[pl.ds(0, UL * BLK), :], rows_v.at[b], gsem.at[b]
                ).wait()

                for k in range(UL):
                    l = u * UL + k
                    p0 = pos_v[l, pl.ds(0, 16)]
                    p1 = pos_v[l, pl.ds(16, 16)]

                    @plsc.parallel_loop(0, BLK, unroll=4)
                    def _repitch(r):
                        pad_v[k * BLK + r, pl.ds(0, 16)] = (
                            rows_v[b, k * BLK + r, pl.ds(0, 16)] + p0)
                        pad_v[k * BLK + r, pl.ds(16, 16)] = (
                            rows_v[b, k * BLK + r, pl.ds(16, 16)] + p1)

                @pl.when(g > 0)
                def _():
                    pltpu.make_async_copy(
                        outb_v.at[b], out_hbm.at[pl.ds(0, UL), :, 0, :, :],
                        osem.at[b]).wait()

                for k in range(UL):
                    @plsc.parallel_loop(0, E, unroll=4)
                    def _emb_dim(e):
                        evec = lanes * 0 + e
                        eo, es = e // ES, e % ES
                        for j in range(BLK // 16):
                            v = plsc.load_gather(
                                pad_v, [lanes + (k * BLK + j * 16), evec])
                            outb_v[b, k, eo, es, pl.ds(j * 16, 16)] = v

                nxt = u + NBUF - 1
                if b == 0:
                    fire_unit_gathers(nxt, (b + NBUF - 1) % NBUF)
                else:
                    @pl.when(g < NU // NBUF - 1)
                    def _():
                        fire_unit_gathers(nxt, (b + NBUF - 1) % NBUF)

                pltpu.async_copy(
                    outb_v.at[b], out_hbm.at[pl.ds(u * UL, UL), :, wid, :, :],
                    osem.at[b])

        for b in range(NBUF):
            pltpu.make_async_copy(
                outb_v.at[b], out_hbm.at[pl.ds(0, UL), :, 0, :, :], osem.at[b]
            ).wait()

    return emb


def kernel(inputs, tok_table, pos_table):
    B, L = inputs.shape
    E = tok_table.shape[1]
    info = plsc.get_sparse_core_info()
    emb = _make_sc_kernel(B, L, E, info.num_cores, info.num_subcores)
    out5 = emb(tok_table, inputs.astype(jnp.int32), pos_table)
    return out5.transpose(2, 4, 0, 1, 3).reshape(B, L, E)

# --- scband reference (transcript-rebuilt; emitter-appended) ---
"""Pipeline reference for scband-token-and-position-embeddings-58188216926424 (READ-ONLY COPY).

The authoritative reference and input builder live on the scoring server;
editing this copy changes nothing except your own understanding.
"""

import jax, jax.numpy as jnp
import numpy as np

VOCAB = 1000000
MAXLEN = 200
EMB = 32
BATCH = 4096

def setup_inputs(seed: int = 0) -> dict:
    key = jax.random.key(seed)
    k1, k2, k3 = jax.random.split(key, 3)
    inputs = jax.random.randint(k1, (BATCH, MAXLEN), 0, VOCAB, dtype=jnp.int64 if jax.config.jax_enable_x64 else jnp.int32)
    tok_table = jax.random.normal(k2, (VOCAB, EMB), dtype=jnp.float32) * 0.02
    pos_table = jax.random.normal(k3, (MAXLEN, EMB), dtype=jnp.float32) * 0.02
    return {"inputs": inputs, "tok_table": tok_table, "pos_table": pos_table}

def reference(inputs, tok_table, pos_table):
    max_len = inputs.shape[-1]
    positions = jnp.arange(0, max_len)
    pos_emb = jnp.take(pos_table, positions, axis=0)          # [L, E]
    tok_emb = jnp.take(tok_table, inputs, axis=0)             # [B, L, E]
    return tok_emb + pos_emb[None, :, :]

if __name__ == "__main__":
    import jax
    _d = setup_inputs()
    print(jax.jit(kernel)(*tuple(_d.values())))

</pallas_src>

<mosaic_0001>
#map = affine_map<(d0, d1) -> (0, 0)>
#map1 = affine_map<(d0, d1) -> (0, 0, 0, 0, 0)>
module attributes {stable_mosaic.version = 14 : i64} {
  func.func @emb(%arg0: i32, %arg1: i32, %arg2: memref<1000000x32xf32, #tpu.memory_space<hbm>>, %arg3: memref<4096x200xi32, #tpu.memory_space<hbm>>, %arg4: memref<200x32xf32, #tpu.memory_space<hbm>>, %arg5: memref<200x4x32x8x128xf32, #tpu.memory_space<hbm>>, %arg6: memref<200x32xf32, #tpu.memory_space<vmem>>, %arg7: memref<16x200xi32, #tpu.memory_space<vmem>>, %arg8: memref<200x128xi32, #tpu.memory_space<vmem>>, %arg9: memref<4x256x32xf32, #tpu.memory_space<vmem>>, %arg10: memref<256x33xf32, #tpu.memory_space<vmem>>, %arg11: memref<4x2x4x8x128xf32, #tpu.memory_space<vmem>>, %arg12: memref<4x!tpu.dma_semaphore, #tpu.memory_space<semaphore_mem>>, %arg13: memref<4x!tpu.dma_semaphore, #tpu.memory_space<semaphore_mem>>) attributes {dimension_semantics = [#tpu.dimension_semantics<core_parallel>, #tpu.dimension_semantics<subcore_parallel>], iteration_bounds = array<i64: 2, 16>, scalar_prefetch = 0 : i64, scratch_operands = 8 : i64, tpu.core_type = #tpu.core_type<sc_vector_subcore>, window_params = [{transform_indices = #map}, {transform_indices = #map}, {transform_indices = #map}, {transform_indices = #map1}]} {
    %mul3A = arith.constant 2 : i32
    %mul3A_0 = arith.muli %arg1, %mul3A : i32
    %add3A = arith.addi %mul3A_0, %arg0 : i32
    %mul3A_1 = arith.constant 128 : i32
    %mul3A_2 = arith.muli %add3A, %mul3A_1 : i32
    "tpu.region"() ({
      %run_scoped3A = tpu.sem_alloc : memref<!tpu.dma_semaphore, #tpu.memory_space<semaphore_mem>>
      tpu.enqueue_dma source(%arg4 : memref<200x32xf32, #tpu.memory_space<hbm>>) target(%arg6 : memref<200x32xf32, #tpu.memory_space<vmem>>) target_semaphore(%run_scoped3A : memref<!tpu.dma_semaphore, #tpu.memory_space<semaphore_mem>>)
      tpu.wait_dma2 semaphore(%run_scoped3A : memref<!tpu.dma_semaphore, #tpu.memory_space<semaphore_mem>>) src(%arg4 : memref<200x32xf32, #tpu.memory_space<hbm>>) dst(%arg6 : memref<200x32xf32, #tpu.memory_space<vmem>>)
      tpu.yield
    }) : () -> ()
    %iota3A = tpu.iota {dimensions = array<i32: 0>} : vector<16xi32>
    %add3A_3 = arith.constant 0 : i32
    %add3A_4 = arith.addi %mul3A_2, %add3A_3 : i32
    "tpu.region"() ({
      %run_scoped3A = tpu.sem_alloc : memref<!tpu.dma_semaphore, #tpu.memory_space<semaphore_mem>>
      %dma_start3A_267 = arith.constant 0 : i32
      %dma_start3A_268 = tpu.memref_slice %arg3[%add3A_4, %dma_start3A_267] : memref<4096x200xi32, #tpu.memory_space<hbm>> -> memref<16x200xi32, #tpu.memory_space<hbm>>
      %dma_start3A_269 = arith.constant 0 : i32
      %dma_start3A_270 = tpu.memref_slice %arg3[%add3A_4, %dma_start3A_269] : memref<4096x200xi32, #tpu.memory_space<hbm>> -> memref<16x200xi32, #tpu.memory_space<hbm>>
      tpu.enqueue_dma source(%dma_start3A_270 : memref<16x200xi32, #tpu.memory_space<hbm>>) target(%arg7 : memref<16x200xi32, #tpu.memory_space<vmem>>) target_semaphore(%run_scoped3A : memref<!tpu.dma_semaphore, #tpu.memory_space<semaphore_mem>>)
      %dma_wait3A_271 = arith.constant 0 : i32
      %dma_wait3A_272 = tpu.memref_slice %arg3[%add3A_4, %dma_wait3A_271] : memref<4096x200xi32, #tpu.memory_space<hbm>> -> memref<16x200xi32, #tpu.memory_space<hbm>>
      %dma_wait3A_273 = arith.constant 0 : i32
      %dma_wait3A_274 = tpu.memref_slice %arg3[%add3A_4, %dma_wait3A_273] : memref<4096x200xi32, #tpu.memory_space<hbm>> -> memref<16x200xi32, #tpu.memory_space<hbm>>
      tpu.wait_dma2 semaphore(%run_scoped3A : memref<!tpu.dma_semaphore, #tpu.memory_space<semaphore_mem>>) src(%dma_wait3A_274 : memref<16x200xi32, #tpu.memory_space<hbm>>) dst(%arg7 : memref<16x200xi32, #tpu.memory_space<vmem>>)
      tpu.yield
    }) : () -> ()
    %scan3A = arith.constant 0 : i32
    %scan3A_5 = arith.constant 200 : i32
    %scan3A_6 = arith.addi %scan3A, %scan3A_5 : i32
    %scan3A_7 = arith.constant 1 : i32
    scf.for %scan3A_267 = %scan3A to %scan3A_6 step %scan3A_7  : i32 {
      %mul3A_268 = arith.constant 1 : i32
      %mul3A_269 = arith.muli %scan3A_267, %mul3A_268 : i32
      %add3A_270 = arith.constant 0 : i32
      %add3A_271 = arith.addi %add3A_270, %mul3A_269 : i32
      %mul3A_272 = arith.constant 0 : i32
      %mul3A_273 = vector.broadcast %mul3A_272 : i32 to vector<16xi32>
      %mul3A_274 = arith.muli %iota3A, %mul3A_273 : vector<16xi32>
      %add3A_275 = vector.broadcast %add3A_271 : i32 to vector<16xi32>
      %add3A_276 = arith.addi %mul3A_274, %add3A_275 : vector<16xi32>
      %gather3A = tpu.vector_load_idx %arg7[%iota3A, %add3A_276] : memref<16x200xi32, #tpu.memory_space<vmem>>[vector<16xi32>, vector<16xi32>], vector<16xi32>,
      %swap3A = arith.index_cast %add3A_271 : i32 to index
      %swap3A_277 = arith.constant 0 : index
      %swap3A_278 = tpu.vector_load %arg8[%swap3A, %swap3A_277] {strides = array<i32>} : memref<200x128xi32, #tpu.memory_space<vmem>>, vector<16xi32>,
      tpu.vector_store %arg8[%swap3A, %swap3A_277], %gather3A {strides = array<i32>} : memref<200x128xi32, #tpu.memory_space<vmem>>, vector<16xi32>,
    }
    %scan3A_8 = arith.constant 200 : i32
    %add3A_9 = arith.constant 16 : i32
    %add3A_10 = arith.addi %mul3A_2, %add3A_9 : i32
    "tpu.region"() ({
      %run_scoped3A = tpu.sem_alloc : memref<!tpu.dma_semaphore, #tpu.memory_space<semaphore_mem>>
      %dma_start3A_267 = arith.constant 0 : i32
      %dma_start3A_268 = tpu.memref_slice %arg3[%add3A_10, %dma_start3A_267] : memref<4096x200xi32, #tpu.memory_space<hbm>> -> memref<16x200xi32, #tpu.memory_space<hbm>>
      %dma_start3A_269 = arith.constant 0 : i32
      %dma_start3A_270 = tpu.memref_slice %arg3[%add3A_10, %dma_start3A_269] : memref<4096x200xi32, #tpu.memory_space<hbm>> -> memref<16x200xi32, #tpu.memory_space<hbm>>
      tpu.enqueue_dma source(%dma_start3A_270 : memref<16x200xi32, #tpu.memory_space<hbm>>) target(%arg7 : memref<16x200xi32, #tpu.memory_space<vmem>>) target_semaphore(%run_scoped3A : memref<!tpu.dma_semaphore, #tpu.memory_space<semaphore_mem>>)
      %dma_wait3A_271 = arith.constant 0 : i32
      %dma_wait3A_272 = tpu.memref_slice %arg3[%add3A_10, %dma_wait3A_271] : memref<4096x200xi32, #tpu.memory_space<hbm>> -> memref<16x200xi32, #tpu.memory_space<hbm>>
      %dma_wait3A_273 = arith.constant 0 : i32
      %dma_wait3A_274 = tpu.memref_slice %arg3[%add3A_10, %dma_wait3A_273] : memref<4096x200xi32, #tpu.memory_space<hbm>> -> memref<16x200xi32, #tpu.memory_space<hbm>>
      tpu.wait_dma2 semaphore(%run_scoped3A : memref<!tpu.dma_semaphore, #tpu.memory_space<semaphore_mem>>) src(%dma_wait3A_274 : memref<16x200xi32, #tpu.memory_space<hbm>>) dst(%arg7 : memref<16x200xi32, #tpu.memory_space<vmem>>)
      tpu.yield
    }) : () -> ()
    %scan3A_11 = arith.constant 0 : i32
    %scan3A_12 = arith.constant 200 : i32
    %scan3A_13 = arith.addi %scan3A_11, %scan3A_12 : i32
    %scan3A_14 = arith.constant 1 : i32
    scf.for %scan3A_267 = %scan3A_11 to %scan3A_13 step %scan3A_14  : i32 {
      %mul3A_268 = arith.constant 1 : i32
      %mul3A_269 = arith.muli %scan3A_267, %mul3A_268 : i32
      %add3A_270 = arith.constant 0 : i32
      %add3A_271 = arith.addi %add3A_270, %mul3A_269 : i32
      %mul3A_272 = arith.constant 0 : i32
      %mul3A_273 = vector.broadcast %mul3A_272 : i32 to vector<16xi32>
      %mul3A_274 = arith.muli %iota3A, %mul3A_273 : vector<16xi32>
      %add3A_275 = vector.broadcast %add3A_271 : i32 to vector<16xi32>
      %add3A_276 = arith.addi %mul3A_274, %add3A_275 : vector<16xi32>
      %gather3A = tpu.vector_load_idx %arg7[%iota3A, %add3A_276] : memref<16x200xi32, #tpu.memory_space<vmem>>[vector<16xi32>, vector<16xi32>], vector<16xi32>,
      %swap3A = arith.index_cast %add3A_271 : i32 to index
      %swap3A_277 = arith.constant 16 : index
      %swap3A_278 = tpu.vector_load %arg8[%swap3A, %swap3A_277] {strides = array<i32>} : memref<200x128xi32, #tpu.memory_space<vmem>>, vector<16xi32>,
      tpu.vector_store %arg8[%swap3A, %swap3A_277], %gather3A {strides = array<i32>} : memref<200x128xi32, #tpu.memory_space<vmem>>, vector<16xi32>,
    }
    %scan3A_15 = arith.constant 200 : i32
    %add3A_16 = arith.constant 32 : i32
    %add3A_17 = arith.addi %mul3A_2, %add3A_16 : i32
    "tpu.region"() ({
      %run_scoped3A = tpu.sem_alloc : memref<!tpu.dma_semaphore, #tpu.memory_space<semaphore_mem>>
      %dma_start3A_267 = arith.constant 0 : i32
      %dma_start3A_268 = tpu.memref_slice %arg3[%add3A_17, %dma_start3A_267] : memref<4096x200xi32, #tpu.memory_space<hbm>> -> memref<16x200xi32, #tpu.memory_space<hbm>>
      %dma_start3A_269 = arith.constant 0 : i32
      %dma_start3A_270 = tpu.memref_slice %arg3[%add3A_17, %dma_start3A_269] : memref<4096x200xi32, #tpu.memory_space<hbm>> -> memref<16x200xi32, #tpu.memory_space<hbm>>
      tpu.enqueue_dma source(%dma_start3A_270 : memref<16x200xi32, #tpu.memory_space<hbm>>) target(%arg7 : memref<16x200xi32, #tpu.memory_space<vmem>>) target_semaphore(%run_scoped3A : memref<!tpu.dma_semaphore, #tpu.memory_space<semaphore_mem>>)
      %dma_wait3A_271 = arith.constant 0 : i32
      %dma_wait3A_272 = tpu.memref_slice %arg3[%add3A_17, %dma_wait3A_271] : memref<4096x200xi32, #tpu.memory_space<hbm>> -> memref<16x200xi32, #tpu.memory_space<hbm>>
      %dma_wait3A_273 = arith.constant 0 : i32
      %dma_wait3A_274 = tpu.memref_slice %arg3[%add3A_17, %dma_wait3A_273] : memref<4096x200xi32, #tpu.memory_space<hbm>> -> memref<16x200xi32, #tpu.memory_space<hbm>>
      tpu.wait_dma2 semaphore(%run_scoped3A : memref<!tpu.dma_semaphore, #tpu.memory_space<semaphore_mem>>) src(%dma_wait3A_274 : memref<16x200xi32, #tpu.memory_space<hbm>>) dst(%arg7 : memref<16x200xi32, #tpu.memory_space<vmem>>)
      tpu.yield
    }) : () -> ()
    %scan3A_18 = arith.constant 0 : i32
    %scan3A_19 = arith.constant 200 : i32
    %scan3A_20 = arith.addi %scan3A_18, %scan3A_19 : i32
    %scan3A_21 = arith.constant 1 : i32
    scf.for %scan3A_267 = %scan3A_18 to %scan3A_20 step %scan3A_21  : i32 {
      %mul3A_268 = arith.constant 1 : i32
      %mul3A_269 = arith.muli %scan3A_267, %mul3A_268 : i32
      %add3A_270 = arith.constant 0 : i32
      %add3A_271 = arith.addi %add3A_270, %mul3A_269 : i32
      %mul3A_272 = arith.constant 0 : i32
      %mul3A_273 = vector.broadcast %mul3A_272 : i32 to vector<16xi32>
      %mul3A_274 = arith.muli %iota3A, %mul3A_273 : vector<16xi32>
      %add3A_275 = vector.broadcast %add3A_271 : i32 to vector<16xi32>
      %add3A_276 = arith.addi %mul3A_274, %add3A_275 : vector<16xi32>
      %gather3A = tpu.vector_load_idx %arg7[%iota3A, %add3A_276] : memref<16x200xi32, #tpu.memory_space<vmem>>[vector<16xi32>, vector<16xi32>], vector<16xi32>,
      %swap3A = arith.index_cast %add3A_271 : i32 to index
      %swap3A_277 = arith.constant 32 : index
      %swap3A_278 = tpu.vector_load %arg8[%swap3A, %swap3A_277] {strides = array<i32>} : memref<200x128xi32, #tpu.memory_space<vmem>>, vector<16xi32>,
      tpu.vector_store %arg8[%swap3A, %swap3A_277], %gather3A {strides = array<i32>} : memref<200x128xi32, #tpu.memory_space<vmem>>, vector<16xi32>,
    }
    %scan3A_22 = arith.constant 200 : i32
    %add3A_23 = arith.constant 48 : i32
    %add3A_24 = arith.addi %mul3A_2, %add3A_23 : i32
    "tpu.region"() ({
      %run_scoped3A = tpu.sem_alloc : memref<!tpu.dma_semaphore, #tpu.memory_space<semaphore_mem>>
      %dma_start3A_267 = arith.constant 0 : i32
      %dma_start3A_268 = tpu.memref_slice %arg3[%add3A_24, %dma_start3A_267] : memref<4096x200xi32, #tpu.memory_space<hbm>> -> memref<16x200xi32, #tpu.memory_space<hbm>>
      %dma_start3A_269 = arith.constant 0 : i32
      %dma_start3A_270 = tpu.memref_slice %arg3[%add3A_24, %dma_start3A_269] : memref<4096x200xi32, #tpu.memory_space<hbm>> -> memref<16x200xi32, #tpu.memory_space<hbm>>
      tpu.enqueue_dma source(%dma_start3A_270 : memref<16x200xi32, #tpu.memory_space<hbm>>) target(%arg7 : memref<16x200xi32, #tpu.memory_space<vmem>>) target_semaphore(%run_scoped3A : memref<!tpu.dma_semaphore, #tpu.memory_space<semaphore_mem>>)
      %dma_wait3A_271 = arith.constant 0 : i32
      %dma_wait3A_272 = tpu.memref_slice %arg3[%add3A_24, %dma_wait3A_271] : memref<4096x200xi32, #tpu.memory_space<hbm>> -> memref<16x200xi32, #tpu.memory_space<hbm>>
      %dma_wait3A_273 = arith.constant 0 : i32
      %dma_wait3A_274 = tpu.memref_slice %arg3[%add3A_24, %dma_wait3A_273] : memref<4096x200xi32, #tpu.memory_space<hbm>> -> memref<16x200xi32, #tpu.memory_space<hbm>>
      tpu.wait_dma2 semaphore(%run_scoped3A : memref<!tpu.dma_semaphore, #tpu.memory_space<semaphore_mem>>) src(%dma_wait3A_274 : memref<16x200xi32, #tpu.memory_space<hbm>>) dst(%arg7 : memref<16x200xi32, #tpu.memory_space<vmem>>)
      tpu.yield
    }) : () -> ()
    %scan3A_25 = arith.constant 0 : i32
    %scan3A_26 = arith.constant 200 : i32
    %scan3A_27 = arith.addi %scan3A_25, %scan3A_26 : i32
    %scan3A_28 = arith.constant 1 : i32
    scf.for %scan3A_267 = %scan3A_25 to %scan3A_27 step %scan3A_28  : i32 {
      %mul3A_268 = arith.constant 1 : i32
      %mul3A_269 = arith.muli %scan3A_267, %mul3A_268 : i32
      %add3A_270 = arith.constant 0 : i32
      %add3A_271 = arith.addi %add3A_270, %mul3A_269 : i32
      %mul3A_272 = arith.constant 0 : i32
      %mul3A_273 = vector.broadcast %mul3A_272 : i32 to vector<16xi32>
      %mul3A_274 = arith.muli %iota3A, %mul3A_273 : vector<16xi32>
      %add3A_275 = vector.broadcast %add3A_271 : i32 to vector<16xi32>
      %add3A_276 = arith.addi %mul3A_274, %add3A_275 : vector<16xi32>
      %gather3A = tpu.vector_load_idx %arg7[%iota3A, %add3A_276] : memref<16x200xi32, #tpu.memory_space<vmem>>[vector<16xi32>, vector<16xi32>], vector<16xi32>,
      %swap3A = arith.index_cast %add3A_271 : i32 to index
      %swap3A_277 = arith.constant 48 : index
      %swap3A_278 = tpu.vector_load %arg8[%swap3A, %swap3A_277] {strides = array<i32>} : memref<200x128xi32, #tpu.memory_space<vmem>>, vector<16xi32>,
      tpu.vector_store %arg8[%swap3A, %swap3A_277], %gather3A {strides = array<i32>} : memref<200x128xi32, #tpu.memory_space<vmem>>, vector<16xi32>,
    }
    %scan3A_29 = arith.constant 200 : i32
    %add3A_30 = arith.constant 64 : i32
    %add3A_31 = arith.addi %mul3A_2, %add3A_30 : i32
    "tpu.region"() ({
      %run_scoped3A = tpu.sem_alloc : memref<!tpu.dma_semaphore, #tpu.memory_space<semaphore_mem>>
      %dma_start3A_267 = arith.constant 0 : i32
      %dma_start3A_268 = tpu.memref_slice %arg3[%add3A_31, %dma_start3A_267] : memref<4096x200xi32, #tpu.memory_space<hbm>> -> memref<16x200xi32, #tpu.memory_space<hbm>>
      %dma_start3A_269 = arith.constant 0 : i32
      %dma_start3A_270 = tpu.memref_slice %arg3[%add3A_31, %dma_start3A_269] : memref<4096x200xi32, #tpu.memory_space<hbm>> -> memref<16x200xi32, #tpu.memory_space<hbm>>
      tpu.enqueue_dma source(%dma_start3A_270 : memref<16x200xi32, #tpu.memory_space<hbm>>) target(%arg7 : memref<16x200xi32, #tpu.memory_space<vmem>>) target_semaphore(%run_scoped3A : memref<!tpu.dma_semaphore, #tpu.memory_space<semaphore_mem>>)
      %dma_wait3A_271 = arith.constant 0 : i32
      %dma_wait3A_272 = tpu.memref_slice %arg3[%add3A_31, %dma_wait3A_271] : memref<4096x200xi32, #tpu.memory_space<hbm>> -> memref<16x200xi32, #tpu.memory_space<hbm>>
      %dma_wait3A_273 = arith.constant 0 : i32
      %dma_wait3A_274 = tpu.memref_slice %arg3[%add3A_31, %dma_wait3A_273] : memref<4096x200xi32, #tpu.memory_space<hbm>> -> memref<16x200xi32, #tpu.memory_space<hbm>>
      tpu.wait_dma2 semaphore(%run_scoped3A : memref<!tpu.dma_semaphore, #tpu.memory_space<semaphore_mem>>) src(%dma_wait3A_274 : memref<16x200xi32, #tpu.memory_space<hbm>>) dst(%arg7 : memref<16x200xi32, #tpu.memory_space<vmem>>)
      tpu.yield
    }) : () -> ()
    %scan3A_32 = arith.constant 0 : i32
    %scan3A_33 = arith.constant 200 : i32
    %scan3A_34 = arith.addi %scan3A_32, %scan3A_33 : i32
    %scan3A_35 = arith.constant 1 : i32
    scf.for %scan3A_267 = %scan3A_32 to %scan3A_34 step %scan3A_35  : i32 {
      %mul3A_268 = arith.constant 1 : i32
      %mul3A_269 = arith.muli %scan3A_267, %mul3A_268 : i32
      %add3A_270 = arith.constant 0 : i32
      %add3A_271 = arith.addi %add3A_270, %mul3A_269 : i32
      %mul3A_272 = arith.constant 0 : i32
      %mul3A_273 = vector.broadcast %mul3A_272 : i32 to vector<16xi32>
      %mul3A_274 = arith.muli %iota3A, %mul3A_273 : vector<16xi32>
      %add3A_275 = vector.broadcast %add3A_271 : i32 to vector<16xi32>
      %add3A_276 = arith.addi %mul3A_274, %add3A_275 : vector<16xi32>
      %gather3A = tpu.vector_load_idx %arg7[%iota3A, %add3A_276] : memref<16x200xi32, #tpu.memory_space<vmem>>[vector<16xi32>, vector<16xi32>], vector<16xi32>,
      %swap3A = arith.index_cast %add3A_271 : i32 to index
      %swap3A_277 = arith.constant 64 : index
      %swap3A_278 = tpu.vector_load %arg8[%swap3A, %swap3A_277] {strides = array<i32>} : memref<200x128xi32, #tpu.memory_space<vmem>>, vector<16xi32>,
      tpu.vector_store %arg8[%swap3A, %swap3A_277], %gather3A {strides = array<i32>} : memref<200x128xi32, #tpu.memory_space<vmem>>, vector<16xi32>,
    }
    %scan3A_36 = arith.constant 200 : i32
    %add3A_37 = arith.constant 80 : i32
    %add3A_38 = arith.addi %mul3A_2, %add3A_37 : i32
    "tpu.region"() ({
      %run_scoped3A = tpu.sem_alloc : memref<!tpu.dma_semaphore, #tpu.memory_space<semaphore_mem>>
      %dma_start3A_267 = arith.constant 0 : i32
      %dma_start3A_268 = tpu.memref_slice %arg3[%add3A_38, %dma_start3A_267] : memref<4096x200xi32, #tpu.memory_space<hbm>> -> memref<16x200xi32, #tpu.memory_space<hbm>>
      %dma_start3A_269 = arith.constant 0 : i32
      %dma_start3A_270 = tpu.memref_slice %arg3[%add3A_38, %dma_start3A_269] : memref<4096x200xi32, #tpu.memory_space<hbm>> -> memref<16x200xi32, #tpu.memory_space<hbm>>
      tpu.enqueue_dma source(%dma_start3A_270 : memref<16x200xi32, #tpu.memory_space<hbm>>) target(%arg7 : memref<16x200xi32, #tpu.memory_space<vmem>>) target_semaphore(%run_scoped3A : memref<!tpu.dma_semaphore, #tpu.memory_space<semaphore_mem>>)
      %dma_wait3A_271 = arith.constant 0 : i32
      %dma_wait3A_272 = tpu.memref_slice %arg3[%add3A_38, %dma_wait3A_271] : memref<4096x200xi32, #tpu.memory_space<hbm>> -> memref<16x200xi32, #tpu.memory_space<hbm>>
      %dma_wait3A_273 = arith.constant 0 : i32
      %dma_wait3A_274 = tpu.memref_slice %arg3[%add3A_38, %dma_wait3A_273] : memref<4096x200xi32, #tpu.memory_space<hbm>> -> memref<16x200xi32, #tpu.memory_space<hbm>>
      tpu.wait_dma2 semaphore(%run_scoped3A : memref<!tpu.dma_semaphore, #tpu.memory_space<semaphore_mem>>) src(%dma_wait3A_274 : memref<16x200xi32, #tpu.memory_space<hbm>>) dst(%arg7 : memref<16x200xi32, #tpu.memory_space<vmem>>)
      tpu.yield
    }) : () -> ()
    %scan3A_39 = arith.constant 0 : i32
    %scan3A_40 = arith.constant 200 : i32
    %scan3A_41 = arith.addi %scan3A_39, %scan3A_40 : i32
    %scan3A_42 = arith.constant 1 : i32
    scf.for %scan3A_267 = %scan3A_39 to %scan3A_41 step %scan3A_42  : i32 {
      %mul3A_268 = arith.constant 1 : i32
      %mul3A_269 = arith.muli %scan3A_267, %mul3A_268 : i32
      %add3A_270 = arith.constant 0 : i32
      %add3A_271 = arith.addi %add3A_270, %mul3A_269 : i32
      %mul3A_272 = arith.constant 0 : i32
      %mul3A_273 = vector.broadcast %mul3A_272 : i32 to vector<16xi32>
      %mul3A_274 = arith.muli %iota3A, %mul3A_273 : vector<16xi32>
      %add3A_275 = vector.broadcast %add3A_271 : i32 to vector<16xi32>
      %add3A_276 = arith.addi %mul3A_274, %add3A_275 : vector<16xi32>
      %gather3A = tpu.vector_load_idx %arg7[%iota3A, %add3A_276] : memref<16x200xi32, #tpu.memory_space<vmem>>[vector<16xi32>, vector<16xi32>], vector<16xi32>,
      %swap3A = arith.index_cast %add3A_271 : i32 to index
      %swap3A_277 = arith.constant 80 : index
      %swap3A_278 = tpu.vector_load %arg8[%swap3A, %swap3A_277] {strides = array<i32>} : memref<200x128xi32, #tpu.memory_space<vmem>>, vector<16xi32>,
      tpu.vector_store %arg8[%swap3A, %swap3A_277], %gather3A {strides = array<i32>} : memref<200x128xi32, #tpu.memory_space<vmem>>, vector<16xi32>,
    }
    %scan3A_43 = arith.constant 200 : i32
    %add3A_44 = arith.constant 96 : i32
    %add3A_45 = arith.addi %mul3A_2, %add3A_44 : i32
    "tpu.region"() ({
      %run_scoped3A = tpu.sem_alloc : memref<!tpu.dma_semaphore, #tpu.memory_space<semaphore_mem>>
      %dma_start3A_267 = arith.constant 0 : i32
      %dma_start3A_268 = tpu.memref_slice %arg3[%add3A_45, %dma_start3A_267] : memref<4096x200xi32, #tpu.memory_space<hbm>> -> memref<16x200xi32, #tpu.memory_space<hbm>>
      %dma_start3A_269 = arith.constant 0 : i32
      %dma_start3A_270 = tpu.memref_slice %arg3[%add3A_45, %dma_start3A_269] : memref<4096x200xi32, #tpu.memory_space<hbm>> -> memref<16x200xi32, #tpu.memory_space<hbm>>
      tpu.enqueue_dma source(%dma_start3A_270 : memref<16x200xi32, #tpu.memory_space<hbm>>) target(%arg7 : memref<16x200xi32, #tpu.memory_space<vmem>>) target_semaphore(%run_scoped3A : memref<!tpu.dma_semaphore, #tpu.memory_space<semaphore_mem>>)
      %dma_wait3A_271 = arith.constant 0 : i32
      %dma_wait3A_272 = tpu.memref_slice %arg3[%add3A_45, %dma_wait3A_271] : memref<4096x200xi32, #tpu.memory_space<hbm>> -> memref<16x200xi32, #tpu.memory_space<hbm>>
      %dma_wait3A_273 = arith.constant 0 : i32
      %dma_wait3A_274 = tpu.memref_slice %arg3[%add3A_45, %dma_wait3A_273] : memref<4096x200xi32, #tpu.memory_space<hbm>> -> memref<16x200xi32, #tpu.memory_space<hbm>>
      tpu.wait_dma2 semaphore(%run_scoped3A : memref<!tpu.dma_semaphore, #tpu.memory_space<semaphore_mem>>) src(%dma_wait3A_274 : memref<16x200xi32, #tpu.memory_space<hbm>>) dst(%arg7 : memref<16x200xi32, #tpu.memory_space<vmem>>)
      tpu.yield
    }) : () -> ()
    %scan3A_46 = arith.constant 0 : i32
    %scan3A_47 = arith.constant 200 : i32
    %scan3A_48 = arith.addi %scan3A_46, %scan3A_47 : i32
    %scan3A_49 = arith.constant 1 : i32
    scf.for %scan3A_267 = %scan3A_46 to %scan3A_48 step %scan3A_49  : i32 {
      %mul3A_268 = arith.constant 1 : i32
      %mul3A_269 = arith.muli %scan3A_267, %mul3A_268 : i32
      %add3A_270 = arith.constant 0 : i32
      %add3A_271 = arith.addi %add3A_270, %mul3A_269 : i32
      %mul3A_272 = arith.constant 0 : i32
      %mul3A_273 = vector.broadcast %mul3A_272 : i32 to vector<16xi32>
      %mul3A_274 = arith.muli %iota3A, %mul3A_273 : vector<16xi32>
      %add3A_275 = vector.broadcast %add3A_271 : i32 to vector<16xi32>
      %add3A_276 = arith.addi %mul3A_274, %add3A_275 : vector<16xi32>
      %gather3A = tpu.vector_load_idx %arg7[%iota3A, %add3A_276] : memref<16x200xi32, #tpu.memory_space<vmem>>[vector<16xi32>, vector<16xi32>], vector<16xi32>,
      %swap3A = arith.index_cast %add3A_271 : i32 to index
      %swap3A_277 = arith.constant 96 : index
      %swap3A_278 = tpu.vector_load %arg8[%swap3A, %swap3A_277] {strides = array<i32>} : memref<200x128xi32, #tpu.memory_space<vmem>>, vector<16xi32>,
      tpu.vector_store %arg8[%swap3A, %swap3A_277], %gather3A {strides = array<i32>} : memref<200x128xi32, #tpu.memory_space<vmem>>, vector<16xi32>,
    }
    %scan3A_50 = arith.constant 200 : i32
    %add3A_51 = arith.constant 112 : i32
    %add3A_52 = arith.addi %mul3A_2, %add3A_51 : i32
    "tpu.region"() ({
      %run_scoped3A = tpu.sem_alloc : memref<!tpu.dma_semaphore, #tpu.memory_space<semaphore_mem>>
      %dma_start3A_267 = arith.constant 0 : i32
      %dma_start3A_268 = tpu.memref_slice %arg3[%add3A_52, %dma_start3A_267] : memref<4096x200xi32, #tpu.memory_space<hbm>> -> memref<16x200xi32, #tpu.memory_space<hbm>>
      %dma_start3A_269 = arith.constant 0 : i32
      %dma_start3A_270 = tpu.memref_slice %arg3[%add3A_52, %dma_start3A_269] : memref<4096x200xi32, #tpu.memory_space<hbm>> -> memref<16x200xi32, #tpu.memory_space<hbm>>
      tpu.enqueue_dma source(%dma_start3A_270 : memref<16x200xi32, #tpu.memory_space<hbm>>) target(%arg7 : memref<16x200xi32, #tpu.memory_space<vmem>>) target_semaphore(%run_scoped3A : memref<!tpu.dma_semaphore, #tpu.memory_space<semaphore_mem>>)
      %dma_wait3A_271 = arith.constant 0 : i32
      %dma_wait3A_272 = tpu.memref_slice %arg3[%add3A_52, %dma_wait3A_271] : memref<4096x200xi32, #tpu.memory_space<hbm>> -> memref<16x200xi32, #tpu.memory_space<hbm>>
      %dma_wait3A_273 = arith.constant 0 : i32
      %dma_wait3A_274 = tpu.memref_slice %arg3[%add3A_52, %dma_wait3A_273] : memref<4096x200xi32, #tpu.memory_space<hbm>> -> memref<16x200xi32, #tpu.memory_space<hbm>>
      tpu.wait_dma2 semaphore(%run_scoped3A : memref<!tpu.dma_semaphore, #tpu.memory_space<semaphore_mem>>) src(%dma_wait3A_274 : memref<16x200xi32, #tpu.memory_space<hbm>>) dst(%arg7 : memref<16x200xi32, #tpu.memory_space<vmem>>)
      tpu.yield
    }) : () -> ()
    %scan3A_53 = arith.constant 0 : i32
    %scan3A_54 = arith.constant 200 : i32
    %scan3A_55 = arith.addi %scan3A_53, %scan3A_54 : i32
    %scan3A_56 = arith.constant 1 : i32
    scf.for %scan3A_267 = %scan3A_53 to %scan3A_55 step %scan3A_56  : i32 {
      %mul3A_268 = arith.constant 1 : i32
      %mul3A_269 = arith.muli %scan3A_267, %mul3A_268 : i32
      %add3A_270 = arith.constant 0 : i32
      %add3A_271 = arith.addi %add3A_270, %mul3A_269 : i32
      %mul3A_272 = arith.constant 0 : i32
      %mul3A_273 = vector.broadcast %mul3A_272 : i32 to vector<16xi32>
      %mul3A_274 = arith.muli %iota3A, %mul3A_273 : vector<16xi32>
      %add3A_275 = vector.broadcast %add3A_271 : i32 to vector<16xi32>
      %add3A_276 = arith.addi %mul3A_274, %add3A_275 : vector<16xi32>
      %gather3A = tpu.vector_load_idx %arg7[%iota3A, %add3A_276] : memref<16x200xi32, #tpu.memory_space<vmem>>[vector<16xi32>, vector<16xi32>], vector<16xi32>,
      %swap3A = arith.index_cast %add3A_271 : i32 to index
      %swap3A_277 = arith.constant 112 : index
      %swap3A_278 = tpu.vector_load %arg8[%swap3A, %swap3A_277] {strides = array<i32>} : memref<200x128xi32, #tpu.memory_space<vmem>>, vector<16xi32>,
      tpu.vector_store %arg8[%swap3A, %swap3A_277], %gather3A {strides = array<i32>} : memref<200x128xi32, #tpu.memory_space<vmem>>, vector<16xi32>,
    }
    %scan3A_57 = arith.constant 200 : i32
    %dma_start3A = arith.constant 0 : i32
    %dma_start3A_58 = arith.constant 0 : i32
    %dma_start3A_59 = arith.constant 0 : i32
    %dma_start3A_60 = arith.constant 0 : i32
    %dma_start3A_61 = arith.constant 0 : i32
    %dma_start3A_62 = tpu.memref_slice %arg9[%dma_start3A_58, %dma_start3A_60, %dma_start3A_61] : memref<4x256x32xf32, #tpu.memory_space<vmem>> -> memref<1x128x32xf32, #tpu.memory_space<vmem>>
    %dma_start3A_63 = tpu.memref_squeeze %dma_start3A_62 : memref<1x128x32xf32, #tpu.memory_space<vmem>> -> memref<128x32xf32, #tpu.memory_space<vmem>>
    %dma_start3A_64 = arith.constant 0 : i32
    %dma_start3A_65 = tpu.memref_slice %arg8[%dma_start3A, %dma_start3A_64] : memref<200x128xi32, #tpu.memory_space<vmem>> -> memref<1x128xi32, #tpu.memory_space<vmem>>
    %dma_start3A_66 = tpu.memref_squeeze %dma_start3A_65 : memref<1x128xi32, #tpu.memory_space<vmem>> -> memref<128xi32, #tpu.memory_space<vmem>>
    %dma_start3A_67 = arith.constant 0 : i32
    %dma_start3A_68 = arith.constant 0 : i32
    %dma_start3A_69 = tpu.memref_slice %arg2[%dma_start3A_67, %dma_start3A_68] : memref<1000000x32xf32, #tpu.memory_space<hbm>> -> memref<1000000x32xf32, #tpu.memory_space<hbm>>
    %dma_start3A_70 = tpu.memref_slice %arg12[%dma_start3A_59] : memref<4x!tpu.dma_semaphore, #tpu.memory_space<semaphore_mem>> -> memref<1x!tpu.dma_semaphore, #tpu.memory_space<semaphore_mem>>
    %dma_start3A_71 = tpu.memref_squeeze %dma_start3A_70 : memref<1x!tpu.dma_semaphore, #tpu.memory_space<semaphore_mem>> -> memref<!tpu.dma_semaphore, #tpu.memory_space<semaphore_mem>>
    tpu.enqueue_indirect_dma source(%dma_start3A_69 : memref<1000000x32xf32, #tpu.memory_space<hbm>>) target(%dma_start3A_63 : memref<128x32xf32, #tpu.memory_space<vmem>>) offsets(%dma_start3A_66 : memref<128xi32, #tpu.memory_space<vmem>>) semaphore(%dma_start3A_71 : memref<!tpu.dma_semaphore, #tpu.memory_space<semaphore_mem>>)
    %dma_start3A_72 = arith.constant 1 : i32
    %dma_start3A_73 = arith.constant 0 : i32
    %dma_start3A_74 = arith.constant 0 : i32
    %dma_start3A_75 = arith.constant 128 : i32
    %dma_start3A_76 = arith.constant 0 : i32
    %dma_start3A_77 = tpu.memref_slice %arg9[%dma_start3A_73, %dma_start3A_75, %dma_start3A_76] : memref<4x256x32xf32, #tpu.memory_space<vmem>> -> memref<1x128x32xf32, #tpu.memory_space<vmem>>
    %dma_start3A_78 = tpu.memref_squeeze %dma_start3A_77 : memref<1x128x32xf32, #tpu.memory_space<vmem>> -> memref<128x32xf32, #tpu.memory_space<vmem>>
    %dma_start3A_79 = arith.constant 0 : i32
    %dma_start3A_80 = tpu.memref_slice %arg8[%dma_start3A_72, %dma_start3A_79] : memref<200x128xi32, #tpu.memory_space<vmem>> -> memref<1x128xi32, #tpu.memory_space<vmem>>
    %dma_start3A_81 = tpu.memref_squeeze %dma_start3A_80 : memref<1x128xi32, #tpu.memory_space<vmem>> -> memref<128xi32, #tpu.memory_space<vmem>>
    %dma_start3A_82 = arith.constant 0 : i32
    %dma_start3A_83 = arith.constant 0 : i32
    %dma_start3A_84 = tpu.memref_slice %arg2[%dma_start3A_82, %dma_start3A_83] : memref<1000000x32xf32, #tpu.memory_space<hbm>> -> memref<1000000x32xf32, #tpu.memory_space<hbm>>
    %dma_start3A_85 = tpu.memref_slice %arg12[%dma_start3A_74] : memref<4x!tpu.dma_semaphore, #tpu.memory_space<semaphore_mem>> -> memref<1x!tpu.dma_semaphore, #tpu.memory_space<semaphore_mem>>
    %dma_start3A_86 = tpu.memref_squeeze %dma_start3A_85 : memref<1x!tpu.dma_semaphore, #tpu.memory_space<semaphore_mem>> -> memref<!tpu.dma_semaphore, #tpu.memory_space<semaphore_mem>>
    tpu.enqueue_indirect_dma source(%dma_start3A_84 : memref<1000000x32xf32, #tpu.memory_space<hbm>>) target(%dma_start3A_78 : memref<128x32xf32, #tpu.memory_space<vmem>>) offsets(%dma_start3A_81 : memref<128xi32, #tpu.memory_space<vmem>>) semaphore(%dma_start3A_86 : memref<!tpu.dma_semaphore, #tpu.memory_space<semaphore_mem>>)
    %dma_start3A_87 = arith.constant 2 : i32
    %dma_start3A_88 = arith.constant 1 : i32
    %dma_start3A_89 = arith.constant 1 : i32
    %dma_start3A_90 = arith.constant 0 : i32
    %dma_start3A_91 = arith.constant 0 : i32
    %dma_start3A_92 = tpu.memref_slice %arg9[%dma_start3A_88, %dma_start3A_90, %dma_start3A_91] : memref<4x256x32xf32, #tpu.memory_space<vmem>> -> memref<1x128x32xf32, #tpu.memory_space<vmem>>
    %dma_start3A_93 = tpu.memref_squeeze %dma_start3A_92 : memref<1x128x32xf32, #tpu.memory_space<vmem>> -> memref<128x32xf32, #tpu.memory_space<vmem>>
    %dma_start3A_94 = arith.constant 0 : i32
    %dma_start3A_95 = tpu.memref_slice %arg8[%dma_start3A_87, %dma_start3A_94] : memref<200x128xi32, #tpu.memory_space<vmem>> -> memref<1x128xi32, #tpu.memory_space<vmem>>
    %dma_start3A_96 = tpu.memref_squeeze %dma_start3A_95 : memref<1x128xi32, #tpu.memory_space<vmem>> -> memref<128xi32, #tpu.memory_space<vmem>>
    %dma_start3A_97 = arith.constant 0 : i32
    %dma_start3A_98 = arith.constant 0 : i32
    %dma_start3A_99 = tpu.memref_slice %arg2[%dma_start3A_97, %dma_start3A_98] : memref<1000000x32xf32, #tpu.memory_space<hbm>> -> memref<1000000x32xf32, #tpu.memory_space<hbm>>
    %dma_start3A_100 = tpu.memref_slice %arg12[%dma_start3A_89] : memref<4x!tpu.dma_semaphore, #tpu.memory_space<semaphore_mem>> -> memref<1x!tpu.dma_semaphore, #tpu.memory_space<semaphore_mem>>
    %dma_start3A_101 = tpu.memref_squeeze %dma_start3A_100 : memref<1x!tpu.dma_semaphore, #tpu.memory_space<semaphore_mem>> -> memref<!tpu.dma_semaphore, #tpu.memory_space<semaphore_mem>>
    tpu.enqueue_indirect_dma source(%dma_start3A_99 : memref<1000000x32xf32, #tpu.memory_space<hbm>>) target(%dma_start3A_93 : memref<128x32xf32, #tpu.memory_space<vmem>>) offsets(%dma_start3A_96 : memref<128xi32, #tpu.memory_space<vmem>>) semaphore(%dma_start3A_101 : memref<!tpu.dma_semaphore, #tpu.memory_space<semaphore_mem>>)
    %dma_start3A_102 = arith.constant 3 : i32
    %dma_start3A_103 = arith.constant 1 : i32
    %dma_start3A_104 = arith.constant 1 : i32
    %dma_start3A_105 = arith.constant 128 : i32
    %dma_start3A_106 = arith.constant 0 : i32
    %dma_start3A_107 = tpu.memref_slice %arg9[%dma_start3A_103, %dma_start3A_105, %dma_start3A_106] : memref<4x256x32xf32, #tpu.memory_space<vmem>> -> memref<1x128x32xf32, #tpu.memory_space<vmem>>
    %dma_start3A_108 = tpu.memref_squeeze %dma_start3A_107 : memref<1x128x32xf32, #tpu.memory_space<vmem>> -> memref<128x32xf32, #tpu.memory_space<vmem>>
    %dma_start3A_109 = arith.constant 0 : i32
    %dma_start3A_110 = tpu.memref_slice %arg8[%dma_start3A_102, %dma_start3A_109] : memref<200x128xi32, #tpu.memory_space<vmem>> -> memref<1x128xi32, #tpu.memory_space<vmem>>
    %dma_start3A_111 = tpu.memref_squeeze %dma_start3A_110 : memref<1x128xi32, #tpu.memory_space<vmem>> -> memref<128xi32, #tpu.memory_space<vmem>>
    %dma_start3A_112 = arith.constant 0 : i32
    %dma_start3A_113 = arith.constant 0 : i32
    %dma_start3A_114 = tpu.memref_slice %arg2[%dma_start3A_112, %dma_start3A_113] : memref<1000000x32xf32, #tpu.memory_space<hbm>> -> memref<1000000x32xf32, #tpu.memory_space<hbm>>
    %dma_start3A_115 = tpu.memref_slice %arg12[%dma_start3A_104] : memref<4x!tpu.dma_semaphore, #tpu.memory_space<semaphore_mem>> -> memref<1x!tpu.dma_semaphore, #tpu.memory_space<semaphore_mem>>
    %dma_start3A_116 = tpu.memref_squeeze %dma_start3A_115 : memref<1x!tpu.dma_semaphore, #tpu.memory_space<semaphore_mem>> -> memref<!tpu.dma_semaphore, #tpu.memory_space<semaphore_mem>>
    tpu.enqueue_indirect_dma source(%dma_start3A_114 : memref<1000000x32xf32, #tpu.memory_space<hbm>>) target(%dma_start3A_108 : memref<128x32xf32, #tpu.memory_space<vmem>>) offsets(%dma_start3A_111 : memref<128xi32, #tpu.memory_space<vmem>>) semaphore(%dma_start3A_116 : memref<!tpu.dma_semaphore, #tpu.memory_space<semaphore_mem>>)
    %dma_start3A_117 = arith.constant 4 : i32
    %dma_start3A_118 = arith.constant 2 : i32
    %dma_start3A_119 = arith.constant 2 : i32
    %dma_start3A_120 = arith.constant 0 : i32
    %dma_start3A_121 = arith.constant 0 : i32
    %dma_start3A_122 = tpu.memref_slice %arg9[%dma_start3A_118, %dma_start3A_120, %dma_start3A_121] : memref<4x256x32xf32, #tpu.memory_space<vmem>> -> memref<1x128x32xf32, #tpu.memory_space<vmem>>
    %dma_start3A_123 = tpu.memref_squeeze %dma_start3A_122 : memref<1x128x32xf32, #tpu.memory_space<vmem>> -> memref<128x32xf32, #tpu.memory_space<vmem>>
    %dma_start3A_124 = arith.constant 0 : i32
    %dma_start3A_125 = tpu.memref_slice %arg8[%dma_start3A_117, %dma_start3A_124] : memref<200x128xi32, #tpu.memory_space<vmem>> -> memref<1x128xi32, #tpu.memory_space<vmem>>
    %dma_start3A_126 = tpu.memref_squeeze %dma_start3A_125 : memref<1x128xi32, #tpu.memory_space<vmem>> -> memref<128xi32, #tpu.memory_space<vmem>>
    %dma_start3A_127 = arith.constant 0 : i32
    %dma_start3A_128 = arith.constant 0 : i32
    %dma_start3A_129 = tpu.memref_slice %arg2[%dma_start3A_127, %dma_start3A_128] : memref<1000000x32xf32, #tpu.memory_space<hbm>> -> memref<1000000x32xf32, #tpu.memory_space<hbm>>
    %dma_start3A_130 = tpu.memref_slice %arg12[%dma_start3A_119] : memref<4x!tpu.dma_semaphore, #tpu.memory_space<semaphore_mem>> -> memref<1x!tpu.dma_semaphore, #tpu.memory_space<semaphore_mem>>
    %dma_start3A_131 = tpu.memref_squeeze %dma_start3A_130 : memref<1x!tpu.dma_semaphore, #tpu.memory_space<semaphore_mem>> -> memref<!tpu.dma_semaphore, #tpu.memory_space<semaphore_mem>>
    tpu.enqueue_indirect_dma source(%dma_start3A_129 : memref<1000000x32xf32, #tpu.memory_space<hbm>>) target(%dma_start3A_123 : memref<128x32xf32, #tpu.memory_space<vmem>>) offsets(%dma_start3A_126 : memref<128xi32, #tpu.memory_space<vmem>>) semaphore(%dma_start3A_131 : memref<!tpu.dma_semaphore, #tpu.memory_space<semaphore_mem>>)
    %dma_start3A_132 = arith.constant 5 : i32
    %dma_start3A_133 = arith.constant 2 : i32
    %dma_start3A_134 = arith.constant 2 : i32
    %dma_start3A_135 = arith.constant 128 : i32
    %dma_start3A_136 = arith.constant 0 : i32
    %dma_start3A_137 = tpu.memref_slice %arg9[%dma_start3A_133, %dma_start3A_135, %dma_start3A_136] : memref<4x256x32xf32, #tpu.memory_space<vmem>> -> memref<1x128x32xf32, #tpu.memory_space<vmem>>
    %dma_start3A_138 = tpu.memref_squeeze %dma_start3A_137 : memref<1x128x32xf32, #tpu.memory_space<vmem>> -> memref<128x32xf32, #tpu.memory_space<vmem>>
    %dma_start3A_139 = arith.constant 0 : i32
    %dma_start3A_140 = tpu.memref_slice %arg8[%dma_start3A_132, %dma_start3A_139] : memref<200x128xi32, #tpu.memory_space<vmem>> -> memref<1x128xi32, #tpu.memory_space<vmem>>
    %dma_start3A_141 = tpu.memref_squeeze %dma_start3A_140 : memref<1x128xi32, #tpu.memory_space<vmem>> -> memref<128xi32, #tpu.memory_space<vmem>>
    %dma_start3A_142 = arith.constant 0 : i32
    %dma_start3A_143 = arith.constant 0 : i32
    %dma_start3A_144 = tpu.memref_slice %arg2[%dma_start3A_142, %dma_start3A_143] : memref<1000000x32xf32, #tpu.memory_space<hbm>> -> memref<1000000x32xf32, #tpu.memory_space<hbm>>
    %dma_start3A_145 = tpu.memref_slice %arg12[%dma_start3A_134] : memref<4x!tpu.dma_semaphore, #tpu.memory_space<semaphore_mem>> -> memref<1x!tpu.dma_semaphore, #tpu.memory_space<semaphore_mem>>
    %dma_start3A_146 = tpu.memref_squeeze %dma_start3A_145 : memref<1x!tpu.dma_semaphore, #tpu.memory_space<semaphore_mem>> -> memref<!tpu.dma_semaphore, #tpu.memory_space<semaphore_mem>>
    tpu.enqueue_indirect_dma source(%dma_start3A_144 : memref<1000000x32xf32, #tpu.memory_space<hbm>>) target(%dma_start3A_138 : memref<128x32xf32, #tpu.memory_space<vmem>>) offsets(%dma_start3A_141 : memref<128xi32, #tpu.memory_space<vmem>>) semaphore(%dma_start3A_146 : memref<!tpu.dma_semaphore, #tpu.memory_space<semaphore_mem>>)
    %scan3A_147 = arith.constant 0 : i32
    %scan3A_148 = arith.constant 25 : i32
    %scan3A_149 = arith.addi %scan3A_147, %scan3A_148 : i32
    %scan3A_150 = arith.constant 1 : i32
    scf.for %scan3A_267 = %scan3A_147 to %scan3A_149 step %scan3A_150  : i32 {
      %mul3A_268 = arith.constant 1 : i32
      %mul3A_269 = arith.muli %scan3A_267, %mul3A_268 : i32
      %add3A_270 = arith.constant 0 : i32
      %add3A_271 = arith.addi %add3A_270, %mul3A_269 : i32
      %mul3A_272 = arith.constant 4 : i32
      %mul3A_273 = arith.muli %add3A_271, %mul3A_272 : i32
      %add3A_274 = arith.constant 0 : i32
      %add3A_275 = arith.addi %mul3A_273, %add3A_274 : i32
      %dma_wait3A_276 = arith.constant 0 : i32
      %dma_wait3A_277 = arith.constant 0 : i32
      %dma_wait3A_278 = arith.constant 0 : i32
      %dma_wait3A_279 = arith.constant 0 : i32
      %dma_wait3A_280 = tpu.memref_slice %arg9[%dma_wait3A_276, %dma_wait3A_278, %dma_wait3A_279] : memref<4x256x32xf32, #tpu.memory_space<vmem>> -> memref<1x256x32xf32, #tpu.memory_space<vmem>>
      %dma_wait3A_281 = tpu.memref_squeeze %dma_wait3A_280 : memref<1x256x32xf32, #tpu.memory_space<vmem>> -> memref<256x32xf32, #tpu.memory_space<vmem>>
      %dma_wait3A_282 = arith.constant 0 : i32
      %dma_wait3A_283 = arith.constant 0 : i32
      %dma_wait3A_284 = tpu.memref_slice %arg2[%dma_wait3A_282, %dma_wait3A_283] : memref<1000000x32xf32, #tpu.memory_space<hbm>> -> memref<256x32xf32, #tpu.memory_space<hbm>>
      %dma_wait3A_285 = tpu.memref_slice %arg12[%dma_wait3A_277] : memref<4x!tpu.dma_semaphore, #tpu.memory_space<semaphore_mem>> -> memref<1x!tpu.dma_semaphore, #tpu.memory_space<semaphore_mem>>
      %dma_wait3A_286 = tpu.memref_squeeze %dma_wait3A_285 : memref<1x!tpu.dma_semaphore, #tpu.memory_space<semaphore_mem>> -> memref<!tpu.dma_semaphore, #tpu.memory_space<semaphore_mem>>
      %dma_wait3A_287 = arith.constant 0 : i32
      %dma_wait3A_288 = arith.constant 0 : i32
      %dma_wait3A_289 = tpu.memref_slice %arg9[%dma_wait3A_276, %dma_wait3A_287, %dma_wait3A_288] : memref<4x256x32xf32, #tpu.memory_space<vmem>> -> memref<1x256x32xf32, #tpu.memory_space<vmem>>
      %dma_wait3A_290 = tpu.memref_squeeze %dma_wait3A_289 : memref<1x256x32xf32, #tpu.memory_space<vmem>> -> memref<256x32xf32, #tpu.memory_space<vmem>>
      %dma_wait3A_291 = arith.constant 0 : i32
      %dma_wait3A_292 = arith.constant 0 : i32
      %dma_wait3A_293 = tpu.memref_slice %arg2[%dma_wait3A_291, %dma_wait3A_292] : memref<1000000x32xf32, #tpu.memory_space<hbm>> -> memref<256x32xf32, #tpu.memory_space<hbm>>
      tpu.wait_dma2 semaphore(%dma_wait3A_286 : memref<!tpu.dma_semaphore, #tpu.memory_space<semaphore_mem>>) src(%dma_wait3A_293 : memref<256x32xf32, #tpu.memory_space<hbm>>) dst(%dma_wait3A_290 : memref<256x32xf32, #tpu.memory_space<vmem>>)
      %mul3A_294 = arith.constant 2 : i32
      %mul3A_295 = arith.muli %add3A_275, %mul3A_294 : i32
      %add3A_296 = arith.constant 0 : i32
      %add3A_297 = arith.addi %mul3A_295, %add3A_296 : i32
      %get3A = arith.index_cast %add3A_297 : i32 to index
      %get3A_298 = arith.constant 0 : index
      %get3A_299 = tpu.vector_load %arg6[%get3A, %get3A_298] {strides = array<i32>} : memref<200x32xf32, #tpu.memory_space<vmem>>, vector<16xf32>,
      %get3A_300 = arith.index_cast %add3A_297 : i32 to index
      %get3A_301 = arith.constant 16 : index
      %get3A_302 = tpu.vector_load %arg6[%get3A_300, %get3A_301] {strides = array<i32>} : memref<200x32xf32, #tpu.memory_space<vmem>>, vector<16xf32>,
      %parallel_loop3A = arith.constant 0 : i32
      %parallel_loop3A_303 = arith.constant 128 : i32
      %parallel_loop3A_304 = arith.constant 1 : i32
      scf.for %parallel_loop3A_680 = %parallel_loop3A to %parallel_loop3A_303 step %parallel_loop3A_304  : i32 {
        %parallel_loop3A_681 = arith.constant 0 : i32
        %parallel_loop3A_682 = arith.addi %parallel_loop3A_681, %parallel_loop3A_680 : i32
        %parallel_loop3A_683 = arith.constant 0 : i32
        %parallel_loop3A_684 = arith.index_cast %parallel_loop3A_683 : i32 to index
        %parallel_loop3A_685 = arith.index_cast %parallel_loop3A_682 : i32 to index
        %parallel_loop3A_686 = arith.constant 0 : index
        %parallel_loop3A_687 = tpu.vector_load %arg9[%parallel_loop3A_684, %parallel_loop3A_685, %parallel_loop3A_686] {strides = array<i32>} : memref<4x256x32xf32, #tpu.memory_space<vmem>>, vector<16xf32>,
        %parallel_loop3A_688 = arith.addf %parallel_loop3A_687, %get3A_299 : vector<16xf32>
        %parallel_loop3A_689 = arith.constant 0 : i32
        %parallel_loop3A_690 = arith.addi %parallel_loop3A_689, %parallel_loop3A_680 : i32
        %parallel_loop3A_691 = arith.index_cast %parallel_loop3A_690 : i32 to index
        %parallel_loop3A_692 = arith.constant 0 : index
        %parallel_loop3A_693 = tpu.vector_load %arg10[%parallel_loop3A_691, %parallel_loop3A_692] {strides = array<i32>} : memref<256x33xf32, #tpu.memory_space<vmem>>, vector<16xf32>,
        tpu.vector_store %arg10[%parallel_loop3A_691, %parallel_loop3A_692], %parallel_loop3A_688 {strides = array<i32>} : memref<256x33xf32, #tpu.memory_space<vmem>>, vector<16xf32>,
        %parallel_loop3A_694 = arith.constant 0 : i32
        %parallel_loop3A_695 = arith.addi %parallel_loop3A_694, %parallel_loop3A_680 : i32
        %parallel_loop3A_696 = arith.constant 0 : i32
        %parallel_loop3A_697 = arith.index_cast %parallel_loop3A_696 : i32 to index
        %parallel_loop3A_698 = arith.index_cast %parallel_loop3A_695 : i32 to index
        %parallel_loop3A_699 = arith.constant 16 : index
        %parallel_loop3A_700 = tpu.vector_load %arg9[%parallel_loop3A_697, %parallel_loop3A_698, %parallel_loop3A_699] {strides = array<i32>} : memref<4x256x32xf32, #tpu.memory_space<vmem>>, vector<16xf32>,
        %parallel_loop3A_701 = arith.addf %parallel_loop3A_700, %get3A_302 : vector<16xf32>
        %parallel_loop3A_702 = arith.constant 0 : i32
        %parallel_loop3A_703 = arith.addi %parallel_loop3A_702, %parallel_loop3A_680 : i32
        %parallel_loop3A_704 = arith.index_cast %parallel_loop3A_703 : i32 to index
        %parallel_loop3A_705 = arith.constant 16 : index
        %parallel_loop3A_706 = tpu.vector_load %arg10[%parallel_loop3A_704, %parallel_loop3A_705] {strides = array<i32>} : memref<256x33xf32, #tpu.memory_space<vmem>>, vector<16xf32>,
        tpu.vector_store %arg10[%parallel_loop3A_704, %parallel_loop3A_705], %parallel_loop3A_701 {strides = array<i32>} : memref<256x33xf32, #tpu.memory_space<vmem>>, vector<16xf32>,
      } {sc.loop_unroll_factor = 4 : i64, sc.parallel_access}
      %mul3A_305 = arith.constant 2 : i32
      %mul3A_306 = arith.muli %add3A_275, %mul3A_305 : i32
      %add3A_307 = arith.constant 1 : i32
      %add3A_308 = arith.addi %mul3A_306, %add3A_307 : i32
      %get3A_309 = arith.index_cast %add3A_308 : i32 to index
      %get3A_310 = arith.constant 0 : index
      %get3A_311 = tpu.vector_load %arg6[%get3A_309, %get3A_310] {strides = array<i32>} : memref<200x32xf32, #tpu.memory_space<vmem>>, vector<16xf32>,
      %get3A_312 = arith.index_cast %add3A_308 : i32 to index
      %get3A_313 = arith.constant 16 : index
      %get3A_314 = tpu.vector_load %arg6[%get3A_312, %get3A_313] {strides = array<i32>} : memref<200x32xf32, #tpu.memory_space<vmem>>, vector<16xf32>,
      %parallel_loop3A_315 = arith.constant 0 : i32
      %parallel_loop3A_316 = arith.constant 128 : i32
      %parallel_loop3A_317 = arith.constant 1 : i32
      scf.for %parallel_loop3A_680 = %parallel_loop3A_315 to %parallel_loop3A_316 step %parallel_loop3A_317  : i32 {
        %parallel_loop3A_681 = arith.constant 128 : i32
        %parallel_loop3A_682 = arith.addi %parallel_loop3A_681, %parallel_loop3A_680 : i32
        %parallel_loop3A_683 = arith.constant 0 : i32
        %parallel_loop3A_684 = arith.index_cast %parallel_loop3A_683 : i32 to index
        %parallel_loop3A_685 = arith.index_cast %parallel_loop3A_682 : i32 to index
        %parallel_loop3A_686 = arith.constant 0 : index
        %parallel_loop3A_687 = tpu.vector_load %arg9[%parallel_loop3A_684, %parallel_loop3A_685, %parallel_loop3A_686] {strides = array<i32>} : memref<4x256x32xf32, #tpu.memory_space<vmem>>, vector<16xf32>,
        %parallel_loop3A_688 = arith.addf %parallel_loop3A_687, %get3A_311 : vector<16xf32>
        %parallel_loop3A_689 = arith.constant 128 : i32
        %parallel_loop3A_690 = arith.addi %parallel_loop3A_689, %parallel_loop3A_680 : i32
        %parallel_loop3A_691 = arith.index_cast %parallel_loop3A_690 : i32 to index
        %parallel_loop3A_692 = arith.constant 0 : index
        %parallel_loop3A_693 = tpu.vector_load %arg10[%parallel_loop3A_691, %parallel_loop3A_692] {strides = array<i32>} : memref<256x33xf32, #tpu.memory_space<vmem>>, vector<16xf32>,
        tpu.vector_store %arg10[%parallel_loop3A_691, %parallel_loop3A_692], %parallel_loop3A_688 {strides = array<i32>} : memref<256x33xf32, #tpu.memory_space<vmem>>, vector<16xf32>,
        %parallel_loop3A_694 = arith.constant 128 : i32
        %parallel_loop3A_695 = arith.addi %parallel_loop3A_694, %parallel_loop3A_680 : i32
        %parallel_loop3A_696 = arith.constant 0 : i32
        %parallel_loop3A_697 = arith.index_cast %parallel_loop3A_696 : i32 to index
        %parallel_loop3A_698 = arith.index_cast %parallel_loop3A_695 : i32 to index
        %parallel_loop3A_699 = arith.constant 16 : index
        %parallel_loop3A_700 = tpu.vector_load %arg9[%parallel_loop3A_697, %parallel_loop3A_698, %parallel_loop3A_699] {strides = array<i32>} : memref<4x256x32xf32, #tpu.memory_space<vmem>>, vector<16xf32>,
        %parallel_loop3A_701 = arith.addf %parallel_loop3A_700, %get3A_314 : vector<16xf32>
        %parallel_loop3A_702 = arith.constant 128 : i32
        %parallel_loop3A_703 = arith.addi %parallel_loop3A_702, %parallel_loop3A_680 : i32
        %parallel_loop3A_704 = arith.index_cast %parallel_loop3A_703 : i32 to index
        %parallel_loop3A_705 = arith.constant 16 : index
        %parallel_loop3A_706 = tpu.vector_load %arg10[%parallel_loop3A_704, %parallel_loop3A_705] {strides = array<i32>} : memref<256x33xf32, #tpu.memory_space<vmem>>, vector<16xf32>,
        tpu.vector_store %arg10[%parallel_loop3A_704, %parallel_loop3A_705], %parallel_loop3A_701 {strides = array<i32>} : memref<256x33xf32, #tpu.memory_space<vmem>>, vector<16xf32>,
      } {sc.loop_unroll_factor = 4 : i64, sc.parallel_access}
      %gt3A = arith.constant 0 : i32
      %gt3A_318 = arith.cmpi sgt, %add3A_271, %gt3A : i32
      %convert_element_type3A = arith.extui %gt3A_318 : i1 to i32
      %cond3A = arith.constant 0 : i32
      %cond3A_319 = arith.cmpi ne, %convert_element_type3A, %cond3A : i32
      scf.if %cond3A_319 {
        %dma_wait3A_680 = arith.constant 0 : i32
        %dma_wait3A_681 = arith.constant 0 : i32
        %dma_wait3A_682 = arith.constant 0 : i32
        %dma_wait3A_683 = arith.constant 0 : i32
        %dma_wait3A_684 = arith.constant 0 : i32
        %dma_wait3A_685 = arith.constant 0 : i32
        %dma_wait3A_686 = arith.constant 0 : i32
        %dma_wait3A_687 = tpu.memref_slice %arg11[%dma_wait3A_680, %dma_wait3A_683, %dma_wait3A_684, %dma_wait3A_685, %dma_wait3A_686] : memref<4x2x4x8x128xf32, #tpu.memory_space<vmem>> -> memref<1x2x4x8x128xf32, #tpu.memory_space<vmem>>
        %dma_wait3A_688 = tpu.memref_squeeze %dma_wait3A_687 : memref<1x2x4x8x128xf32, #tpu.memory_space<vmem>> -> memref<2x4x8x128xf32, #tpu.memory_space<vmem>>
        %dma_wait3A_689 = arith.constant 0 : i32
        %dma_wait3A_690 = arith.constant 0 : i32
        %dma_wait3A_691 = arith.constant 0 : i32
        %dma_wait3A_692 = arith.constant 0 : i32
        %dma_wait3A_693 = tpu.memref_slice %arg5[%dma_wait3A_689, %dma_wait3A_690, %dma_wait3A_681, %dma_wait3A_691, %dma_wait3A_692] : memref<200x4x32x8x128xf32, #tpu.memory_space<hbm>> -> memref<2x4x1x8x128xf32, #tpu.memory_space<hbm>>
        %dma_wait3A_694 = tpu.memref_squeeze %dma_wait3A_693 : memref<2x4x1x8x128xf32, #tpu.memory_space<hbm>> -> memref<2x4x8x128xf32, #tpu.memory_space<hbm>>
        %dma_wait3A_695 = tpu.memref_slice %arg13[%dma_wait3A_682] : memref<4x!tpu.dma_semaphore, #tpu.memory_space<semaphore_mem>> -> memref<1x!tpu.dma_semaphore, #tpu.memory_space<semaphore_mem>>
        %dma_wait3A_696 = tpu.memref_squeeze %dma_wait3A_695 : memref<1x!tpu.dma_semaphore, #tpu.memory_space<semaphore_mem>> -> memref<!tpu.dma_semaphore, #tpu.memory_space<semaphore_mem>>
        %dma_wait3A_697 = arith.constant 0 : i32
        %dma_wait3A_698 = arith.constant 0 : i32
        %dma_wait3A_699 = arith.constant 0 : i32
        %dma_wait3A_700 = arith.constant 0 : i32
        %dma_wait3A_701 = tpu.memref_slice %arg5[%dma_wait3A_697, %dma_wait3A_698, %dma_wait3A_681, %dma_wait3A_699, %dma_wait3A_700] : memref<200x4x32x8x128xf32, #tpu.memory_space<hbm>> -> memref<2x4x1x8x128xf32, #tpu.memory_space<hbm>>
        %dma_wait3A_702 = tpu.memref_squeeze %dma_wait3A_701 : memref<2x4x1x8x128xf32, #tpu.memory_space<hbm>> -> memref<2x4x8x128xf32, #tpu.memory_space<hbm>>
        %dma_wait3A_703 = arith.constant 0 : i32
        %dma_wait3A_704 = arith.constant 0 : i32
        %dma_wait3A_705 = arith.constant 0 : i32
        %dma_wait3A_706 = arith.constant 0 : i32
        %dma_wait3A_707 = tpu.memref_slice %arg11[%dma_wait3A_680, %dma_wait3A_703, %dma_wait3A_704, %dma_wait3A_705, %dma_wait3A_706] : memref<4x2x4x8x128xf32, #tpu.memory_space<vmem>> -> memref<1x2x4x8x128xf32, #tpu.memory_space<vmem>>
        %dma_wait3A_708 = tpu.memref_squeeze %dma_wait3A_707 : memref<1x2x4x8x128xf32, #tpu.memory_space<vmem>> -> memref<2x4x8x128xf32, #tpu.memory_space<vmem>>
        tpu.wait_dma2 semaphore(%dma_wait3A_696 : memref<!tpu.dma_semaphore, #tpu.memory_space<semaphore_mem>>) src(%dma_wait3A_708 : memref<2x4x8x128xf32, #tpu.memory_space<vmem>>) dst(%dma_wait3A_702 : memref<2x4x8x128xf32, #tpu.memory_space<hbm>>)
      } else {
      }
      %parallel_loop3A_320 = arith.constant 0 : i32
      %parallel_loop3A_321 = arith.constant 32 : i32
      %parallel_loop3A_322 = arith.constant 1 : i32
      scf.for %parallel_loop3A_680 = %parallel_loop3A_320 to %parallel_loop3A_321 step %parallel_loop3A_322  : i32 {
        %parallel_loop3A_681 = arith.constant 0 : i32
        %parallel_loop3A_682 = vector.broadcast %parallel_loop3A_681 : i32 to vector<16xi32>
        %parallel_loop3A_683 = arith.muli %iota3A, %parallel_loop3A_682 : vector<16xi32>
        %parallel_loop3A_684 = vector.broadcast %parallel_loop3A_680 : i32 to vector<16xi32>
        %parallel_loop3A_685 = arith.addi %parallel_loop3A_683, %parallel_loop3A_684 : vector<16xi32>
        %parallel_loop3A_686 = arith.constant 8 : i32
        %parallel_loop3A_687 = arith.divsi %parallel_loop3A_680, %parallel_loop3A_686 : i32
        %parallel_loop3A_688 = arith.constant 0 : i32
        %parallel_loop3A_689 = arith.cmpi sgt, %parallel_loop3A_680, %parallel_loop3A_688 : i32
        %parallel_loop3A_690 = arith.extui %parallel_loop3A_689 : i1 to i32
        %parallel_loop3A_691 = arith.constant 0 : i32
        %parallel_loop3A_692 = arith.cmpi slt, %parallel_loop3A_680, %parallel_loop3A_691 : i32
        %parallel_loop3A_693 = arith.extui %parallel_loop3A_692 : i1 to i32
        %parallel_loop3A_694 = arith.subi %parallel_loop3A_690, %parallel_loop3A_693 : i32
        %parallel_loop3A_695 = arith.constant 0 : i32
        %parallel_loop3A_696 = arith.cmpi sgt, %parallel_loop3A_686, %parallel_loop3A_695 : i32
        %parallel_loop3A_697 = arith.extui %parallel_loop3A_696 : i1 to i32
        %parallel_loop3A_698 = arith.constant 0 : i32
        %parallel_loop3A_699 = arith.cmpi slt, %parallel_loop3A_686, %parallel_loop3A_698 : i32
        %parallel_loop3A_700 = arith.extui %parallel_loop3A_699 : i1 to i32
        %parallel_loop3A_701 = arith.subi %parallel_loop3A_697, %parallel_loop3A_700 : i32
        %parallel_loop3A_702 = arith.cmpi ne, %parallel_loop3A_694, %parallel_loop3A_701 : i32
        %parallel_loop3A_703 = arith.remsi %parallel_loop3A_680, %parallel_loop3A_686 : i32
        %parallel_loop3A_704 = arith.constant 0 : i32
        %parallel_loop3A_705 = arith.cmpi ne, %parallel_loop3A_703, %parallel_loop3A_704 : i32
        %parallel_loop3A_706 = arith.andi %parallel_loop3A_702, %parallel_loop3A_705 : i1
        %parallel_loop3A_707 = arith.constant 1 : i32
        %parallel_loop3A_708 = arith.subi %parallel_loop3A_687, %parallel_loop3A_707 : i32
        %parallel_loop3A_709 = arith.select %parallel_loop3A_706, %parallel_loop3A_708, %parallel_loop3A_687 : i32
        %parallel_loop3A_710 = arith.constant 8 : i32
        %parallel_loop3A_711 = arith.constant 0 : i32
        %parallel_loop3A_712 = arith.cmpi eq, %parallel_loop3A_710, %parallel_loop3A_711 : i32
        %parallel_loop3A_713 = arith.constant 1 : i32
        %parallel_loop3A_714 = arith.select %parallel_loop3A_712, %parallel_loop3A_713, %parallel_loop3A_710 : i32
        %parallel_loop3A_715 = arith.remsi %parallel_loop3A_680, %parallel_loop3A_714 : i32
        %parallel_loop3A_716 = arith.constant 0 : i32
        %parallel_loop3A_717 = arith.cmpi ne, %parallel_loop3A_715, %parallel_loop3A_716 : i32
        %parallel_loop3A_718 = arith.constant 0 : i32
        %parallel_loop3A_719 = arith.cmpi slt, %parallel_loop3A_715, %parallel_loop3A_718 : i32
        %parallel_loop3A_720 = arith.constant 0 : i32
        %parallel_loop3A_721 = arith.cmpi slt, %parallel_loop3A_714, %parallel_loop3A_720 : i32
        %parallel_loop3A_722 = arith.xori %parallel_loop3A_719, %parallel_loop3A_721 : i1
        %parallel_loop3A_723 = arith.andi %parallel_loop3A_722, %parallel_loop3A_717 : i1
        %parallel_loop3A_724 = arith.addi %parallel_loop3A_715, %parallel_loop3A_714 : i32
        %parallel_loop3A_725 = arith.select %parallel_loop3A_723, %parallel_loop3A_724, %parallel_loop3A_715 : i32
        %parallel_loop3A_726 = arith.constant 0 : i32
        %parallel_loop3A_727 = vector.broadcast %parallel_loop3A_726 : i32 to vector<16xi32>
        %parallel_loop3A_728 = arith.addi %iota3A, %parallel_loop3A_727 : vector<16xi32>
        %parallel_loop3A_729 = tpu.vector_load_idx %arg10[%parallel_loop3A_728, %parallel_loop3A_685] : memref<256x33xf32, #tpu.memory_space<vmem>>[vector<16xi32>, vector<16xi32>], vector<16xf32>,
        %parallel_loop3A_730 = arith.constant 0 : i32
        %parallel_loop3A_731 = arith.constant 0 : i32
        %parallel_loop3A_732 = arith.index_cast %parallel_loop3A_730 : i32 to index
        %parallel_loop3A_733 = arith.index_cast %parallel_loop3A_731 : i32 to index
        %parallel_loop3A_734 = arith.index_cast %parallel_loop3A_709 : i32 to index
        %parallel_loop3A_735 = arith.index_cast %parallel_loop3A_725 : i32 to index
        %parallel_loop3A_736 = arith.constant 0 : index
        %parallel_loop3A_737 = tpu.vector_load %arg11[%parallel_loop3A_732, %parallel_loop3A_733, %parallel_loop3A_734, %parallel_loop3A_735, %parallel_loop3A_736] {strides = array<i32>} : memref<4x2x4x8x128xf32, #tpu.memory_space<vmem>>, vector<16xf32>,
        tpu.vector_store %arg11[%parallel_loop3A_732, %parallel_loop3A_733, %parallel_loop3A_734, %parallel_loop3A_735, %parallel_loop3A_736], %parallel_loop3A_729 {strides = array<i32>} : memref<4x2x4x8x128xf32, #tpu.memory_space<vmem>>, vector<16xf32>,
        %parallel_loop3A_738 = arith.constant 16 : i32
        %parallel_loop3A_739 = vector.broadcast %parallel_loop3A_738 : i32 to vector<16xi32>
        %parallel_loop3A_740 = arith.addi %iota3A, %parallel_loop3A_739 : vector<16xi32>
        %parallel_loop3A_741 = tpu.vector_load_idx %arg10[%parallel_loop3A_740, %parallel_loop3A_685] : memref<256x33xf32, #tpu.memory_space<vmem>>[vector<16xi32>, vector<16xi32>], vector<16xf32>,
        %parallel_loop3A_742 = arith.constant 0 : i32
        %parallel_loop3A_743 = arith.constant 0 : i32
        %parallel_loop3A_744 = arith.index_cast %parallel_loop3A_742 : i32 to index
        %parallel_loop3A_745 = arith.index_cast %parallel_loop3A_743 : i32 to index
        %parallel_loop3A_746 = arith.index_cast %parallel_loop3A_709 : i32 to index
        %parallel_loop3A_747 = arith.index_cast %parallel_loop3A_725 : i32 to index
        %parallel_loop3A_748 = arith.constant 16 : index
        %parallel_loop3A_749 = tpu.vector_load %arg11[%parallel_loop3A_744, %parallel_loop3A_745, %parallel_loop3A_746, %parallel_loop3A_747, %parallel_loop3A_748] {strides = array<i32>} : memref<4x2x4x8x128xf32, #tpu.memory_space<vmem>>, vector<16xf32>,
        tpu.vector_store %arg11[%parallel_loop3A_744, %parallel_loop3A_745, %parallel_loop3A_746, %parallel_loop3A_747, %parallel_loop3A_748], %parallel_loop3A_741 {strides = array<i32>} : memref<4x2x4x8x128xf32, #tpu.memory_space<vmem>>, vector<16xf32>,
        %parallel_loop3A_750 = arith.constant 32 : i32
        %parallel_loop3A_751 = vector.broadcast %parallel_loop3A_750 : i32 to vector<16xi32>
        %parallel_loop3A_752 = arith.addi %iota3A, %parallel_loop3A_751 : vector<16xi32>
        %parallel_loop3A_753 = tpu.vector_load_idx %arg10[%parallel_loop3A_752, %parallel_loop3A_685] : memref<256x33xf32, #tpu.memory_space<vmem>>[vector<16xi32>, vector<16xi32>], vector<16xf32>,
        %parallel_loop3A_754 = arith.constant 0 : i32
        %parallel_loop3A_755 = arith.constant 0 : i32
        %parallel_loop3A_756 = arith.index_cast %parallel_loop3A_754 : i32 to index
        %parallel_loop3A_757 = arith.index_cast %parallel_loop3A_755 : i32 to index
        %parallel_loop3A_758 = arith.index_cast %parallel_loop3A_709 : i32 to index
        %parallel_loop3A_759 = arith.index_cast %parallel_loop3A_725 : i32 to index
        %parallel_loop3A_760 = arith.constant 32 : index
        %parallel_loop3A_761 = tpu.vector_load %arg11[%parallel_loop3A_756, %parallel_loop3A_757, %parallel_loop3A_758, %parallel_loop3A_759, %parallel_loop3A_760] {strides = array<i32>} : memref<4x2x4x8x128xf32, #tpu.memory_space<vmem>>, vector<16xf32>,
        tpu.vector_store %arg11[%parallel_loop3A_756, %parallel_loop3A_757, %parallel_loop3A_758, %parallel_loop3A_759, %parallel_loop3A_760], %parallel_loop3A_753 {strides = array<i32>} : memref<4x2x4x8x128xf32, #tpu.memory_space<vmem>>, vector<16xf32>,
        %parallel_loop3A_762 = arith.constant 48 : i32
        %parallel_loop3A_763 = vector.broadcast %parallel_loop3A_762 : i32 to vector<16xi32>
        %parallel_loop3A_764 = arith.addi %iota3A, %parallel_loop3A_763 : vector<16xi32>
        %parallel_loop3A_765 = tpu.vector_load_idx %arg10[%parallel_loop3A_764, %parallel_loop3A_685] : memref<256x33xf32, #tpu.memory_space<vmem>>[vector<16xi32>, vector<16xi32>], vector<16xf32>,
        %parallel_loop3A_766 = arith.constant 0 : i32
        %parallel_loop3A_767 = arith.constant 0 : i32
        %parallel_loop3A_768 = arith.index_cast %parallel_loop3A_766 : i32 to index
        %parallel_loop3A_769 = arith.index_cast %parallel_loop3A_767 : i32 to index
        %parallel_loop3A_770 = arith.index_cast %parallel_loop3A_709 : i32 to index
        %parallel_loop3A_771 = arith.index_cast %parallel_loop3A_725 : i32 to index
        %parallel_loop3A_772 = arith.constant 48 : index
        %parallel_loop3A_773 = tpu.vector_load %arg11[%parallel_loop3A_768, %parallel_loop3A_769, %parallel_loop3A_770, %parallel_loop3A_771, %parallel_loop3A_772] {strides = array<i32>} : memref<4x2x4x8x128xf32, #tpu.memory_space<vmem>>, vector<16xf32>,
        tpu.vector_store %arg11[%parallel_loop3A_768, %parallel_loop3A_769, %parallel_loop3A_770, %parallel_loop3A_771, %parallel_loop3A_772], %parallel_loop3A_765 {strides = array<i32>} : memref<4x2x4x8x128xf32, #tpu.memory_space<vmem>>, vector<16xf32>,
        %parallel_loop3A_774 = arith.constant 64 : i32
        %parallel_loop3A_775 = vector.broadcast %parallel_loop3A_774 : i32 to vector<16xi32>
        %parallel_loop3A_776 = arith.addi %iota3A, %parallel_loop3A_775 : vector<16xi32>
        %parallel_loop3A_777 = tpu.vector_load_idx %arg10[%parallel_loop3A_776, %parallel_loop3A_685] : memref<256x33xf32, #tpu.memory_space<vmem>>[vector<16xi32>, vector<16xi32>], vector<16xf32>,
        %parallel_loop3A_778 = arith.constant 0 : i32
        %parallel_loop3A_779 = arith.constant 0 : i32
        %parallel_loop3A_780 = arith.index_cast %parallel_loop3A_778 : i32 to index
        %parallel_loop3A_781 = arith.index_cast %parallel_loop3A_779 : i32 to index
        %parallel_loop3A_782 = arith.index_cast %parallel_loop3A_709 : i32 to index
        %parallel_loop3A_783 = arith.index_cast %parallel_loop3A_725 : i32 to index
        %parallel_loop3A_784 = arith.constant 64 : index
        %parallel_loop3A_785 = tpu.vector_load %arg11[%parallel_loop3A_780, %parallel_loop3A_781, %parallel_loop3A_782, %parallel_loop3A_783, %parallel_loop3A_784] {strides = array<i32>} : memref<4x2x4x8x128xf32, #tpu.memory_space<vmem>>, vector<16xf32>,
        tpu.vector_store %arg11[%parallel_loop3A_780, %parallel_loop3A_781, %parallel_loop3A_782, %parallel_loop3A_783, %parallel_loop3A_784], %parallel_loop3A_777 {strides = array<i32>} : memref<4x2x4x8x128xf32, #tpu.memory_space<vmem>>, vector<16xf32>,
        %parallel_loop3A_786 = arith.constant 80 : i32
        %parallel_loop3A_787 = vector.broadcast %parallel_loop3A_786 : i32 to vector<16xi32>
        %parallel_loop3A_788 = arith.addi %iota3A, %parallel_loop3A_787 : vector<16xi32>
        %parallel_loop3A_789 = tpu.vector_load_idx %arg10[%parallel_loop3A_788, %parallel_loop3A_685] : memref<256x33xf32, #tpu.memory_space<vmem>>[vector<16xi32>, vector<16xi32>], vector<16xf32>,
        %parallel_loop3A_790 = arith.constant 0 : i32
        %parallel_loop3A_791 = arith.constant 0 : i32
        %parallel_loop3A_792 = arith.index_cast %parallel_loop3A_790 : i32 to index
        %parallel_loop3A_793 = arith.index_cast %parallel_loop3A_791 : i32 to index
        %parallel_loop3A_794 = arith.index_cast %parallel_loop3A_709 : i32 to index
        %parallel_loop3A_795 = arith.index_cast %parallel_loop3A_725 : i32 to index
        %parallel_loop3A_796 = arith.constant 80 : index
        %parallel_loop3A_797 = tpu.vector_load %arg11[%parallel_loop3A_792, %parallel_loop3A_793, %parallel_loop3A_794, %parallel_loop3A_795, %parallel_loop3A_796] {strides = array<i32>} : memref<4x2x4x8x128xf32, #tpu.memory_space<vmem>>, vector<16xf32>,
        tpu.vector_store %arg11[%parallel_loop3A_792, %parallel_loop3A_793, %parallel_loop3A_794, %parallel_loop3A_795, %parallel_loop3A_796], %parallel_loop3A_789 {strides = array<i32>} : memref<4x2x4x8x128xf32, #tpu.memory_space<vmem>>, vector<16xf32>,
        %parallel_loop3A_798 = arith.constant 96 : i32
        %parallel_loop3A_799 = vector.broadcast %parallel_loop3A_798 : i32 to vector<16xi32>
        %parallel_loop3A_800 = arith.addi %iota3A, %parallel_loop3A_799 : vector<16xi32>
        %parallel_loop3A_801 = tpu.vector_load_idx %arg10[%parallel_loop3A_800, %parallel_loop3A_685] : memref<256x33xf32, #tpu.memory_space<vmem>>[vector<16xi32>, vector<16xi32>], vector<16xf32>,
        %parallel_loop3A_802 = arith.constant 0 : i32
        %parallel_loop3A_803 = arith.constant 0 : i32
        %parallel_loop3A_804 = arith.index_cast %parallel_loop3A_802 : i32 to index
        %parallel_loop3A_805 = arith.index_cast %parallel_loop3A_803 : i32 to index
        %parallel_loop3A_806 = arith.index_cast %parallel_loop3A_709 : i32 to index
        %parallel_loop3A_807 = arith.index_cast %parallel_loop3A_725 : i32 to index
        %parallel_loop3A_808 = arith.constant 96 : index
        %parallel_loop3A_809 = tpu.vector_load %arg11[%parallel_loop3A_804, %parallel_loop3A_805, %parallel_loop3A_806, %parallel_loop3A_807, %parallel_loop3A_808] {strides = array<i32>} : memref<4x2x4x8x128xf32, #tpu.memory_space<vmem>>, vector<16xf32>,
        tpu.vector_store %arg11[%parallel_loop3A_804, %parallel_loop3A_805, %parallel_loop3A_806, %parallel_loop3A_807, %parallel_loop3A_808], %parallel_loop3A_801 {strides = array<i32>} : memref<4x2x4x8x128xf32, #tpu.memory_space<vmem>>, vector<16xf32>,
        %parallel_loop3A_810 = arith.constant 112 : i32
        %parallel_loop3A_811 = vector.broadcast %parallel_loop3A_810 : i32 to vector<16xi32>
        %parallel_loop3A_812 = arith.addi %iota3A, %parallel_loop3A_811 : vector<16xi32>
        %parallel_loop3A_813 = tpu.vector_load_idx %arg10[%parallel_loop3A_812, %parallel_loop3A_685] : memref<256x33xf32, #tpu.memory_space<vmem>>[vector<16xi32>, vector<16xi32>], vector<16xf32>,
        %parallel_loop3A_814 = arith.constant 0 : i32
        %parallel_loop3A_815 = arith.constant 0 : i32
        %parallel_loop3A_816 = arith.index_cast %parallel_loop3A_814 : i32 to index
        %parallel_loop3A_817 = arith.index_cast %parallel_loop3A_815 : i32 to index
        %parallel_loop3A_818 = arith.index_cast %parallel_loop3A_709 : i32 to index
        %parallel_loop3A_819 = arith.index_cast %parallel_loop3A_725 : i32 to index
        %parallel_loop3A_820 = arith.constant 112 : index
        %parallel_loop3A_821 = tpu.vector_load %arg11[%parallel_loop3A_816, %parallel_loop3A_817, %parallel_loop3A_818, %parallel_loop3A_819, %parallel_loop3A_820] {strides = array<i32>} : memref<4x2x4x8x128xf32, #tpu.memory_space<vmem>>, vector<16xf32>,
        tpu.vector_store %arg11[%parallel_loop3A_816, %parallel_loop3A_817, %parallel_loop3A_818, %parallel_loop3A_819, %parallel_loop3A_820], %parallel_loop3A_813 {strides = array<i32>} : memref<4x2x4x8x128xf32, #tpu.memory_space<vmem>>, vector<16xf32>,
      } {sc.loop_unroll_factor = 4 : i64, sc.parallel_access}
      %parallel_loop3A_323 = arith.constant 0 : i32
      %parallel_loop3A_324 = arith.constant 32 : i32
      %parallel_loop3A_325 = arith.constant 1 : i32
      scf.for %parallel_loop3A_680 = %parallel_loop3A_323 to %parallel_loop3A_324 step %parallel_loop3A_325  : i32 {
        %parallel_loop3A_681 = arith.constant 0 : i32
        %parallel_loop3A_682 = vector.broadcast %parallel_loop3A_681 : i32 to vector<16xi32>
        %parallel_loop3A_683 = arith.muli %iota3A, %parallel_loop3A_682 : vector<16xi32>
        %parallel_loop3A_684 = vector.broadcast %parallel_loop3A_680 : i32 to vector<16xi32>
        %parallel_loop3A_685 = arith.addi %parallel_loop3A_683, %parallel_loop3A_684 : vector<16xi32>
        %parallel_loop3A_686 = arith.constant 8 : i32
        %parallel_loop3A_687 = arith.divsi %parallel_loop3A_680, %parallel_loop3A_686 : i32
        %parallel_loop3A_688 = arith.constant 0 : i32
        %parallel_loop3A_689 = arith.cmpi sgt, %parallel_loop3A_680, %parallel_loop3A_688 : i32
        %parallel_loop3A_690 = arith.extui %parallel_loop3A_689 : i1 to i32
        %parallel_loop3A_691 = arith.constant 0 : i32
        %parallel_loop3A_692 = arith.cmpi slt, %parallel_loop3A_680, %parallel_loop3A_691 : i32
        %parallel_loop3A_693 = arith.extui %parallel_loop3A_692 : i1 to i32
        %parallel_loop3A_694 = arith.subi %parallel_loop3A_690, %parallel_loop3A_693 : i32
        %parallel_loop3A_695 = arith.constant 0 : i32
        %parallel_loop3A_696 = arith.cmpi sgt, %parallel_loop3A_686, %parallel_loop3A_695 : i32
        %parallel_loop3A_697 = arith.extui %parallel_loop3A_696 : i1 to i32
        %parallel_loop3A_698 = arith.constant 0 : i32
        %parallel_loop3A_699 = arith.cmpi slt, %parallel_loop3A_686, %parallel_loop3A_698 : i32
        %parallel_loop3A_700 = arith.extui %parallel_loop3A_699 : i1 to i32
        %parallel_loop3A_701 = arith.subi %parallel_loop3A_697, %parallel_loop3A_700 : i32
        %parallel_loop3A_702 = arith.cmpi ne, %parallel_loop3A_694, %parallel_loop3A_701 : i32
        %parallel_loop3A_703 = arith.remsi %parallel_loop3A_680, %parallel_loop3A_686 : i32
        %parallel_loop3A_704 = arith.constant 0 : i32
        %parallel_loop3A_705 = arith.cmpi ne, %parallel_loop3A_703, %parallel_loop3A_704 : i32
        %parallel_loop3A_706 = arith.andi %parallel_loop3A_702, %parallel_loop3A_705 : i1
        %parallel_loop3A_707 = arith.constant 1 : i32
        %parallel_loop3A_708 = arith.subi %parallel_loop3A_687, %parallel_loop3A_707 : i32
        %parallel_loop3A_709 = arith.select %parallel_loop3A_706, %parallel_loop3A_708, %parallel_loop3A_687 : i32
        %parallel_loop3A_710 = arith.constant 8 : i32
        %parallel_loop3A_711 = arith.constant 0 : i32
        %parallel_loop3A_712 = arith.cmpi eq, %parallel_loop3A_710, %parallel_loop3A_711 : i32
        %parallel_loop3A_713 = arith.constant 1 : i32
        %parallel_loop3A_714 = arith.select %parallel_loop3A_712, %parallel_loop3A_713, %parallel_loop3A_710 : i32
        %parallel_loop3A_715 = arith.remsi %parallel_loop3A_680, %parallel_loop3A_714 : i32
        %parallel_loop3A_716 = arith.constant 0 : i32
        %parallel_loop3A_717 = arith.cmpi ne, %parallel_loop3A_715, %parallel_loop3A_716 : i32
        %parallel_loop3A_718 = arith.constant 0 : i32
        %parallel_loop3A_719 = arith.cmpi slt, %parallel_loop3A_715, %parallel_loop3A_718 : i32
        %parallel_loop3A_720 = arith.constant 0 : i32
        %parallel_loop3A_721 = arith.cmpi slt, %parallel_loop3A_714, %parallel_loop3A_720 : i32
        %parallel_loop3A_722 = arith.xori %parallel_loop3A_719, %parallel_loop3A_721 : i1
        %parallel_loop3A_723 = arith.andi %parallel_loop3A_722, %parallel_loop3A_717 : i1
        %parallel_loop3A_724 = arith.addi %parallel_loop3A_715, %parallel_loop3A_714 : i32
        %parallel_loop3A_725 = arith.select %parallel_loop3A_723, %parallel_loop3A_724, %parallel_loop3A_715 : i32
        %parallel_loop3A_726 = arith.constant 128 : i32
        %parallel_loop3A_727 = vector.broadcast %parallel_loop3A_726 : i32 to vector<16xi32>
        %parallel_loop3A_728 = arith.addi %iota3A, %parallel_loop3A_727 : vector<16xi32>
        %parallel_loop3A_729 = tpu.vector_load_idx %arg10[%parallel_loop3A_728, %parallel_loop3A_685] : memref<256x33xf32, #tpu.memory_space<vmem>>[vector<16xi32>, vector<16xi32>], vector<16xf32>,
        %parallel_loop3A_730 = arith.constant 0 : i32
        %parallel_loop3A_731 = arith.constant 1 : i32
        %parallel_loop3A_732 = arith.index_cast %parallel_loop3A_730 : i32 to index
        %parallel_loop3A_733 = arith.index_cast %parallel_loop3A_731 : i32 to index
        %parallel_loop3A_734 = arith.index_cast %parallel_loop3A_709 : i32 to index
        %parallel_loop3A_735 = arith.index_cast %parallel_loop3A_725 : i32 to index
        %parallel_loop3A_736 = arith.constant 0 : index
        %parallel_loop3A_737 = tpu.vector_load %arg11[%parallel_loop3A_732, %parallel_loop3A_733, %parallel_loop3A_734, %parallel_loop3A_735, %parallel_loop3A_736] {strides = array<i32>} : memref<4x2x4x8x128xf32, #tpu.memory_space<vmem>>, vector<16xf32>,
        tpu.vector_store %arg11[%parallel_loop3A_732, %parallel_loop3A_733, %parallel_loop3A_734, %parallel_loop3A_735, %parallel_loop3A_736], %parallel_loop3A_729 {strides = array<i32>} : memref<4x2x4x8x128xf32, #tpu.memory_space<vmem>>, vector<16xf32>,
        %parallel_loop3A_738 = arith.constant 144 : i32
        %parallel_loop3A_739 = vector.broadcast %parallel_loop3A_738 : i32 to vector<16xi32>
        %parallel_loop3A_740 = arith.addi %iota3A, %parallel_loop3A_739 : vector<16xi32>
        %parallel_loop3A_741 = tpu.vector_load_idx %arg10[%parallel_loop3A_740, %parallel_loop3A_685] : memref<256x33xf32, #tpu.memory_space<vmem>>[vector<16xi32>, vector<16xi32>], vector<16xf32>,
        %parallel_loop3A_742 = arith.constant 0 : i32
        %parallel_loop3A_743 = arith.constant 1 : i32
        %parallel_loop3A_744 = arith.index_cast %parallel_loop3A_742 : i32 to index
        %parallel_loop3A_745 = arith.index_cast %parallel_loop3A_743 : i32 to index
        %parallel_loop3A_746 = arith.index_cast %parallel_loop3A_709 : i32 to index
        %parallel_loop3A_747 = arith.index_cast %parallel_loop3A_725 : i32 to index
        %parallel_loop3A_748 = arith.constant 16 : index
        %parallel_loop3A_749 = tpu.vector_load %arg11[%parallel_loop3A_744, %parallel_loop3A_745, %parallel_loop3A_746, %parallel_loop3A_747, %parallel_loop3A_748] {strides = array<i32>} : memref<4x2x4x8x128xf32, #tpu.memory_space<vmem>>, vector<16xf32>,
        tpu.vector_store %arg11[%parallel_loop3A_744, %parallel_loop3A_745, %parallel_loop3A_746, %parallel_loop3A_747, %parallel_loop3A_748], %parallel_loop3A_741 {strides = array<i32>} : memref<4x2x4x8x128xf32, #tpu.memory_space<vmem>>, vector<16xf32>,
        %parallel_loop3A_750 = arith.constant 160 : i32
        %parallel_loop3A_751 = vector.broadcast %parallel_loop3A_750 : i32 to vector<16xi32>
        %parallel_loop3A_752 = arith.addi %iota3A, %parallel_loop3A_751 : vector<16xi32>
        %parallel_loop3A_753 = tpu.vector_load_idx %arg10[%parallel_loop3A_752, %parallel_loop3A_685] : memref<256x33xf32, #tpu.memory_space<vmem>>[vector<16xi32>, vector<16xi32>], vector<16xf32>,
        %parallel_loop3A_754 = arith.constant 0 : i32
        %parallel_loop3A_755 = arith.constant 1 : i32
        %parallel_loop3A_756 = arith.index_cast %parallel_loop3A_754 : i32 to index
        %parallel_loop3A_757 = arith.index_cast %parallel_loop3A_755 : i32 to index
        %parallel_loop3A_758 = arith.index_cast %parallel_loop3A_709 : i32 to index
        %parallel_loop3A_759 = arith.index_cast %parallel_loop3A_725 : i32 to index
        %parallel_loop3A_760 = arith.constant 32 : index
        %parallel_loop3A_761 = tpu.vector_load %arg11[%parallel_loop3A_756, %parallel_loop3A_757, %parallel_loop3A_758, %parallel_loop3A_759, %parallel_loop3A_760] {strides = array<i32>} : memref<4x2x4x8x128xf32, #tpu.memory_space<vmem>>, vector<16xf32>,
        tpu.vector_store %arg11[%parallel_loop3A_756, %parallel_loop3A_757, %parallel_loop3A_758, %parallel_loop3A_759, %parallel_loop3A_760], %parallel_loop3A_753 {strides = array<i32>} : memref<4x2x4x8x128xf32, #tpu.memory_space<vmem>>, vector<16xf32>,
        %parallel_loop3A_762 = arith.constant 176 : i32
        %parallel_loop3A_763 = vector.broadcast %parallel_loop3A_762 : i32 to vector<16xi32>
        %parallel_loop3A_764 = arith.addi %iota3A, %parallel_loop3A_763 : vector<16xi32>
        %parallel_loop3A_765 = tpu.vector_load_idx %arg10[%parallel_loop3A_764, %parallel_loop3A_685] : memref<256x33xf32, #tpu.memory_space<vmem>>[vector<16xi32>, vector<16xi32>], vector<16xf32>,
        %parallel_loop3A_766 = arith.constant 0 : i32
        %parallel_loop3A_767 = arith.constant 1 : i32
        %parallel_loop3A_768 = arith.index_cast %parallel_loop3A_766 : i32 to index
        %parallel_loop3A_769 = arith.index_cast %parallel_loop3A_767 : i32 to index
        %parallel_loop3A_770 = arith.index_cast %parallel_loop3A_709 : i32 to index
        %parallel_loop3A_771 = arith.index_cast %parallel_loop3A_725 : i32 to index
        %parallel_loop3A_772 = arith.constant 48 : index
        %parallel_loop3A_773 = tpu.vector_load %arg11[%parallel_loop3A_768, %parallel_loop3A_769, %parallel_loop3A_770, %parallel_loop3A_771, %parallel_loop3A_772] {strides = array<i32>} : memref<4x2x4x8x128xf32, #tpu.memory_space<vmem>>, vector<16xf32>,
        tpu.vector_store %arg11[%parallel_loop3A_768, %parallel_loop3A_769, %parallel_loop3A_770, %parallel_loop3A_771, %parallel_loop3A_772], %parallel_loop3A_765 {strides = array<i32>} : memref<4x2x4x8x128xf32, #tpu.memory_space<vmem>>, vector<16xf32>,
        %parallel_loop3A_774 = arith.constant 192 : i32
        %parallel_loop3A_775 = vector.broadcast %parallel_loop3A_774 : i32 to vector<16xi32>
        %parallel_loop3A_776 = arith.addi %iota3A, %parallel_loop3A_775 : vector<16xi32>
        %parallel_loop3A_777 = tpu.vector_load_idx %arg10[%parallel_loop3A_776, %parallel_loop3A_685] : memref<256x33xf32, #tpu.memory_space<vmem>>[vector<16xi32>, vector<16xi32>], vector<16xf32>,
        %parallel_loop3A_778 = arith.constant 0 : i32
        %parallel_loop3A_779 = arith.constant 1 : i32
        %parallel_loop3A_780 = arith.index_cast %parallel_loop3A_778 : i32 to index
        %parallel_loop3A_781 = arith.index_cast %parallel_loop3A_779 : i32 to index
        %parallel_loop3A_782 = arith.index_cast %parallel_loop3A_709 : i32 to index
        %parallel_loop3A_783 = arith.index_cast %parallel_loop3A_725 : i32 to index
        %parallel_loop3A_784 = arith.constant 64 : index
        %parallel_loop3A_785 = tpu.vector_load %arg11[%parallel_loop3A_780, %parallel_loop3A_781, %parallel_loop3A_782, %parallel_loop3A_783, %parallel_loop3A_784] {strides = array<i32>} : memref<4x2x4x8x128xf32, #tpu.memory_space<vmem>>, vector<16xf32>,
        tpu.vector_store %arg11[%parallel_loop3A_780, %parallel_loop3A_781, %parallel_loop3A_782, %parallel_loop3A_783, %parallel_loop3A_784], %parallel_loop3A_777 {strides = array<i32>} : memref<4x2x4x8x128xf32, #tpu.memory_space<vmem>>, vector<16xf32>,
        %parallel_loop3A_786 = arith.constant 208 : i32
        %parallel_loop3A_787 = vector.broadcast %parallel_loop3A_786 : i32 to vector<16xi32>
        %parallel_loop3A_788 = arith.addi %iota3A, %parallel_loop3A_787 : vector<16xi32>
        %parallel_loop3A_789 = tpu.vector_load_idx %arg10[%parallel_loop3A_788, %parallel_loop3A_685] : memref<256x33xf32, #tpu.memory_space<vmem>>[vector<16xi32>, vector<16xi32>], vector<16xf32>,
        %parallel_loop3A_790 = arith.constant 0 : i32
        %parallel_loop3A_791 = arith.constant 1 : i32
        %parallel_loop3A_792 = arith.index_cast %parallel_loop3A_790 : i32 to index
        %parallel_loop3A_793 = arith.index_cast %parallel_loop3A_791 : i32 to index
        %parallel_loop3A_794 = arith.index_cast %parallel_loop3A_709 : i32 to index
        %parallel_loop3A_795 = arith.index_cast %parallel_loop3A_725 : i32 to index
        %parallel_loop3A_796 = arith.constant 80 : index
        %parallel_loop3A_797 = tpu.vector_load %arg11[%parallel_loop3A_792, %parallel_loop3A_793, %parallel_loop3A_794, %parallel_loop3A_795, %parallel_loop3A_796] {strides = array<i32>} : memref<4x2x4x8x128xf32, #tpu.memory_space<vmem>>, vector<16xf32>,
        tpu.vector_store %arg11[%parallel_loop3A_792, %parallel_loop3A_793, %parallel_loop3A_794, %parallel_loop3A_795, %parallel_loop3A_796], %parallel_loop3A_789 {strides = array<i32>} : memref<4x2x4x8x128xf32, #tpu.memory_space<vmem>>, vector<16xf32>,
        %parallel_loop3A_798 = arith.constant 224 : i32
        %parallel_loop3A_799 = vector.broadcast %parallel_loop3A_798 : i32 to vector<16xi32>
        %parallel_loop3A_800 = arith.addi %iota3A, %parallel_loop3A_799 : vector<16xi32>
        %parallel_loop3A_801 = tpu.vector_load_idx %arg10[%parallel_loop3A_800, %parallel_loop3A_685] : memref<256x33xf32, #tpu.memory_space<vmem>>[vector<16xi32>, vector<16xi32>], vector<16xf32>,
        %parallel_loop3A_802 = arith.constant 0 : i32
        %parallel_loop3A_803 = arith.constant 1 : i32
        %parallel_loop3A_804 = arith.index_cast %parallel_loop3A_802 : i32 to index
        %parallel_loop3A_805 = arith.index_cast %parallel_loop3A_803 : i32 to index
        %parallel_loop3A_806 = arith.index_cast %parallel_loop3A_709 : i32 to index
        %parallel_loop3A_807 = arith.index_cast %parallel_loop3A_725 : i32 to index
        %parallel_loop3A_808 = arith.constant 96 : index
        %parallel_loop3A_809 = tpu.vector_load %arg11[%parallel_loop3A_804, %parallel_loop3A_805, %parallel_loop3A_806, %parallel_loop3A_807, %parallel_loop3A_808] {strides = array<i32>} : memref<4x2x4x8x128xf32, #tpu.memory_space<vmem>>, vector<16xf32>,
        tpu.vector_store %arg11[%parallel_loop3A_804, %parallel_loop3A_805, %parallel_loop3A_806, %parallel_loop3A_807, %parallel_loop3A_808], %parallel_loop3A_801 {strides = array<i32>} : memref<4x2x4x8x128xf32, #tpu.memory_space<vmem>>, vector<16xf32>,
        %parallel_loop3A_810 = arith.constant 240 : i32
        %parallel_loop3A_811 = vector.broadcast %parallel_loop3A_810 : i32 to vector<16xi32>
        %parallel_loop3A_812 = arith.addi %iota3A, %parallel_loop3A_811 : vector<16xi32>
        %parallel_loop3A_813 = tpu.vector_load_idx %arg10[%parallel_loop3A_812, %parallel_loop3A_685] : memref<256x33xf32, #tpu.memory_space<vmem>>[vector<16xi32>, vector<16xi32>], vector<16xf32>,
        %parallel_loop3A_814 = arith.constant 0 : i32
        %parallel_loop3A_815 = arith.constant 1 : i32
        %parallel_loop3A_816 = arith.index_cast %parallel_loop3A_814 : i32 to index
        %parallel_loop3A_817 = arith.index_cast %parallel_loop3A_815 : i32 to index
        %parallel_loop3A_818 = arith.index_cast %parallel_loop3A_709 : i32 to index
        %parallel_loop3A_819 = arith.index_cast %parallel_loop3A_725 : i32 to index
        %parallel_loop3A_820 = arith.constant 112 : index
        %parallel_loop3A_821 = tpu.vector_load %arg11[%parallel_loop3A_816, %parallel_loop3A_817, %parallel_loop3A_818, %parallel_loop3A_819, %parallel_loop3A_820] {strides = array<i32>} : memref<4x2x4x8x128xf32, #tpu.memory_space<vmem>>, vector<16xf32>,
        tpu.vector_store %arg11[%parallel_loop3A_816, %parallel_loop3A_817, %parallel_loop3A_818, %parallel_loop3A_819, %parallel_loop3A_820], %parallel_loop3A_813 {strides = array<i32>} : memref<4x2x4x8x128xf32, #tpu.memory_space<vmem>>, vector<16xf32>,
      } {sc.loop_unroll_factor = 4 : i64, sc.parallel_access}
      %add3A_326 = arith.constant 4 : i32
      %add3A_327 = arith.addi %add3A_275, %add3A_326 : i32
      %sub3A = arith.constant 1 : i32
      %sub3A_328 = arith.subi %add3A_327, %sub3A : i32
      %mul3A_329 = arith.constant 2 : i32
      %mul3A_330 = arith.muli %sub3A_328, %mul3A_329 : i32
      %add3A_331 = arith.constant 0 : i32
      %add3A_332 = arith.addi %mul3A_330, %add3A_331 : i32
      %dma_start3A_333 = arith.constant 3 : i32
      %dma_start3A_334 = arith.constant 3 : i32
      %dma_start3A_335 = arith.constant 0 : i32
      %dma_start3A_336 = arith.constant 0 : i32
      %dma_start3A_337 = tpu.memref_slice %arg9[%dma_start3A_333, %dma_start3A_335, %dma_start3A_336] : memref<4x256x32xf32, #tpu.memory_space<vmem>> -> memref<1x128x32xf32, #tpu.memory_space<vmem>>
      %dma_start3A_338 = tpu.memref_squeeze %dma_start3A_337 : memref<1x128x32xf32, #tpu.memory_space<vmem>> -> memref<128x32xf32, #tpu.memory_space<vmem>>
      %dma_start3A_339 = arith.constant 0 : i32
      %dma_start3A_340 = tpu.memref_slice %arg8[%add3A_332, %dma_start3A_339] : memref<200x128xi32, #tpu.memory_space<vmem>> -> memref<1x128xi32, #tpu.memory_space<vmem>>
      %dma_start3A_341 = tpu.memref_squeeze %dma_start3A_340 : memref<1x128xi32, #tpu.memory_space<vmem>> -> memref<128xi32, #tpu.memory_space<vmem>>
      %dma_start3A_342 = arith.constant 0 : i32
      %dma_start3A_343 = arith.constant 0 : i32
      %dma_start3A_344 = tpu.memref_slice %arg2[%dma_start3A_342, %dma_start3A_343] : memref<1000000x32xf32, #tpu.memory_space<hbm>> -> memref<1000000x32xf32, #tpu.memory_space<hbm>>
      %dma_start3A_345 = tpu.memref_slice %arg12[%dma_start3A_334] : memref<4x!tpu.dma_semaphore, #tpu.memory_space<semaphore_mem>> -> memref<1x!tpu.dma_semaphore, #tpu.memory_space<semaphore_mem>>
      %dma_start3A_346 = tpu.memref_squeeze %dma_start3A_345 : memref<1x!tpu.dma_semaphore, #tpu.memory_space<semaphore_mem>> -> memref<!tpu.dma_semaphore, #tpu.memory_space<semaphore_mem>>
      tpu.enqueue_indirect_dma source(%dma_start3A_344 : memref<1000000x32xf32, #tpu.memory_space<hbm>>) target(%dma_start3A_338 : memref<128x32xf32, #tpu.memory_space<vmem>>) offsets(%dma_start3A_341 : memref<128xi32, #tpu.memory_space<vmem>>) semaphore(%dma_start3A_346 : memref<!tpu.dma_semaphore, #tpu.memory_space<semaphore_mem>>)
      %mul3A_347 = arith.constant 2 : i32
      %mul3A_348 = arith.muli %sub3A_328, %mul3A_347 : i32
      %add3A_349 = arith.constant 1 : i32
      %add3A_350 = arith.addi %mul3A_348, %add3A_349 : i32
      %dma_start3A_351 = arith.constant 3 : i32
      %dma_start3A_352 = arith.constant 3 : i32
      %dma_start3A_353 = arith.constant 128 : i32
      %dma_start3A_354 = arith.constant 0 : i32
      %dma_start3A_355 = tpu.memref_slice %arg9[%dma_start3A_351, %dma_start3A_353, %dma_start3A_354] : memref<4x256x32xf32, #tpu.memory_space<vmem>> -> memref<1x128x32xf32, #tpu.memory_space<vmem>>
      %dma_start3A_356 = tpu.memref_squeeze %dma_start3A_355 : memref<1x128x32xf32, #tpu.memory_space<vmem>> -> memref<128x32xf32, #tpu.memory_space<vmem>>
      %dma_start3A_357 = arith.constant 0 : i32
      %dma_start3A_358 = tpu.memref_slice %arg8[%add3A_350, %dma_start3A_357] : memref<200x128xi32, #tpu.memory_space<vmem>> -> memref<1x128xi32, #tpu.memory_space<vmem>>
      %dma_start3A_359 = tpu.memref_squeeze %dma_start3A_358 : memref<1x128xi32, #tpu.memory_space<vmem>> -> memref<128xi32, #tpu.memory_space<vmem>>
      %dma_start3A_360 = arith.constant 0 : i32
      %dma_start3A_361 = arith.constant 0 : i32
      %dma_start3A_362 = tpu.memref_slice %arg2[%dma_start3A_360, %dma_start3A_361] : memref<1000000x32xf32, #tpu.memory_space<hbm>> -> memref<1000000x32xf32, #tpu.memory_space<hbm>>
      %dma_start3A_363 = tpu.memref_slice %arg12[%dma_start3A_352] : memref<4x!tpu.dma_semaphore, #tpu.memory_space<semaphore_mem>> -> memref<1x!tpu.dma_semaphore, #tpu.memory_space<semaphore_mem>>
      %dma_start3A_364 = tpu.memref_squeeze %dma_start3A_363 : memref<1x!tpu.dma_semaphore, #tpu.memory_space<semaphore_mem>> -> memref<!tpu.dma_semaphore, #tpu.memory_space<semaphore_mem>>
      tpu.enqueue_indirect_dma source(%dma_start3A_362 : memref<1000000x32xf32, #tpu.memory_space<hbm>>) target(%dma_start3A_356 : memref<128x32xf32, #tpu.memory_space<vmem>>) offsets(%dma_start3A_359 : memref<128xi32, #tpu.memory_space<vmem>>) semaphore(%dma_start3A_364 : memref<!tpu.dma_semaphore, #tpu.memory_space<semaphore_mem>>)
      %mul3A_365 = arith.constant 2 : i32
      %mul3A_366 = arith.muli %add3A_275, %mul3A_365 : i32
      %dma_start3A_367 = arith.constant 0 : i32
      %dma_start3A_368 = arith.constant 0 : i32
      %dma_start3A_369 = arith.constant 0 : i32
      %dma_start3A_370 = arith.constant 0 : i32
      %dma_start3A_371 = arith.constant 0 : i32
      %dma_start3A_372 = arith.constant 0 : i32
      %dma_start3A_373 = tpu.memref_slice %arg11[%dma_start3A_367, %dma_start3A_369, %dma_start3A_370, %dma_start3A_371, %dma_start3A_372] : memref<4x2x4x8x128xf32, #tpu.memory_space<vmem>> -> memref<1x2x4x8x128xf32, #tpu.memory_space<vmem>>
      %dma_start3A_374 = tpu.memref_squeeze %dma_start3A_373 : memref<1x2x4x8x128xf32, #tpu.memory_space<vmem>> -> memref<2x4x8x128xf32, #tpu.memory_space<vmem>>
      %dma_start3A_375 = arith.constant 0 : i32
      %dma_start3A_376 = arith.constant 0 : i32
      %dma_start3A_377 = arith.constant 0 : i32
      %dma_start3A_378 = tpu.memref_slice %arg5[%mul3A_366, %dma_start3A_375, %add3A, %dma_start3A_376, %dma_start3A_377] : memref<200x4x32x8x128xf32, #tpu.memory_space<hbm>> -> memref<2x4x1x8x128xf32, #tpu.memory_space<hbm>>
      %dma_start3A_379 = tpu.memref_squeeze %dma_start3A_378 : memref<2x4x1x8x128xf32, #tpu.memory_space<hbm>> -> memref<2x4x8x128xf32, #tpu.memory_space<hbm>>
      %dma_start3A_380 = tpu.memref_slice %arg13[%dma_start3A_368] : memref<4x!tpu.dma_semaphore, #tpu.memory_space<semaphore_mem>> -> memref<1x!tpu.dma_semaphore, #tpu.memory_space<semaphore_mem>>
      %dma_start3A_381 = tpu.memref_squeeze %dma_start3A_380 : memref<1x!tpu.dma_semaphore, #tpu.memory_space<semaphore_mem>> -> memref<!tpu.dma_semaphore, #tpu.memory_space<semaphore_mem>>
      %dma_start3A_382 = arith.constant 0 : i32
      %dma_start3A_383 = arith.constant 0 : i32
      %dma_start3A_384 = arith.constant 0 : i32
      %dma_start3A_385 = tpu.memref_slice %arg5[%mul3A_366, %dma_start3A_382, %add3A, %dma_start3A_383, %dma_start3A_384] : memref<200x4x32x8x128xf32, #tpu.memory_space<hbm>> -> memref<2x4x1x8x128xf32, #tpu.memory_space<hbm>>
      %dma_start3A_386 = tpu.memref_squeeze %dma_start3A_385 : memref<2x4x1x8x128xf32, #tpu.memory_space<hbm>> -> memref<2x4x8x128xf32, #tpu.memory_space<hbm>>
      %dma_start3A_387 = arith.constant 0 : i32
      %dma_start3A_388 = arith.constant 0 : i32
      %dma_start3A_389 = arith.constant 0 : i32
      %dma_start3A_390 = arith.constant 0 : i32
      %dma_start3A_391 = tpu.memref_slice %arg11[%dma_start3A_367, %dma_start3A_387, %dma_start3A_388, %dma_start3A_389, %dma_start3A_390] : memref<4x2x4x8x128xf32, #tpu.memory_space<vmem>> -> memref<1x2x4x8x128xf32, #tpu.memory_space<vmem>>
      %dma_start3A_392 = tpu.memref_squeeze %dma_start3A_391 : memref<1x2x4x8x128xf32, #tpu.memory_space<vmem>> -> memref<2x4x8x128xf32, #tpu.memory_space<vmem>>
      tpu.enqueue_dma source(%dma_start3A_392 : memref<2x4x8x128xf32, #tpu.memory_space<vmem>>) target(%dma_start3A_386 : memref<2x4x8x128xf32, #tpu.memory_space<hbm>>) target_semaphore(%dma_start3A_381 : memref<!tpu.dma_semaphore, #tpu.memory_space<semaphore_mem>>)
      %mul3A_393 = arith.constant 4 : i32
      %mul3A_394 = arith.muli %add3A_271, %mul3A_393 : i32
      %add3A_395 = arith.constant 1 : i32
      %add3A_396 = arith.addi %mul3A_394, %add3A_395 : i32
      %dma_wait3A_397 = arith.constant 1 : i32
      %dma_wait3A_398 = arith.constant 1 : i32
      %dma_wait3A_399 = arith.constant 0 : i32
      %dma_wait3A_400 = arith.constant 0 : i32
      %dma_wait3A_401 = tpu.memref_slice %arg9[%dma_wait3A_397, %dma_wait3A_399, %dma_wait3A_400] : memref<4x256x32xf32, #tpu.memory_space<vmem>> -> memref<1x256x32xf32, #tpu.memory_space<vmem>>
      %dma_wait3A_402 = tpu.memref_squeeze %dma_wait3A_401 : memref<1x256x32xf32, #tpu.memory_space<vmem>> -> memref<256x32xf32, #tpu.memory_space<vmem>>
      %dma_wait3A_403 = arith.constant 0 : i32
      %dma_wait3A_404 = arith.constant 0 : i32
      %dma_wait3A_405 = tpu.memref_slice %arg2[%dma_wait3A_403, %dma_wait3A_404] : memref<1000000x32xf32, #tpu.memory_space<hbm>> -> memref<256x32xf32, #tpu.memory_space<hbm>>
      %dma_wait3A_406 = tpu.memref_slice %arg12[%dma_wait3A_398] : memref<4x!tpu.dma_semaphore, #tpu.memory_space<semaphore_mem>> -> memref<1x!tpu.dma_semaphore, #tpu.memory_space<semaphore_mem>>
      %dma_wait3A_407 = tpu.memref_squeeze %dma_wait3A_406 : memref<1x!tpu.dma_semaphore, #tpu.memory_space<semaphore_mem>> -> memref<!tpu.dma_semaphore, #tpu.memory_space<semaphore_mem>>
      %dma_wait3A_408 = arith.constant 0 : i32
      %dma_wait3A_409 = arith.constant 0 : i32
      %dma_wait3A_410 = tpu.memref_slice %arg9[%dma_wait3A_397, %dma_wait3A_408, %dma_wait3A_409] : memref<4x256x32xf32, #tpu.memory_space<vmem>> -> memref<1x256x32xf32, #tpu.memory_space<vmem>>
      %dma_wait3A_411 = tpu.memref_squeeze %dma_wait3A_410 : memref<1x256x32xf32, #tpu.memory_space<vmem>> -> memref<256x32xf32, #tpu.memory_space<vmem>>
      %dma_wait3A_412 = arith.constant 0 : i32
      %dma_wait3A_413 = arith.constant 0 : i32
      %dma_wait3A_414 = tpu.memref_slice %arg2[%dma_wait3A_412, %dma_wait3A_413] : memref<1000000x32xf32, #tpu.memory_space<hbm>> -> memref<256x32xf32, #tpu.memory_space<hbm>>
      tpu.wait_dma2 semaphore(%dma_wait3A_407 : memref<!tpu.dma_semaphore, #tpu.memory_space<semaphore_mem>>) src(%dma_wait3A_414 : memref<256x32xf32, #tpu.memory_space<hbm>>) dst(%dma_wait3A_411 : memref<256x32xf32, #tpu.memory_space<vmem>>)
      %mul3A_415 = arith.constant 2 : i32
      %mul3A_416 = arith.muli %add3A_396, %mul3A_415 : i32
      %add3A_417 = arith.constant 0 : i32
      %add3A_418 = arith.addi %mul3A_416, %add3A_417 : i32
      %get3A_419 = arith.index_cast %add3A_418 : i32 to index
      %get3A_420 = arith.constant 0 : index
      %get3A_421 = tpu.vector_load %arg6[%get3A_419, %get3A_420] {strides = array<i32>} : memref<200x32xf32, #tpu.memory_space<vmem>>, vector<16xf32>,
      %get3A_422 = arith.index_cast %add3A_418 : i32 to index
      %get3A_423 = arith.constant 16 : index
      %get3A_424 = tpu.vector_load %arg6[%get3A_422, %get3A_423] {strides = array<i32>} : memref<200x32xf32, #tpu.memory_space<vmem>>, vector<16xf32>,
      %parallel_loop3A_425 = arith.constant 0 : i32
      %parallel_loop3A_426 = arith.constant 128 : i32
      %parallel_loop3A_427 = arith.constant 1 : i32
      scf.for %parallel_loop3A_680 = %parallel_loop3A_425 to %parallel_loop3A_426 step %parallel_loop3A_427  : i32 {
        %parallel_loop3A_681 = arith.constant 0 : i32
        %parallel_loop3A_682 = arith.addi %parallel_loop3A_681, %parallel_loop3A_680 : i32
        %parallel_loop3A_683 = arith.constant 1 : i32
        %parallel_loop3A_684 = arith.index_cast %parallel_loop3A_683 : i32 to index
        %parallel_loop3A_685 = arith.index_cast %parallel_loop3A_682 : i32 to index
        %parallel_loop3A_686 = arith.constant 0 : index
        %parallel_loop3A_687 = tpu.vector_load %arg9[%parallel_loop3A_684, %parallel_loop3A_685, %parallel_loop3A_686] {strides = array<i32>} : memref<4x256x32xf32, #tpu.memory_space<vmem>>, vector<16xf32>,
        %parallel_loop3A_688 = arith.addf %parallel_loop3A_687, %get3A_421 : vector<16xf32>
        %parallel_loop3A_689 = arith.constant 0 : i32
        %parallel_loop3A_690 = arith.addi %parallel_loop3A_689, %parallel_loop3A_680 : i32
        %parallel_loop3A_691 = arith.index_cast %parallel_loop3A_690 : i32 to index
        %parallel_loop3A_692 = arith.constant 0 : index
        %parallel_loop3A_693 = tpu.vector_load %arg10[%parallel_loop3A_691, %parallel_loop3A_692] {strides = array<i32>} : memref<256x33xf32, #tpu.memory_space<vmem>>, vector<16xf32>,
        tpu.vector_store %arg10[%parallel_loop3A_691, %parallel_loop3A_692], %parallel_loop3A_688 {strides = array<i32>} : memref<256x33xf32, #tpu.memory_space<vmem>>, vector<16xf32>,
        %parallel_loop3A_694 = arith.constant 0 : i32
        %parallel_loop3A_695 = arith.addi %parallel_loop3A_694, %parallel_loop3A_680 : i32
        %parallel_loop3A_696 = arith.constant 1 : i32
        %parallel_loop3A_697 = arith.index_cast %parallel_loop3A_696 : i32 to index
        %parallel_loop3A_698 = arith.index_cast %parallel_loop3A_695 : i32 to index
        %parallel_loop3A_699 = arith.constant 16 : index
        %parallel_loop3A_700 = tpu.vector_load %arg9[%parallel_loop3A_697, %parallel_loop3A_698, %parallel_loop3A_699] {strides = array<i32>} : memref<4x256x32xf32, #tpu.memory_space<vmem>>, vector<16xf32>,
        %parallel_loop3A_701 = arith.addf %parallel_loop3A_700, %get3A_424 : vector<16xf32>
        %parallel_loop3A_702 = arith.constant 0 : i32
        %parallel_loop3A_703 = arith.addi %parallel_loop3A_702, %parallel_loop3A_680 : i32
        %parallel_loop3A_704 = arith.index_cast %parallel_loop3A_703 : i32 to index
        %parallel_loop3A_705 = arith.constant 16 : index
        %parallel_loop3A_706 = tpu.vector_load %arg10[%parallel_loop3A_704, %parallel_loop3A_705] {strides = array<i32>} : memref<256x33xf32, #tpu.memory_space<vmem>>, vector<16xf32>,
        tpu.vector_store %arg10[%parallel_loop3A_704, %parallel_loop3A_705], %parallel_loop3A_701 {strides = array<i32>} : memref<256x33xf32, #tpu.memory_space<vmem>>, vector<16xf32>,
      } {sc.loop_unroll_factor = 4 : i64, sc.parallel_access}
      %mul3A_428 = arith.constant 2 : i32
      %mul3A_429 = arith.muli %add3A_396, %mul3A_428 : i32
      %add3A_430 = arith.constant 1 : i32
      %add3A_431 = arith.addi %mul3A_429, %add3A_430 : i32
      %get3A_432 = arith.index_cast %add3A_431 : i32 to index
      %get3A_433 = arith.constant 0 : index
      %get3A_434 = tpu.vector_load %arg6[%get3A_432, %get3A_433] {strides = array<i32>} : memref<200x32xf32, #tpu.memory_space<vmem>>, vector<16xf32>,
      %get3A_435 = arith.index_cast %add3A_431 : i32 to index
      %get3A_436 = arith.constant 16 : index
      %get3A_437 = tpu.vector_load %arg6[%get3A_435, %get3A_436] {strides = array<i32>} : memref<200x32xf32, #tpu.memory_space<vmem>>, vector<16xf32>,
      %parallel_loop3A_438 = arith.constant 0 : i32
      %parallel_loop3A_439 = arith.constant 128 : i32
      %parallel_loop3A_440 = arith.constant 1 : i32
      scf.for %parallel_loop3A_680 = %parallel_loop3A_438 to %parallel_loop3A_439 step %parallel_loop3A_440  : i32 {
        %parallel_loop3A_681 = arith.constant 128 : i32
        %parallel_loop3A_682 = arith.addi %parallel_loop3A_681, %parallel_loop3A_680 : i32
        %parallel_loop3A_683 = arith.constant 1 : i32
        %parallel_loop3A_684 = arith.index_cast %parallel_loop3A_683 : i32 to index
        %parallel_loop3A_685 = arith.index_cast %parallel_loop3A_682 : i32 to index
        %parallel_loop3A_686 = arith.constant 0 : index
        %parallel_loop3A_687 = tpu.vector_load %arg9[%parallel_loop3A_684, %parallel_loop3A_685, %parallel_loop3A_686] {strides = array<i32>} : memref<4x256x32xf32, #tpu.memory_space<vmem>>, vector<16xf32>,
        %parallel_loop3A_688 = arith.addf %parallel_loop3A_687, %get3A_434 : vector<16xf32>
        %parallel_loop3A_689 = arith.constant 128 : i32
        %parallel_loop3A_690 = arith.addi %parallel_loop3A_689, %parallel_loop3A_680 : i32
        %parallel_loop3A_691 = arith.index_cast %parallel_loop3A_690 : i32 to index
        %parallel_loop3A_692 = arith.constant 0 : index
        %parallel_loop3A_693 = tpu.vector_load %arg10[%parallel_loop3A_691, %parallel_loop3A_692] {strides = array<i32>} : memref<256x33xf32, #tpu.memory_space<vmem>>, vector<16xf32>,
        tpu.vector_store %arg10[%parallel_loop3A_691, %parallel_loop3A_692], %parallel_loop3A_688 {strides = array<i32>} : memref<256x33xf32, #tpu.memory_space<vmem>>, vector<16xf32>,
        %parallel_loop3A_694 = arith.constant 128 : i32
        %parallel_loop3A_695 = arith.addi %parallel_loop3A_694, %parallel_loop3A_680 : i32
        %parallel_loop3A_696 = arith.constant 1 : i32
        %parallel_loop3A_697 = arith.index_cast %parallel_loop3A_696 : i32 to index
        %parallel_loop3A_698 = arith.index_cast %parallel_loop3A_695 : i32 to index
        %parallel_loop3A_699 = arith.constant 16 : index
        %parallel_loop3A_700 = tpu.vector_load %arg9[%parallel_loop3A_697, %parallel_loop3A_698, %parallel_loop3A_699] {strides = array<i32>} : memref<4x256x32xf32, #tpu.memory_space<vmem>>, vector<16xf32>,
        %parallel_loop3A_701 = arith.addf %parallel_loop3A_700, %get3A_437 : vector<16xf32>
        %parallel_loop3A_702 = arith.constant 128 : i32
        %parallel_loop3A_703 = arith.addi %parallel_loop3A_702, %parallel_loop3A_680 : i32
        %parallel_loop3A_704 = arith.index_cast %parallel_loop3A_703 : i32 to index
        %parallel_loop3A_705 = arith.constant 16 : index
        %parallel_loop3A_706 = tpu.vector_load %arg10[%parallel_loop3A_704, %parallel_loop3A_705] {strides = array<i32>} : memref<256x33xf32, #tpu.memory_space<vmem>>, vector<16xf32>,
        tpu.vector_store %arg10[%parallel_loop3A_704, %parallel_loop3A_705], %parallel_loop3A_701 {strides = array<i32>} : memref<256x33xf32, #tpu.memory_space<vmem>>, vector<16xf32>,
      } {sc.loop_unroll_factor = 4 : i64, sc.parallel_access}
      %gt3A_441 = arith.constant 0 : i32
      %gt3A_442 = arith.cmpi sgt, %add3A_271, %gt3A_441 : i32
      %convert_element_type3A_443 = arith.extui %gt3A_442 : i1 to i32
      %cond3A_444 = arith.constant 0 : i32
      %cond3A_445 = arith.cmpi ne, %convert_element_type3A_443, %cond3A_444 : i32
      scf.if %cond3A_445 {
        %dma_wait3A_680 = arith.constant 1 : i32
        %dma_wait3A_681 = arith.constant 0 : i32
        %dma_wait3A_682 = arith.constant 1 : i32
        %dma_wait3A_683 = arith.constant 0 : i32
        %dma_wait3A_684 = arith.constant 0 : i32
        %dma_wait3A_685 = arith.constant 0 : i32
        %dma_wait3A_686 = arith.constant 0 : i32
        %dma_wait3A_687 = tpu.memref_slice %arg11[%dma_wait3A_680, %dma_wait3A_683, %dma_wait3A_684, %dma_wait3A_685, %dma_wait3A_686] : memref<4x2x4x8x128xf32, #tpu.memory_space<vmem>> -> memref<1x2x4x8x128xf32, #tpu.memory_space<vmem>>
        %dma_wait3A_688 = tpu.memref_squeeze %dma_wait3A_687 : memref<1x2x4x8x128xf32, #tpu.memory_space<vmem>> -> memref<2x4x8x128xf32, #tpu.memory_space<vmem>>
        %dma_wait3A_689 = arith.constant 0 : i32
        %dma_wait3A_690 = arith.constant 0 : i32
        %dma_wait3A_691 = arith.constant 0 : i32
        %dma_wait3A_692 = arith.constant 0 : i32
        %dma_wait3A_693 = tpu.memref_slice %arg5[%dma_wait3A_689, %dma_wait3A_690, %dma_wait3A_681, %dma_wait3A_691, %dma_wait3A_692] : memref<200x4x32x8x128xf32, #tpu.memory_space<hbm>> -> memref<2x4x1x8x128xf32, #tpu.memory_space<hbm>>
        %dma_wait3A_694 = tpu.memref_squeeze %dma_wait3A_693 : memref<2x4x1x8x128xf32, #tpu.memory_space<hbm>> -> memref<2x4x8x128xf32, #tpu.memory_space<hbm>>
        %dma_wait3A_695 = tpu.memref_slice %arg13[%dma_wait3A_682] : memref<4x!tpu.dma_semaphore, #tpu.memory_space<semaphore_mem>> -> memref<1x!tpu.dma_semaphore, #tpu.memory_space<semaphore_mem>>
        %dma_wait3A_696 = tpu.memref_squeeze %dma_wait3A_695 : memref<1x!tpu.dma_semaphore, #tpu.memory_space<semaphore_mem>> -> memref<!tpu.dma_semaphore, #tpu.memory_space<semaphore_mem>>
        %dma_wait3A_697 = arith.constant 0 : i32
        %dma_wait3A_698 = arith.constant 0 : i32
        %dma_wait3A_699 = arith.constant 0 : i32
        %dma_wait3A_700 = arith.constant 0 : i32
        %dma_wait3A_701 = tpu.memref_slice %arg5[%dma_wait3A_697, %dma_wait3A_698, %dma_wait3A_681, %dma_wait3A_699, %dma_wait3A_700] : memref<200x4x32x8x128xf32, #tpu.memory_space<hbm>> -> memref<2x4x1x8x128xf32, #tpu.memory_space<hbm>>
        %dma_wait3A_702 = tpu.memref_squeeze %dma_wait3A_701 : memref<2x4x1x8x128xf32, #tpu.memory_space<hbm>> -> memref<2x4x8x128xf32, #tpu.memory_space<hbm>>
        %dma_wait3A_703 = arith.constant 0 : i32
        %dma_wait3A_704 = arith.constant 0 : i32
        %dma_wait3A_705 = arith.constant 0 : i32
        %dma_wait3A_706 = arith.constant 0 : i32
        %dma_wait3A_707 = tpu.memref_slice %arg11[%dma_wait3A_680, %dma_wait3A_703, %dma_wait3A_704, %dma_wait3A_705, %dma_wait3A_706] : memref<4x2x4x8x128xf32, #tpu.memory_space<vmem>> -> memref<1x2x4x8x128xf32, #tpu.memory_space<vmem>>
        %dma_wait3A_708 = tpu.memref_squeeze %dma_wait3A_707 : memref<1x2x4x8x128xf32, #tpu.memory_space<vmem>> -> memref<2x4x8x128xf32, #tpu.memory_space<vmem>>
        tpu.wait_dma2 semaphore(%dma_wait3A_696 : memref<!tpu.dma_semaphore, #tpu.memory_space<semaphore_mem>>) src(%dma_wait3A_708 : memref<2x4x8x128xf32, #tpu.memory_space<vmem>>) dst(%dma_wait3A_702 : memref<2x4x8x128xf32, #tpu.memory_space<hbm>>)
      } else {
      }
      %parallel_loop3A_446 = arith.constant 0 : i32
      %parallel_loop3A_447 = arith.constant 32 : i32
      %parallel_loop3A_448 = arith.constant 1 : i32
      scf.for %parallel_loop3A_680 = %parallel_loop3A_446 to %parallel_loop3A_447 step %parallel_loop3A_448  : i32 {
        %parallel_loop3A_681 = arith.constant 0 : i32
        %parallel_loop3A_682 = vector.broadcast %parallel_loop3A_681 : i32 to vector<16xi32>
        %parallel_loop3A_683 = arith.muli %iota3A, %parallel_loop3A_682 : vector<16xi32>
        %parallel_loop3A_684 = vector.broadcast %parallel_loop3A_680 : i32 to vector<16xi32>
        %parallel_loop3A_685 = arith.addi %parallel_loop3A_683, %parallel_loop3A_684 : vector<16xi32>
        %parallel_loop3A_686 = arith.constant 8 : i32
        %parallel_loop3A_687 = arith.divsi %parallel_loop3A_680, %parallel_loop3A_686 : i32
        %parallel_loop3A_688 = arith.constant 0 : i32
        %parallel_loop3A_689 = arith.cmpi sgt, %parallel_loop3A_680, %parallel_loop3A_688 : i32
        %parallel_loop3A_690 = arith.extui %parallel_loop3A_689 : i1 to i32
        %parallel_loop3A_691 = arith.constant 0 : i32
        %parallel_loop3A_692 = arith.cmpi slt, %parallel_loop3A_680, %parallel_loop3A_691 : i32
        %parallel_loop3A_693 = arith.extui %parallel_loop3A_692 : i1 to i32
        %parallel_loop3A_694 = arith.subi %parallel_loop3A_690, %parallel_loop3A_693 : i32
        %parallel_loop3A_695 = arith.constant 0 : i32
        %parallel_loop3A_696 = arith.cmpi sgt, %parallel_loop3A_686, %parallel_loop3A_695 : i32
        %parallel_loop3A_697 = arith.extui %parallel_loop3A_696 : i1 to i32
        %parallel_loop3A_698 = arith.constant 0 : i32
        %parallel_loop3A_699 = arith.cmpi slt, %parallel_loop3A_686, %parallel_loop3A_698 : i32
        %parallel_loop3A_700 = arith.extui %parallel_loop3A_699 : i1 to i32
        %parallel_loop3A_701 = arith.subi %parallel_loop3A_697, %parallel_loop3A_700 : i32
        %parallel_loop3A_702 = arith.cmpi ne, %parallel_loop3A_694, %parallel_loop3A_701 : i32
        %parallel_loop3A_703 = arith.remsi %parallel_loop3A_680, %parallel_loop3A_686 : i32
        %parallel_loop3A_704 = arith.constant 0 : i32
        %parallel_loop3A_705 = arith.cmpi ne, %parallel_loop3A_703, %parallel_loop3A_704 : i32
        %parallel_loop3A_706 = arith.andi %parallel_loop3A_702, %parallel_loop3A_705 : i1
        %parallel_loop3A_707 = arith.constant 1 : i32
        %parallel_loop3A_708 = arith.subi %parallel_loop3A_687, %parallel_loop3A_707 : i32
        %parallel_loop3A_709 = arith.select %parallel_loop3A_706, %parallel_loop3A_708, %parallel_loop3A_687 : i32
        %parallel_loop3A_710 = arith.constant 8 : i32
        %parallel_loop3A_711 = arith.constant 0 : i32
        %parallel_loop3A_712 = arith.cmpi eq, %parallel_loop3A_710, %parallel_loop3A_711 : i32
        %parallel_loop3A_713 = arith.constant 1 : i32
        %parallel_loop3A_714 = arith.select %parallel_loop3A_712, %parallel_loop3A_713, %parallel_loop3A_710 : i32
        %parallel_loop3A_715 = arith.remsi %parallel_loop3A_680, %parallel_loop3A_714 : i32
        %parallel_loop3A_716 = arith.constant 0 : i32
        %parallel_loop3A_717 = arith.cmpi ne, %parallel_loop3A_715, %parallel_loop3A_716 : i32
        %parallel_loop3A_718 = arith.constant 0 : i32
        %parallel_loop3A_719 = arith.cmpi slt, %parallel_loop3A_715, %parallel_loop3A_718 : i32
        %parallel_loop3A_720 = arith.constant 0 : i32
        %parallel_loop3A_721 = arith.cmpi slt, %parallel_loop3A_714, %parallel_loop3A_720 : i32
        %parallel_loop3A_722 = arith.xori %parallel_loop3A_719, %parallel_loop3A_721 : i1
        %parallel_loop3A_723 = arith.andi %parallel_loop3A_722, %parallel_loop3A_717 : i1
        %parallel_loop3A_724 = arith.addi %parallel_loop3A_715, %parallel_loop3A_714 : i32
        %parallel_loop3A_725 = arith.select %parallel_loop3A_723, %parallel_loop3A_724, %parallel_loop3A_715 : i32
        %parallel_loop3A_726 = arith.constant 0 : i32
        %parallel_loop3A_727 = vector.broadcast %parallel_loop3A_726 : i32 to vector<16xi32>
        %parallel_loop3A_728 = arith.addi %iota3A, %parallel_loop3A_727 : vector<16xi32>
        %parallel_loop3A_729 = tpu.vector_load_idx %arg10[%parallel_loop3A_728, %parallel_loop3A_685] : memref<256x33xf32, #tpu.memory_space<vmem>>[vector<16xi32>, vector<16xi32>], vector<16xf32>,
        %parallel_loop3A_730 = arith.constant 1 : i32
        %parallel_loop3A_731 = arith.constant 0 : i32
        %parallel_loop3A_732 = arith.index_cast %parallel_loop3A_730 : i32 to index
        %parallel_loop3A_733 = arith.index_cast %parallel_loop3A_731 : i32 to index
        %parallel_loop3A_734 = arith.index_cast %parallel_loop3A_709 : i32 to index
        %parallel_loop3A_735 = arith.index_cast %parallel_loop3A_725 : i32 to index
        %parallel_loop3A_736 = arith.constant 0 : index
        %parallel_loop3A_737 = tpu.vector_load %arg11[%parallel_loop3A_732, %parallel_loop3A_733, %parallel_loop3A_734, %parallel_loop3A_735, %parallel_loop3A_736] {strides = array<i32>} : memref<4x2x4x8x128xf32, #tpu.memory_space<vmem>>, vector<16xf32>,
        tpu.vector_store %arg11[%parallel_loop3A_732, %parallel_loop3A_733, %parallel_loop3A_734, %parallel_loop3A_735, %parallel_loop3A_736], %parallel_loop3A_729 {strides = array<i32>} : memref<4x2x4x8x128xf32, #tpu.memory_space<vmem>>, vector<16xf32>,
        %parallel_loop3A_738 = arith.constant 16 : i32
        %parallel_loop3A_739 = vector.broadcast %parallel_loop3A_738 : i32 to vector<16xi32>
        %parallel_loop3A_740 = arith.addi %iota3A, %parallel_loop3A_739 : vector<16xi32>
        %parallel_loop3A_741 = tpu.vector_load_idx %arg10[%parallel_loop3A_740, %parallel_loop3A_685] : memref<256x33xf32, #tpu.memory_space<vmem>>[vector<16xi32>, vector<16xi32>], vector<16xf32>,
        %parallel_loop3A_742 = arith.constant 1 : i32
        %parallel_loop3A_743 = arith.constant 0 : i32
        %parallel_loop3A_744 = arith.index_cast %parallel_loop3A_742 : i32 to index
        %parallel_loop3A_745 = arith.index_cast %parallel_loop3A_743 : i32 to index
        %parallel_loop3A_746 = arith.index_cast %parallel_loop3A_709 : i32 to index
        %parallel_loop3A_747 = arith.index_cast %parallel_loop3A_725 : i32 to index
        %parallel_loop3A_748 = arith.constant 16 : index
        %parallel_loop3A_749 = tpu.vector_load %arg11[%parallel_loop3A_744, %parallel_loop3A_745, %parallel_loop3A_746, %parallel_loop3A_747, %parallel_loop3A_748] {strides = array<i32>} : memref<4x2x4x8x128xf32, #tpu.memory_space<vmem>>, vector<16xf32>,
        tpu.vector_store %arg11[%parallel_loop3A_744, %parallel_loop3A_745, %parallel_loop3A_746, %parallel_loop3A_747, %parallel_loop3A_748], %parallel_loop3A_741 {strides = array<i32>} : memref<4x2x4x8x128xf32, #tpu.memory_space<vmem>>, vector<16xf32>,
        %parallel_loop3A_750 = arith.constant 32 : i32
        %parallel_loop3A_751 = vector.broadcast %parallel_loop3A_750 : i32 to vector<16xi32>
        %parallel_loop3A_752 = arith.addi %iota3A, %parallel_loop3A_751 : vector<16xi32>
        %parallel_loop3A_753 = tpu.vector_load_idx %arg10[%parallel_loop3A_752, %parallel_loop3A_685] : memref<256x33xf32, #tpu.memory_space<vmem>>[vector<16xi32>, vector<16xi32>], vector<16xf32>,
        %parallel_loop3A_754 = arith.constant 1 : i32
        %parallel_loop3A_755 = arith.constant 0 : i32
        %parallel_loop3A_756 = arith.index_cast %parallel_loop3A_754 : i32 to index
        %parallel_loop3A_757 = arith.index_cast %parallel_loop3A_755 : i32 to index
        %parallel_loop3A_758 = arith.index_cast %parallel_loop3A_709 : i32 to index
        %parallel_loop3A_759 = arith.index_cast %parallel_loop3A_725 : i32 to index
        %parallel_loop3A_760 = arith.constant 32 : index
        %parallel_loop3A_761 = tpu.vector_load %arg11[%parallel_loop3A_756, %parallel_loop3A_757, %parallel_loop3A_758, %parallel_loop3A_759, %parallel_loop3A_760] {strides = array<i32>} : memref<4x2x4x8x128xf32, #tpu.memory_space<vmem>>, vector<16xf32>,
        tpu.vector_store %arg11[%parallel_loop3A_756, %parallel_loop3A_757, %parallel_loop3A_758, %parallel_loop3A_759, %parallel_loop3A_760], %parallel_loop3A_753 {strides = array<i32>} : memref<4x2x4x8x128xf32, #tpu.memory_space<vmem>>, vector<16xf32>,
        %parallel_loop3A_762 = arith.constant 48 : i32
        %parallel_loop3A_763 = vector.broadcast %parallel_loop3A_762 : i32 to vector<16xi32>
        %parallel_loop3A_764 = arith.addi %iota3A, %parallel_loop3A_763 : vector<16xi32>
        %parallel_loop3A_765 = tpu.vector_load_idx %arg10[%parallel_loop3A_764, %parallel_loop3A_685] : memref<256x33xf32, #tpu.memory_space<vmem>>[vector<16xi32>, vector<16xi32>], vector<16xf32>,
        %parallel_loop3A_766 = arith.constant 1 : i32
        %parallel_loop3A_767 = arith.constant 0 : i32
        %parallel_loop3A_768 = arith.index_cast %parallel_loop3A_766 : i32 to index
        %parallel_loop3A_769 = arith.index_cast %parallel_loop3A_767 : i32 to index
        %parallel_loop3A_770 = arith.index_cast %parallel_loop3A_709 : i32 to index
        %parallel_loop3A_771 = arith.index_cast %parallel_loop3A_725 : i32 to index
        %parallel_loop3A_772 = arith.constant 48 : index
        %parallel_loop3A_773 = tpu.vector_load %arg11[%parallel_loop3A_768, %parallel_loop3A_769, %parallel_loop3A_770, %parallel_loop3A_771, %parallel_loop3A_772] {strides = array<i32>} : memref<4x2x4x8x128xf32, #tpu.memory_space<vmem>>, vector<16xf32>,
        tpu.vector_store %arg11[%parallel_loop3A_768, %parallel_loop3A_769, %parallel_loop3A_770, %parallel_loop3A_771, %parallel_loop3A_772], %parallel_loop3A_765 {strides = array<i32>} : memref<4x2x4x8x128xf32, #tpu.memory_space<vmem>>, vector<16xf32>,
        %parallel_loop3A_774 = arith.constant 64 : i32
        %parallel_loop3A_775 = vector.broadcast %parallel_loop3A_774 : i32 to vector<16xi32>
        %parallel_loop3A_776 = arith.addi %iota3A, %parallel_loop3A_775 : vector<16xi32>
        %parallel_loop3A_777 = tpu.vector_load_idx %arg10[%parallel_loop3A_776, %parallel_loop3A_685] : memref<256x33xf32, #tpu.memory_space<vmem>>[vector<16xi32>, vector<16xi32>], vector<16xf32>,
        %parallel_loop3A_778 = arith.constant 1 : i32
        %parallel_loop3A_779 = arith.constant 0 : i32
        %parallel_loop3A_780 = arith.index_cast %parallel_loop3A_778 : i32 to index
        %parallel_loop3A_781 = arith.index_cast %parallel_loop3A_779 : i32 to index
        %parallel_loop3A_782 = arith.index_cast %parallel_loop3A_709 : i32 to index
        %parallel_loop3A_783 = arith.index_cast %parallel_loop3A_725 : i32 to index
        %parallel_loop3A_784 = arith.constant 64 : index
        %parallel_loop3A_785 = tpu.vector_load %arg11[%parallel_loop3A_780, %parallel_loop3A_781, %parallel_loop3A_782, %parallel_loop3A_783, %parallel_loop3A_784] {strides = array<i32>} : memref<4x2x4x8x128xf32, #tpu.memory_space<vmem>>, vector<16xf32>,
        tpu.vector_store %arg11[%parallel_loop3A_780, %parallel_loop3A_781, %parallel_loop3A_782, %parallel_loop3A_783, %parallel_loop3A_784], %parallel_loop3A_777 {strides = array<i32>} : memref<4x2x4x8x128xf32, #tpu.memory_space<vmem>>, vector<16xf32>,
        %parallel_loop3A_786 = arith.constant 80 : i32
        %parallel_loop3A_787 = vector.broadcast %parallel_loop3A_786 : i32 to vector<16xi32>
        %parallel_loop3A_788 = arith.addi %iota3A, %parallel_loop3A_787 : vector<16xi32>
        %parallel_loop3A_789 = tpu.vector_load_idx %arg10[%parallel_loop3A_788, %parallel_loop3A_685] : memref<256x33xf32, #tpu.memory_space<vmem>>[vector<16xi32>, vector<16xi32>], vector<16xf32>,
        %parallel_loop3A_790 = arith.constant 1 : i32
        %parallel_loop3A_791 = arith.constant 0 : i32
        %parallel_loop3A_792 = arith.index_cast %parallel_loop3A_790 : i32 to index
        %parallel_loop3A_793 = arith.index_cast %parallel_loop3A_791 : i32 to index
        %parallel_loop3A_794 = arith.index_cast %parallel_loop3A_709 : i32 to index
        %parallel_loop3A_795 = arith.index_cast %parallel_loop3A_725 : i32 to index
        %parallel_loop3A_796 = arith.constant 80 : index
        %parallel_loop3A_797 = tpu.vector_load %arg11[%parallel_loop3A_792, %parallel_loop3A_793, %parallel_loop3A_794, %parallel_loop3A_795, %parallel_loop3A_796] {strides = array<i32>} : memref<4x2x4x8x128xf32, #tpu.memory_space<vmem>>, vector<16xf32>,
        tpu.vector_store %arg11[%parallel_loop3A_792, %parallel_loop3A_793, %parallel_loop3A_794, %parallel_loop3A_795, %parallel_loop3A_796], %parallel_loop3A_789 {strides = array<i32>} : memref<4x2x4x8x128xf32, #tpu.memory_space<vmem>>, vector<16xf32>,
        %parallel_loop3A_798 = arith.constant 96 : i32
        %parallel_loop3A_799 = vector.broadcast %parallel_loop3A_798 : i32 to vector<16xi32>
        %parallel_loop3A_800 = arith.addi %iota3A, %parallel_loop3A_799 : vector<16xi32>
        %parallel_loop3A_801 = tpu.vector_load_idx %arg10[%parallel_loop3A_800, %parallel_loop3A_685] : memref<256x33xf32, #tpu.memory_space<vmem>>[vector<16xi32>, vector<16xi32>], vector<16xf32>,
        %parallel_loop3A_802 = arith.constant 1 : i32
        %parallel_loop3A_803 = arith.constant 0 : i32
        %parallel_loop3A_804 = arith.index_cast %parallel_loop3A_802 : i32 to index
        %parallel_loop3A_805 = arith.index_cast %parallel_loop3A_803 : i32 to index
        %parallel_loop3A_806 = arith.index_cast %parallel_loop3A_709 : i32 to index
        %parallel_loop3A_807 = arith.index_cast %parallel_loop3A_725 : i32 to index
        %parallel_loop3A_808 = arith.constant 96 : index
        %parallel_loop3A_809 = tpu.vector_load %arg11[%parallel_loop3A_804, %parallel_loop3A_805, %parallel_loop3A_806, %parallel_loop3A_807, %parallel_loop3A_808] {strides = array<i32>} : memref<4x2x4x8x128xf32, #tpu.memory_space<vmem>>, vector<16xf32>,
        tpu.vector_store %arg11[%parallel_loop3A_804, %parallel_loop3A_805, %parallel_loop3A_806, %parallel_loop3A_807, %parallel_loop3A_808], %parallel_loop3A_801 {strides = array<i32>} : memref<4x2x4x8x128xf32, #tpu.memory_space<vmem>>, vector<16xf32>,
        %parallel_loop3A_810 = arith.constant 112 : i32
        %parallel_loop3A_811 = vector.broadcast %parallel_loop3A_810 : i32 to vector<16xi32>
        %parallel_loop3A_812 = arith.addi %iota3A, %parallel_loop3A_811 : vector<16xi32>
        %parallel_loop3A_813 = tpu.vector_load_idx %arg10[%parallel_loop3A_812, %parallel_loop3A_685] : memref<256x33xf32, #tpu.memory_space<vmem>>[vector<16xi32>, vector<16xi32>], vector<16xf32>,
        %parallel_loop3A_814 = arith.constant 1 : i32
        %parallel_loop3A_815 = arith.constant 0 : i32
        %parallel_loop3A_816 = arith.index_cast %parallel_loop3A_814 : i32 to index
        %parallel_loop3A_817 = arith.index_cast %parallel_loop3A_815 : i32 to index
        %parallel_loop3A_818 = arith.index_cast %parallel_loop3A_709 : i32 to index
        %parallel_loop3A_819 = arith.index_cast %parallel_loop3A_725 : i32 to index
        %parallel_loop3A_820 = arith.constant 112 : index
        %parallel_loop3A_821 = tpu.vector_load %arg11[%parallel_loop3A_816, %parallel_loop3A_817, %parallel_loop3A_818, %parallel_loop3A_819, %parallel_loop3A_820] {strides = array<i32>} : memref<4x2x4x8x128xf32, #tpu.memory_space<vmem>>, vector<16xf32>,
        tpu.vector_store %arg11[%parallel_loop3A_816, %parallel_loop3A_817, %parallel_loop3A_818, %parallel_loop3A_819, %parallel_loop3A_820], %parallel_loop3A_813 {strides = array<i32>} : memref<4x2x4x8x128xf32, #tpu.memory_space<vmem>>, vector<16xf32>,
      } {sc.loop_unroll_factor = 4 : i64, sc.parallel_access}
      %parallel_loop3A_449 = arith.constant 0 : i32
      %parallel_loop3A_450 = arith.constant 32 : i32
      %parallel_loop3A_451 = arith.constant 1 : i32
      scf.for %parallel_loop3A_680 = %parallel_loop3A_449 to %parallel_loop3A_450 step %parallel_loop3A_451  : i32 {
        %parallel_loop3A_681 = arith.constant 0 : i32
        %parallel_loop3A_682 = vector.broadcast %parallel_loop3A_681 : i32 to vector<16xi32>
        %parallel_loop3A_683 = arith.muli %iota3A, %parallel_loop3A_682 : vector<16xi32>
        %parallel_loop3A_684 = vector.broadcast %parallel_loop3A_680 : i32 to vector<16xi32>
        %parallel_loop3A_685 = arith.addi %parallel_loop3A_683, %parallel_loop3A_684 : vector<16xi32>
        %parallel_loop3A_686 = arith.constant 8 : i32
        %parallel_loop3A_687 = arith.divsi %parallel_loop3A_680, %parallel_loop3A_686 : i32
        %parallel_loop3A_688 = arith.constant 0 : i32
        %parallel_loop3A_689 = arith.cmpi sgt, %parallel_loop3A_680, %parallel_loop3A_688 : i32
        %parallel_loop3A_690 = arith.extui %parallel_loop3A_689 : i1 to i32
        %parallel_loop3A_691 = arith.constant 0 : i32
        %parallel_loop3A_692 = arith.cmpi slt, %parallel_loop3A_680, %parallel_loop3A_691 : i32
        %parallel_loop3A_693 = arith.extui %parallel_loop3A_692 : i1 to i32
        %parallel_loop3A_694 = arith.subi %parallel_loop3A_690, %parallel_loop3A_693 : i32
        %parallel_loop3A_695 = arith.constant 0 : i32
        %parallel_loop3A_696 = arith.cmpi sgt, %parallel_loop3A_686, %parallel_loop3A_695 : i32
        %parallel_loop3A_697 = arith.extui %parallel_loop3A_696 : i1 to i32
        %parallel_loop3A_698 = arith.constant 0 : i32
        %parallel_loop3A_699 = arith.cmpi slt, %parallel_loop3A_686, %parallel_loop3A_698 : i32
        %parallel_loop3A_700 = arith.extui %parallel_loop3A_699 : i1 to i32
        %parallel_loop3A_701 = arith.subi %parallel_loop3A_697, %parallel_loop3A_700 : i32
        %parallel_loop3A_702 = arith.cmpi ne, %parallel_loop3A_694, %parallel_loop3A_701 : i32
        %parallel_loop3A_703 = arith.remsi %parallel_loop3A_680, %parallel_loop3A_686 : i32
        %parallel_loop3A_704 = arith.constant 0 : i32
        %parallel_loop3A_705 = arith.cmpi ne, %parallel_loop3A_703, %parallel_loop3A_704 : i32
        %parallel_loop3A_706 = arith.andi %parallel_loop3A_702, %parallel_loop3A_705 : i1
        %parallel_loop3A_707 = arith.constant 1 : i32
        %parallel_loop3A_708 = arith.subi %parallel_loop3A_687, %parallel_loop3A_707 : i32
        %parallel_loop3A_709 = arith.select %parallel_loop3A_706, %parallel_loop3A_708, %parallel_loop3A_687 : i32
        %parallel_loop3A_710 = arith.constant 8 : i32
        %parallel_loop3A_711 = arith.constant 0 : i32
        %parallel_loop3A_712 = arith.cmpi eq, %parallel_loop3A_710, %parallel_loop3A_711 : i32
        %parallel_loop3A_713 = arith.constant 1 : i32
        %parallel_loop3A_714 = arith.select %parallel_loop3A_712, %parallel_loop3A_713, %parallel_loop3A_710 : i32
        %parallel_loop3A_715 = arith.remsi %parallel_loop3A_680, %parallel_loop3A_714 : i32
        %parallel_loop3A_716 = arith.constant 0 : i32
        %parallel_loop3A_717 = arith.cmpi ne, %parallel_loop3A_715, %parallel_loop3A_716 : i32
        %parallel_loop3A_718 = arith.constant 0 : i32
        %parallel_loop3A_719 = arith.cmpi slt, %parallel_loop3A_715, %parallel_loop3A_718 : i32
        %parallel_loop3A_720 = arith.constant 0 : i32
        %parallel_loop3A_721 = arith.cmpi slt, %parallel_loop3A_714, %parallel_loop3A_720 : i32
        %parallel_loop3A_722 = arith.xori %parallel_loop3A_719, %parallel_loop3A_721 : i1
        %parallel_loop3A_723 = arith.andi %parallel_loop3A_722, %parallel_loop3A_717 : i1
        %parallel_loop3A_724 = arith.addi %parallel_loop3A_715, %parallel_loop3A_714 : i32
        %parallel_loop3A_725 = arith.select %parallel_loop3A_723, %parallel_loop3A_724, %parallel_loop3A_715 : i32
        %parallel_loop3A_726 = arith.constant 128 : i32
        %parallel_loop3A_727 = vector.broadcast %parallel_loop3A_726 : i32 to vector<16xi32>
        %parallel_loop3A_728 = arith.addi %iota3A, %parallel_loop3A_727 : vector<16xi32>
        %parallel_loop3A_729 = tpu.vector_load_idx %arg10[%parallel_loop3A_728, %parallel_loop3A_685] : memref<256x33xf32, #tpu.memory_space<vmem>>[vector<16xi32>, vector<16xi32>], vector<16xf32>,
        %parallel_loop3A_730 = arith.constant 1 : i32
        %parallel_loop3A_731 = arith.constant 1 : i32
        %parallel_loop3A_732 = arith.index_cast %parallel_loop3A_730 : i32 to index
        %parallel_loop3A_733 = arith.index_cast %parallel_loop3A_731 : i32 to index
        %parallel_loop3A_734 = arith.index_cast %parallel_loop3A_709 : i32 to index
        %parallel_loop3A_735 = arith.index_cast %parallel_loop3A_725 : i32 to index
        %parallel_loop3A_736 = arith.constant 0 : index
        %parallel_loop3A_737 = tpu.vector_load %arg11[%parallel_loop3A_732, %parallel_loop3A_733, %parallel_loop3A_734, %parallel_loop3A_735, %parallel_loop3A_736] {strides = array<i32>} : memref<4x2x4x8x128xf32, #tpu.memory_space<vmem>>, vector<16xf32>,
        tpu.vector_store %arg11[%parallel_loop3A_732, %parallel_loop3A_733, %parallel_loop3A_734, %parallel_loop3A_735, %parallel_loop3A_736], %parallel_loop3A_729 {strides = array<i32>} : memref<4x2x4x8x128xf32, #tpu.memory_space<vmem>>, vector<16xf32>,
        %parallel_loop3A_738 = arith.constant 144 : i32
        %parallel_loop3A_739 = vector.broadcast %parallel_loop3A_738 : i32 to vector<16xi32>
        %parallel_loop3A_740 = arith.addi %iota3A, %parallel_loop3A_739 : vector<16xi32>
        %parallel_loop3A_741 = tpu.vector_load_idx %arg10[%parallel_loop3A_740, %parallel_loop3A_685] : memref<256x33xf32, #tpu.memory_space<vmem>>[vector<16xi32>, vector<16xi32>], vector<16xf32>,
        %parallel_loop3A_742 = arith.constant 1 : i32
        %parallel_loop3A_743 = arith.constant 1 : i32
        %parallel_loop3A_744 = arith.index_cast %parallel_loop3A_742 : i32 to index
        %parallel_loop3A_745 = arith.index_cast %parallel_loop3A_743 : i32 to index
        %parallel_loop3A_746 = arith.index_cast %parallel_loop3A_709 : i32 to index
        %parallel_loop3A_747 = arith.index_cast %parallel_loop3A_725 : i32 to index
        %parallel_loop3A_748 = arith.constant 16 : index
        %parallel_loop3A_749 = tpu.vector_load %arg11[%parallel_loop3A_744, %parallel_loop3A_745, %parallel_loop3A_746, %parallel_loop3A_747, %parallel_loop3A_748] {strides = array<i32>} : memref<4x2x4x8x128xf32, #tpu.memory_space<vmem>>, vector<16xf32>,
        tpu.vector_store %arg11[%parallel_loop3A_744, %parallel_loop3A_745, %parallel_loop3A_746, %parallel_loop3A_747, %parallel_loop3A_748], %parallel_loop3A_741 {strides = array<i32>} : memref<4x2x4x8x128xf32, #tpu.memory_space<vmem>>, vector<16xf32>,
        %parallel_loop3A_750 = arith.constant 160 : i32
        %parallel_loop3A_751 = vector.broadcast %parallel_loop3A_750 : i32 to vector<16xi32>
        %parallel_loop3A_752 = arith.addi %iota3A, %parallel_loop3A_751 : vector<16xi32>
        %parallel_loop3A_753 = tpu.vector_load_idx %arg10[%parallel_loop3A_752, %parallel_loop3A_685] : memref<256x33xf32, #tpu.memory_space<vmem>>[vector<16xi32>, vector<16xi32>], vector<16xf32>,
        %parallel_loop3A_754 = arith.constant 1 : i32
        %parallel_loop3A_755 = arith.constant 1 : i32
        %parallel_loop3A_756 = arith.index_cast %parallel_loop3A_754 : i32 to index
        %parallel_loop3A_757 = arith.index_cast %parallel_loop3A_755 : i32 to index
        %parallel_loop3A_758 = arith.index_cast %parallel_loop3A_709 : i32 to index
        %parallel_loop3A_759 = arith.index_cast %parallel_loop3A_725 : i32 to index
        %parallel_loop3A_760 = arith.constant 32 : index
        %parallel_loop3A_761 = tpu.vector_load %arg11[%parallel_loop3A_756, %parallel_loop3A_757, %parallel_loop3A_758, %parallel_loop3A_759, %parallel_loop3A_760] {strides = array<i32>} : memref<4x2x4x8x128xf32, #tpu.memory_space<vmem>>, vector<16xf32>,
        tpu.vector_store %arg11[%parallel_loop3A_756, %parallel_loop3A_757, %parallel_loop3A_758, %parallel_loop3A_759, %parallel_loop3A_760], %parallel_loop3A_753 {strides = array<i32>} : memref<4x2x4x8x128xf32, #tpu.memory_space<vmem>>, vector<16xf32>,
        %parallel_loop3A_762 = arith.constant 176 : i32
        %parallel_loop3A_763 = vector.broadcast %parallel_loop3A_762 : i32 to vector<16xi32>
        %parallel_loop3A_764 = arith.addi %iota3A, %parallel_loop3A_763 : vector<16xi32>
        %parallel_loop3A_765 = tpu.vector_load_idx %arg10[%parallel_loop3A_764, %parallel_loop3A_685] : memref<256x33xf32, #tpu.memory_space<vmem>>[vector<16xi32>, vector<16xi32>], vector<16xf32>,
        %parallel_loop3A_766 = arith.constant 1 : i32
        %parallel_loop3A_767 = arith.constant 1 : i32
        %parallel_loop3A_768 = arith.index_cast %parallel_loop3A_766 : i32 to index
        %parallel_loop3A_769 = arith.index_cast %parallel_loop3A_767 : i32 to index
        %parallel_loop3A_770 = arith.index_cast %parallel_loop3A_709 : i32 to index
        %parallel_loop3A_771 = arith.index_cast %parallel_loop3A_725 : i32 to index
        %parallel_loop3A_772 = arith.constant 48 : index
        %parallel_loop3A_773 = tpu.vector_load %arg11[%parallel_loop3A_768, %parallel_loop3A_769, %parallel_loop3A_770, %parallel_loop3A_771, %parallel_loop3A_772] {strides = array<i32>} : memref<4x2x4x8x128xf32, #tpu.memory_space<vmem>>, vector<16xf32>,
        tpu.vector_store %arg11[%parallel_loop3A_768, %parallel_loop3A_769, %parallel_loop3A_770, %parallel_loop3A_771, %parallel_loop3A_772], %parallel_loop3A_765 {strides = array<i32>} : memref<4x2x4x8x128xf32, #tpu.memory_space<vmem>>, vector<16xf32>,
        %parallel_loop3A_774 = arith.constant 192 : i32
        %parallel_loop3A_775 = vector.broadcast %parallel_loop3A_774 : i32 to vector<16xi32>
        %parallel_loop3A_776 = arith.addi %iota3A, %parallel_loop3A_775 : vector<16xi32>
        %parallel_loop3A_777 = tpu.vector_load_idx %arg10[%parallel_loop3A_776, %parallel_loop3A_685] : memref<256x33xf32, #tpu.memory_space<vmem>>[vector<16xi32>, vector<16xi32>], vector<16xf32>,
        %parallel_loop3A_778 = arith.constant 1 : i32
        %parallel_loop3A_779 = arith.constant 1 : i32
        %parallel_loop3A_780 = arith.index_cast %parallel_loop3A_778 : i32 to index
        %parallel_loop3A_781 = arith.index_cast %parallel_loop3A_779 : i32 to index
        %parallel_loop3A_782 = arith.index_cast %parallel_loop3A_709 : i32 to index
        %parallel_loop3A_783 = arith.index_cast %parallel_loop3A_725 : i32 to index
        %parallel_loop3A_784 = arith.constant 64 : index
        %parallel_loop3A_785 = tpu.vector_load %arg11[%parallel_loop3A_780, %parallel_loop3A_781, %parallel_loop3A_782, %parallel_loop3A_783, %parallel_loop3A_784] {strides = array<i32>} : memref<4x2x4x8x128xf32, #tpu.memory_space<vmem>>, vector<16xf32>,
        tpu.vector_store %arg11[%parallel_loop3A_780, %parallel_loop3A_781, %parallel_loop3A_782, %parallel_loop3A_783, %parallel_loop3A_784], %parallel_loop3A_777 {strides = array<i32>} : memref<4x2x4x8x128xf32, #tpu.memory_space<vmem>>, vector<16xf32>,
        %parallel_loop3A_786 = arith.constant 208 : i32
        %parallel_loop3A_787 = vector.broadcast %parallel_loop3A_786 : i32 to vector<16xi32>
        %parallel_loop3A_788 = arith.addi %iota3A, %parallel_loop3A_787 : vector<16xi32>
        %parallel_loop3A_789 = tpu.vector_load_idx %arg10[%parallel_loop3A_788, %parallel_loop3A_685] : memref<256x33xf32, #tpu.memory_space<vmem>>[vector<16xi32>, vector<16xi32>], vector<16xf32>,
        %parallel_loop3A_790 = arith.constant 1 : i32
        %parallel_loop3A_791 = arith.constant 1 : i32
        %parallel_loop3A_792 = arith.index_cast %parallel_loop3A_790 : i32 to index
        %parallel_loop3A_793 = arith.index_cast %parallel_loop3A_791 : i32 to index
        %parallel_loop3A_794 = arith.index_cast %parallel_loop3A_709 : i32 to index
        %parallel_loop3A_795 = arith.index_cast %parallel_loop3A_725 : i32 to index
        %parallel_loop3A_796 = arith.constant 80 : index
        %parallel_loop3A_797 = tpu.vector_load %arg11[%parallel_loop3A_792, %parallel_loop3A_793, %parallel_loop3A_794, %parallel_loop3A_795, %parallel_loop3A_796] {strides = array<i32>} : memref<4x2x4x8x128xf32, #tpu.memory_space<vmem>>, vector<16xf32>,
        tpu.vector_store %arg11[%parallel_loop3A_792, %parallel_loop3A_793, %parallel_loop3A_794, %parallel_loop3A_795, %parallel_loop3A_796], %parallel_loop3A_789 {strides = array<i32>} : memref<4x2x4x8x128xf32, #tpu.memory_space<vmem>>, vector<16xf32>,
        %parallel_loop3A_798 = arith.constant 224 : i32
        %parallel_loop3A_799 = vector.broadcast %parallel_loop3A_798 : i32 to vector<16xi32>
        %parallel_loop3A_800 = arith.addi %iota3A, %parallel_loop3A_799 : vector<16xi32>
        %parallel_loop3A_801 = tpu.vector_load_idx %arg10[%parallel_loop3A_800, %parallel_loop3A_685] : memref<256x33xf32, #tpu.memory_space<vmem>>[vector<16xi32>, vector<16xi32>], vector<16xf32>,
        %parallel_loop3A_802 = arith.constant 1 : i32
        %parallel_loop3A_803 = arith.constant 1 : i32
        %parallel_loop3A_804 = arith.index_cast %parallel_loop3A_802 : i32 to index
        %parallel_loop3A_805 = arith.index_cast %parallel_loop3A_803 : i32 to index
        %parallel_loop3A_806 = arith.index_cast %parallel_loop3A_709 : i32 to index
        %parallel_loop3A_807 = arith.index_cast %parallel_loop3A_725 : i32 to index
        %parallel_loop3A_808 = arith.constant 96 : index
        %parallel_loop3A_809 = tpu.vector_load %arg11[%parallel_loop3A_804, %parallel_loop3A_805, %parallel_loop3A_806, %parallel_loop3A_807, %parallel_loop3A_808] {strides = array<i32>} : memref<4x2x4x8x128xf32, #tpu.memory_space<vmem>>, vector<16xf32>,
        tpu.vector_store %arg11[%parallel_loop3A_804, %parallel_loop3A_805, %parallel_loop3A_806, %parallel_loop3A_807, %parallel_loop3A_808], %parallel_loop3A_801 {strides = array<i32>} : memref<4x2x4x8x128xf32, #tpu.memory_space<vmem>>, vector<16xf32>,
        %parallel_loop3A_810 = arith.constant 240 : i32
        %parallel_loop3A_811 = vector.broadcast %parallel_loop3A_810 : i32 to vector<16xi32>
        %parallel_loop3A_812 = arith.addi %iota3A, %parallel_loop3A_811 : vector<16xi32>
        %parallel_loop3A_813 = tpu.vector_load_idx %arg10[%parallel_loop3A_812, %parallel_loop3A_685] : memref<256x33xf32, #tpu.memory_space<vmem>>[vector<16xi32>, vector<16xi32>], vector<16xf32>,
        %parallel_loop3A_814 = arith.constant 1 : i32
        %parallel_loop3A_815 = arith.constant 1 : i32
        %parallel_loop3A_816 = arith.index_cast %parallel_loop3A_814 : i32 to index
        %parallel_loop3A_817 = arith.index_cast %parallel_loop3A_815 : i32 to index
        %parallel_loop3A_818 = arith.index_cast %parallel_loop3A_709 : i32 to index
        %parallel_loop3A_819 = arith.index_cast %parallel_loop3A_725 : i32 to index
        %parallel_loop3A_820 = arith.constant 112 : index
        %parallel_loop3A_821 = tpu.vector_load %arg11[%parallel_loop3A_816, %parallel_loop3A_817, %parallel_loop3A_818, %parallel_loop3A_819, %parallel_loop3A_820] {strides = array<i32>} : memref<4x2x4x8x128xf32, #tpu.memory_space<vmem>>, vector<16xf32>,
        tpu.vector_store %arg11[%parallel_loop3A_816, %parallel_loop3A_817, %parallel_loop3A_818, %parallel_loop3A_819, %parallel_loop3A_820], %parallel_loop3A_813 {strides = array<i32>} : memref<4x2x4x8x128xf32, #tpu.memory_space<vmem>>, vector<16xf32>,
      } {sc.loop_unroll_factor = 4 : i64, sc.parallel_access}
      %add3A_452 = arith.constant 4 : i32
      %add3A_453 = arith.addi %add3A_396, %add3A_452 : i32
      %sub3A_454 = arith.constant 1 : i32
      %sub3A_455 = arith.subi %add3A_453, %sub3A_454 : i32
      %lt3A = arith.constant 24 : i32
      %lt3A_456 = arith.cmpi slt, %add3A_271, %lt3A : i32
      %convert_element_type3A_457 = arith.extui %lt3A_456 : i1 to i32
      %cond3A_458 = arith.constant 0 : i32
      %cond3A_459 = arith.cmpi ne, %convert_element_type3A_457, %cond3A_458 : i32
      scf.if %cond3A_459 {
        %mul3A_680 = arith.constant 2 : i32
        %mul3A_681 = arith.muli %sub3A_455, %mul3A_680 : i32
        %add3A_682 = arith.constant 0 : i32
        %add3A_683 = arith.addi %mul3A_681, %add3A_682 : i32
        %dma_start3A_684 = arith.constant 0 : i32
        %dma_start3A_685 = arith.constant 0 : i32
        %dma_start3A_686 = arith.constant 0 : i32
        %dma_start3A_687 = arith.constant 0 : i32
        %dma_start3A_688 = tpu.memref_slice %arg9[%dma_start3A_684, %dma_start3A_686, %dma_start3A_687] : memref<4x256x32xf32, #tpu.memory_space<vmem>> -> memref<1x128x32xf32, #tpu.memory_space<vmem>>
        %dma_start3A_689 = tpu.memref_squeeze %dma_start3A_688 : memref<1x128x32xf32, #tpu.memory_space<vmem>> -> memref<128x32xf32, #tpu.memory_space<vmem>>
        %dma_start3A_690 = arith.constant 0 : i32
        %dma_start3A_691 = tpu.memref_slice %arg8[%add3A_683, %dma_start3A_690] : memref<200x128xi32, #tpu.memory_space<vmem>> -> memref<1x128xi32, #tpu.memory_space<vmem>>
        %dma_start3A_692 = tpu.memref_squeeze %dma_start3A_691 : memref<1x128xi32, #tpu.memory_space<vmem>> -> memref<128xi32, #tpu.memory_space<vmem>>
        %dma_start3A_693 = arith.constant 0 : i32
        %dma_start3A_694 = arith.constant 0 : i32
        %dma_start3A_695 = tpu.memref_slice %arg2[%dma_start3A_693, %dma_start3A_694] : memref<1000000x32xf32, #tpu.memory_space<hbm>> -> memref<1000000x32xf32, #tpu.memory_space<hbm>>
        %dma_start3A_696 = tpu.memref_slice %arg12[%dma_start3A_685] : memref<4x!tpu.dma_semaphore, #tpu.memory_space<semaphore_mem>> -> memref<1x!tpu.dma_semaphore, #tpu.memory_space<semaphore_mem>>
        %dma_start3A_697 = tpu.memref_squeeze %dma_start3A_696 : memref<1x!tpu.dma_semaphore, #tpu.memory_space<semaphore_mem>> -> memref<!tpu.dma_semaphore, #tpu.memory_space<semaphore_mem>>
        tpu.enqueue_indirect_dma source(%dma_start3A_695 : memref<1000000x32xf32, #tpu.memory_space<hbm>>) target(%dma_start3A_689 : memref<128x32xf32, #tpu.memory_space<vmem>>) offsets(%dma_start3A_692 : memref<128xi32, #tpu.memory_space<vmem>>) semaphore(%dma_start3A_697 : memref<!tpu.dma_semaphore, #tpu.memory_space<semaphore_mem>>)
        %mul3A_698 = arith.constant 2 : i32
        %mul3A_699 = arith.muli %sub3A_455, %mul3A_698 : i32
        %add3A_700 = arith.constant 1 : i32
        %add3A_701 = arith.addi %mul3A_699, %add3A_700 : i32
        %dma_start3A_702 = arith.constant 0 : i32
        %dma_start3A_703 = arith.constant 0 : i32
        %dma_start3A_704 = arith.constant 128 : i32
        %dma_start3A_705 = arith.constant 0 : i32
        %dma_start3A_706 = tpu.memref_slice %arg9[%dma_start3A_702, %dma_start3A_704, %dma_start3A_705] : memref<4x256x32xf32, #tpu.memory_space<vmem>> -> memref<1x128x32xf32, #tpu.memory_space<vmem>>
        %dma_start3A_707 = tpu.memref_squeeze %dma_start3A_706 : memref<1x128x32xf32, #tpu.memory_space<vmem>> -> memref<128x32xf32, #tpu.memory_space<vmem>>
        %dma_start3A_708 = arith.constant 0 : i32
        %dma_start3A_709 = tpu.memref_slice %arg8[%add3A_701, %dma_start3A_708] : memref<200x128xi32, #tpu.memory_space<vmem>> -> memref<1x128xi32, #tpu.memory_space<vmem>>
        %dma_start3A_710 = tpu.memref_squeeze %dma_start3A_709 : memref<1x128xi32, #tpu.memory_space<vmem>> -> memref<128xi32, #tpu.memory_space<vmem>>
        %dma_start3A_711 = arith.constant 0 : i32
        %dma_start3A_712 = arith.constant 0 : i32
        %dma_start3A_713 = tpu.memref_slice %arg2[%dma_start3A_711, %dma_start3A_712] : memref<1000000x32xf32, #tpu.memory_space<hbm>> -> memref<1000000x32xf32, #tpu.memory_space<hbm>>
        %dma_start3A_714 = tpu.memref_slice %arg12[%dma_start3A_703] : memref<4x!tpu.dma_semaphore, #tpu.memory_space<semaphore_mem>> -> memref<1x!tpu.dma_semaphore, #tpu.memory_space<semaphore_mem>>
        %dma_start3A_715 = tpu.memref_squeeze %dma_start3A_714 : memref<1x!tpu.dma_semaphore, #tpu.memory_space<semaphore_mem>> -> memref<!tpu.dma_semaphore, #tpu.memory_space<semaphore_mem>>
        tpu.enqueue_indirect_dma source(%dma_start3A_713 : memref<1000000x32xf32, #tpu.memory_space<hbm>>) target(%dma_start3A_707 : memref<128x32xf32, #tpu.memory_space<vmem>>) offsets(%dma_start3A_710 : memref<128xi32, #tpu.memory_space<vmem>>) semaphore(%dma_start3A_715 : memref<!tpu.dma_semaphore, #tpu.memory_space<semaphore_mem>>)
      } else {
      }
      %mul3A_460 = arith.constant 2 : i32
      %mul3A_461 = arith.muli %add3A_396, %mul3A_460 : i32
      %dma_start3A_462 = arith.constant 1 : i32
      %dma_start3A_463 = arith.constant 1 : i32
      %dma_start3A_464 = arith.constant 0 : i32
      %dma_start3A_465 = arith.constant 0 : i32
      %dma_start3A_466 = arith.constant 0 : i32
      %dma_start3A_467 = arith.constant 0 : i32
      %dma_start3A_468 = tpu.memref_slice %arg11[%dma_start3A_462, %dma_start3A_464, %dma_start3A_465, %dma_start3A_466, %dma_start3A_467] : memref<4x2x4x8x128xf32, #tpu.memory_space<vmem>> -> memref<1x2x4x8x128xf32, #tpu.memory_space<vmem>>
      %dma_start3A_469 = tpu.memref_squeeze %dma_start3A_468 : memref<1x2x4x8x128xf32, #tpu.memory_space<vmem>> -> memref<2x4x8x128xf32, #tpu.memory_space<vmem>>
      %dma_start3A_470 = arith.constant 0 : i32
      %dma_start3A_471 = arith.constant 0 : i32
      %dma_start3A_472 = arith.constant 0 : i32
      %dma_start3A_473 = tpu.memref_slice %arg5[%mul3A_461, %dma_start3A_470, %add3A, %dma_start3A_471, %dma_start3A_472] : memref<200x4x32x8x128xf32, #tpu.memory_space<hbm>> -> memref<2x4x1x8x128xf32, #tpu.memory_space<hbm>>
      %dma_start3A_474 = tpu.memref_squeeze %dma_start3A_473 : memref<2x4x1x8x128xf32, #tpu.memory_space<hbm>> -> memref<2x4x8x128xf32, #tpu.memory_space<hbm>>
      %dma_start3A_475 = tpu.memref_slice %arg13[%dma_start3A_463] : memref<4x!tpu.dma_semaphore, #tpu.memory_space<semaphore_mem>> -> memref<1x!tpu.dma_semaphore, #tpu.memory_space<semaphore_mem>>
      %dma_start3A_476 = tpu.memref_squeeze %dma_start3A_475 : memref<1x!tpu.dma_semaphore, #tpu.memory_space<semaphore_mem>> -> memref<!tpu.dma_semaphore, #tpu.memory_space<semaphore_mem>>
      %dma_start3A_477 = arith.constant 0 : i32
      %dma_start3A_478 = arith.constant 0 : i32
      %dma_start3A_479 = arith.constant 0 : i32
      %dma_start3A_480 = tpu.memref_slice %arg5[%mul3A_461, %dma_start3A_477, %add3A, %dma_start3A_478, %dma_start3A_479] : memref<200x4x32x8x128xf32, #tpu.memory_space<hbm>> -> memref<2x4x1x8x128xf32, #tpu.memory_space<hbm>>
      %dma_start3A_481 = tpu.memref_squeeze %dma_start3A_480 : memref<2x4x1x8x128xf32, #tpu.memory_space<hbm>> -> memref<2x4x8x128xf32, #tpu.memory_space<hbm>>
      %dma_start3A_482 = arith.constant 0 : i32
      %dma_start3A_483 = arith.constant 0 : i32
      %dma_start3A_484 = arith.constant 0 : i32
      %dma_start3A_485 = arith.constant 0 : i32
      %dma_start3A_486 = tpu.memref_slice %arg11[%dma_start3A_462, %dma_start3A_482, %dma_start3A_483, %dma_start3A_484, %dma_start3A_485] : memref<4x2x4x8x128xf32, #tpu.memory_space<vmem>> -> memref<1x2x4x8x128xf32, #tpu.memory_space<vmem>>
      %dma_start3A_487 = tpu.memref_squeeze %dma_start3A_486 : memref<1x2x4x8x128xf32, #tpu.memory_space<vmem>> -> memref<2x4x8x128xf32, #tpu.memory_space<vmem>>
      tpu.enqueue_dma source(%dma_start3A_487 : memref<2x4x8x128xf32, #tpu.memory_space<vmem>>) target(%dma_start3A_481 : memref<2x4x8x128xf32, #tpu.memory_space<hbm>>) target_semaphore(%dma_start3A_476 : memref<!tpu.dma_semaphore, #tpu.memory_space<semaphore_mem>>)
      %mul3A_488 = arith.constant 4 : i32
      %mul3A_489 = arith.muli %add3A_271, %mul3A_488 : i32
      %add3A_490 = arith.constant 2 : i32
      %add3A_491 = arith.addi %mul3A_489, %add3A_490 : i32
      %dma_wait3A_492 = arith.constant 2 : i32
      %dma_wait3A_493 = arith.constant 2 : i32
      %dma_wait3A_494 = arith.constant 0 : i32
      %dma_wait3A_495 = arith.constant 0 : i32
      %dma_wait3A_496 = tpu.memref_slice %arg9[%dma_wait3A_492, %dma_wait3A_494, %dma_wait3A_495] : memref<4x256x32xf32, #tpu.memory_space<vmem>> -> memref<1x256x32xf32, #tpu.memory_space<vmem>>
      %dma_wait3A_497 = tpu.memref_squeeze %dma_wait3A_496 : memref<1x256x32xf32, #tpu.memory_space<vmem>> -> memref<256x32xf32, #tpu.memory_space<vmem>>
      %dma_wait3A_498 = arith.constant 0 : i32
      %dma_wait3A_499 = arith.constant 0 : i32
      %dma_wait3A_500 = tpu.memref_slice %arg2[%dma_wait3A_498, %dma_wait3A_499] : memref<1000000x32xf32, #tpu.memory_space<hbm>> -> memref<256x32xf32, #tpu.memory_space<hbm>>
      %dma_wait3A_501 = tpu.memref_slice %arg12[%dma_wait3A_493] : memref<4x!tpu.dma_semaphore, #tpu.memory_space<semaphore_mem>> -> memref<1x!tpu.dma_semaphore, #tpu.memory_space<semaphore_mem>>
      %dma_wait3A_502 = tpu.memref_squeeze %dma_wait3A_501 : memref<1x!tpu.dma_semaphore, #tpu.memory_space<semaphore_mem>> -> memref<!tpu.dma_semaphore, #tpu.memory_space<semaphore_mem>>
      %dma_wait3A_503 = arith.constant 0 : i32
      %dma_wait3A_504 = arith.constant 0 : i32
      %dma_wait3A_505 = tpu.memref_slice %arg9[%dma_wait3A_492, %dma_wait3A_503, %dma_wait3A_504] : memref<4x256x32xf32, #tpu.memory_space<vmem>> -> memref<1x256x32xf32, #tpu.memory_space<vmem>>
      %dma_wait3A_506 = tpu.memref_squeeze %dma_wait3A_505 : memref<1x256x32xf32, #tpu.memory_space<vmem>> -> memref<256x32xf32, #tpu.memory_space<vmem>>
      %dma_wait3A_507 = arith.constant 0 : i32
      %dma_wait3A_508 = arith.constant 0 : i32
      %dma_wait3A_509 = tpu.memref_slice %arg2[%dma_wait3A_507, %dma_wait3A_508] : memref<1000000x32xf32, #tpu.memory_space<hbm>> -> memref<256x32xf32, #tpu.memory_space<hbm>>
      tpu.wait_dma2 semaphore(%dma_wait3A_502 : memref<!tpu.dma_semaphore, #tpu.memory_space<semaphore_mem>>) src(%dma_wait3A_509 : memref<256x32xf32, #tpu.memory_space<hbm>>) dst(%dma_wait3A_506 : memref<256x32xf32, #tpu.memory_space<vmem>>)
      %mul3A_510 = arith.constant 2 : i32
      %mul3A_511 = arith.muli %add3A_491, %mul3A_510 : i32
      %add3A_512 = arith.constant 0 : i32
      %add3A_513 = arith.addi %mul3A_511, %add3A_512 : i32
      %get3A_514 = arith.index_cast %add3A_513 : i32 to index
      %get3A_515 = arith.constant 0 : index
      %get3A_516 = tpu.vector_load %arg6[%get3A_514, %get3A_515] {strides = array<i32>} : memref<200x32xf32, #tpu.memory_space<vmem>>, vector<16xf32>,
      %get3A_517 = arith.index_cast %add3A_513 : i32 to index
      %get3A_518 = arith.constant 16 : index
      %get3A_519 = tpu.vector_load %arg6[%get3A_517, %get3A_518] {strides = array<i32>} : memref<200x32xf32, #tpu.memory_space<vmem>>, vector<16xf32>,
      %parallel_loop3A_520 = arith.constant 0 : i32
      %parallel_loop3A_521 = arith.constant 128 : i32
      %parallel_loop3A_522 = arith.constant 1 : i32
      scf.for %parallel_loop3A_680 = %parallel_loop3A_520 to %parallel_loop3A_521 step %parallel_loop3A_522  : i32 {
        %parallel_loop3A_681 = arith.constant 0 : i32
        %parallel_loop3A_682 = arith.addi %parallel_loop3A_681, %parallel_loop3A_680 : i32
        %parallel_loop3A_683 = arith.constant 2 : i32
        %parallel_loop3A_684 = arith.index_cast %parallel_loop3A_683 : i32 to index
        %parallel_loop3A_685 = arith.index_cast %parallel_loop3A_682 : i32 to index
        %parallel_loop3A_686 = arith.constant 0 : index
        %parallel_loop3A_687 = tpu.vector_load %arg9[%parallel_loop3A_684, %parallel_loop3A_685, %parallel_loop3A_686] {strides = array<i32>} : memref<4x256x32xf32, #tpu.memory_space<vmem>>, vector<16xf32>,
        %parallel_loop3A_688 = arith.addf %parallel_loop3A_687, %get3A_516 : vector<16xf32>
        %parallel_loop3A_689 = arith.constant 0 : i32
        %parallel_loop3A_690 = arith.addi %parallel_loop3A_689, %parallel_loop3A_680 : i32
        %parallel_loop3A_691 = arith.index_cast %parallel_loop3A_690 : i32 to index
        %parallel_loop3A_692 = arith.constant 0 : index
        %parallel_loop3A_693 = tpu.vector_load %arg10[%parallel_loop3A_691, %parallel_loop3A_692] {strides = array<i32>} : memref<256x33xf32, #tpu.memory_space<vmem>>, vector<16xf32>,
        tpu.vector_store %arg10[%parallel_loop3A_691, %parallel_loop3A_692], %parallel_loop3A_688 {strides = array<i32>} : memref<256x33xf32, #tpu.memory_space<vmem>>, vector<16xf32>,
        %parallel_loop3A_694 = arith.constant 0 : i32
        %parallel_loop3A_695 = arith.addi %parallel_loop3A_694, %parallel_loop3A_680 : i32
        %parallel_loop3A_696 = arith.constant 2 : i32
        %parallel_loop3A_697 = arith.index_cast %parallel_loop3A_696 : i32 to index
        %parallel_loop3A_698 = arith.index_cast %parallel_loop3A_695 : i32 to index
        %parallel_loop3A_699 = arith.constant 16 : index
        %parallel_loop3A_700 = tpu.vector_load %arg9[%parallel_loop3A_697, %parallel_loop3A_698, %parallel_loop3A_699] {strides = array<i32>} : memref<4x256x32xf32, #tpu.memory_space<vmem>>, vector<16xf32>,
        %parallel_loop3A_701 = arith.addf %parallel_loop3A_700, %get3A_519 : vector<16xf32>
        %parallel_loop3A_702 = arith.constant 0 : i32
        %parallel_loop3A_703 = arith.addi %parallel_loop3A_702, %parallel_loop3A_680 : i32
        %parallel_loop3A_704 = arith.index_cast %parallel_loop3A_703 : i32 to index
        %parallel_loop3A_705 = arith.constant 16 : index
        %parallel_loop3A_706 = tpu.vector_load %arg10[%parallel_loop3A_704, %parallel_loop3A_705] {strides = array<i32>} : memref<256x33xf32, #tpu.memory_space<vmem>>, vector<16xf32>,
        tpu.vector_store %arg10[%parallel_loop3A_704, %parallel_loop3A_705], %parallel_loop3A_701 {strides = array<i32>} : memref<256x33xf32, #tpu.memory_space<vmem>>, vector<16xf32>,
      } {sc.loop_unroll_factor = 4 : i64, sc.parallel_access}
      %mul3A_523 = arith.constant 2 : i32
      %mul3A_524 = arith.muli %add3A_491, %mul3A_523 : i32
      %add3A_525 = arith.constant 1 : i32
      %add3A_526 = arith.addi %mul3A_524, %add3A_525 : i32
      %get3A_527 = arith.index_cast %add3A_526 : i32 to index
      %get3A_528 = arith.constant 0 : index
      %get3A_529 = tpu.vector_load %arg6[%get3A_527, %get3A_528] {strides = array<i32>} : memref<200x32xf32, #tpu.memory_space<vmem>>, vector<16xf32>,
      %get3A_530 = arith.index_cast %add3A_526 : i32 to index
      %get3A_531 = arith.constant 16 : index
      %get3A_532 = tpu.vector_load %arg6[%get3A_530, %get3A_531] {strides = array<i32>} : memref<200x32xf32, #tpu.memory_space<vmem>>, vector<16xf32>,
      %parallel_loop3A_533 = arith.constant 0 : i32
      %parallel_loop3A_534 = arith.constant 128 : i32
      %parallel_loop3A_535 = arith.constant 1 : i32
      scf.for %parallel_loop3A_680 = %parallel_loop3A_533 to %parallel_loop3A_534 step %parallel_loop3A_535  : i32 {
        %parallel_loop3A_681 = arith.constant 128 : i32
        %parallel_loop3A_682 = arith.addi %parallel_loop3A_681, %parallel_loop3A_680 : i32
        %parallel_loop3A_683 = arith.constant 2 : i32
        %parallel_loop3A_684 = arith.index_cast %parallel_loop3A_683 : i32 to index
        %parallel_loop3A_685 = arith.index_cast %parallel_loop3A_682 : i32 to index
        %parallel_loop3A_686 = arith.constant 0 : index
        %parallel_loop3A_687 = tpu.vector_load %arg9[%parallel_loop3A_684, %parallel_loop3A_685, %parallel_loop3A_686] {strides = array<i32>} : memref<4x256x32xf32, #tpu.memory_space<vmem>>, vector<16xf32>,
        %parallel_loop3A_688 = arith.addf %parallel_loop3A_687, %get3A_529 : vector<16xf32>
        %parallel_loop3A_689 = arith.constant 128 : i32
        %parallel_loop3A_690 = arith.addi %parallel_loop3A_689, %parallel_loop3A_680 : i32
        %parallel_loop3A_691 = arith.index_cast %parallel_loop3A_690 : i32 to index
        %parallel_loop3A_692 = arith.constant 0 : index
        %parallel_loop3A_693 = tpu.vector_load %arg10[%parallel_loop3A_691, %parallel_loop3A_692] {strides = array<i32>} : memref<256x33xf32, #tpu.memory_space<vmem>>, vector<16xf32>,
        tpu.vector_store %arg10[%parallel_loop3A_691, %parallel_loop3A_692], %parallel_loop3A_688 {strides = array<i32>} : memref<256x33xf32, #tpu.memory_space<vmem>>, vector<16xf32>,
        %parallel_loop3A_694 = arith.constant 128 : i32
        %parallel_loop3A_695 = arith.addi %parallel_loop3A_694, %parallel_loop3A_680 : i32
        %parallel_loop3A_696 = arith.constant 2 : i32
        %parallel_loop3A_697 = arith.index_cast %parallel_loop3A_696 : i32 to index
        %parallel_loop3A_698 = arith.index_cast %parallel_loop3A_695 : i32 to index
        %parallel_loop3A_699 = arith.constant 16 : index
        %parallel_loop3A_700 = tpu.vector_load %arg9[%parallel_loop3A_697, %parallel_loop3A_698, %parallel_loop3A_699] {strides = array<i32>} : memref<4x256x32xf32, #tpu.memory_space<vmem>>, vector<16xf32>,
        %parallel_loop3A_701 = arith.addf %parallel_loop3A_700, %get3A_532 : vector<16xf32>
        %parallel_loop3A_702 = arith.constant 128 : i32
        %parallel_loop3A_703 = arith.addi %parallel_loop3A_702, %parallel_loop3A_680 : i32
        %parallel_loop3A_704 = arith.index_cast %parallel_loop3A_703 : i32 to index
        %parallel_loop3A_705 = arith.constant 16 : index
        %parallel_loop3A_706 = tpu.vector_load %arg10[%parallel_loop3A_704, %parallel_loop3A_705] {strides = array<i32>} : memref<256x33xf32, #tpu.memory_space<vmem>>, vector<16xf32>,
        tpu.vector_store %arg10[%parallel_loop3A_704, %parallel_loop3A_705], %parallel_loop3A_701 {strides = array<i32>} : memref<256x33xf32, #tpu.memory_space<vmem>>, vector<16xf32>,
      } {sc.loop_unroll_factor = 4 : i64, sc.parallel_access}
      %gt3A_536 = arith.constant 0 : i32
      %gt3A_537 = arith.cmpi sgt, %add3A_271, %gt3A_536 : i32
      %convert_element_type3A_538 = arith.extui %gt3A_537 : i1 to i32
      %cond3A_539 = arith.constant 0 : i32
      %cond3A_540 = arith.cmpi ne, %convert_element_type3A_538, %cond3A_539 : i32
      scf.if %cond3A_540 {
        %dma_wait3A_680 = arith.constant 2 : i32
        %dma_wait3A_681 = arith.constant 0 : i32
        %dma_wait3A_682 = arith.constant 2 : i32
        %dma_wait3A_683 = arith.constant 0 : i32
        %dma_wait3A_684 = arith.constant 0 : i32
        %dma_wait3A_685 = arith.constant 0 : i32
        %dma_wait3A_686 = arith.constant 0 : i32
        %dma_wait3A_687 = tpu.memref_slice %arg11[%dma_wait3A_680, %dma_wait3A_683, %dma_wait3A_684, %dma_wait3A_685, %dma_wait3A_686] : memref<4x2x4x8x128xf32, #tpu.memory_space<vmem>> -> memref<1x2x4x8x128xf32, #tpu.memory_space<vmem>>
        %dma_wait3A_688 = tpu.memref_squeeze %dma_wait3A_687 : memref<1x2x4x8x128xf32, #tpu.memory_space<vmem>> -> memref<2x4x8x128xf32, #tpu.memory_space<vmem>>
        %dma_wait3A_689 = arith.constant 0 : i32
        %dma_wait3A_690 = arith.constant 0 : i32
        %dma_wait3A_691 = arith.constant 0 : i32
        %dma_wait3A_692 = arith.constant 0 : i32
        %dma_wait3A_693 = tpu.memref_slice %arg5[%dma_wait3A_689, %dma_wait3A_690, %dma_wait3A_681, %dma_wait3A_691, %dma_wait3A_692] : memref<200x4x32x8x128xf32, #tpu.memory_space<hbm>> -> memref<2x4x1x8x128xf32, #tpu.memory_space<hbm>>
        %dma_wait3A_694 = tpu.memref_squeeze %dma_wait3A_693 : memref<2x4x1x8x128xf32, #tpu.memory_space<hbm>> -> memref<2x4x8x128xf32, #tpu.memory_space<hbm>>
        %dma_wait3A_695 = tpu.memref_slice %arg13[%dma_wait3A_682] : memref<4x!tpu.dma_semaphore, #tpu.memory_space<semaphore_mem>> -> memref<1x!tpu.dma_semaphore, #tpu.memory_space<semaphore_mem>>
        %dma_wait3A_696 = tpu.memref_squeeze %dma_wait3A_695 : memref<1x!tpu.dma_semaphore, #tpu.memory_space<semaphore_mem>> -> memref<!tpu.dma_semaphore, #tpu.memory_space<semaphore_mem>>
        %dma_wait3A_697 = arith.constant 0 : i32
        %dma_wait3A_698 = arith.constant 0 : i32
        %dma_wait3A_699 = arith.constant 0 : i32
        %dma_wait3A_700 = arith.constant 0 : i32
        %dma_wait3A_701 = tpu.memref_slice %arg5[%dma_wait3A_697, %dma_wait3A_698, %dma_wait3A_681, %dma_wait3A_699, %dma_wait3A_700] : memref<200x4x32x8x128xf32, #tpu.memory_space<hbm>> -> memref<2x4x1x8x128xf32, #tpu.memory_space<hbm>>
        %dma_wait3A_702 = tpu.memref_squeeze %dma_wait3A_701 : memref<2x4x1x8x128xf32, #tpu.memory_space<hbm>> -> memref<2x4x8x128xf32, #tpu.memory_space<hbm>>
        %dma_wait3A_703 = arith.constant 0 : i32
        %dma_wait3A_704 = arith.constant 0 : i32
        %dma_wait3A_705 = arith.constant 0 : i32
        %dma_wait3A_706 = arith.constant 0 : i32
        %dma_wait3A_707 = tpu.memref_slice %arg11[%dma_wait3A_680, %dma_wait3A_703, %dma_wait3A_704, %dma_wait3A_705, %dma_wait3A_706] : memref<4x2x4x8x128xf32, #tpu.memory_space<vmem>> -> memref<1x2x4x8x128xf32, #tpu.memory_space<vmem>>
        %dma_wait3A_708 = tpu.memref_squeeze %dma_wait3A_707 : memref<1x2x4x8x128xf32, #tpu.memory_space<vmem>> -> memref<2x4x8x128xf32, #tpu.memory_space<vmem>>
        tpu.wait_dma2 semaphore(%dma_wait3A_696 : memref<!tpu.dma_semaphore, #tpu.memory_space<semaphore_mem>>) src(%dma_wait3A_708 : memref<2x4x8x128xf32, #tpu.memory_space<vmem>>) dst(%dma_wait3A_702 : memref<2x4x8x128xf32, #tpu.memory_space<hbm>>)
      } else {
      }
      %parallel_loop3A_541 = arith.constant 0 : i32
      %parallel_loop3A_542 = arith.constant 32 : i32
      %parallel_loop3A_543 = arith.constant 1 : i32
      scf.for %parallel_loop3A_680 = %parallel_loop3A_541 to %parallel_loop3A_542 step %parallel_loop3A_543  : i32 {
        %parallel_loop3A_681 = arith.constant 0 : i32
        %parallel_loop3A_682 = vector.broadcast %parallel_loop3A_681 : i32 to vector<16xi32>
        %parallel_loop3A_683 = arith.muli %iota3A, %parallel_loop3A_682 : vector<16xi32>
        %parallel_loop3A_684 = vector.broadcast %parallel_loop3A_680 : i32 to vector<16xi32>
        %parallel_loop3A_685 = arith.addi %parallel_loop3A_683, %parallel_loop3A_684 : vector<16xi32>
        %parallel_loop3A_686 = arith.constant 8 : i32
        %parallel_loop3A_687 = arith.divsi %parallel_loop3A_680, %parallel_loop3A_686 : i32
        %parallel_loop3A_688 = arith.constant 0 : i32
        %parallel_loop3A_689 = arith.cmpi sgt, %parallel_loop3A_680, %parallel_loop3A_688 : i32
        %parallel_loop3A_690 = arith.extui %parallel_loop3A_689 : i1 to i32
        %parallel_loop3A_691 = arith.constant 0 : i32
        %parallel_loop3A_692 = arith.cmpi slt, %parallel_loop3A_680, %parallel_loop3A_691 : i32
        %parallel_loop3A_693 = arith.extui %parallel_loop3A_692 : i1 to i32
        %parallel_loop3A_694 = arith.subi %parallel_loop3A_690, %parallel_loop3A_693 : i32
        %parallel_loop3A_695 = arith.constant 0 : i32
        %parallel_loop3A_696 = arith.cmpi sgt, %parallel_loop3A_686, %parallel_loop3A_695 : i32
        %parallel_loop3A_697 = arith.extui %parallel_loop3A_696 : i1 to i32
        %parallel_loop3A_698 = arith.constant 0 : i32
        %parallel_loop3A_699 = arith.cmpi slt, %parallel_loop3A_686, %parallel_loop3A_698 : i32
        %parallel_loop3A_700 = arith.extui %parallel_loop3A_699 : i1 to i32
        %parallel_loop3A_701 = arith.subi %parallel_loop3A_697, %parallel_loop3A_700 : i32
        %parallel_loop3A_702 = arith.cmpi ne, %parallel_loop3A_694, %parallel_loop3A_701 : i32
        %parallel_loop3A_703 = arith.remsi %parallel_loop3A_680, %parallel_loop3A_686 : i32
        %parallel_loop3A_704 = arith.constant 0 : i32
        %parallel_loop3A_705 = arith.cmpi ne, %parallel_loop3A_703, %parallel_loop3A_704 : i32
        %parallel_loop3A_706 = arith.andi %parallel_loop3A_702, %parallel_loop3A_705 : i1
        %parallel_loop3A_707 = arith.constant 1 : i32
        %parallel_loop3A_708 = arith.subi %parallel_loop3A_687, %parallel_loop3A_707 : i32
        %parallel_loop3A_709 = arith.select %parallel_loop3A_706, %parallel_loop3A_708, %parallel_loop3A_687 : i32
        %parallel_loop3A_710 = arith.constant 8 : i32
        %parallel_loop3A_711 = arith.constant 0 : i32
        %parallel_loop3A_712 = arith.cmpi eq, %parallel_loop3A_710, %parallel_loop3A_711 : i32
        %parallel_loop3A_713 = arith.constant 1 : i32
        %parallel_loop3A_714 = arith.select %parallel_loop3A_712, %parallel_loop3A_713, %parallel_loop3A_710 : i32
        %parallel_loop3A_715 = arith.remsi %parallel_loop3A_680, %parallel_loop3A_714 : i32
        %parallel_loop3A_716 = arith.constant 0 : i32
        %parallel_loop3A_717 = arith.cmpi ne, %parallel_loop3A_715, %parallel_loop3A_716 : i32
        %parallel_loop3A_718 = arith.constant 0 : i32
        %parallel_loop3A_719 = arith.cmpi slt, %parallel_loop3A_715, %parallel_loop3A_718 : i32
        %parallel_loop3A_720 = arith.constant 0 : i32
        %parallel_loop3A_721 = arith.cmpi slt, %parallel_loop3A_714, %parallel_loop3A_720 : i32
        %parallel_loop3A_722 = arith.xori %parallel_loop3A_719, %parallel_loop3A_721 : i1
        %parallel_loop3A_723 = arith.andi %parallel_loop3A_722, %parallel_loop3A_717 : i1
        %parallel_loop3A_724 = arith.addi %parallel_loop3A_715, %parallel_loop3A_714 : i32
        %parallel_loop3A_725 = arith.select %parallel_loop3A_723, %parallel_loop3A_724, %parallel_loop3A_715 : i32
        %parallel_loop3A_726 = arith.constant 0 : i32
        %parallel_loop3A_727 = vector.broadcast %parallel_loop3A_726 : i32 to vector<16xi32>
        %parallel_loop3A_728 = arith.addi %iota3A, %parallel_loop3A_727 : vector<16xi32>
        %parallel_loop3A_729 = tpu.vector_load_idx %arg10[%parallel_loop3A_728, %parallel_loop3A_685] : memref<256x33xf32, #tpu.memory_space<vmem>>[vector<16xi32>, vector<16xi32>], vector<16xf32>,
        %parallel_loop3A_730 = arith.constant 2 : i32
        %parallel_loop3A_731 = arith.constant 0 : i32
        %parallel_loop3A_732 = arith.index_cast %parallel_loop3A_730 : i32 to index
        %parallel_loop3A_733 = arith.index_cast %parallel_loop3A_731 : i32 to index
        %parallel_loop3A_734 = arith.index_cast %parallel_loop3A_709 : i32 to index
        %parallel_loop3A_735 = arith.index_cast %parallel_loop3A_725 : i32 to index
        %parallel_loop3A_736 = arith.constant 0 : index
        %parallel_loop3A_737 = tpu.vector_load %arg11[%parallel_loop3A_732, %parallel_loop3A_733, %parallel_loop3A_734, %parallel_loop3A_735, %parallel_loop3A_736] {strides = array<i32>} : memref<4x2x4x8x128xf32, #tpu.memory_space<vmem>>, vector<16xf32>,
        tpu.vector_store %arg11[%parallel_loop3A_732, %parallel_loop3A_733, %parallel_loop3A_734, %parallel_loop3A_735, %parallel_loop3A_736], %parallel_loop3A_729 {strides = array<i32>} : memref<4x2x4x8x128xf32, #tpu.memory_space<vmem>>, vector<16xf32>,
        %parallel_loop3A_738 = arith.constant 16 : i32
        %parallel_loop3A_739 = vector.broadcast %parallel_loop3A_738 : i32 to vector<16xi32>
        %parallel_loop3A_740 = arith.addi %iota3A, %parallel_loop3A_739 : vector<16xi32>
        %parallel_loop3A_741 = tpu.vector_load_idx %arg10[%parallel_loop3A_740, %parallel_loop3A_685] : memref<256x33xf32, #tpu.memory_space<vmem>>[vector<16xi32>, vector<16xi32>], vector<16xf32>,
        %parallel_loop3A_742 = arith.constant 2 : i32
        %parallel_loop3A_743 = arith.constant 0 : i32
        %parallel_loop3A_744 = arith.index_cast %parallel_loop3A_742 : i32 to index
        %parallel_loop3A_745 = arith.index_cast %parallel_loop3A_743 : i32 to index
        %parallel_loop3A_746 = arith.index_cast %parallel_loop3A_709 : i32 to index
        %parallel_loop3A_747 = arith.index_cast %parallel_loop3A_725 : i32 to index
        %parallel_loop3A_748 = arith.constant 16 : index
        %parallel_loop3A_749 = tpu.vector_load %arg11[%parallel_loop3A_744, %parallel_loop3A_745, %parallel_loop3A_746, %parallel_loop3A_747, %parallel_loop3A_748] {strides = array<i32>} : memref<4x2x4x8x128xf32, #tpu.memory_space<vmem>>, vector<16xf32>,
        tpu.vector_store %arg11[%parallel_loop3A_744, %parallel_loop3A_745, %parallel_loop3A_746, %parallel_loop3A_747, %parallel_loop3A_748], %parallel_loop3A_741 {strides = array<i32>} : memref<4x2x4x8x128xf32, #tpu.memory_space<vmem>>, vector<16xf32>,
        %parallel_loop3A_750 = arith.constant 32 : i32
        %parallel_loop3A_751 = vector.broadcast %parallel_loop3A_750 : i32 to vector<16xi32>
        %parallel_loop3A_752 = arith.addi %iota3A, %parallel_loop3A_751 : vector<16xi32>
        %parallel_loop3A_753 = tpu.vector_load_idx %arg10[%parallel_loop3A_752, %parallel_loop3A_685] : memref<256x33xf32, #tpu.memory_space<vmem>>[vector<16xi32>, vector<16xi32>], vector<16xf32>,
        %parallel_loop3A_754 = arith.constant 2 : i32
        %parallel_loop3A_755 = arith.constant 0 : i32
        %parallel_loop3A_756 = arith.index_cast %parallel_loop3A_754 : i32 to index
        %parallel_loop3A_757 = arith.index_cast %parallel_loop3A_755 : i32 to index
        %parallel_loop3A_758 = arith.index_cast %parallel_loop3A_709 : i32 to index
        %parallel_loop3A_759 = arith.index_cast %parallel_loop3A_725 : i32 to index
        %parallel_loop3A_760 = arith.constant 32 : index
        %parallel_loop3A_761 = tpu.vector_load %arg11[%parallel_loop3A_756, %parallel_loop3A_757, %parallel_loop3A_758, %parallel_loop3A_759, %parallel_loop3A_760] {strides = array<i32>} : memref<4x2x4x8x128xf32, #tpu.memory_space<vmem>>, vector<16xf32>,
        tpu.vector_store %arg11[%parallel_loop3A_756, %parallel_loop3A_757, %parallel_loop3A_758, %parallel_loop3A_759, %parallel_loop3A_760], %parallel_loop3A_753 {strides = array<i32>} : memref<4x2x4x8x128xf32, #tpu.memory_space<vmem>>, vector<16xf32>,
        %parallel_loop3A_762 = arith.constant 48 : i32
        %parallel_loop3A_763 = vector.broadcast %parallel_loop3A_762 : i32 to vector<16xi32>
        %parallel_loop3A_764 = arith.addi %iota3A, %parallel_loop3A_763 : vector<16xi32>
        %parallel_loop3A_765 = tpu.vector_load_idx %arg10[%parallel_loop3A_764, %parallel_loop3A_685] : memref<256x33xf32, #tpu.memory_space<vmem>>[vector<16xi32>, vector<16xi32>], vector<16xf32>,
        %parallel_loop3A_766 = arith.constant 2 : i32
        %parallel_loop3A_767 = arith.constant 0 : i32
        %parallel_loop3A_768 = arith.index_cast %parallel_loop3A_766 : i32 to index
        %parallel_loop3A_769 = arith.index_cast %parallel_loop3A_767 : i32 to index
        %parallel_loop3A_770 = arith.index_cast %parallel_loop3A_709 : i32 to index
        %parallel_loop3A_771 = arith.index_cast %parallel_loop3A_725 : i32 to index
        %parallel_loop3A_772 = arith.constant 48 : index
        %parallel_loop3A_773 = tpu.vector_load %arg11[%parallel_loop3A_768, %parallel_loop3A_769, %parallel_loop3A_770, %parallel_loop3A_771, %parallel_loop3A_772] {strides = array<i32>} : memref<4x2x4x8x128xf32, #tpu.memory_space<vmem>>, vector<16xf32>,
        tpu.vector_store %arg11[%parallel_loop3A_768, %parallel_loop3A_769, %parallel_loop3A_770, %parallel_loop3A_771, %parallel_loop3A_772], %parallel_loop3A_765 {strides = array<i32>} : memref<4x2x4x8x128xf32, #tpu.memory_space<vmem>>, vector<16xf32>,
        %parallel_loop3A_774 = arith.constant 64 : i32
        %parallel_loop3A_775 = vector.broadcast %parallel_loop3A_774 : i32 to vector<16xi32>
        %parallel_loop3A_776 = arith.addi %iota3A, %parallel_loop3A_775 : vector<16xi32>
        %parallel_loop3A_777 = tpu.vector_load_idx %arg10[%parallel_loop3A_776, %parallel_loop3A_685] : memref<256x33xf32, #tpu.memory_space<vmem>>[vector<16xi32>, vector<16xi32>], vector<16xf32>,
        %parallel_loop3A_778 = arith.constant 2 : i32
        %parallel_loop3A_779 = arith.constant 0 : i32
        %parallel_loop3A_780 = arith.index_cast %parallel_loop3A_778 : i32 to index
        %parallel_loop3A_781 = arith.index_cast %parallel_loop3A_779 : i32 to index
        %parallel_loop3A_782 = arith.index_cast %parallel_loop3A_709 : i32 to index
        %parallel_loop3A_783 = arith.index_cast %parallel_loop3A_725 : i32 to index
        %parallel_loop3A_784 = arith.constant 64 : index
        %parallel_loop3A_785 = tpu.vector_load %arg11[%parallel_loop3A_780, %parallel_loop3A_781, %parallel_loop3A_782, %parallel_loop3A_783, %parallel_loop3A_784] {strides = array<i32>} : memref<4x2x4x8x128xf32, #tpu.memory_space<vmem>>, vector<16xf32>,
        tpu.vector_store %arg11[%parallel_loop3A_780, %parallel_loop3A_781, %parallel_loop3A_782, %parallel_loop3A_783, %parallel_loop3A_784], %parallel_loop3A_777 {strides = array<i32>} : memref<4x2x4x8x128xf32, #tpu.memory_space<vmem>>, vector<16xf32>,
        %parallel_loop3A_786 = arith.constant 80 : i32
        %parallel_loop3A_787 = vector.broadcast %parallel_loop3A_786 : i32 to vector<16xi32>
        %parallel_loop3A_788 = arith.addi %iota3A, %parallel_loop3A_787 : vector<16xi32>
        %parallel_loop3A_789 = tpu.vector_load_idx %arg10[%parallel_loop3A_788, %parallel_loop3A_685] : memref<256x33xf32, #tpu.memory_space<vmem>>[vector<16xi32>, vector<16xi32>], vector<16xf32>,
        %parallel_loop3A_790 = arith.constant 2 : i32
        %parallel_loop3A_791 = arith.constant 0 : i32
        %parallel_loop3A_792 = arith.index_cast %parallel_loop3A_790 : i32 to index
        %parallel_loop3A_793 = arith.index_cast %parallel_loop3A_791 : i32 to index
        %parallel_loop3A_794 = arith.index_cast %parallel_loop3A_709 : i32 to index
        %parallel_loop3A_795 = arith.index_cast %parallel_loop3A_725 : i32 to index
        %parallel_loop3A_796 = arith.constant 80 : index
        %parallel_loop3A_797 = tpu.vector_load %arg11[%parallel_loop3A_792, %parallel_loop3A_793, %parallel_loop3A_794, %parallel_loop3A_795, %parallel_loop3A_796] {strides = array<i32>} : memref<4x2x4x8x128xf32, #tpu.memory_space<vmem>>, vector<16xf32>,
        tpu.vector_store %arg11[%parallel_loop3A_792, %parallel_loop3A_793, %parallel_loop3A_794, %parallel_loop3A_795, %parallel_loop3A_796], %parallel_loop3A_789 {strides = array<i32>} : memref<4x2x4x8x128xf32, #tpu.memory_space<vmem>>, vector<16xf32>,
        %parallel_loop3A_798 = arith.constant 96 : i32
        %parallel_loop3A_799 = vector.broadcast %parallel_loop3A_798 : i32 to vector<16xi32>
        %parallel_loop3A_800 = arith.addi %iota3A, %parallel_loop3A_799 : vector<16xi32>
        %parallel_loop3A_801 = tpu.vector_load_idx %arg10[%parallel_loop3A_800, %parallel_loop3A_685] : memref<256x33xf32, #tpu.memory_space<vmem>>[vector<16xi32>, vector<16xi32>], vector<16xf32>,
        %parallel_loop3A_802 = arith.constant 2 : i32
        %parallel_loop3A_803 = arith.constant 0 : i32
        %parallel_loop3A_804 = arith.index_cast %parallel_loop3A_802 : i32 to index
        %parallel_loop3A_805 = arith.index_cast %parallel_loop3A_803 : i32 to index
        %parallel_loop3A_806 = arith.index_cast %parallel_loop3A_709 : i32 to index
        %parallel_loop3A_807 = arith.index_cast %parallel_loop3A_725 : i32 to index
        %parallel_loop3A_808 = arith.constant 96 : index
        %parallel_loop3A_809 = tpu.vector_load %arg11[%parallel_loop3A_804, %parallel_loop3A_805, %parallel_loop3A_806, %parallel_loop3A_807, %parallel_loop3A_808] {strides = array<i32>} : memref<4x2x4x8x128xf32, #tpu.memory_space<vmem>>, vector<16xf32>,
        tpu.vector_store %arg11[%parallel_loop3A_804, %parallel_loop3A_805, %parallel_loop3A_806, %parallel_loop3A_807, %parallel_loop3A_808], %parallel_loop3A_801 {strides = array<i32>} : memref<4x2x4x8x128xf32, #tpu.memory_space<vmem>>, vector<16xf32>,
        %parallel_loop3A_810 = arith.constant 112 : i32
        %parallel_loop3A_811 = vector.broadcast %parallel_loop3A_810 : i32 to vector<16xi32>
        %parallel_loop3A_812 = arith.addi %iota3A, %parallel_loop3A_811 : vector<16xi32>
        %parallel_loop3A_813 = tpu.vector_load_idx %arg10[%parallel_loop3A_812, %parallel_loop3A_685] : memref<256x33xf32, #tpu.memory_space<vmem>>[vector<16xi32>, vector<16xi32>], vector<16xf32>,
        %parallel_loop3A_814 = arith.constant 2 : i32
        %parallel_loop3A_815 = arith.constant 0 : i32
        %parallel_loop3A_816 = arith.index_cast %parallel_loop3A_814 : i32 to index
        %parallel_loop3A_817 = arith.index_cast %parallel_loop3A_815 : i32 to index
        %parallel_loop3A_818 = arith.index_cast %parallel_loop3A_709 : i32 to index
        %parallel_loop3A_819 = arith.index_cast %parallel_loop3A_725 : i32 to index
        %parallel_loop3A_820 = arith.constant 112 : index
        %parallel_loop3A_821 = tpu.vector_load %arg11[%parallel_loop3A_816, %parallel_loop3A_817, %parallel_loop3A_818, %parallel_loop3A_819, %parallel_loop3A_820] {strides = array<i32>} : memref<4x2x4x8x128xf32, #tpu.memory_space<vmem>>, vector<16xf32>,
        tpu.vector_store %arg11[%parallel_loop3A_816, %parallel_loop3A_817, %parallel_loop3A_818, %parallel_loop3A_819, %parallel_loop3A_820], %parallel_loop3A_813 {strides = array<i32>} : memref<4x2x4x8x128xf32, #tpu.memory_space<vmem>>, vector<16xf32>,
      } {sc.loop_unroll_factor = 4 : i64, sc.parallel_access}
      %parallel_loop3A_544 = arith.constant 0 : i32
      %parallel_loop3A_545 = arith.constant 32 : i32
      %parallel_loop3A_546 = arith.constant 1 : i32
      scf.for %parallel_loop3A_680 = %parallel_loop3A_544 to %parallel_loop3A_545 step %parallel_loop3A_546  : i32 {
        %parallel_loop3A_681 = arith.constant 0 : i32
        %parallel_loop3A_682 = vector.broadcast %parallel_loop3A_681 : i32 to vector<16xi32>
        %parallel_loop3A_683 = arith.muli %iota3A, %parallel_loop3A_682 : vector<16xi32>
        %parallel_loop3A_684 = vector.broadcast %parallel_loop3A_680 : i32 to vector<16xi32>
        %parallel_loop3A_685 = arith.addi %parallel_loop3A_683, %parallel_loop3A_684 : vector<16xi32>
        %parallel_loop3A_686 = arith.constant 8 : i32
        %parallel_loop3A_687 = arith.divsi %parallel_loop3A_680, %parallel_loop3A_686 : i32
        %parallel_loop3A_688 = arith.constant 0 : i32
        %parallel_loop3A_689 = arith.cmpi sgt, %parallel_loop3A_680, %parallel_loop3A_688 : i32
        %parallel_loop3A_690 = arith.extui %parallel_loop3A_689 : i1 to i32
        %parallel_loop3A_691 = arith.constant 0 : i32
        %parallel_loop3A_692 = arith.cmpi slt, %parallel_loop3A_680, %parallel_loop3A_691 : i32
        %parallel_loop3A_693 = arith.extui %parallel_loop3A_692 : i1 to i32
        %parallel_loop3A_694 = arith.subi %parallel_loop3A_690, %parallel_loop3A_693 : i32
        %parallel_loop3A_695 = arith.constant 0 : i32
        %parallel_loop3A_696 = arith.cmpi sgt, %parallel_loop3A_686, %parallel_loop3A_695 : i32
        %parallel_loop3A_697 = arith.extui %parallel_loop3A_696 : i1 to i32
        %parallel_loop3A_698 = arith.constant 0 : i32
        %parallel_loop3A_699 = arith.cmpi slt, %parallel_loop3A_686, %parallel_loop3A_698 : i32
        %parallel_loop3A_700 = arith.extui %parallel_loop3A_699 : i1 to i32
        %parallel_loop3A_701 = arith.subi %parallel_loop3A_697, %parallel_loop3A_700 : i32
        %parallel_loop3A_702 = arith.cmpi ne, %parallel_loop3A_694, %parallel_loop3A_701 : i32
        %parallel_loop3A_703 = arith.remsi %parallel_loop3A_680, %parallel_loop3A_686 : i32
        %parallel_loop3A_704 = arith.constant 0 : i32
        %parallel_loop3A_705 = arith.cmpi ne, %parallel_loop3A_703, %parallel_loop3A_704 : i32
        %parallel_loop3A_706 = arith.andi %parallel_loop3A_702, %parallel_loop3A_705 : i1
        %parallel_loop3A_707 = arith.constant 1 : i32
        %parallel_loop3A_708 = arith.subi %parallel_loop3A_687, %parallel_loop3A_707 : i32
        %parallel_loop3A_709 = arith.select %parallel_loop3A_706, %parallel_loop3A_708, %parallel_loop3A_687 : i32
        %parallel_loop3A_710 = arith.constant 8 : i32
        %parallel_loop3A_711 = arith.constant 0 : i32
        %parallel_loop3A_712 = arith.cmpi eq, %parallel_loop3A_710, %parallel_loop3A_711 : i32
        %parallel_loop3A_713 = arith.constant 1 : i32
        %parallel_loop3A_714 = arith.select %parallel_loop3A_712, %parallel_loop3A_713, %parallel_loop3A_710 : i32
        %parallel_loop3A_715 = arith.remsi %parallel_loop3A_680, %parallel_loop3A_714 : i32
        %parallel_loop3A_716 = arith.constant 0 : i32
        %parallel_loop3A_717 = arith.cmpi ne, %parallel_loop3A_715, %parallel_loop3A_716 : i32
        %parallel_loop3A_718 = arith.constant 0 : i32
        %parallel_loop3A_719 = arith.cmpi slt, %parallel_loop3A_715, %parallel_loop3A_718 : i32
        %parallel_loop3A_720 = arith.constant 0 : i32
        %parallel_loop3A_721 = arith.cmpi slt, %parallel_loop3A_714, %parallel_loop3A_720 : i32
        %parallel_loop3A_722 = arith.xori %parallel_loop3A_719, %parallel_loop3A_721 : i1
        %parallel_loop3A_723 = arith.andi %parallel_loop3A_722, %parallel_loop3A_717 : i1
        %parallel_loop3A_724 = arith.addi %parallel_loop3A_715, %parallel_loop3A_714 : i32
        %parallel_loop3A_725 = arith.select %parallel_loop3A_723, %parallel_loop3A_724, %parallel_loop3A_715 : i32
        %parallel_loop3A_726 = arith.constant 128 : i32
        %parallel_loop3A_727 = vector.broadcast %parallel_loop3A_726 : i32 to vector<16xi32>
        %parallel_loop3A_728 = arith.addi %iota3A, %parallel_loop3A_727 : vector<16xi32>
        %parallel_loop3A_729 = tpu.vector_load_idx %arg10[%parallel_loop3A_728, %parallel_loop3A_685] : memref<256x33xf32, #tpu.memory_space<vmem>>[vector<16xi32>, vector<16xi32>], vector<16xf32>,
        %parallel_loop3A_730 = arith.constant 2 : i32
        %parallel_loop3A_731 = arith.constant 1 : i32
        %parallel_loop3A_732 = arith.index_cast %parallel_loop3A_730 : i32 to index
        %parallel_loop3A_733 = arith.index_cast %parallel_loop3A_731 : i32 to index
        %parallel_loop3A_734 = arith.index_cast %parallel_loop3A_709 : i32 to index
        %parallel_loop3A_735 = arith.index_cast %parallel_loop3A_725 : i32 to index
        %parallel_loop3A_736 = arith.constant 0 : index
        %parallel_loop3A_737 = tpu.vector_load %arg11[%parallel_loop3A_732, %parallel_loop3A_733, %parallel_loop3A_734, %parallel_loop3A_735, %parallel_loop3A_736] {strides = array<i32>} : memref<4x2x4x8x128xf32, #tpu.memory_space<vmem>>, vector<16xf32>,
        tpu.vector_store %arg11[%parallel_loop3A_732, %parallel_loop3A_733, %parallel_loop3A_734, %parallel_loop3A_735, %parallel_loop3A_736], %parallel_loop3A_729 {strides = array<i32>} : memref<4x2x4x8x128xf32, #tpu.memory_space<vmem>>, vector<16xf32>,
        %parallel_loop3A_738 = arith.constant 144 : i32
        %parallel_loop3A_739 = vector.broadcast %parallel_loop3A_738 : i32 to vector<16xi32>
        %parallel_loop3A_740 = arith.addi %iota3A, %parallel_loop3A_739 : vector<16xi32>
        %parallel_loop3A_741 = tpu.vector_load_idx %arg10[%parallel_loop3A_740, %parallel_loop3A_685] : memref<256x33xf32, #tpu.memory_space<vmem>>[vector<16xi32>, vector<16xi32>], vector<16xf32>,
        %parallel_loop3A_742 = arith.constant 2 : i32
        %parallel_loop3A_743 = arith.constant 1 : i32
        %parallel_loop3A_744 = arith.index_cast %parallel_loop3A_742 : i32 to index
        %parallel_loop3A_745 = arith.index_cast %parallel_loop3A_743 : i32 to index
        %parallel_loop3A_746 = arith.index_cast %parallel_loop3A_709 : i32 to index
        %parallel_loop3A_747 = arith.index_cast %parallel_loop3A_725 : i32 to index
        %parallel_loop3A_748 = arith.constant 16 : index
        %parallel_loop3A_749 = tpu.vector_load %arg11[%parallel_loop3A_744, %parallel_loop3A_745, %parallel_loop3A_746, %parallel_loop3A_747, %parallel_loop3A_748] {strides = array<i32>} : memref<4x2x4x8x128xf32, #tpu.memory_space<vmem>>, vector<16xf32>,
        tpu.vector_store %arg11[%parallel_loop3A_744, %parallel_loop3A_745, %parallel_loop3A_746, %parallel_loop3A_747, %parallel_loop3A_748], %parallel_loop3A_741 {strides = array<i32>} : memref<4x2x4x8x128xf32, #tpu.memory_space<vmem>>, vector<16xf32>,
        %parallel_loop3A_750 = arith.constant 160 : i32
        %parallel_loop3A_751 = vector.broadcast %parallel_loop3A_750 : i32 to vector<16xi32>
        %parallel_loop3A_752 = arith.addi %iota3A, %parallel_loop3A_751 : vector<16xi32>
        %parallel_loop3A_753 = tpu.vector_load_idx %arg10[%parallel_loop3A_752, %parallel_loop3A_685] : memref<256x33xf32, #tpu.memory_space<vmem>>[vector<16xi32>, vector<16xi32>], vector<16xf32>,
        %parallel_loop3A_754 = arith.constant 2 : i32
        %parallel_loop3A_755 = arith.constant 1 : i32
        %parallel_loop3A_756 = arith.index_cast %parallel_loop3A_754 : i32 to index
        %parallel_loop3A_757 = arith.index_cast %parallel_loop3A_755 : i32 to index
        %parallel_loop3A_758 = arith.index_cast %parallel_loop3A_709 : i32 to index
        %parallel_loop3A_759 = arith.index_cast %parallel_loop3A_725 : i32 to index
        %parallel_loop3A_760 = arith.constant 32 : index
        %parallel_loop3A_761 = tpu.vector_load %arg11[%parallel_loop3A_756, %parallel_loop3A_757, %parallel_loop3A_758, %parallel_loop3A_759, %parallel_loop3A_760] {strides = array<i32>} : memref<4x2x4x8x128xf32, #tpu.memory_space<vmem>>, vector<16xf32>,
        tpu.vector_store %arg11[%parallel_loop3A_756, %parallel_loop3A_757, %parallel_loop3A_758, %parallel_loop3A_759, %parallel_loop3A_760], %parallel_loop3A_753 {strides = array<i32>} : memref<4x2x4x8x128xf32, #tpu.memory_space<vmem>>, vector<16xf32>,
        %parallel_loop3A_762 = arith.constant 176 : i32
        %parallel_loop3A_763 = vector.broadcast %parallel_loop3A_762 : i32 to vector<16xi32>
        %parallel_loop3A_764 = arith.addi %iota3A, %parallel_loop3A_763 : vector<16xi32>
        %parallel_loop3A_765 = tpu.vector_load_idx %arg10[%parallel_loop3A_764, %parallel_loop3A_685] : memref<256x33xf32, #tpu.memory_space<vmem>>[vector<16xi32>, vector<16xi32>], vector<16xf32>,
        %parallel_loop3A_766 = arith.constant 2 : i32
        %parallel_loop3A_767 = arith.constant 1 : i32
        %parallel_loop3A_768 = arith.index_cast %parallel_loop3A_766 : i32 to index
        %parallel_loop3A_769 = arith.index_cast %parallel_loop3A_767 : i32 to index
        %parallel_loop3A_770 = arith.index_cast %parallel_loop3A_709 : i32 to index
        %parallel_loop3A_771 = arith.index_cast %parallel_loop3A_725 : i32 to index
        %parallel_loop3A_772 = arith.constant 48 : index
        %parallel_loop3A_773 = tpu.vector_load %arg11[%parallel_loop3A_768, %parallel_loop3A_769, %parallel_loop3A_770, %parallel_loop3A_771, %parallel_loop3A_772] {strides = array<i32>} : memref<4x2x4x8x128xf32, #tpu.memory_space<vmem>>, vector<16xf32>,
        tpu.vector_store %arg11[%parallel_loop3A_768, %parallel_loop3A_769, %parallel_loop3A_770, %parallel_loop3A_771, %parallel_loop3A_772], %parallel_loop3A_765 {strides = array<i32>} : memref<4x2x4x8x128xf32, #tpu.memory_space<vmem>>, vector<16xf32>,
        %parallel_loop3A_774 = arith.constant 192 : i32
        %parallel_loop3A_775 = vector.broadcast %parallel_loop3A_774 : i32 to vector<16xi32>
        %parallel_loop3A_776 = arith.addi %iota3A, %parallel_loop3A_775 : vector<16xi32>
        %parallel_loop3A_777 = tpu.vector_load_idx %arg10[%parallel_loop3A_776, %parallel_loop3A_685] : memref<256x33xf32, #tpu.memory_space<vmem>>[vector<16xi32>, vector<16xi32>], vector<16xf32>,
        %parallel_loop3A_778 = arith.constant 2 : i32
        %parallel_loop3A_779 = arith.constant 1 : i32
        %parallel_loop3A_780 = arith.index_cast %parallel_loop3A_778 : i32 to index
        %parallel_loop3A_781 = arith.index_cast %parallel_loop3A_779 : i32 to index
        %parallel_loop3A_782 = arith.index_cast %parallel_loop3A_709 : i32 to index
        %parallel_loop3A_783 = arith.index_cast %parallel_loop3A_725 : i32 to index
        %parallel_loop3A_784 = arith.constant 64 : index
        %parallel_loop3A_785 = tpu.vector_load %arg11[%parallel_loop3A_780, %parallel_loop3A_781, %parallel_loop3A_782, %parallel_loop3A_783, %parallel_loop3A_784] {strides = array<i32>} : memref<4x2x4x8x128xf32, #tpu.memory_space<vmem>>, vector<16xf32>,
        tpu.vector_store %arg11[%parallel_loop3A_780, %parallel_loop3A_781, %parallel_loop3A_782, %parallel_loop3A_783, %parallel_loop3A_784], %parallel_loop3A_777 {strides = array<i32>} : memref<4x2x4x8x128xf32, #tpu.memory_space<vmem>>, vector<16xf32>,
        %parallel_loop3A_786 = arith.constant 208 : i32
        %parallel_loop3A_787 = vector.broadcast %parallel_loop3A_786 : i32 to vector<16xi32>
        %parallel_loop3A_788 = arith.addi %iota3A, %parallel_loop3A_787 : vector<16xi32>
        %parallel_loop3A_789 = tpu.vector_load_idx %arg10[%parallel_loop3A_788, %parallel_loop3A_685] : memref<256x33xf32, #tpu.memory_space<vmem>>[vector<16xi32>, vector<16xi32>], vector<16xf32>,
        %parallel_loop3A_790 = arith.constant 2 : i32
        %parallel_loop3A_791 = arith.constant 1 : i32
        %parallel_loop3A_792 = arith.index_cast %parallel_loop3A_790 : i32 to index
        %parallel_loop3A_793 = arith.index_cast %parallel_loop3A_791 : i32 to index
        %parallel_loop3A_794 = arith.index_cast %parallel_loop3A_709 : i32 to index
        %parallel_loop3A_795 = arith.index_cast %parallel_loop3A_725 : i32 to index
        %parallel_loop3A_796 = arith.constant 80 : index
        %parallel_loop3A_797 = tpu.vector_load %arg11[%parallel_loop3A_792, %parallel_loop3A_793, %parallel_loop3A_794, %parallel_loop3A_795, %parallel_loop3A_796] {strides = array<i32>} : memref<4x2x4x8x128xf32, #tpu.memory_space<vmem>>, vector<16xf32>,
        tpu.vector_store %arg11[%parallel_loop3A_792, %parallel_loop3A_793, %parallel_loop3A_794, %parallel_loop3A_795, %parallel_loop3A_796], %parallel_loop3A_789 {strides = array<i32>} : memref<4x2x4x8x128xf32, #tpu.memory_space<vmem>>, vector<16xf32>,
        %parallel_loop3A_798 = arith.constant 224 : i32
        %parallel_loop3A_799 = vector.broadcast %parallel_loop3A_798 : i32 to vector<16xi32>
        %parallel_loop3A_800 = arith.addi %iota3A, %parallel_loop3A_799 : vector<16xi32>
        %parallel_loop3A_801 = tpu.vector_load_idx %arg10[%parallel_loop3A_800, %parallel_loop3A_685] : memref<256x33xf32, #tpu.memory_space<vmem>>[vector<16xi32>, vector<16xi32>], vector<16xf32>,
        %parallel_loop3A_802 = arith.constant 2 : i32
        %parallel_loop3A_803 = arith.constant 1 : i32
        %parallel_loop3A_804 = arith.index_cast %parallel_loop3A_802 : i32 to index
        %parallel_loop3A_805 = arith.index_cast %parallel_loop3A_803 : i32 to index
        %parallel_loop3A_806 = arith.index_cast %parallel_loop3A_709 : i32 to index
        %parallel_loop3A_807 = arith.index_cast %parallel_loop3A_725 : i32 to index
        %parallel_loop3A_808 = arith.constant 96 : index
        %parallel_loop3A_809 = tpu.vector_load %arg11[%parallel_loop3A_804, %parallel_loop3A_805, %parallel_loop3A_806, %parallel_loop3A_807, %parallel_loop3A_808] {strides = array<i32>} : memref<4x2x4x8x128xf32, #tpu.memory_space<vmem>>, vector<16xf32>,
        tpu.vector_store %arg11[%parallel_loop3A_804, %parallel_loop3A_805, %parallel_loop3A_806, %parallel_loop3A_807, %parallel_loop3A_808], %parallel_loop3A_801 {strides = array<i32>} : memref<4x2x4x8x128xf32, #tpu.memory_space<vmem>>, vector<16xf32>,
        %parallel_loop3A_810 = arith.constant 240 : i32
        %parallel_loop3A_811 = vector.broadcast %parallel_loop3A_810 : i32 to vector<16xi32>
        %parallel_loop3A_812 = arith.addi %iota3A, %parallel_loop3A_811 : vector<16xi32>
        %parallel_loop3A_813 = tpu.vector_load_idx %arg10[%parallel_loop3A_812, %parallel_loop3A_685] : memref<256x33xf32, #tpu.memory_space<vmem>>[vector<16xi32>, vector<16xi32>], vector<16xf32>,
        %parallel_loop3A_814 = arith.constant 2 : i32
        %parallel_loop3A_815 = arith.constant 1 : i32
        %parallel_loop3A_816 = arith.index_cast %parallel_loop3A_814 : i32 to index
        %parallel_loop3A_817 = arith.index_cast %parallel_loop3A_815 : i32 to index
        %parallel_loop3A_818 = arith.index_cast %parallel_loop3A_709 : i32 to index
        %parallel_loop3A_819 = arith.index_cast %parallel_loop3A_725 : i32 to index
        %parallel_loop3A_820 = arith.constant 112 : index
        %parallel_loop3A_821 = tpu.vector_load %arg11[%parallel_loop3A_816, %parallel_loop3A_817, %parallel_loop3A_818, %parallel_loop3A_819, %parallel_loop3A_820] {strides = array<i32>} : memref<4x2x4x8x128xf32, #tpu.memory_space<vmem>>, vector<16xf32>,
        tpu.vector_store %arg11[%parallel_loop3A_816, %parallel_loop3A_817, %parallel_loop3A_818, %parallel_loop3A_819, %parallel_loop3A_820], %parallel_loop3A_813 {strides = array<i32>} : memref<4x2x4x8x128xf32, #tpu.memory_space<vmem>>, vector<16xf32>,
      } {sc.loop_unroll_factor = 4 : i64, sc.parallel_access}
      %add3A_547 = arith.constant 4 : i32
      %add3A_548 = arith.addi %add3A_491, %add3A_547 : i32
      %sub3A_549 = arith.constant 1 : i32
      %sub3A_550 = arith.subi %add3A_548, %sub3A_549 : i32
      %lt3A_551 = arith.constant 24 : i32
      %lt3A_552 = arith.cmpi slt, %add3A_271, %lt3A_551 : i32
      %convert_element_type3A_553 = arith.extui %lt3A_552 : i1 to i32
      %cond3A_554 = arith.constant 0 : i32
      %cond3A_555 = arith.cmpi ne, %convert_element_type3A_553, %cond3A_554 : i32
      scf.if %cond3A_555 {
        %mul3A_680 = arith.constant 2 : i32
        %mul3A_681 = arith.muli %sub3A_550, %mul3A_680 : i32
        %add3A_682 = arith.constant 0 : i32
        %add3A_683 = arith.addi %mul3A_681, %add3A_682 : i32
        %dma_start3A_684 = arith.constant 1 : i32
        %dma_start3A_685 = arith.constant 1 : i32
        %dma_start3A_686 = arith.constant 0 : i32
        %dma_start3A_687 = arith.constant 0 : i32
        %dma_start3A_688 = tpu.memref_slice %arg9[%dma_start3A_684, %dma_start3A_686, %dma_start3A_687] : memref<4x256x32xf32, #tpu.memory_space<vmem>> -> memref<1x128x32xf32, #tpu.memory_space<vmem>>
        %dma_start3A_689 = tpu.memref_squeeze %dma_start3A_688 : memref<1x128x32xf32, #tpu.memory_space<vmem>> -> memref<128x32xf32, #tpu.memory_space<vmem>>
        %dma_start3A_690 = arith.constant 0 : i32
        %dma_start3A_691 = tpu.memref_slice %arg8[%add3A_683, %dma_start3A_690] : memref<200x128xi32, #tpu.memory_space<vmem>> -> memref<1x128xi32, #tpu.memory_space<vmem>>
        %dma_start3A_692 = tpu.memref_squeeze %dma_start3A_691 : memref<1x128xi32, #tpu.memory_space<vmem>> -> memref<128xi32, #tpu.memory_space<vmem>>
        %dma_start3A_693 = arith.constant 0 : i32
        %dma_start3A_694 = arith.constant 0 : i32
        %dma_start3A_695 = tpu.memref_slice %arg2[%dma_start3A_693, %dma_start3A_694] : memref<1000000x32xf32, #tpu.memory_space<hbm>> -> memref<1000000x32xf32, #tpu.memory_space<hbm>>
        %dma_start3A_696 = tpu.memref_slice %arg12[%dma_start3A_685] : memref<4x!tpu.dma_semaphore, #tpu.memory_space<semaphore_mem>> -> memref<1x!tpu.dma_semaphore, #tpu.memory_space<semaphore_mem>>
        %dma_start3A_697 = tpu.memref_squeeze %dma_start3A_696 : memref<1x!tpu.dma_semaphore, #tpu.memory_space<semaphore_mem>> -> memref<!tpu.dma_semaphore, #tpu.memory_space<semaphore_mem>>
        tpu.enqueue_indirect_dma source(%dma_start3A_695 : memref<1000000x32xf32, #tpu.memory_space<hbm>>) target(%dma_start3A_689 : memref<128x32xf32, #tpu.memory_space<vmem>>) offsets(%dma_start3A_692 : memref<128xi32, #tpu.memory_space<vmem>>) semaphore(%dma_start3A_697 : memref<!tpu.dma_semaphore, #tpu.memory_space<semaphore_mem>>)
        %mul3A_698 = arith.constant 2 : i32
        %mul3A_699 = arith.muli %sub3A_550, %mul3A_698 : i32
        %add3A_700 = arith.constant 1 : i32
        %add3A_701 = arith.addi %mul3A_699, %add3A_700 : i32
        %dma_start3A_702 = arith.constant 1 : i32
        %dma_start3A_703 = arith.constant 1 : i32
        %dma_start3A_704 = arith.constant 128 : i32
        %dma_start3A_705 = arith.constant 0 : i32
        %dma_start3A_706 = tpu.memref_slice %arg9[%dma_start3A_702, %dma_start3A_704, %dma_start3A_705] : memref<4x256x32xf32, #tpu.memory_space<vmem>> -> memref<1x128x32xf32, #tpu.memory_space<vmem>>
        %dma_start3A_707 = tpu.memref_squeeze %dma_start3A_706 : memref<1x128x32xf32, #tpu.memory_space<vmem>> -> memref<128x32xf32, #tpu.memory_space<vmem>>
        %dma_start3A_708 = arith.constant 0 : i32
        %dma_start3A_709 = tpu.memref_slice %arg8[%add3A_701, %dma_start3A_708] : memref<200x128xi32, #tpu.memory_space<vmem>> -> memref<1x128xi32, #tpu.memory_space<vmem>>
        %dma_start3A_710 = tpu.memref_squeeze %dma_start3A_709 : memref<1x128xi32, #tpu.memory_space<vmem>> -> memref<128xi32, #tpu.memory_space<vmem>>
        %dma_start3A_711 = arith.constant 0 : i32
        %dma_start3A_712 = arith.constant 0 : i32
        %dma_start3A_713 = tpu.memref_slice %arg2[%dma_start3A_711, %dma_start3A_712] : memref<1000000x32xf32, #tpu.memory_space<hbm>> -> memref<1000000x32xf32, #tpu.memory_space<hbm>>
        %dma_start3A_714 = tpu.memref_slice %arg12[%dma_start3A_703] : memref<4x!tpu.dma_semaphore, #tpu.memory_space<semaphore_mem>> -> memref<1x!tpu.dma_semaphore, #tpu.memory_space<semaphore_mem>>
        %dma_start3A_715 = tpu.memref_squeeze %dma_start3A_714 : memref<1x!tpu.dma_semaphore, #tpu.memory_space<semaphore_mem>> -> memref<!tpu.dma_semaphore, #tpu.memory_space<semaphore_mem>>
        tpu.enqueue_indirect_dma source(%dma_start3A_713 : memref<1000000x32xf32, #tpu.memory_space<hbm>>) target(%dma_start3A_707 : memref<128x32xf32, #tpu.memory_space<vmem>>) offsets(%dma_start3A_710 : memref<128xi32, #tpu.memory_space<vmem>>) semaphore(%dma_start3A_715 : memref<!tpu.dma_semaphore, #tpu.memory_space<semaphore_mem>>)
      } else {
      }
      %mul3A_556 = arith.constant 2 : i32
      %mul3A_557 = arith.muli %add3A_491, %mul3A_556 : i32
      %dma_start3A_558 = arith.constant 2 : i32
      %dma_start3A_559 = arith.constant 2 : i32
      %dma_start3A_560 = arith.constant 0 : i32
      %dma_start3A_561 = arith.constant 0 : i32
      %dma_start3A_562 = arith.constant 0 : i32
      %dma_start3A_563 = arith.constant 0 : i32
      %dma_start3A_564 = tpu.memref_slice %arg11[%dma_start3A_558, %dma_start3A_560, %dma_start3A_561, %dma_start3A_562, %dma_start3A_563] : memref<4x2x4x8x128xf32, #tpu.memory_space<vmem>> -> memref<1x2x4x8x128xf32, #tpu.memory_space<vmem>>
      %dma_start3A_565 = tpu.memref_squeeze %dma_start3A_564 : memref<1x2x4x8x128xf32, #tpu.memory_space<vmem>> -> memref<2x4x8x128xf32, #tpu.memory_space<vmem>>
      %dma_start3A_566 = arith.constant 0 : i32
      %dma_start3A_567 = arith.constant 0 : i32
      %dma_start3A_568 = arith.constant 0 : i32
      %dma_start3A_569 = tpu.memref_slice %arg5[%mul3A_557, %dma_start3A_566, %add3A, %dma_start3A_567, %dma_start3A_568] : memref<200x4x32x8x128xf32, #tpu.memory_space<hbm>> -> memref<2x4x1x8x128xf32, #tpu.memory_space<hbm>>
      %dma_start3A_570 = tpu.memref_squeeze %dma_start3A_569 : memref<2x4x1x8x128xf32, #tpu.memory_space<hbm>> -> memref<2x4x8x128xf32, #tpu.memory_space<hbm>>
      %dma_start3A_571 = tpu.memref_slice %arg13[%dma_start3A_559] : memref<4x!tpu.dma_semaphore, #tpu.memory_space<semaphore_mem>> -> memref<1x!tpu.dma_semaphore, #tpu.memory_space<semaphore_mem>>
      %dma_start3A_572 = tpu.memref_squeeze %dma_start3A_571 : memref<1x!tpu.dma_semaphore, #tpu.memory_space<semaphore_mem>> -> memref<!tpu.dma_semaphore, #tpu.memory_space<semaphore_mem>>
      %dma_start3A_573 = arith.constant 0 : i32
      %dma_start3A_574 = arith.constant 0 : i32
      %dma_start3A_575 = arith.constant 0 : i32
      %dma_start3A_576 = tpu.memref_slice %arg5[%mul3A_557, %dma_start3A_573, %add3A, %dma_start3A_574, %dma_start3A_575] : memref<200x4x32x8x128xf32, #tpu.memory_space<hbm>> -> memref<2x4x1x8x128xf32, #tpu.memory_space<hbm>>
      %dma_start3A_577 = tpu.memref_squeeze %dma_start3A_576 : memref<2x4x1x8x128xf32, #tpu.memory_space<hbm>> -> memref<2x4x8x128xf32, #tpu.memory_space<hbm>>
      %dma_start3A_578 = arith.constant 0 : i32
      %dma_start3A_579 = arith.constant 0 : i32
      %dma_start3A_580 = arith.constant 0 : i32
      %dma_start3A_581 = arith.constant 0 : i32
      %dma_start3A_582 = tpu.memref_slice %arg11[%dma_start3A_558, %dma_start3A_578, %dma_start3A_579, %dma_start3A_580, %dma_start3A_581] : memref<4x2x4x8x128xf32, #tpu.memory_space<vmem>> -> memref<1x2x4x8x128xf32, #tpu.memory_space<vmem>>
      %dma_start3A_583 = tpu.memref_squeeze %dma_start3A_582 : memref<1x2x4x8x128xf32, #tpu.memory_space<vmem>> -> memref<2x4x8x128xf32, #tpu.memory_space<vmem>>
      tpu.enqueue_dma source(%dma_start3A_583 : memref<2x4x8x128xf32, #tpu.memory_space<vmem>>) target(%dma_start3A_577 : memref<2x4x8x128xf32, #tpu.memory_space<hbm>>) target_semaphore(%dma_start3A_572 : memref<!tpu.dma_semaphore, #tpu.memory_space<semaphore_mem>>)
      %mul3A_584 = arith.constant 4 : i32
      %mul3A_585 = arith.muli %add3A_271, %mul3A_584 : i32
      %add3A_586 = arith.constant 3 : i32
      %add3A_587 = arith.addi %mul3A_585, %add3A_586 : i32
      %dma_wait3A_588 = arith.constant 3 : i32
      %dma_wait3A_589 = arith.constant 3 : i32
      %dma_wait3A_590 = arith.constant 0 : i32
      %dma_wait3A_591 = arith.constant 0 : i32
      %dma_wait3A_592 = tpu.memref_slice %arg9[%dma_wait3A_588, %dma_wait3A_590, %dma_wait3A_591] : memref<4x256x32xf32, #tpu.memory_space<vmem>> -> memref<1x256x32xf32, #tpu.memory_space<vmem>>
      %dma_wait3A_593 = tpu.memref_squeeze %dma_wait3A_592 : memref<1x256x32xf32, #tpu.memory_space<vmem>> -> memref<256x32xf32, #tpu.memory_space<vmem>>
      %dma_wait3A_594 = arith.constant 0 : i32
      %dma_wait3A_595 = arith.constant 0 : i32
      %dma_wait3A_596 = tpu.memref_slice %arg2[%dma_wait3A_594, %dma_wait3A_595] : memref<1000000x32xf32, #tpu.memory_space<hbm>> -> memref<256x32xf32, #tpu.memory_space<hbm>>
      %dma_wait3A_597 = tpu.memref_slice %arg12[%dma_wait3A_589] : memref<4x!tpu.dma_semaphore, #tpu.memory_space<semaphore_mem>> -> memref<1x!tpu.dma_semaphore, #tpu.memory_space<semaphore_mem>>
      %dma_wait3A_598 = tpu.memref_squeeze %dma_wait3A_597 : memref<1x!tpu.dma_semaphore, #tpu.memory_space<semaphore_mem>> -> memref<!tpu.dma_semaphore, #tpu.memory_space<semaphore_mem>>
      %dma_wait3A_599 = arith.constant 0 : i32
      %dma_wait3A_600 = arith.constant 0 : i32
      %dma_wait3A_601 = tpu.memref_slice %arg9[%dma_wait3A_588, %dma_wait3A_599, %dma_wait3A_600] : memref<4x256x32xf32, #tpu.memory_space<vmem>> -> memref<1x256x32xf32, #tpu.memory_space<vmem>>
      %dma_wait3A_602 = tpu.memref_squeeze %dma_wait3A_601 : memref<1x256x32xf32, #tpu.memory_space<vmem>> -> memref<256x32xf32, #tpu.memory_space<vmem>>
      %dma_wait3A_603 = arith.constant 0 : i32
      %dma_wait3A_604 = arith.constant 0 : i32
      %dma_wait3A_605 = tpu.memref_slice %arg2[%dma_wait3A_603, %dma_wait3A_604] : memref<1000000x32xf32, #tpu.memory_space<hbm>> -> memref<256x32xf32, #tpu.memory_space<hbm>>
      tpu.wait_dma2 semaphore(%dma_wait3A_598 : memref<!tpu.dma_semaphore, #tpu.memory_space<semaphore_mem>>) src(%dma_wait3A_605 : memref<256x32xf32, #tpu.memory_space<hbm>>) dst(%dma_wait3A_602 : memref<256x32xf32, #tpu.memory_space<vmem>>)
      %mul3A_606 = arith.constant 2 : i32
      %mul3A_607 = arith.muli %add3A_587, %mul3A_606 : i32
      %add3A_608 = arith.constant 0 : i32
      %add3A_609 = arith.addi %mul3A_607, %add3A_608 : i32
      %get3A_610 = arith.index_cast %add3A_609 : i32 to index
      %get3A_611 = arith.constant 0 : index
      %get3A_612 = tpu.vector_load %arg6[%get3A_610, %get3A_611] {strides = array<i32>} : memref<200x32xf32, #tpu.memory_space<vmem>>, vector<16xf32>,
      %get3A_613 = arith.index_cast %add3A_609 : i32 to index
      %get3A_614 = arith.constant 16 : index
      %get3A_615 = tpu.vector_load %arg6[%get3A_613, %get3A_614] {strides = array<i32>} : memref<200x32xf32, #tpu.memory_space<vmem>>, vector<16xf32>,
      %parallel_loop3A_616 = arith.constant 0 : i32
      %parallel_loop3A_617 = arith.constant 128 : i32
      %parallel_loop3A_618 = arith.constant 1 : i32
      scf.for %parallel_loop3A_680 = %parallel_loop3A_616 to %parallel_loop3A_617 step %parallel_loop3A_618  : i32 {
        %parallel_loop3A_681 = arith.constant 0 : i32
        %parallel_loop3A_682 = arith.addi %parallel_loop3A_681, %parallel_loop3A_680 : i32
        %parallel_loop3A_683 = arith.constant 3 : i32
        %parallel_loop3A_684 = arith.index_cast %parallel_loop3A_683 : i32 to index
        %parallel_loop3A_685 = arith.index_cast %parallel_loop3A_682 : i32 to index
        %parallel_loop3A_686 = arith.constant 0 : index
        %parallel_loop3A_687 = tpu.vector_load %arg9[%parallel_loop3A_684, %parallel_loop3A_685, %parallel_loop3A_686] {strides = array<i32>} : memref<4x256x32xf32, #tpu.memory_space<vmem>>, vector<16xf32>,
        %parallel_loop3A_688 = arith.addf %parallel_loop3A_687, %get3A_612 : vector<16xf32>
        %parallel_loop3A_689 = arith.constant 0 : i32
        %parallel_loop3A_690 = arith.addi %parallel_loop3A_689, %parallel_loop3A_680 : i32
        %parallel_loop3A_691 = arith.index_cast %parallel_loop3A_690 : i32 to index
        %parallel_loop3A_692 = arith.constant 0 : index
        %parallel_loop3A_693 = tpu.vector_load %arg10[%parallel_loop3A_691, %parallel_loop3A_692] {strides = array<i32>} : memref<256x33xf32, #tpu.memory_space<vmem>>, vector<16xf32>,
        tpu.vector_store %arg10[%parallel_loop3A_691, %parallel_loop3A_692], %parallel_loop3A_688 {strides = array<i32>} : memref<256x33xf32, #tpu.memory_space<vmem>>, vector<16xf32>,
        %parallel_loop3A_694 = arith.constant 0 : i32
        %parallel_loop3A_695 = arith.addi %parallel_loop3A_694, %parallel_loop3A_680 : i32
        %parallel_loop3A_696 = arith.constant 3 : i32
        %parallel_loop3A_697 = arith.index_cast %parallel_loop3A_696 : i32 to index
        %parallel_loop3A_698 = arith.index_cast %parallel_loop3A_695 : i32 to index
        %parallel_loop3A_699 = arith.constant 16 : index
        %parallel_loop3A_700 = tpu.vector_load %arg9[%parallel_loop3A_697, %parallel_loop3A_698, %parallel_loop3A_699] {strides = array<i32>} : memref<4x256x32xf32, #tpu.memory_space<vmem>>, vector<16xf32>,
        %parallel_loop3A_701 = arith.addf %parallel_loop3A_700, %get3A_615 : vector<16xf32>
        %parallel_loop3A_702 = arith.constant 0 : i32
        %parallel_loop3A_703 = arith.addi %parallel_loop3A_702, %parallel_loop3A_680 : i32
        %parallel_loop3A_704 = arith.index_cast %parallel_loop3A_703 : i32 to index
        %parallel_loop3A_705 = arith.constant 16 : index
        %parallel_loop3A_706 = tpu.vector_load %arg10[%parallel_loop3A_704, %parallel_loop3A_705] {strides = array<i32>} : memref<256x33xf32, #tpu.memory_space<vmem>>, vector<16xf32>,
        tpu.vector_store %arg10[%parallel_loop3A_704, %parallel_loop3A_705], %parallel_loop3A_701 {strides = array<i32>} : memref<256x33xf32, #tpu.memory_space<vmem>>, vector<16xf32>,
      } {sc.loop_unroll_factor = 4 : i64, sc.parallel_access}
      %mul3A_619 = arith.constant 2 : i32
      %mul3A_620 = arith.muli %add3A_587, %mul3A_619 : i32
      %add3A_621 = arith.constant 1 : i32
      %add3A_622 = arith.addi %mul3A_620, %add3A_621 : i32
      %get3A_623 = arith.index_cast %add3A_622 : i32 to index
      %get3A_624 = arith.constant 0 : index
      %get3A_625 = tpu.vector_load %arg6[%get3A_623, %get3A_624] {strides = array<i32>} : memref<200x32xf32, #tpu.memory_space<vmem>>, vector<16xf32>,
      %get3A_626 = arith.index_cast %add3A_622 : i32 to index
      %get3A_627 = arith.constant 16 : index
      %get3A_628 = tpu.vector_load %arg6[%get3A_626, %get3A_627] {strides = array<i32>} : memref<200x32xf32, #tpu.memory_space<vmem>>, vector<16xf32>,
      %parallel_loop3A_629 = arith.constant 0 : i32
      %parallel_loop3A_630 = arith.constant 128 : i32
      %parallel_loop3A_631 = arith.constant 1 : i32
      scf.for %parallel_loop3A_680 = %parallel_loop3A_629 to %parallel_loop3A_630 step %parallel_loop3A_631  : i32 {
        %parallel_loop3A_681 = arith.constant 128 : i32
        %parallel_loop3A_682 = arith.addi %parallel_loop3A_681, %parallel_loop3A_680 : i32
        %parallel_loop3A_683 = arith.constant 3 : i32
        %parallel_loop3A_684 = arith.index_cast %parallel_loop3A_683 : i32 to index
        %parallel_loop3A_685 = arith.index_cast %parallel_loop3A_682 : i32 to index
        %parallel_loop3A_686 = arith.constant 0 : index
        %parallel_loop3A_687 = tpu.vector_load %arg9[%parallel_loop3A_684, %parallel_loop3A_685, %parallel_loop3A_686] {strides = array<i32>} : memref<4x256x32xf32, #tpu.memory_space<vmem>>, vector<16xf32>,
        %parallel_loop3A_688 = arith.addf %parallel_loop3A_687, %get3A_625 : vector<16xf32>
        %parallel_loop3A_689 = arith.constant 128 : i32
        %parallel_loop3A_690 = arith.addi %parallel_loop3A_689, %parallel_loop3A_680 : i32
        %parallel_loop3A_691 = arith.index_cast %parallel_loop3A_690 : i32 to index
        %parallel_loop3A_692 = arith.constant 0 : index
        %parallel_loop3A_693 = tpu.vector_load %arg10[%parallel_loop3A_691, %parallel_loop3A_692] {strides = array<i32>} : memref<256x33xf32, #tpu.memory_space<vmem>>, vector<16xf32>,
        tpu.vector_store %arg10[%parallel_loop3A_691, %parallel_loop3A_692], %parallel_loop3A_688 {strides = array<i32>} : memref<256x33xf32, #tpu.memory_space<vmem>>, vector<16xf32>,
        %parallel_loop3A_694 = arith.constant 128 : i32
        %parallel_loop3A_695 = arith.addi %parallel_loop3A_694, %parallel_loop3A_680 : i32
        %parallel_loop3A_696 = arith.constant 3 : i32
        %parallel_loop3A_697 = arith.index_cast %parallel_loop3A_696 : i32 to index
        %parallel_loop3A_698 = arith.index_cast %parallel_loop3A_695 : i32 to index
        %parallel_loop3A_699 = arith.constant 16 : index
        %parallel_loop3A_700 = tpu.vector_load %arg9[%parallel_loop3A_697, %parallel_loop3A_698, %parallel_loop3A_699] {strides = array<i32>} : memref<4x256x32xf32, #tpu.memory_space<vmem>>, vector<16xf32>,
        %parallel_loop3A_701 = arith.addf %parallel_loop3A_700, %get3A_628 : vector<16xf32>
        %parallel_loop3A_702 = arith.constant 128 : i32
        %parallel_loop3A_703 = arith.addi %parallel_loop3A_702, %parallel_loop3A_680 : i32
        %parallel_loop3A_704 = arith.index_cast %parallel_loop3A_703 : i32 to index
        %parallel_loop3A_705 = arith.constant 16 : index
        %parallel_loop3A_706 = tpu.vector_load %arg10[%parallel_loop3A_704, %parallel_loop3A_705] {strides = array<i32>} : memref<256x33xf32, #tpu.memory_space<vmem>>, vector<16xf32>,
        tpu.vector_store %arg10[%parallel_loop3A_704, %parallel_loop3A_705], %parallel_loop3A_701 {strides = array<i32>} : memref<256x33xf32, #tpu.memory_space<vmem>>, vector<16xf32>,
      } {sc.loop_unroll_factor = 4 : i64, sc.parallel_access}
      %gt3A_632 = arith.constant 0 : i32
      %gt3A_633 = arith.cmpi sgt, %add3A_271, %gt3A_632 : i32
      %convert_element_type3A_634 = arith.extui %gt3A_633 : i1 to i32
      %cond3A_635 = arith.constant 0 : i32
      %cond3A_636 = arith.cmpi ne, %convert_element_type3A_634, %cond3A_635 : i32
      scf.if %cond3A_636 {
        %dma_wait3A_680 = arith.constant 3 : i32
        %dma_wait3A_681 = arith.constant 0 : i32
        %dma_wait3A_682 = arith.constant 3 : i32
        %dma_wait3A_683 = arith.constant 0 : i32
        %dma_wait3A_684 = arith.constant 0 : i32
        %dma_wait3A_685 = arith.constant 0 : i32
        %dma_wait3A_686 = arith.constant 0 : i32
        %dma_wait3A_687 = tpu.memref_slice %arg11[%dma_wait3A_680, %dma_wait3A_683, %dma_wait3A_684, %dma_wait3A_685, %dma_wait3A_686] : memref<4x2x4x8x128xf32, #tpu.memory_space<vmem>> -> memref<1x2x4x8x128xf32, #tpu.memory_space<vmem>>
        %dma_wait3A_688 = tpu.memref_squeeze %dma_wait3A_687 : memref<1x2x4x8x128xf32, #tpu.memory_space<vmem>> -> memref<2x4x8x128xf32, #tpu.memory_space<vmem>>
        %dma_wait3A_689 = arith.constant 0 : i32
        %dma_wait3A_690 = arith.constant 0 : i32
        %dma_wait3A_691 = arith.constant 0 : i32
        %dma_wait3A_692 = arith.constant 0 : i32
        %dma_wait3A_693 = tpu.memref_slice %arg5[%dma_wait3A_689, %dma_wait3A_690, %dma_wait3A_681, %dma_wait3A_691, %dma_wait3A_692] : memref<200x4x32x8x128xf32, #tpu.memory_space<hbm>> -> memref<2x4x1x8x128xf32, #tpu.memory_space<hbm>>
        %dma_wait3A_694 = tpu.memref_squeeze %dma_wait3A_693 : memref<2x4x1x8x128xf32, #tpu.memory_space<hbm>> -> memref<2x4x8x128xf32, #tpu.memory_space<hbm>>
        %dma_wait3A_695 = tpu.memref_slice %arg13[%dma_wait3A_682] : memref<4x!tpu.dma_semaphore, #tpu.memory_space<semaphore_mem>> -> memref<1x!tpu.dma_semaphore, #tpu.memory_space<semaphore_mem>>
        %dma_wait3A_696 = tpu.memref_squeeze %dma_wait3A_695 : memref<1x!tpu.dma_semaphore, #tpu.memory_space<semaphore_mem>> -> memref<!tpu.dma_semaphore, #tpu.memory_space<semaphore_mem>>
        %dma_wait3A_697 = arith.constant 0 : i32
        %dma_wait3A_698 = arith.constant 0 : i32
        %dma_wait3A_699 = arith.constant 0 : i32
        %dma_wait3A_700 = arith.constant 0 : i32
        %dma_wait3A_701 = tpu.memref_slice %arg5[%dma_wait3A_697, %dma_wait3A_698, %dma_wait3A_681, %dma_wait3A_699, %dma_wait3A_700] : memref<200x4x32x8x128xf32, #tpu.memory_space<hbm>> -> memref<2x4x1x8x128xf32, #tpu.memory_space<hbm>>
        %dma_wait3A_702 = tpu.memref_squeeze %dma_wait3A_701 : memref<2x4x1x8x128xf32, #tpu.memory_space<hbm>> -> memref<2x4x8x128xf32, #tpu.memory_space<hbm>>
        %dma_wait3A_703 = arith.constant 0 : i32
        %dma_wait3A_704 = arith.constant 0 : i32
        %dma_wait3A_705 = arith.constant 0 : i32
        %dma_wait3A_706 = arith.constant 0 : i32
        %dma_wait3A_707 = tpu.memref_slice %arg11[%dma_wait3A_680, %dma_wait3A_703, %dma_wait3A_704, %dma_wait3A_705, %dma_wait3A_706] : memref<4x2x4x8x128xf32, #tpu.memory_space<vmem>> -> memref<1x2x4x8x128xf32, #tpu.memory_space<vmem>>
        %dma_wait3A_708 = tpu.memref_squeeze %dma_wait3A_707 : memref<1x2x4x8x128xf32, #tpu.memory_space<vmem>> -> memref<2x4x8x128xf32, #tpu.memory_space<vmem>>
        tpu.wait_dma2 semaphore(%dma_wait3A_696 : memref<!tpu.dma_semaphore, #tpu.memory_space<semaphore_mem>>) src(%dma_wait3A_708 : memref<2x4x8x128xf32, #tpu.memory_space<vmem>>) dst(%dma_wait3A_702 : memref<2x4x8x128xf32, #tpu.memory_space<hbm>>)
      } else {
      }
      %parallel_loop3A_637 = arith.constant 0 : i32
      %parallel_loop3A_638 = arith.constant 32 : i32
      %parallel_loop3A_639 = arith.constant 1 : i32
      scf.for %parallel_loop3A_680 = %parallel_loop3A_637 to %parallel_loop3A_638 step %parallel_loop3A_639  : i32 {
        %parallel_loop3A_681 = arith.constant 0 : i32
        %parallel_loop3A_682 = vector.broadcast %parallel_loop3A_681 : i32 to vector<16xi32>
        %parallel_loop3A_683 = arith.muli %iota3A, %parallel_loop3A_682 : vector<16xi32>
        %parallel_loop3A_684 = vector.broadcast %parallel_loop3A_680 : i32 to vector<16xi32>
        %parallel_loop3A_685 = arith.addi %parallel_loop3A_683, %parallel_loop3A_684 : vector<16xi32>
        %parallel_loop3A_686 = arith.constant 8 : i32
        %parallel_loop3A_687 = arith.divsi %parallel_loop3A_680, %parallel_loop3A_686 : i32
        %parallel_loop3A_688 = arith.constant 0 : i32
        %parallel_loop3A_689 = arith.cmpi sgt, %parallel_loop3A_680, %parallel_loop3A_688 : i32
        %parallel_loop3A_690 = arith.extui %parallel_loop3A_689 : i1 to i32
        %parallel_loop3A_691 = arith.constant 0 : i32
        %parallel_loop3A_692 = arith.cmpi slt, %parallel_loop3A_680, %parallel_loop3A_691 : i32
        %parallel_loop3A_693 = arith.extui %parallel_loop3A_692 : i1 to i32
        %parallel_loop3A_694 = arith.subi %parallel_loop3A_690, %parallel_loop3A_693 : i32
        %parallel_loop3A_695 = arith.constant 0 : i32
        %parallel_loop3A_696 = arith.cmpi sgt, %parallel_loop3A_686, %parallel_loop3A_695 : i32
        %parallel_loop3A_697 = arith.extui %parallel_loop3A_696 : i1 to i32
        %parallel_loop3A_698 = arith.constant 0 : i32
        %parallel_loop3A_699 = arith.cmpi slt, %parallel_loop3A_686, %parallel_loop3A_698 : i32
        %parallel_loop3A_700 = arith.extui %parallel_loop3A_699 : i1 to i32
        %parallel_loop3A_701 = arith.subi %parallel_loop3A_697, %parallel_loop3A_700 : i32
        %parallel_loop3A_702 = arith.cmpi ne, %parallel_loop3A_694, %parallel_loop3A_701 : i32
        %parallel_loop3A_703 = arith.remsi %parallel_loop3A_680, %parallel_loop3A_686 : i32
        %parallel_loop3A_704 = arith.constant 0 : i32
        %parallel_loop3A_705 = arith.cmpi ne, %parallel_loop3A_703, %parallel_loop3A_704 : i32
        %parallel_loop3A_706 = arith.andi %parallel_loop3A_702, %parallel_loop3A_705 : i1
        %parallel_loop3A_707 = arith.constant 1 : i32
        %parallel_loop3A_708 = arith.subi %parallel_loop3A_687, %parallel_loop3A_707 : i32
        %parallel_loop3A_709 = arith.select %parallel_loop3A_706, %parallel_loop3A_708, %parallel_loop3A_687 : i32
        %parallel_loop3A_710 = arith.constant 8 : i32
        %parallel_loop3A_711 = arith.constant 0 : i32
        %parallel_loop3A_712 = arith.cmpi eq, %parallel_loop3A_710, %parallel_loop3A_711 : i32
        %parallel_loop3A_713 = arith.constant 1 : i32
        %parallel_loop3A_714 = arith.select %parallel_loop3A_712, %parallel_loop3A_713, %parallel_loop3A_710 : i32
        %parallel_loop3A_715 = arith.remsi %parallel_loop3A_680, %parallel_loop3A_714 : i32
        %parallel_loop3A_716 = arith.constant 0 : i32
        %parallel_loop3A_717 = arith.cmpi ne, %parallel_loop3A_715, %parallel_loop3A_716 : i32
        %parallel_loop3A_718 = arith.constant 0 : i32
        %parallel_loop3A_719 = arith.cmpi slt, %parallel_loop3A_715, %parallel_loop3A_718 : i32
        %parallel_loop3A_720 = arith.constant 0 : i32
        %parallel_loop3A_721 = arith.cmpi slt, %parallel_loop3A_714, %parallel_loop3A_720 : i32
        %parallel_loop3A_722 = arith.xori %parallel_loop3A_719, %parallel_loop3A_721 : i1
        %parallel_loop3A_723 = arith.andi %parallel_loop3A_722, %parallel_loop3A_717 : i1
        %parallel_loop3A_724 = arith.addi %parallel_loop3A_715, %parallel_loop3A_714 : i32
        %parallel_loop3A_725 = arith.select %parallel_loop3A_723, %parallel_loop3A_724, %parallel_loop3A_715 : i32
        %parallel_loop3A_726 = arith.constant 0 : i32
        %parallel_loop3A_727 = vector.broadcast %parallel_loop3A_726 : i32 to vector<16xi32>
        %parallel_loop3A_728 = arith.addi %iota3A, %parallel_loop3A_727 : vector<16xi32>
        %parallel_loop3A_729 = tpu.vector_load_idx %arg10[%parallel_loop3A_728, %parallel_loop3A_685] : memref<256x33xf32, #tpu.memory_space<vmem>>[vector<16xi32>, vector<16xi32>], vector<16xf32>,
        %parallel_loop3A_730 = arith.constant 3 : i32
        %parallel_loop3A_731 = arith.constant 0 : i32
        %parallel_loop3A_732 = arith.index_cast %parallel_loop3A_730 : i32 to index
        %parallel_loop3A_733 = arith.index_cast %parallel_loop3A_731 : i32 to index
        %parallel_loop3A_734 = arith.index_cast %parallel_loop3A_709 : i32 to index
        %parallel_loop3A_735 = arith.index_cast %parallel_loop3A_725 : i32 to index
        %parallel_loop3A_736 = arith.constant 0 : index
        %parallel_loop3A_737 = tpu.vector_load %arg11[%parallel_loop3A_732, %parallel_loop3A_733, %parallel_loop3A_734, %parallel_loop3A_735, %parallel_loop3A_736] {strides = array<i32>} : memref<4x2x4x8x128xf32, #tpu.memory_space<vmem>>, vector<16xf32>,
        tpu.vector_store %arg11[%parallel_loop3A_732, %parallel_loop3A_733, %parallel_loop3A_734, %parallel_loop3A_735, %parallel_loop3A_736], %parallel_loop3A_729 {strides = array<i32>} : memref<4x2x4x8x128xf32, #tpu.memory_space<vmem>>, vector<16xf32>,
        %parallel_loop3A_738 = arith.constant 16 : i32
        %parallel_loop3A_739 = vector.broadcast %parallel_loop3A_738 : i32 to vector<16xi32>
        %parallel_loop3A_740 = arith.addi %iota3A, %parallel_loop3A_739 : vector<16xi32>
        %parallel_loop3A_741 = tpu.vector_load_idx %arg10[%parallel_loop3A_740, %parallel_loop3A_685] : memref<256x33xf32, #tpu.memory_space<vmem>>[vector<16xi32>, vector<16xi32>], vector<16xf32>,
        %parallel_loop3A_742 = arith.constant 3 : i32
        %parallel_loop3A_743 = arith.constant 0 : i32
        %parallel_loop3A_744 = arith.index_cast %parallel_loop3A_742 : i32 to index
        %parallel_loop3A_745 = arith.index_cast %parallel_loop3A_743 : i32 to index
        %parallel_loop3A_746 = arith.index_cast %parallel_loop3A_709 : i32 to index
        %parallel_loop3A_747 = arith.index_cast %parallel_loop3A_725 : i32 to index
        %parallel_loop3A_748 = arith.constant 16 : index
        %parallel_loop3A_749 = tpu.vector_load %arg11[%parallel_loop3A_744, %parallel_loop3A_745, %parallel_loop3A_746, %parallel_loop3A_747, %parallel_loop3A_748] {strides = array<i32>} : memref<4x2x4x8x128xf32, #tpu.memory_space<vmem>>, vector<16xf32>,
        tpu.vector_store %arg11[%parallel_loop3A_744, %parallel_loop3A_745, %parallel_loop3A_746, %parallel_loop3A_747, %parallel_loop3A_748], %parallel_loop3A_741 {strides = array<i32>} : memref<4x2x4x8x128xf32, #tpu.memory_space<vmem>>, vector<16xf32>,
        %parallel_loop3A_750 = arith.constant 32 : i32
        %parallel_loop3A_751 = vector.broadcast %parallel_loop3A_750 : i32 to vector<16xi32>
        %parallel_loop3A_752 = arith.addi %iota3A, %parallel_loop3A_751 : vector<16xi32>
        %parallel_loop3A_753 = tpu.vector_load_idx %arg10[%parallel_loop3A_752, %parallel_loop3A_685] : memref<256x33xf32, #tpu.memory_space<vmem>>[vector<16xi32>, vector<16xi32>], vector<16xf32>,
        %parallel_loop3A_754 = arith.constant 3 : i32
        %parallel_loop3A_755 = arith.constant 0 : i32
        %parallel_loop3A_756 = arith.index_cast %parallel_loop3A_754 : i32 to index
        %parallel_loop3A_757 = arith.index_cast %parallel_loop3A_755 : i32 to index
        %parallel_loop3A_758 = arith.index_cast %parallel_loop3A_709 : i32 to index
        %parallel_loop3A_759 = arith.index_cast %parallel_loop3A_725 : i32 to index
        %parallel_loop3A_760 = arith.constant 32 : index
        %parallel_loop3A_761 = tpu.vector_load %arg11[%parallel_loop3A_756, %parallel_loop3A_757, %parallel_loop3A_758, %parallel_loop3A_759, %parallel_loop3A_760] {strides = array<i32>} : memref<4x2x4x8x128xf32, #tpu.memory_space<vmem>>, vector<16xf32>,
        tpu.vector_store %arg11[%parallel_loop3A_756, %parallel_loop3A_757, %parallel_loop3A_758, %parallel_loop3A_759, %parallel_loop3A_760], %parallel_loop3A_753 {strides = array<i32>} : memref<4x2x4x8x128xf32, #tpu.memory_space<vmem>>, vector<16xf32>,
        %parallel_loop3A_762 = arith.constant 48 : i32
        %parallel_loop3A_763 = vector.broadcast %parallel_loop3A_762 : i32 to vector<16xi32>
        %parallel_loop3A_764 = arith.addi %iota3A, %parallel_loop3A_763 : vector<16xi32>
        %parallel_loop3A_765 = tpu.vector_load_idx %arg10[%parallel_loop3A_764, %parallel_loop3A_685] : memref<256x33xf32, #tpu.memory_space<vmem>>[vector<16xi32>, vector<16xi32>], vector<16xf32>,
        %parallel_loop3A_766 = arith.constant 3 : i32
        %parallel_loop3A_767 = arith.constant 0 : i32
        %parallel_loop3A_768 = arith.index_cast %parallel_loop3A_766 : i32 to index
        %parallel_loop3A_769 = arith.index_cast %parallel_loop3A_767 : i32 to index
        %parallel_loop3A_770 = arith.index_cast %parallel_loop3A_709 : i32 to index
        %parallel_loop3A_771 = arith.index_cast %parallel_loop3A_725 : i32 to index
        %parallel_loop3A_772 = arith.constant 48 : index
        %parallel_loop3A_773 = tpu.vector_load %arg11[%parallel_loop3A_768, %parallel_loop3A_769, %parallel_loop3A_770, %parallel_loop3A_771, %parallel_loop3A_772] {strides = array<i32>} : memref<4x2x4x8x128xf32, #tpu.memory_space<vmem>>, vector<16xf32>,
        tpu.vector_store %arg11[%parallel_loop3A_768, %parallel_loop3A_769, %parallel_loop3A_770, %parallel_loop3A_771, %parallel_loop3A_772], %parallel_loop3A_765 {strides = array<i32>} : memref<4x2x4x8x128xf32, #tpu.memory_space<vmem>>, vector<16xf32>,
        %parallel_loop3A_774 = arith.constant 64 : i32
        %parallel_loop3A_775 = vector.broadcast %parallel_loop3A_774 : i32 to vector<16xi32>
        %parallel_loop3A_776 = arith.addi %iota3A, %parallel_loop3A_775 : vector<16xi32>
        %parallel_loop3A_777 = tpu.vector_load_idx %arg10[%parallel_loop3A_776, %parallel_loop3A_685] : memref<256x33xf32, #tpu.memory_space<vmem>>[vector<16xi32>, vector<16xi32>], vector<16xf32>,
        %parallel_loop3A_778 = arith.constant 3 : i32
        %parallel_loop3A_779 = arith.constant 0 : i32
        %parallel_loop3A_780 = arith.index_cast %parallel_loop3A_778 : i32 to index
        %parallel_loop3A_781 = arith.index_cast %parallel_loop3A_779 : i32 to index
        %parallel_loop3A_782 = arith.index_cast %parallel_loop3A_709 : i32 to index
        %parallel_loop3A_783 = arith.index_cast %parallel_loop3A_725 : i32 to index
        %parallel_loop3A_784 = arith.constant 64 : index
        %parallel_loop3A_785 = tpu.vector_load %arg11[%parallel_loop3A_780, %parallel_loop3A_781, %parallel_loop3A_782, %parallel_loop3A_783, %parallel_loop3A_784] {strides = array<i32>} : memref<4x2x4x8x128xf32, #tpu.memory_space<vmem>>, vector<16xf32>,
        tpu.vector_store %arg11[%parallel_loop3A_780, %parallel_loop3A_781, %parallel_loop3A_782, %parallel_loop3A_783, %parallel_loop3A_784], %parallel_loop3A_777 {strides = array<i32>} : memref<4x2x4x8x128xf32, #tpu.memory_space<vmem>>, vector<16xf32>,
        %parallel_loop3A_786 = arith.constant 80 : i32
        %parallel_loop3A_787 = vector.broadcast %parallel_loop3A_786 : i32 to vector<16xi32>
        %parallel_loop3A_788 = arith.addi %iota3A, %parallel_loop3A_787 : vector<16xi32>
        %parallel_loop3A_789 = tpu.vector_load_idx %arg10[%parallel_loop3A_788, %parallel_loop3A_685] : memref<256x33xf32, #tpu.memory_space<vmem>>[vector<16xi32>, vector<16xi32>], vector<16xf32>,
        %parallel_loop3A_790 = arith.constant 3 : i32
        %parallel_loop3A_791 = arith.constant 0 : i32
        %parallel_loop3A_792 = arith.index_cast %parallel_loop3A_790 : i32 to index
        %parallel_loop3A_793 = arith.index_cast %parallel_loop3A_791 : i32 to index
        %parallel_loop3A_794 = arith.index_cast %parallel_loop3A_709 : i32 to index
        %parallel_loop3A_795 = arith.index_cast %parallel_loop3A_725 : i32 to index
        %parallel_loop3A_796 = arith.constant 80 : index
        %parallel_loop3A_797 = tpu.vector_load %arg11[%parallel_loop3A_792, %parallel_loop3A_793, %parallel_loop3A_794, %parallel_loop3A_795, %parallel_loop3A_796] {strides = array<i32>} : memref<4x2x4x8x128xf32, #tpu.memory_space<vmem>>, vector<16xf32>,
        tpu.vector_store %arg11[%parallel_loop3A_792, %parallel_loop3A_793, %parallel_loop3A_794, %parallel_loop3A_795, %parallel_loop3A_796], %parallel_loop3A_789 {strides = array<i32>} : memref<4x2x4x8x128xf32, #tpu.memory_space<vmem>>, vector<16xf32>,
        %parallel_loop3A_798 = arith.constant 96 : i32
        %parallel_loop3A_799 = vector.broadcast %parallel_loop3A_798 : i32 to vector<16xi32>
        %parallel_loop3A_800 = arith.addi %iota3A, %parallel_loop3A_799 : vector<16xi32>
        %parallel_loop3A_801 = tpu.vector_load_idx %arg10[%parallel_loop3A_800, %parallel_loop3A_685] : memref<256x33xf32, #tpu.memory_space<vmem>>[vector<16xi32>, vector<16xi32>], vector<16xf32>,
        %parallel_loop3A_802 = arith.constant 3 : i32
        %parallel_loop3A_803 = arith.constant 0 : i32
        %parallel_loop3A_804 = arith.index_cast %parallel_loop3A_802 : i32 to index
        %parallel_loop3A_805 = arith.index_cast %parallel_loop3A_803 : i32 to index
        %parallel_loop3A_806 = arith.index_cast %parallel_loop3A_709 : i32 to index
        %parallel_loop3A_807 = arith.index_cast %parallel_loop3A_725 : i32 to index
        %parallel_loop3A_808 = arith.constant 96 : index
        %parallel_loop3A_809 = tpu.vector_load %arg11[%parallel_loop3A_804, %parallel_loop3A_805, %parallel_loop3A_806, %parallel_loop3A_807, %parallel_loop3A_808] {strides = array<i32>} : memref<4x2x4x8x128xf32, #tpu.memory_space<vmem>>, vector<16xf32>,
        tpu.vector_store %arg11[%parallel_loop3A_804, %parallel_loop3A_805, %parallel_loop3A_806, %parallel_loop3A_807, %parallel_loop3A_808], %parallel_loop3A_801 {strides = array<i32>} : memref<4x2x4x8x128xf32, #tpu.memory_space<vmem>>, vector<16xf32>,
        %parallel_loop3A_810 = arith.constant 112 : i32
        %parallel_loop3A_811 = vector.broadcast %parallel_loop3A_810 : i32 to vector<16xi32>
        %parallel_loop3A_812 = arith.addi %iota3A, %parallel_loop3A_811 : vector<16xi32>
        %parallel_loop3A_813 = tpu.vector_load_idx %arg10[%parallel_loop3A_812, %parallel_loop3A_685] : memref<256x33xf32, #tpu.memory_space<vmem>>[vector<16xi32>, vector<16xi32>], vector<16xf32>,
        %parallel_loop3A_814 = arith.constant 3 : i32
        %parallel_loop3A_815 = arith.constant 0 : i32
        %parallel_loop3A_816 = arith.index_cast %parallel_loop3A_814 : i32 to index
        %parallel_loop3A_817 = arith.index_cast %parallel_loop3A_815 : i32 to index
        %parallel_loop3A_818 = arith.index_cast %parallel_loop3A_709 : i32 to index
        %parallel_loop3A_819 = arith.index_cast %parallel_loop3A_725 : i32 to index
        %parallel_loop3A_820 = arith.constant 112 : index
        %parallel_loop3A_821 = tpu.vector_load %arg11[%parallel_loop3A_816, %parallel_loop3A_817, %parallel_loop3A_818, %parallel_loop3A_819, %parallel_loop3A_820] {strides = array<i32>} : memref<4x2x4x8x128xf32, #tpu.memory_space<vmem>>, vector<16xf32>,
        tpu.vector_store %arg11[%parallel_loop3A_816, %parallel_loop3A_817, %parallel_loop3A_818, %parallel_loop3A_819, %parallel_loop3A_820], %parallel_loop3A_813 {strides = array<i32>} : memref<4x2x4x8x128xf32, #tpu.memory_space<vmem>>, vector<16xf32>,
      } {sc.loop_unroll_factor = 4 : i64, sc.parallel_access}
      %parallel_loop3A_640 = arith.constant 0 : i32
      %parallel_loop3A_641 = arith.constant 32 : i32
      %parallel_loop3A_642 = arith.constant 1 : i32
      scf.for %parallel_loop3A_680 = %parallel_loop3A_640 to %parallel_loop3A_641 step %parallel_loop3A_642  : i32 {
        %parallel_loop3A_681 = arith.constant 0 : i32
        %parallel_loop3A_682 = vector.broadcast %parallel_loop3A_681 : i32 to vector<16xi32>
        %parallel_loop3A_683 = arith.muli %iota3A, %parallel_loop3A_682 : vector<16xi32>
        %parallel_loop3A_684 = vector.broadcast %parallel_loop3A_680 : i32 to vector<16xi32>
        %parallel_loop3A_685 = arith.addi %parallel_loop3A_683, %parallel_loop3A_684 : vector<16xi32>
        %parallel_loop3A_686 = arith.constant 8 : i32
        %parallel_loop3A_687 = arith.divsi %parallel_loop3A_680, %parallel_loop3A_686 : i32
        %parallel_loop3A_688 = arith.constant 0 : i32
        %parallel_loop3A_689 = arith.cmpi sgt, %parallel_loop3A_680, %parallel_loop3A_688 : i32
        %parallel_loop3A_690 = arith.extui %parallel_loop3A_689 : i1 to i32
        %parallel_loop3A_691 = arith.constant 0 : i32
        %parallel_loop3A_692 = arith.cmpi slt, %parallel_loop3A_680, %parallel_loop3A_691 : i32
        %parallel_loop3A_693 = arith.extui %parallel_loop3A_692 : i1 to i32
        %parallel_loop3A_694 = arith.subi %parallel_loop3A_690, %parallel_loop3A_693 : i32
        %parallel_loop3A_695 = arith.constant 0 : i32
        %parallel_loop3A_696 = arith.cmpi sgt, %parallel_loop3A_686, %parallel_loop3A_695 : i32
        %parallel_loop3A_697 = arith.extui %parallel_loop3A_696 : i1 to i32
        %parallel_loop3A_698 = arith.constant 0 : i32
        %parallel_loop3A_699 = arith.cmpi slt, %parallel_loop3A_686, %parallel_loop3A_698 : i32
        %parallel_loop3A_700 = arith.extui %parallel_loop3A_699 : i1 to i32
        %parallel_loop3A_701 = arith.subi %parallel_loop3A_697, %parallel_loop3A_700 : i32
        %parallel_loop3A_702 = arith.cmpi ne, %parallel_loop3A_694, %parallel_loop3A_701 : i32
        %parallel_loop3A_703 = arith.remsi %parallel_loop3A_680, %parallel_loop3A_686 : i32
        %parallel_loop3A_704 = arith.constant 0 : i32
        %parallel_loop3A_705 = arith.cmpi ne, %parallel_loop3A_703, %parallel_loop3A_704 : i32
        %parallel_loop3A_706 = arith.andi %parallel_loop3A_702, %parallel_loop3A_705 : i1
        %parallel_loop3A_707 = arith.constant 1 : i32
        %parallel_loop3A_708 = arith.subi %parallel_loop3A_687, %parallel_loop3A_707 : i32
        %parallel_loop3A_709 = arith.select %parallel_loop3A_706, %parallel_loop3A_708, %parallel_loop3A_687 : i32
        %parallel_loop3A_710 = arith.constant 8 : i32
        %parallel_loop3A_711 = arith.constant 0 : i32
        %parallel_loop3A_712 = arith.cmpi eq, %parallel_loop3A_710, %parallel_loop3A_711 : i32
        %parallel_loop3A_713 = arith.constant 1 : i32
        %parallel_loop3A_714 = arith.select %parallel_loop3A_712, %parallel_loop3A_713, %parallel_loop3A_710 : i32
        %parallel_loop3A_715 = arith.remsi %parallel_loop3A_680, %parallel_loop3A_714 : i32
        %parallel_loop3A_716 = arith.constant 0 : i32
        %parallel_loop3A_717 = arith.cmpi ne, %parallel_loop3A_715, %parallel_loop3A_716 : i32
        %parallel_loop3A_718 = arith.constant 0 : i32
        %parallel_loop3A_719 = arith.cmpi slt, %parallel_loop3A_715, %parallel_loop3A_718 : i32
        %parallel_loop3A_720 = arith.constant 0 : i32
        %parallel_loop3A_721 = arith.cmpi slt, %parallel_loop3A_714, %parallel_loop3A_720 : i32
        %parallel_loop3A_722 = arith.xori %parallel_loop3A_719, %parallel_loop3A_721 : i1
        %parallel_loop3A_723 = arith.andi %parallel_loop3A_722, %parallel_loop3A_717 : i1
        %parallel_loop3A_724 = arith.addi %parallel_loop3A_715, %parallel_loop3A_714 : i32
        %parallel_loop3A_725 = arith.select %parallel_loop3A_723, %parallel_loop3A_724, %parallel_loop3A_715 : i32
        %parallel_loop3A_726 = arith.constant 128 : i32
        %parallel_loop3A_727 = vector.broadcast %parallel_loop3A_726 : i32 to vector<16xi32>
        %parallel_loop3A_728 = arith.addi %iota3A, %parallel_loop3A_727 : vector<16xi32>
        %parallel_loop3A_729 = tpu.vector_load_idx %arg10[%parallel_loop3A_728, %parallel_loop3A_685] : memref<256x33xf32, #tpu.memory_space<vmem>>[vector<16xi32>, vector<16xi32>], vector<16xf32>,
        %parallel_loop3A_730 = arith.constant 3 : i32
        %parallel_loop3A_731 = arith.constant 1 : i32
        %parallel_loop3A_732 = arith.index_cast %parallel_loop3A_730 : i32 to index
        %parallel_loop3A_733 = arith.index_cast %parallel_loop3A_731 : i32 to index
        %parallel_loop3A_734 = arith.index_cast %parallel_loop3A_709 : i32 to index
        %parallel_loop3A_735 = arith.index_cast %parallel_loop3A_725 : i32 to index
        %parallel_loop3A_736 = arith.constant 0 : index
        %parallel_loop3A_737 = tpu.vector_load %arg11[%parallel_loop3A_732, %parallel_loop3A_733, %parallel_loop3A_734, %parallel_loop3A_735, %parallel_loop3A_736] {strides = array<i32>} : memref<4x2x4x8x128xf32, #tpu.memory_space<vmem>>, vector<16xf32>,
        tpu.vector_store %arg11[%parallel_loop3A_732, %parallel_loop3A_733, %parallel_loop3A_734, %parallel_loop3A_735, %parallel_loop3A_736], %parallel_loop3A_729 {strides = array<i32>} : memref<4x2x4x8x128xf32, #tpu.memory_space<vmem>>, vector<16xf32>,
        %parallel_loop3A_738 = arith.constant 144 : i32
        %parallel_loop3A_739 = vector.broadcast %parallel_loop3A_738 : i32 to vector<16xi32>
        %parallel_loop3A_740 = arith.addi %iota3A, %parallel_loop3A_739 : vector<16xi32>
        %parallel_loop3A_741 = tpu.vector_load_idx %arg10[%parallel_loop3A_740, %parallel_loop3A_685] : memref<256x33xf32, #tpu.memory_space<vmem>>[vector<16xi32>, vector<16xi32>], vector<16xf32>,
        %parallel_loop3A_742 = arith.constant 3 : i32
        %parallel_loop3A_743 = arith.constant 1 : i32
        %parallel_loop3A_744 = arith.index_cast %parallel_loop3A_742 : i32 to index
        %parallel_loop3A_745 = arith.index_cast %parallel_loop3A_743 : i32 to index
        %parallel_loop3A_746 = arith.index_cast %parallel_loop3A_709 : i32 to index
        %parallel_loop3A_747 = arith.index_cast %parallel_loop3A_725 : i32 to index
        %parallel_loop3A_748 = arith.constant 16 : index
        %parallel_loop3A_749 = tpu.vector_load %arg11[%parallel_loop3A_744, %parallel_loop3A_745, %parallel_loop3A_746, %parallel_loop3A_747, %parallel_loop3A_748] {strides = array<i32>} : memref<4x2x4x8x128xf32, #tpu.memory_space<vmem>>, vector<16xf32>,
        tpu.vector_store %arg11[%parallel_loop3A_744, %parallel_loop3A_745, %parallel_loop3A_746, %parallel_loop3A_747, %parallel_loop3A_748], %parallel_loop3A_741 {strides = array<i32>} : memref<4x2x4x8x128xf32, #tpu.memory_space<vmem>>, vector<16xf32>,
        %parallel_loop3A_750 = arith.constant 160 : i32
        %parallel_loop3A_751 = vector.broadcast %parallel_loop3A_750 : i32 to vector<16xi32>
        %parallel_loop3A_752 = arith.addi %iota3A, %parallel_loop3A_751 : vector<16xi32>
        %parallel_loop3A_753 = tpu.vector_load_idx %arg10[%parallel_loop3A_752, %parallel_loop3A_685] : memref<256x33xf32, #tpu.memory_space<vmem>>[vector<16xi32>, vector<16xi32>], vector<16xf32>,
        %parallel_loop3A_754 = arith.constant 3 : i32
        %parallel_loop3A_755 = arith.constant 1 : i32
        %parallel_loop3A_756 = arith.index_cast %parallel_loop3A_754 : i32 to index
        %parallel_loop3A_757 = arith.index_cast %parallel_loop3A_755 : i32 to index
        %parallel_loop3A_758 = arith.index_cast %parallel_loop3A_709 : i32 to index
        %parallel_loop3A_759 = arith.index_cast %parallel_loop3A_725 : i32 to index
        %parallel_loop3A_760 = arith.constant 32 : index
        %parallel_loop3A_761 = tpu.vector_load %arg11[%parallel_loop3A_756, %parallel_loop3A_757, %parallel_loop3A_758, %parallel_loop3A_759, %parallel_loop3A_760] {strides = array<i32>} : memref<4x2x4x8x128xf32, #tpu.memory_space<vmem>>, vector<16xf32>,
        tpu.vector_store %arg11[%parallel_loop3A_756, %parallel_loop3A_757, %parallel_loop3A_758, %parallel_loop3A_759, %parallel_loop3A_760], %parallel_loop3A_753 {strides = array<i32>} : memref<4x2x4x8x128xf32, #tpu.memory_space<vmem>>, vector<16xf32>,
        %parallel_loop3A_762 = arith.constant 176 : i32
        %parallel_loop3A_763 = vector.broadcast %parallel_loop3A_762 : i32 to vector<16xi32>
        %parallel_loop3A_764 = arith.addi %iota3A, %parallel_loop3A_763 : vector<16xi32>
        %parallel_loop3A_765 = tpu.vector_load_idx %arg10[%parallel_loop3A_764, %parallel_loop3A_685] : memref<256x33xf32, #tpu.memory_space<vmem>>[vector<16xi32>, vector<16xi32>], vector<16xf32>,
        %parallel_loop3A_766 = arith.constant 3 : i32
        %parallel_loop3A_767 = arith.constant 1 : i32
        %parallel_loop3A_768 = arith.index_cast %parallel_loop3A_766 : i32 to index
        %parallel_loop3A_769 = arith.index_cast %parallel_loop3A_767 : i32 to index
        %parallel_loop3A_770 = arith.index_cast %parallel_loop3A_709 : i32 to index
        %parallel_loop3A_771 = arith.index_cast %parallel_loop3A_725 : i32 to index
        %parallel_loop3A_772 = arith.constant 48 : index
        %parallel_loop3A_773 = tpu.vector_load %arg11[%parallel_loop3A_768, %parallel_loop3A_769, %parallel_loop3A_770, %parallel_loop3A_771, %parallel_loop3A_772] {strides = array<i32>} : memref<4x2x4x8x128xf32, #tpu.memory_space<vmem>>, vector<16xf32>,
        tpu.vector_store %arg11[%parallel_loop3A_768, %parallel_loop3A_769, %parallel_loop3A_770, %parallel_loop3A_771, %parallel_loop3A_772], %parallel_loop3A_765 {strides = array<i32>} : memref<4x2x4x8x128xf32, #tpu.memory_space<vmem>>, vector<16xf32>,
        %parallel_loop3A_774 = arith.constant 192 : i32
        %parallel_loop3A_775 = vector.broadcast %parallel_loop3A_774 : i32 to vector<16xi32>
        %parallel_loop3A_776 = arith.addi %iota3A, %parallel_loop3A_775 : vector<16xi32>
        %parallel_loop3A_777 = tpu.vector_load_idx %arg10[%parallel_loop3A_776, %parallel_loop3A_685] : memref<256x33xf32, #tpu.memory_space<vmem>>[vector<16xi32>, vector<16xi32>], vector<16xf32>,
        %parallel_loop3A_778 = arith.constant 3 : i32
        %parallel_loop3A_779 = arith.constant 1 : i32
        %parallel_loop3A_780 = arith.index_cast %parallel_loop3A_778 : i32 to index
        %parallel_loop3A_781 = arith.index_cast %parallel_loop3A_779 : i32 to index
        %parallel_loop3A_782 = arith.index_cast %parallel_loop3A_709 : i32 to index
        %parallel_loop3A_783 = arith.index_cast %parallel_loop3A_725 : i32 to index
        %parallel_loop3A_784 = arith.constant 64 : index
        %parallel_loop3A_785 = tpu.vector_load %arg11[%parallel_loop3A_780, %parallel_loop3A_781, %parallel_loop3A_782, %parallel_loop3A_783, %parallel_loop3A_784] {strides = array<i32>} : memref<4x2x4x8x128xf32, #tpu.memory_space<vmem>>, vector<16xf32>,
        tpu.vector_store %arg11[%parallel_loop3A_780, %parallel_loop3A_781, %parallel_loop3A_782, %parallel_loop3A_783, %parallel_loop3A_784], %parallel_loop3A_777 {strides = array<i32>} : memref<4x2x4x8x128xf32, #tpu.memory_space<vmem>>, vector<16xf32>,
        %parallel_loop3A_786 = arith.constant 208 : i32
        %parallel_loop3A_787 = vector.broadcast %parallel_loop3A_786 : i32 to vector<16xi32>
        %parallel_loop3A_788 = arith.addi %iota3A, %parallel_loop3A_787 : vector<16xi32>
        %parallel_loop3A_789 = tpu.vector_load_idx %arg10[%parallel_loop3A_788, %parallel_loop3A_685] : memref<256x33xf32, #tpu.memory_space<vmem>>[vector<16xi32>, vector<16xi32>], vector<16xf32>,
        %parallel_loop3A_790 = arith.constant 3 : i32
        %parallel_loop3A_791 = arith.constant 1 : i32
        %parallel_loop3A_792 = arith.index_cast %parallel_loop3A_790 : i32 to index
        %parallel_loop3A_793 = arith.index_cast %parallel_loop3A_791 : i32 to index
        %parallel_loop3A_794 = arith.index_cast %parallel_loop3A_709 : i32 to index
        %parallel_loop3A_795 = arith.index_cast %parallel_loop3A_725 : i32 to index
        %parallel_loop3A_796 = arith.constant 80 : index
        %parallel_loop3A_797 = tpu.vector_load %arg11[%parallel_loop3A_792, %parallel_loop3A_793, %parallel_loop3A_794, %parallel_loop3A_795, %parallel_loop3A_796] {strides = array<i32>} : memref<4x2x4x8x128xf32, #tpu.memory_space<vmem>>, vector<16xf32>,
        tpu.vector_store %arg11[%parallel_loop3A_792, %parallel_loop3A_793, %parallel_loop3A_794, %parallel_loop3A_795, %parallel_loop3A_796], %parallel_loop3A_789 {strides = array<i32>} : memref<4x2x4x8x128xf32, #tpu.memory_space<vmem>>, vector<16xf32>,
        %parallel_loop3A_798 = arith.constant 224 : i32
        %parallel_loop3A_799 = vector.broadcast %parallel_loop3A_798 : i32 to vector<16xi32>
        %parallel_loop3A_800 = arith.addi %iota3A, %parallel_loop3A_799 : vector<16xi32>
        %parallel_loop3A_801 = tpu.vector_load_idx %arg10[%parallel_loop3A_800, %parallel_loop3A_685] : memref<256x33xf32, #tpu.memory_space<vmem>>[vector<16xi32>, vector<16xi32>], vector<16xf32>,
        %parallel_loop3A_802 = arith.constant 3 : i32
        %parallel_loop3A_803 = arith.constant 1 : i32
        %parallel_loop3A_804 = arith.index_cast %parallel_loop3A_802 : i32 to index
        %parallel_loop3A_805 = arith.index_cast %parallel_loop3A_803 : i32 to index
        %parallel_loop3A_806 = arith.index_cast %parallel_loop3A_709 : i32 to index
        %parallel_loop3A_807 = arith.index_cast %parallel_loop3A_725 : i32 to index
        %parallel_loop3A_808 = arith.constant 96 : index
        %parallel_loop3A_809 = tpu.vector_load %arg11[%parallel_loop3A_804, %parallel_loop3A_805, %parallel_loop3A_806, %parallel_loop3A_807, %parallel_loop3A_808] {strides = array<i32>} : memref<4x2x4x8x128xf32, #tpu.memory_space<vmem>>, vector<16xf32>,
        tpu.vector_store %arg11[%parallel_loop3A_804, %parallel_loop3A_805, %parallel_loop3A_806, %parallel_loop3A_807, %parallel_loop3A_808], %parallel_loop3A_801 {strides = array<i32>} : memref<4x2x4x8x128xf32, #tpu.memory_space<vmem>>, vector<16xf32>,
        %parallel_loop3A_810 = arith.constant 240 : i32
        %parallel_loop3A_811 = vector.broadcast %parallel_loop3A_810 : i32 to vector<16xi32>
        %parallel_loop3A_812 = arith.addi %iota3A, %parallel_loop3A_811 : vector<16xi32>
        %parallel_loop3A_813 = tpu.vector_load_idx %arg10[%parallel_loop3A_812, %parallel_loop3A_685] : memref<256x33xf32, #tpu.memory_space<vmem>>[vector<16xi32>, vector<16xi32>], vector<16xf32>,
        %parallel_loop3A_814 = arith.constant 3 : i32
        %parallel_loop3A_815 = arith.constant 1 : i32
        %parallel_loop3A_816 = arith.index_cast %parallel_loop3A_814 : i32 to index
        %parallel_loop3A_817 = arith.index_cast %parallel_loop3A_815 : i32 to index
        %parallel_loop3A_818 = arith.index_cast %parallel_loop3A_709 : i32 to index
        %parallel_loop3A_819 = arith.index_cast %parallel_loop3A_725 : i32 to index
        %parallel_loop3A_820 = arith.constant 112 : index
        %parallel_loop3A_821 = tpu.vector_load %arg11[%parallel_loop3A_816, %parallel_loop3A_817, %parallel_loop3A_818, %parallel_loop3A_819, %parallel_loop3A_820] {strides = array<i32>} : memref<4x2x4x8x128xf32, #tpu.memory_space<vmem>>, vector<16xf32>,
        tpu.vector_store %arg11[%parallel_loop3A_816, %parallel_loop3A_817, %parallel_loop3A_818, %parallel_loop3A_819, %parallel_loop3A_820], %parallel_loop3A_813 {strides = array<i32>} : memref<4x2x4x8x128xf32, #tpu.memory_space<vmem>>, vector<16xf32>,
      } {sc.loop_unroll_factor = 4 : i64, sc.parallel_access}
      %add3A_643 = arith.constant 4 : i32
      %add3A_644 = arith.addi %add3A_587, %add3A_643 : i32
      %sub3A_645 = arith.constant 1 : i32
      %sub3A_646 = arith.subi %add3A_644, %sub3A_645 : i32
      %lt3A_647 = arith.constant 24 : i32
      %lt3A_648 = arith.cmpi slt, %add3A_271, %lt3A_647 : i32
      %convert_element_type3A_649 = arith.extui %lt3A_648 : i1 to i32
      %cond3A_650 = arith.constant 0 : i32
      %cond3A_651 = arith.cmpi ne, %convert_element_type3A_649, %cond3A_650 : i32
      scf.if %cond3A_651 {
        %mul3A_680 = arith.constant 2 : i32
        %mul3A_681 = arith.muli %sub3A_646, %mul3A_680 : i32
        %add3A_682 = arith.constant 0 : i32
        %add3A_683 = arith.addi %mul3A_681, %add3A_682 : i32
        %dma_start3A_684 = arith.constant 2 : i32
        %dma_start3A_685 = arith.constant 2 : i32
        %dma_start3A_686 = arith.constant 0 : i32
        %dma_start3A_687 = arith.constant 0 : i32
        %dma_start3A_688 = tpu.memref_slice %arg9[%dma_start3A_684, %dma_start3A_686, %dma_start3A_687] : memref<4x256x32xf32, #tpu.memory_space<vmem>> -> memref<1x128x32xf32, #tpu.memory_space<vmem>>
        %dma_start3A_689 = tpu.memref_squeeze %dma_start3A_688 : memref<1x128x32xf32, #tpu.memory_space<vmem>> -> memref<128x32xf32, #tpu.memory_space<vmem>>
        %dma_start3A_690 = arith.constant 0 : i32
        %dma_start3A_691 = tpu.memref_slice %arg8[%add3A_683, %dma_start3A_690] : memref<200x128xi32, #tpu.memory_space<vmem>> -> memref<1x128xi32, #tpu.memory_space<vmem>>
        %dma_start3A_692 = tpu.memref_squeeze %dma_start3A_691 : memref<1x128xi32, #tpu.memory_space<vmem>> -> memref<128xi32, #tpu.memory_space<vmem>>
        %dma_start3A_693 = arith.constant 0 : i32
        %dma_start3A_694 = arith.constant 0 : i32
        %dma_start3A_695 = tpu.memref_slice %arg2[%dma_start3A_693, %dma_start3A_694] : memref<1000000x32xf32, #tpu.memory_space<hbm>> -> memref<1000000x32xf32, #tpu.memory_space<hbm>>
        %dma_start3A_696 = tpu.memref_slice %arg12[%dma_start3A_685] : memref<4x!tpu.dma_semaphore, #tpu.memory_space<semaphore_mem>> -> memref<1x!tpu.dma_semaphore, #tpu.memory_space<semaphore_mem>>
        %dma_start3A_697 = tpu.memref_squeeze %dma_start3A_696 : memref<1x!tpu.dma_semaphore, #tpu.memory_space<semaphore_mem>> -> memref<!tpu.dma_semaphore, #tpu.memory_space<semaphore_mem>>
        tpu.enqueue_indirect_dma source(%dma_start3A_695 : memref<1000000x32xf32, #tpu.memory_space<hbm>>) target(%dma_start3A_689 : memref<128x32xf32, #tpu.memory_space<vmem>>) offsets(%dma_start3A_692 : memref<128xi32, #tpu.memory_space<vmem>>) semaphore(%dma_start3A_697 : memref<!tpu.dma_semaphore, #tpu.memory_space<semaphore_mem>>)
        %mul3A_698 = arith.constant 2 : i32
        %mul3A_699 = arith.muli %sub3A_646, %mul3A_698 : i32
        %add3A_700 = arith.constant 1 : i32
        %add3A_701 = arith.addi %mul3A_699, %add3A_700 : i32
        %dma_start3A_702 = arith.constant 2 : i32
        %dma_start3A_703 = arith.constant 2 : i32
        %dma_start3A_704 = arith.constant 128 : i32
        %dma_start3A_705 = arith.constant 0 : i32
        %dma_start3A_706 = tpu.memref_slice %arg9[%dma_start3A_702, %dma_start3A_704, %dma_start3A_705] : memref<4x256x32xf32, #tpu.memory_space<vmem>> -> memref<1x128x32xf32, #tpu.memory_space<vmem>>
        %dma_start3A_707 = tpu.memref_squeeze %dma_start3A_706 : memref<1x128x32xf32, #tpu.memory_space<vmem>> -> memref<128x32xf32, #tpu.memory_space<vmem>>
        %dma_start3A_708 = arith.constant 0 : i32
        %dma_start3A_709 = tpu.memref_slice %arg8[%add3A_701, %dma_start3A_708] : memref<200x128xi32, #tpu.memory_space<vmem>> -> memref<1x128xi32, #tpu.memory_space<vmem>>
        %dma_start3A_710 = tpu.memref_squeeze %dma_start3A_709 : memref<1x128xi32, #tpu.memory_space<vmem>> -> memref<128xi32, #tpu.memory_space<vmem>>
        %dma_start3A_711 = arith.constant 0 : i32
        %dma_start3A_712 = arith.constant 0 : i32
        %dma_start3A_713 = tpu.memref_slice %arg2[%dma_start3A_711, %dma_start3A_712] : memref<1000000x32xf32, #tpu.memory_space<hbm>> -> memref<1000000x32xf32, #tpu.memory_space<hbm>>
        %dma_start3A_714 = tpu.memref_slice %arg12[%dma_start3A_703] : memref<4x!tpu.dma_semaphore, #tpu.memory_space<semaphore_mem>> -> memref<1x!tpu.dma_semaphore, #tpu.memory_space<semaphore_mem>>
        %dma_start3A_715 = tpu.memref_squeeze %dma_start3A_714 : memref<1x!tpu.dma_semaphore, #tpu.memory_space<semaphore_mem>> -> memref<!tpu.dma_semaphore, #tpu.memory_space<semaphore_mem>>
        tpu.enqueue_indirect_dma source(%dma_start3A_713 : memref<1000000x32xf32, #tpu.memory_space<hbm>>) target(%dma_start3A_707 : memref<128x32xf32, #tpu.memory_space<vmem>>) offsets(%dma_start3A_710 : memref<128xi32, #tpu.memory_space<vmem>>) semaphore(%dma_start3A_715 : memref<!tpu.dma_semaphore, #tpu.memory_space<semaphore_mem>>)
      } else {
      }
      %mul3A_652 = arith.constant 2 : i32
      %mul3A_653 = arith.muli %add3A_587, %mul3A_652 : i32
      %dma_start3A_654 = arith.constant 3 : i32
      %dma_start3A_655 = arith.constant 3 : i32
      %dma_start3A_656 = arith.constant 0 : i32
      %dma_start3A_657 = arith.constant 0 : i32
      %dma_start3A_658 = arith.constant 0 : i32
      %dma_start3A_659 = arith.constant 0 : i32
      %dma_start3A_660 = tpu.memref_slice %arg11[%dma_start3A_654, %dma_start3A_656, %dma_start3A_657, %dma_start3A_658, %dma_start3A_659] : memref<4x2x4x8x128xf32, #tpu.memory_space<vmem>> -> memref<1x2x4x8x128xf32, #tpu.memory_space<vmem>>
      %dma_start3A_661 = tpu.memref_squeeze %dma_start3A_660 : memref<1x2x4x8x128xf32, #tpu.memory_space<vmem>> -> memref<2x4x8x128xf32, #tpu.memory_space<vmem>>
      %dma_start3A_662 = arith.constant 0 : i32
      %dma_start3A_663 = arith.constant 0 : i32
      %dma_start3A_664 = arith.constant 0 : i32
      %dma_start3A_665 = tpu.memref_slice %arg5[%mul3A_653, %dma_start3A_662, %add3A, %dma_start3A_663, %dma_start3A_664] : memref<200x4x32x8x128xf32, #tpu.memory_space<hbm>> -> memref<2x4x1x8x128xf32, #tpu.memory_space<hbm>>
      %dma_start3A_666 = tpu.memref_squeeze %dma_start3A_665 : memref<2x4x1x8x128xf32, #tpu.memory_space<hbm>> -> memref<2x4x8x128xf32, #tpu.memory_space<hbm>>
      %dma_start3A_667 = tpu.memref_slice %arg13[%dma_start3A_655] : memref<4x!tpu.dma_semaphore, #tpu.memory_space<semaphore_mem>> -> memref<1x!tpu.dma_semaphore, #tpu.memory_space<semaphore_mem>>
      %dma_start3A_668 = tpu.memref_squeeze %dma_start3A_667 : memref<1x!tpu.dma_semaphore, #tpu.memory_space<semaphore_mem>> -> memref<!tpu.dma_semaphore, #tpu.memory_space<semaphore_mem>>
      %dma_start3A_669 = arith.constant 0 : i32
      %dma_start3A_670 = arith.constant 0 : i32
      %dma_start3A_671 = arith.constant 0 : i32
      %dma_start3A_672 = tpu.memref_slice %arg5[%mul3A_653, %dma_start3A_669, %add3A, %dma_start3A_670, %dma_start3A_671] : memref<200x4x32x8x128xf32, #tpu.memory_space<hbm>> -> memref<2x4x1x8x128xf32, #tpu.memory_space<hbm>>
      %dma_start3A_673 = tpu.memref_squeeze %dma_start3A_672 : memref<2x4x1x8x128xf32, #tpu.memory_space<hbm>> -> memref<2x4x8x128xf32, #tpu.memory_space<hbm>>
      %dma_start3A_674 = arith.constant 0 : i32
      %dma_start3A_675 = arith.constant 0 : i32
      %dma_start3A_676 = arith.constant 0 : i32
      %dma_start3A_677 = arith.constant 0 : i32
      %dma_start3A_678 = tpu.memref_slice %arg11[%dma_start3A_654, %dma_start3A_674, %dma_start3A_675, %dma_start3A_676, %dma_start3A_677] : memref<4x2x4x8x128xf32, #tpu.memory_space<vmem>> -> memref<1x2x4x8x128xf32, #tpu.memory_space<vmem>>
      %dma_start3A_679 = tpu.memref_squeeze %dma_start3A_678 : memref<1x2x4x8x128xf32, #tpu.memory_space<vmem>> -> memref<2x4x8x128xf32, #tpu.memory_space<vmem>>
      tpu.enqueue_dma source(%dma_start3A_679 : memref<2x4x8x128xf32, #tpu.memory_space<vmem>>) target(%dma_start3A_673 : memref<2x4x8x128xf32, #tpu.memory_space<hbm>>) target_semaphore(%dma_start3A_668 : memref<!tpu.dma_semaphore, #tpu.memory_space<semaphore_mem>>)
    }
    %scan3A_151 = arith.constant 25 : i32
    %dma_wait3A = arith.constant 0 : i32
    %dma_wait3A_152 = arith.constant 0 : i32
    %dma_wait3A_153 = arith.constant 0 : i32
    %dma_wait3A_154 = arith.constant 0 : i32
    %dma_wait3A_155 = arith.constant 0 : i32
    %dma_wait3A_156 = arith.constant 0 : i32
    %dma_wait3A_157 = arith.constant 0 : i32
    %dma_wait3A_158 = tpu.memref_slice %arg11[%dma_wait3A, %dma_wait3A_154, %dma_wait3A_155, %dma_wait3A_156, %dma_wait3A_157] : memref<4x2x4x8x128xf32, #tpu.memory_space<vmem>> -> memref<1x2x4x8x128xf32, #tpu.memory_space<vmem>>
    %dma_wait3A_159 = tpu.memref_squeeze %dma_wait3A_158 : memref<1x2x4x8x128xf32, #tpu.memory_space<vmem>> -> memref<2x4x8x128xf32, #tpu.memory_space<vmem>>
    %dma_wait3A_160 = arith.constant 0 : i32
    %dma_wait3A_161 = arith.constant 0 : i32
    %dma_wait3A_162 = arith.constant 0 : i32
    %dma_wait3A_163 = arith.constant 0 : i32
    %dma_wait3A_164 = tpu.memref_slice %arg5[%dma_wait3A_160, %dma_wait3A_161, %dma_wait3A_152, %dma_wait3A_162, %dma_wait3A_163] : memref<200x4x32x8x128xf32, #tpu.memory_space<hbm>> -> memref<2x4x1x8x128xf32, #tpu.memory_space<hbm>>
    %dma_wait3A_165 = tpu.memref_squeeze %dma_wait3A_164 : memref<2x4x1x8x128xf32, #tpu.memory_space<hbm>> -> memref<2x4x8x128xf32, #tpu.memory_space<hbm>>
    %dma_wait3A_166 = tpu.memref_slice %arg13[%dma_wait3A_153] : memref<4x!tpu.dma_semaphore, #tpu.memory_space<semaphore_mem>> -> memref<1x!tpu.dma_semaphore, #tpu.memory_space<semaphore_mem>>
    %dma_wait3A_167 = tpu.memref_squeeze %dma_wait3A_166 : memref<1x!tpu.dma_semaphore, #tpu.memory_space<semaphore_mem>> -> memref<!tpu.dma_semaphore, #tpu.memory_space<semaphore_mem>>
    %dma_wait3A_168 = arith.constant 0 : i32
    %dma_wait3A_169 = arith.constant 0 : i32
    %dma_wait3A_170 = arith.constant 0 : i32
    %dma_wait3A_171 = arith.constant 0 : i32
    %dma_wait3A_172 = tpu.memref_slice %arg5[%dma_wait3A_168, %dma_wait3A_169, %dma_wait3A_152, %dma_wait3A_170, %dma_wait3A_171] : memref<200x4x32x8x128xf32, #tpu.memory_space<hbm>> -> memref<2x4x1x8x128xf32, #tpu.memory_space<hbm>>
    %dma_wait3A_173 = tpu.memref_squeeze %dma_wait3A_172 : memref<2x4x1x8x128xf32, #tpu.memory_space<hbm>> -> memref<2x4x8x128xf32, #tpu.memory_space<hbm>>
    %dma_wait3A_174 = arith.constant 0 : i32
    %dma_wait3A_175 = arith.constant 0 : i32
    %dma_wait3A_176 = arith.constant 0 : i32
    %dma_wait3A_177 = arith.constant 0 : i32
    %dma_wait3A_178 = tpu.memref_slice %arg11[%dma_wait3A, %dma_wait3A_174, %dma_wait3A_175, %dma_wait3A_176, %dma_wait3A_177] : memref<4x2x4x8x128xf32, #tpu.memory_space<vmem>> -> memref<1x2x4x8x128xf32, #tpu.memory_space<vmem>>
    %dma_wait3A_179 = tpu.memref_squeeze %dma_wait3A_178 : memref<1x2x4x8x128xf32, #tpu.memory_space<vmem>> -> memref<2x4x8x128xf32, #tpu.memory_space<vmem>>
    tpu.wait_dma2 semaphore(%dma_wait3A_167 : memref<!tpu.dma_semaphore, #tpu.memory_space<semaphore_mem>>) src(%dma_wait3A_179 : memref<2x4x8x128xf32, #tpu.memory_space<vmem>>) dst(%dma_wait3A_173 : memref<2x4x8x128xf32, #tpu.memory_space<hbm>>)
    %dma_wait3A_180 = arith.constant 1 : i32
    %dma_wait3A_181 = arith.constant 0 : i32
    %dma_wait3A_182 = arith.constant 1 : i32
    %dma_wait3A_183 = arith.constant 0 : i32
    %dma_wait3A_184 = arith.constant 0 : i32
    %dma_wait3A_185 = arith.constant 0 : i32
    %dma_wait3A_186 = arith.constant 0 : i32
    %dma_wait3A_187 = tpu.memref_slice %arg11[%dma_wait3A_180, %dma_wait3A_183, %dma_wait3A_184, %dma_wait3A_185, %dma_wait3A_186] : memref<4x2x4x8x128xf32, #tpu.memory_space<vmem>> -> memref<1x2x4x8x128xf32, #tpu.memory_space<vmem>>
    %dma_wait3A_188 = tpu.memref_squeeze %dma_wait3A_187 : memref<1x2x4x8x128xf32, #tpu.memory_space<vmem>> -> memref<2x4x8x128xf32, #tpu.memory_space<vmem>>
    %dma_wait3A_189 = arith.constant 0 : i32
    %dma_wait3A_190 = arith.constant 0 : i32
    %dma_wait3A_191 = arith.constant 0 : i32
    %dma_wait3A_192 = arith.constant 0 : i32
    %dma_wait3A_193 = tpu.memref_slice %arg5[%dma_wait3A_189, %dma_wait3A_190, %dma_wait3A_181, %dma_wait3A_191, %dma_wait3A_192] : memref<200x4x32x8x128xf32, #tpu.memory_space<hbm>> -> memref<2x4x1x8x128xf32, #tpu.memory_space<hbm>>
    %dma_wait3A_194 = tpu.memref_squeeze %dma_wait3A_193 : memref<2x4x1x8x128xf32, #tpu.memory_space<hbm>> -> memref<2x4x8x128xf32, #tpu.memory_space<hbm>>
    %dma_wait3A_195 = tpu.memref_slice %arg13[%dma_wait3A_182] : memref<4x!tpu.dma_semaphore, #tpu.memory_space<semaphore_mem>> -> memref<1x!tpu.dma_semaphore, #tpu.memory_space<semaphore_mem>>
    %dma_wait3A_196 = tpu.memref_squeeze %dma_wait3A_195 : memref<1x!tpu.dma_semaphore, #tpu.memory_space<semaphore_mem>> -> memref<!tpu.dma_semaphore, #tpu.memory_space<semaphore_mem>>
    %dma_wait3A_197 = arith.constant 0 : i32
    %dma_wait3A_198 = arith.constant 0 : i32
    %dma_wait3A_199 = arith.constant 0 : i32
    %dma_wait3A_200 = arith.constant 0 : i32
    %dma_wait3A_201 = tpu.memref_slice %arg5[%dma_wait3A_197, %dma_wait3A_198, %dma_wait3A_181, %dma_wait3A_199, %dma_wait3A_200] : memref<200x4x32x8x128xf32, #tpu.memory_space<hbm>> -> memref<2x4x1x8x128xf32, #tpu.memory_space<hbm>>
    %dma_wait3A_202 = tpu.memref_squeeze %dma_wait3A_201 : memref<2x4x1x8x128xf32, #tpu.memory_space<hbm>> -> memref<2x4x8x128xf32, #tpu.memory_space<hbm>>
    %dma_wait3A_203 = arith.constant 0 : i32
    %dma_wait3A_204 = arith.constant 0 : i32
    %dma_wait3A_205 = arith.constant 0 : i32
    %dma_wait3A_206 = arith.constant 0 : i32
    %dma_wait3A_207 = tpu.memref_slice %arg11[%dma_wait3A_180, %dma_wait3A_203, %dma_wait3A_204, %dma_wait3A_205, %dma_wait3A_206] : memref<4x2x4x8x128xf32, #tpu.memory_space<vmem>> -> memref<1x2x4x8x128xf32, #tpu.memory_space<vmem>>
    %dma_wait3A_208 = tpu.memref_squeeze %dma_wait3A_207 : memref<1x2x4x8x128xf32, #tpu.memory_space<vmem>> -> memref<2x4x8x128xf32, #tpu.memory_space<vmem>>
    tpu.wait_dma2 semaphore(%dma_wait3A_196 : memref<!tpu.dma_semaphore, #tpu.memory_space<semaphore_mem>>) src(%dma_wait3A_208 : memref<2x4x8x128xf32, #tpu.memory_space<vmem>>) dst(%dma_wait3A_202 : memref<2x4x8x128xf32, #tpu.memory_space<hbm>>)
    %dma_wait3A_209 = arith.constant 2 : i32
    %dma_wait3A_210 = arith.constant 0 : i32
    %dma_wait3A_211 = arith.constant 2 : i32
    %dma_wait3A_212 = arith.constant 0 : i32
    %dma_wait3A_213 = arith.constant 0 : i32
    %dma_wait3A_214 = arith.constant 0 : i32
    %dma_wait3A_215 = arith.constant 0 : i32
    %dma_wait3A_216 = tpu.memref_slice %arg11[%dma_wait3A_209, %dma_wait3A_212, %dma_wait3A_213, %dma_wait3A_214, %dma_wait3A_215] : memref<4x2x4x8x128xf32, #tpu.memory_space<vmem>> -> memref<1x2x4x8x128xf32, #tpu.memory_space<vmem>>
    %dma_wait3A_217 = tpu.memref_squeeze %dma_wait3A_216 : memref<1x2x4x8x128xf32, #tpu.memory_space<vmem>> -> memref<2x4x8x128xf32, #tpu.memory_space<vmem>>
    %dma_wait3A_218 = arith.constant 0 : i32
    %dma_wait3A_219 = arith.constant 0 : i32
    %dma_wait3A_220 = arith.constant 0 : i32
    %dma_wait3A_221 = arith.constant 0 : i32
    %dma_wait3A_222 = tpu.memref_slice %arg5[%dma_wait3A_218, %dma_wait3A_219, %dma_wait3A_210, %dma_wait3A_220, %dma_wait3A_221] : memref<200x4x32x8x128xf32, #tpu.memory_space<hbm>> -> memref<2x4x1x8x128xf32, #tpu.memory_space<hbm>>
    %dma_wait3A_223 = tpu.memref_squeeze %dma_wait3A_222 : memref<2x4x1x8x128xf32, #tpu.memory_space<hbm>> -> memref<2x4x8x128xf32, #tpu.memory_space<hbm>>
    %dma_wait3A_224 = tpu.memref_slice %arg13[%dma_wait3A_211] : memref<4x!tpu.dma_semaphore, #tpu.memory_space<semaphore_mem>> -> memref<1x!tpu.dma_semaphore, #tpu.memory_space<semaphore_mem>>
    %dma_wait3A_225 = tpu.memref_squeeze %dma_wait3A_224 : memref<1x!tpu.dma_semaphore, #tpu.memory_space<semaphore_mem>> -> memref<!tpu.dma_semaphore, #tpu.memory_space<semaphore_mem>>
    %dma_wait3A_226 = arith.constant 0 : i32
    %dma_wait3A_227 = arith.constant 0 : i32
    %dma_wait3A_228 = arith.constant 0 : i32
    %dma_wait3A_229 = arith.constant 0 : i32
    %dma_wait3A_230 = tpu.memref_slice %arg5[%dma_wait3A_226, %dma_wait3A_227, %dma_wait3A_210, %dma_wait3A_228, %dma_wait3A_229] : memref<200x4x32x8x128xf32, #tpu.memory_space<hbm>> -> memref<2x4x1x8x128xf32, #tpu.memory_space<hbm>>
    %dma_wait3A_231 = tpu.memref_squeeze %dma_wait3A_230 : memref<2x4x1x8x128xf32, #tpu.memory_space<hbm>> -> memref<2x4x8x128xf32, #tpu.memory_space<hbm>>
    %dma_wait3A_232 = arith.constant 0 : i32
    %dma_wait3A_233 = arith.constant 0 : i32
    %dma_wait3A_234 = arith.constant 0 : i32
    %dma_wait3A_235 = arith.constant 0 : i32
    %dma_wait3A_236 = tpu.memref_slice %arg11[%dma_wait3A_209, %dma_wait3A_232, %dma_wait3A_233, %dma_wait3A_234, %dma_wait3A_235] : memref<4x2x4x8x128xf32, #tpu.memory_space<vmem>> -> memref<1x2x4x8x128xf32, #tpu.memory_space<vmem>>
    %dma_wait3A_237 = tpu.memref_squeeze %dma_wait3A_236 : memref<1x2x4x8x128xf32, #tpu.memory_space<vmem>> -> memref<2x4x8x128xf32, #tpu.memory_space<vmem>>
    tpu.wait_dma2 semaphore(%dma_wait3A_225 : memref<!tpu.dma_semaphore, #tpu.memory_space<semaphore_mem>>) src(%dma_wait3A_237 : memref<2x4x8x128xf32, #tpu.memory_space<vmem>>) dst(%dma_wait3A_231 : memref<2x4x8x128xf32, #tpu.memory_space<hbm>>)
    %dma_wait3A_238 = arith.constant 3 : i32
    %dma_wait3A_239 = arith.constant 0 : i32
    %dma_wait3A_240 = arith.constant 3 : i32
    %dma_wait3A_241 = arith.constant 0 : i32
    %dma_wait3A_242 = arith.constant 0 : i32
    %dma_wait3A_243 = arith.constant 0 : i32
    %dma_wait3A_244 = arith.constant 0 : i32
    %dma_wait3A_245 = tpu.memref_slice %arg11[%dma_wait3A_238, %dma_wait3A_241, %dma_wait3A_242, %dma_wait3A_243, %dma_wait3A_244] : memref<4x2x4x8x128xf32, #tpu.memory_space<vmem>> -> memref<1x2x4x8x128xf32, #tpu.memory_space<vmem>>
    %dma_wait3A_246 = tpu.memref_squeeze %dma_wait3A_245 : memref<1x2x4x8x128xf32, #tpu.memory_space<vmem>> -> memref<2x4x8x128xf32, #tpu.memory_space<vmem>>
    %dma_wait3A_247 = arith.constant 0 : i32
    %dma_wait3A_248 = arith.constant 0 : i32
    %dma_wait3A_249 = arith.constant 0 : i32
    %dma_wait3A_250 = arith.constant 0 : i32
    %dma_wait3A_251 = tpu.memref_slice %arg5[%dma_wait3A_247, %dma_wait3A_248, %dma_wait3A_239, %dma_wait3A_249, %dma_wait3A_250] : memref<200x4x32x8x128xf32, #tpu.memory_space<hbm>> -> memref<2x4x1x8x128xf32, #tpu.memory_space<hbm>>
    %dma_wait3A_252 = tpu.memref_squeeze %dma_wait3A_251 : memref<2x4x1x8x128xf32, #tpu.memory_space<hbm>> -> memref<2x4x8x128xf32, #tpu.memory_space<hbm>>
    %dma_wait3A_253 = tpu.memref_slice %arg13[%dma_wait3A_240] : memref<4x!tpu.dma_semaphore, #tpu.memory_space<semaphore_mem>> -> memref<1x!tpu.dma_semaphore, #tpu.memory_space<semaphore_mem>>
    %dma_wait3A_254 = tpu.memref_squeeze %dma_wait3A_253 : memref<1x!tpu.dma_semaphore, #tpu.memory_space<semaphore_mem>> -> memref<!tpu.dma_semaphore, #tpu.memory_space<semaphore_mem>>
    %dma_wait3A_255 = arith.constant 0 : i32
    %dma_wait3A_256 = arith.constant 0 : i32
    %dma_wait3A_257 = arith.constant 0 : i32
    %dma_wait3A_258 = arith.constant 0 : i32
    %dma_wait3A_259 = tpu.memref_slice %arg5[%dma_wait3A_255, %dma_wait3A_256, %dma_wait3A_239, %dma_wait3A_257, %dma_wait3A_258] : memref<200x4x32x8x128xf32, #tpu.memory_space<hbm>> -> memref<2x4x1x8x128xf32, #tpu.memory_space<hbm>>
    %dma_wait3A_260 = tpu.memref_squeeze %dma_wait3A_259 : memref<2x4x1x8x128xf32, #tpu.memory_space<hbm>> -> memref<2x4x8x128xf32, #tpu.memory_space<hbm>>
    %dma_wait3A_261 = arith.constant 0 : i32
    %dma_wait3A_262 = arith.constant 0 : i32
    %dma_wait3A_263 = arith.constant 0 : i32
    %dma_wait3A_264 = arith.constant 0 : i32
    %dma_wait3A_265 = tpu.memref_slice %arg11[%dma_wait3A_238, %dma_wait3A_261, %dma_wait3A_262, %dma_wait3A_263, %dma_wait3A_264] : memref<4x2x4x8x128xf32, #tpu.memory_space<vmem>> -> memref<1x2x4x8x128xf32, #tpu.memory_space<vmem>>
    %dma_wait3A_266 = tpu.memref_squeeze %dma_wait3A_265 : memref<1x2x4x8x128xf32, #tpu.memory_space<vmem>> -> memref<2x4x8x128xf32, #tpu.memory_space<vmem>>
    tpu.wait_dma2 semaphore(%dma_wait3A_254 : memref<!tpu.dma_semaphore, #tpu.memory_space<semaphore_mem>>) src(%dma_wait3A_266 : memref<2x4x8x128xf32, #tpu.memory_space<vmem>>) dst(%dma_wait3A_260 : memref<2x4x8x128xf32, #tpu.memory_space<hbm>>)
    return
  }
}

</mosaic_0001>

<sc_bundles>
// kernel: kernel.3.cloned.1.call-start
scs
__scs_entry_jumppad:
0x0: {  	(pc) =	sbr.rel $0x88, $3  }
0x1: {  	(tag) =	ssettag $0x0;
	lr =	simm.s32 $0x1  }
0x2: {  	[smem:$0x3F9E] =	sst lr;
	_ =	strace $0xD0000000  }
0x3: {  	_ = 	snop  }
0x4: {  	_ = 	snop  }
0x5: {  	_ = 	snop  }
0x6: {  	_ = 	snop  }
0x7: {  	_ = 	snop  }
__scs_overlays_trampoline_lowered:
0x8: {  	[smem:$0x3FAD] =	sst s0  }
0x9: {  	[smem:$0x3FAE] =	sst s1  }
0xa: {  	[smem:$0x3FAF] =	sst s2  }
0xb: {  	[smem:$0x3FB0] =	sst s3  }
0xc: {  	[smem:$0x3FB1] =	sst s4  }
0xd: {  	[smem:$0x3FB2] =	sst s5  }
0xe: {  	[smem:$0x3FB3] =	sst s6  }
0xf: {  	[smem:$0x3FB4] =	sst s7  }
0x10: {  	[smem:$0x3FB5] =	sst s8  }
0x11: {  	[smem:$0x3FB6] =	sst s9;
	s0 =	simm.s32 @!p0 $0x0  }
0x12: {  	s1 =	sld [smem:$0x3F9C];
	s0 =	simm.s32 @p0 $0x1  }
0x13: {  	[smem:$0x3FB7] =	sst s0;
	s0 =	simm.s32 @!p1 $0x0  }
0x14: {  	s2 =	sld [smem:$0x3F9B];
	s0 =	simm.s32 @p1 $0x1  }
0x15: {  	[smem:$0x3FB8] =	sst s0;
	s0 =	simm.s32 @!p2 $0x0  }
0x16: {  	s3 =	sld [smem:$0x3FDB];
	s0 =	simm.s32 @p2 $0x1  }
0x17: {  	s4 =	simm.s32 $0x1BF5;
	[smem:$0x3FBA] =	sst s0  }
0x18: {  	s0 =	sld [smem:$0x3F9D];
	_ =	swait.ge [sflag:s4], $0x0  }
0x19: {  	s7 =	sld [smem:$0x3F9E]  }
0x1a: {  	s8 =	sadd.s32 $0xFFFFE003, lr  }
0x1b: {  	s9 =	sadd.s32 $0xFFFFFEF7, lr;
	s5 =	simm.s32 $0xFFFFFFFF;
	p2 =	slt.u32 s8, $0xFFFFF086  }
0x1c: {  	p1 =	slt.u32 s9, $0xF7A;
	s5 =	simm.s32 @!p2 $0x0  }
0x1d: {  	s5 =	simm.s32 @p1 $0x1;
	p0 =	seq.s32 s7, s2  }
0x1e: {  	s7 =	smul.u32 @!p0 $0xF7A, s2;
	p2 =	seq.s32 @!p0 s5, $0x0  }
0x1f: {  	s9 =	smul.u32 $0xF7A, s1;
	s8 =	simm.s32 @!p0 $0x1BF5;
	p2 =	por !p2, p0  }
0x20: {  	[sflag:s8] =	ssyncset.s32 @!p0 $0xFFFFF086;
	s6 =	sadd.s32 @!p0 s3, s7;
	s7 =	simm.s32 @!p0 $0x108  }
0x21: {  	s3 =	sadd.s32 s3, s9;
	s6 =	sadd.s32 @!p0 $0x88, s6;
	s7 =	simm.s32 @p2 $0x1082  }
0x22: {  	[simem:s7], [sflag:s8] =	dma.local @!p0 [hbm:s6], $0xF7A  }
0x23: {  	s9 =	sor.u32 $0xD0000000, s2;
	s6 =	simm.s32 $0x108;
	_ =	swait.ge @!p0 [sflag:s8], $0x0  }
0x24: {  	s3 =	sadd.s32 $0x88, s3;
	s6 =	simm.s32 @!p1 $0x1082;
	[sflag:s4] =	ssyncset.s32 $0xFFFFF086  }
0x25: {  	[simem:s6], [sflag:s4] =	dma.local [hbm:s3], $0xF7A  }
0x26: {  	[smem:$0x3F9E] =	sst s1;
	(tag) =	ssettag s2;
	_ =	strace s9  }
0x27: {  	s1 =	sld [smem:$0x3FAE]  }
0x28: {  	s2 =	sld [smem:$0x3FAF]  }
0x29: {  	s4 =	sld [smem:$0x3FB1]  }
0x2a: {  	p0 =	seq.s32 s5, $0x0;
	s5 =	sld [smem:$0x3FB2]  }
0x2b: {  	s6 =	sld [smem:$0x3FB3]  }
0x2c: {  	s7 =	sld [smem:$0x3FB4]  }
0x2d: {  	s3 =	simm.s32 $0x108;
	s8 =	sld [smem:$0x3FB5]  }
0x2e: {  	s3 =	simm.s32 @!p0 $0x1082;
	s9 =	sld [smem:$0x3FB6]  }
0x2f: {  	lr =	sadd.s32 s0, s3;
	s0 =	sld [smem:$0x3FAD]  }
0x30: {  	s3 =	sld [smem:$0x3FB0]  }
0x31: {  	[smem:$0x3FB9] =	sst s10  }
0x32: {  	s10 =	sld [smem:$0x3FB7];
	_ =	sdelay $0x3  }
0x33: {  	p0 =	seq.s32 s10, $0x1;
	s10 =	sld [smem:$0x3FB9];
	_ =	sdelay $0x3  }
0x34: {  	[smem:$0x3FB9] =	sst s10  }
0x35: {  	s10 =	sld [smem:$0x3FB8];
	_ =	sdelay $0x3  }
0x36: {  	p1 =	seq.s32 s10, $0x1;
	s10 =	sld [smem:$0x3FB9];
	_ =	sdelay $0x3  }
0x37: {  	[smem:$0x3FB9] =	sst s10  }
0x38: {  	s10 =	sld [smem:$0x3FBA]  }
0x39: {  	_ = 	snop;
	(pc) =	sbr.ind lr, $3  }
0x3a: {  	_ = 	snop  }
0x3b: {  	_ = 	snop  }
0x3c: {  	p2 =	seq.s32 s10, $0x1;
	s10 =	sld [smem:$0x3FB9]  }
0x3d: {  	_ =	shalt  }
0x3e: {  	_ =	shalt  }
0x3f: {  	_ =	shalt  }
0x40: {  	_ =	shalt  }
0x41: {  	_ =	shalt  }
0x42: {  	_ =	shalt  }
0x43: {  	_ =	shalt  }
0x44: {  	_ =	shalt  }
0x45: {  	_ =	shalt  }
0x46: {  	_ =	shalt  }
0x47: {  	_ =	shalt  }
0x48: {  	_ =	shalt  }
0x49: {  	_ =	shalt  }
0x4a: {  	_ =	shalt  }
0x4b: {  	_ =	shalt  }
0x4c: {  	_ =	shalt  }
0x4d: {  	_ =	shalt  }
0x4e: {  	_ =	shalt  }
0x4f: {  	_ =	shalt  }
0x50: {  	_ =	shalt  }
0x51: {  	_ =	shalt  }
0x52: {  	_ =	shalt  }
0x53: {  	_ =	shalt  }
0x54: {  	_ =	shalt  }
0x55: {  	_ =	shalt  }
0x56: {  	_ =	shalt  }
0x57: {  	_ =	shalt  }
0x58: {  	_ =	shalt  }
0x59: {  	_ =	shalt  }
0x5a: {  	_ =	shalt  }
0x5b: {  	_ =	shalt  }
0x5c: {  	_ =	shalt  }
0x5d: {  	_ =	shalt  }
0x5e: {  	_ =	shalt  }
0x5f: {  	_ =	shalt  }
0x60: {  	_ =	shalt  }
0x61: {  	_ =	shalt  }
0x62: {  	_ =	shalt  }
0x63: {  	_ =	shalt  }
0x64: {  	_ =	shalt  }
0x65: {  	_ =	shalt  }
0x66: {  	_ =	shalt  }
0x67: {  	_ =	shalt  }
0x68: {  	_ =	shalt  }
0x69: {  	_ =	shalt  }
0x6a: {  	_ =	shalt  }
0x6b: {  	_ =	shalt  }
0x6c: {  	_ =	shalt  }
0x6d: {  	_ =	shalt  }
0x6e: {  	_ =	shalt  }
0x6f: {  	_ =	shalt  }
0x70: {  	_ =	shalt  }
0x71: {  	_ =	shalt  }
0x72: {  	_ =	shalt  }
0x73: {  	_ =	shalt  }
0x74: {  	_ =	shalt  }
0x75: {  	_ =	shalt  }
0x76: {  	_ =	shalt  }
0x77: {  	_ =	shalt  }
0x78: {  	_ =	shalt  }
0x79: {  	_ =	shalt  }
0x7a: {  	_ =	shalt  }
0x7b: {  	_ =	shalt  }
0x7c: {  	_ =	shalt  }
0x7d: {  	_ =	shalt  }
0x7e: {  	_ =	shalt  }
0x7f: {  	_ =	shalt  }
0x80: {  	_ =	shalt  }
0x81: {  	_ =	shalt  }
0x82: {  	_ =	shalt  }
0x83: {  	_ =	shalt  }
0x84: {  	_ =	shalt  }
0x85: {  	_ =	shalt  }
0x86: {  	_ =	shalt  }
0x87: {  	_ =	shalt  }
.Lfunc_end0:
.L_simem_size_0:
called_computation_lowered:
.L_overlay_start_0:
0x88: {  	s2 =	sld [smem:$0x3FD9]  }
0x89: {  	s3 =	sld [smem:$0x3FFE];
	_ =	sdelay $0x1  }
0x8a: {  	s1 =	srdreg.scid  }
0x8b: {  	s0 =	sand.u32 $0x1, s1  }
0x8c: {  	s17 =	sshll.u32 s0, $0xA;
	s2 =	sadd.s32 s3, s2  }
0x8d: {  	s2 =	sadd.s32 s2, s17  }
0x8e: {  	[smem:$0x3FC5] =	sst s2  }
0x8f: {  	_ = 	snop  }
0x90: {  	s2 =	sld [smem:$0x3FD0];
	(tm) =	ssettm $0x1  }
0x91: {  	s18 =	sld [smem:$0x3FFB];
	_ =	sdelay $0x3  }
0x92: {  	_ =	strace s18  }
0x93: {  	s3 =	sld [smem:$0x3FFC];
	_ =	sdelay $0x3  }
0x94: {  	_ =	strace s3  }
0x95: {  	s3 =	sld [smem:$0x3FFD];
	_ =	sdelay $0x3  }
0x96: {  	_ =	strace s3  }
0x97: {  	_ =	strace $0x8FFFFFFF  }
0x98: {  	s19 =	sld [smem:$0x3FDB];
	_ =	sdelay $0x1  }
0x99: {  	s4 =	simm.s32 $_scs_section_size  }
0x9a: {  	s5 =	simm.s32 $_size__tile_overlayer_lowered;
	s6 =	simm.s32 $_tile_overlayer_lowered  }
0x9b: {  	s22 =	simm.s32 $0x1BFF;
	s21 =	sshll.u32 s6, $0x1;
	s3 =	sadd.s32 s4, s19  }
0x9c: {  	s7 =	simm.s32 $0x0;
	s20 =	sshll.u32 s5, $0x1;
	s5 =	sadd.s32 s21, s3  }
0x9d: {  	[timem:s7], [sflag:s22] =	dma.local [hbm:s5], s20  }
0x9e: {  	_ =	swait.ge [sflag:s22], s20  }
0x9f: {  	s4 =	ssub.s32 $0x0, s20;
	[sflag:s22] =	ssyncset.done $0x0  }
0xa0: {  	[sflag:s22] =	ssyncadd.s32 s4;
	_ =	sdelay $0x1  }
0xa1: {  	s23 =	simm.s32 $0x1B8B  }
0xa2: {  	_ =	swait.ge [sflag:s23], $0x1  }
0xa3: {  	[sflag:s23] =	ssyncset.done $0x0  }
0xa4: {  	s25 =	simm.s32 $0x1B8E;
	s24 =	sld [smem:$0x3FFE];
	[sflag:s23] =	ssyncadd.s32 $0xFFFFFFFF  }
0xa5: {  	s26 =	simm.s32 $execute0_lowered;
	[smem:$0x3FD2] =	sst s25  }
0xa6: {  	s5 =	sshll.u32 s26, $0x1;
	_ =	strace $0x80000046;
	[dreg:$0x1] =	wrdreg $0xFFFFFFFF  }
0xa7: {  	s28 =	simm.s32 $_size_execute0_lowered;
	s3 =	sadd.s32 s3, s5;
	[dreg:$0x0] =	wrdreg $0x0  }
0xa8: {  	s5 =	sshll.u32 s28, $0x1;
	[dreg:$0x2] =	wrdreg s3  }
0xa9: {  	[dreg:$0x3] =	wrdreg s5  }
0xaa: {  	[dreg:$0x4] =	wrdreg $0xC0  }
0xab: {  	_ =	task [dreg:s7], $0x5FFFF  }
0xac: {  	[dreg:$0x1] =	wrdreg $0xFFFFFFFF  }
0xad: {  	[dreg:$0x0] =	wrdreg $0x60  }
0xae: {  	[dreg:$0x2] =	wrdreg s24  }
0xaf: {  	[dreg:$0x3] =	wrdreg s2  }
0xb0: {  	[dreg:$0x4] =	wrdreg $0x9  }
0xb1: {  	_ =	task.clear_ibuf [dreg:s7], $0x5FFFF;
	_ =	strace $0x90000046  }
0xb2: {  	s29 =	simm.s32 $0x9;
	_ =	strace $0x80000048  }
0xb3: {  	_ =	swait.ge [sflag:s29], $0x1  }
0xb4: {  	[sflag:s29] =	ssyncadd.s32 $0xFFFFFFFF  }
0xb5: {  	_ =	strace $0x90000048  }
0xb6: {  	_ =	sfence  }
0xb7: {  	s30 =	sld [smem:$0x0];
	_ =	sdelay $0x2  }
0xb8: {  	s31 =	sshll.u32 s1, $0xD;
	s1 =	sshrl.u32 s1, $0x2  }
0xb9: {  	s3 =	sand.u32 $0x4000, s31;
	s1 =	sadd.s32 s1, s30  }
0xba: {  	s0 =	sor.u32 s3, s0;
	s1 =	sshll.u32 s1, $0x11  }
0xbb: {  	s0 =	sor.u32 s1, s0  }
0xbc: {  	s0 =	sadd.s32 $0x8F2B, s0  }
0xbd: {  	[sflag:s0] =	ssyncadd.remote.s32 $0x1  }
0xbe: {  	_ =	sfence.sel $0xFFFF  }
0xbf: {  	[dreg:$0x0] =	wrdreg $0xFFFFFFFF;
	(pc) =	sbr.abs _section_cstart, $3  }
0xc0: {  	[dreg:$0x1] =	wrdreg $0xFFFFFFFF  }
0xc1: {  	_ =	task.clear_ibuf [dreg:s7], $0x2FFFF;
	_ =	strace $0x9FFFFFFF  }
0xc2: {  	(tm) =	ssettm $0x7FFFFFFF  }
0xc3: {  	_ =	shalt  }
tec
execute0_lowered:
.L_overlay_start_1:
0x0: {  	(tag) =	ssettag $0x1  }
0x1: {  	s0 =	rddreg [dreg:$0x0]  }
0x2: {  	s2 =	rddreg [dreg:$0x1]  }
0x3: {  	s1 =	srdreg.scid;
	s3 =	stileid.u32  }
0x4: {  	s4 =	simm.s32 $0x0;
	s1 =	sand.u32 $0x1, s1;
	s3 =	sshll.u32 s3, $0x1  }
0x5: {  	[smem:$0x7FF] =	sst s4;
	s3 =	sor.u32 s1, s3  }
0x6: {  	s4 =	sadd.s32 $0xF42C00, s0;
	s6 =	sadd.s32 $0x800, s0;
	s5 =	smul.u32 $0x6400, s3  }
0x7: {  	s0 =	sadd.s32 $0x19800, s0;
	s1 =	ssub.s32 $0x2, s1;
	s7 =	smul.u32 $0xC80, s3  }
0x8: {  	_ =	strace $0x80000047;
	[dreg:$0x3] =	wrdreg s0;
	s21 =	sshrl.u32 s1, $0x1  }
0x9: {  	s0 =	ssub.s32 s1, s21;
	s5 =	sshrl.u32 s5, $0x3;
	s22 =	sadd.s32 s6, s7  }
0xa: {  	s0 =	smax.u32 s0, $0x1;
	[dreg:$0x4] =	wrdreg s22;
	s23 =	sadd.s32 s6, s5  }
0xb: {  	[dreg:$0xc] =	wrdreg s0;
	s5 =	sadd.s32 $0x190, s23  }
0xc: {  	s17 =	simm.s32 $0x1900;
	v1 =	vlaneseq.u32;
	s24 =	sadd.s32 $0x320, s23;
	[dreg:$0x5] =	wrdreg s5  }
0xd: {  	s28 =	simm.s32 $0x3;
	v0 =	vmul.u32 $0x28, v1;
	s25 =	sadd.s32 $0x4B0, s23;
	[dreg:$0x6] =	wrdreg s24  }
0xe: {  	s30 =	simm.s32 $0x4;
	v1 =	vmul.u32 $0xC8, v1;
	s26 =	sadd.s32 $0x640, s23;
	[dreg:$0x7] =	wrdreg s25  }
0xf: {  	s14 =	sshll.u32 s3, $0xA;
	v2 =	vadd.s32 $0x280, v0;
	v3 =	vadd.s32 $0x500, v0;
	v4 =	vadd.s32 $0x780, v0;
	s29 =	sadd.s32 $0x7D0, s23;
	[dreg:$0x8] =	wrdreg s26  }
0x10: {  	v5 =	vadd.s32 $0xA00, v0;
	v6 =	vadd.s32 $0xC80, v0;
	v7 =	vadd.s32 $0xF00, v0;
	s7 =	simm.s32 $0x2580;
	s31 =	sadd.s32 $0x960, s23;
	[dreg:$0x9] =	wrdreg s29  }
0x11: {  	v8 =	vadd.s32 $0x1180, v0;
	v9 =	vor.u32 $0x1400, v0;
	v10 =	vadd.s32 $0x1680, v0;
	s6 =	simm.s32 $0x9;
	s1 =	sadd.s32 $0xAF0, s23;
	[dreg:$0xa] =	wrdreg s31  }
0x12: {  	v11 =	vadd.s32 $0x1900, v0;
	v12 =	vadd.s32 $0x1B80, v0;
	v13 =	vadd.s32 $0x1E00, v0;
	s22 =	simm.s32 $0x400;
	s23 =	simm.s32 $0x8000;
	[dreg:$0xb] =	wrdreg s1  }
0x13: {  	v14 =	vadd.s32 $0x2080, v0;
	v15 =	vadd.s32 $0x2300, v0;
	v16 =	vadd.s32 $0x2580, v0;
	s1 =	simm.s32 $0x10980;
	s25 =	simm.s32 $0x2;
	s5 =	simm.s32 $0x0  }
.LBB2_1:
0x14: {  	[dreg:$0xd] =	wrdreg s5  }
0x15: {  	s0 =	simm.s32 $0x0;
	s3 =	rddreg [dreg:$0x3]  }
0x16: {  	[tilespmem:s0], [sflag:$0x9] =	stream.linear.gather [hbm4b:s3+s0], $0x1900, $0x38;
	[tilespmem:$0x1B180] =	vst v63  }
0x17: {  	v17 =	vmov s0;
	_ =	swait.ge [sflag:s6], $0x1900  }
0x18: {  	v17 =	vand.u32 $0xFF, v17;
	[sflag:s6] =	ssyncset.done $0x0  }
0x19: {  	v17 =	vadd.s32 v1, v17;
	s26 =	rddreg [dreg:$0x4];
	[sflag:s6] =	ssyncadd.s32 $0xFFFFE700  }
0x1a: {  	[tilespmem:s17], [sflag:$0x9] =	stream.linear.gather [hbm4b:s26+s0], $0xC80, $0x38;
	[tilespmem:$0x1B180] =	vst v63  }
0x1b: {  	_ =	swait.ge [sflag:s6], $0xC80  }
0x1c: {  	s29 =	simm.s32 $0x1;
	[sflag:s6] =	ssyncset.done $0x0  }
0x1d: {  	v18 =	vmov s29;
	[sflag:s6] =	ssyncadd.s32 $0xFFFFF380  }
0x1e: {  	v18 =	vand.u32 $0xFF, v18;
	v17 =	vld.idx.msk [tilespmem:v17+s17+$0x0], $0xffff  }
0x1f: {  	v19 =	vadd.s32 v1, v18;
	_ =	sdelay $0x3  }
0x20: {  	s31 =	simm.s32 $0x2;
	[tilespmem:s7+$0x0] =	vst v17  }
0x21: {  	s5 =	simm.s32 $0x3;
	s3 =	simm.s32 $0x2580;
	v18 =	vmov s31;
	v17 =	vld.idx.msk [tilespmem:v19+s17+$0x0], $0xffff  }
.LBB2_2:
0x22: {  	p0 =	sne.s32 s5, $0xC7;
	v18 =	vand.u32 $0xFF, v18  }
0x23: {  	v19 =	vadd.s32 v1, v18  }
.Ltmp0:
0x24: {  	(pc) =	sbr.rel @p0 .LBB2_2-.Ltmp0, $4  }
0x25: {  	_ = 	snop  }
0x26: {  	s3 =	sadd.s32 $0x80, s3  }
0x27: {  	[tilespmem:s3+$0x0] =	vst v17  }
0x28: {  	v18 =	vmov s5;
	s5 =	sadd.s32 $0x1, s5;
	v17 =	vld.idx.msk [tilespmem:v19+s17+$0x0], $0xffff  }
0x29: {  	v18 =	vand.u32 $0xFF, v18  }
0x2a: {  	v18 =	vadd.s32 v1, v18;
	_ =	sdelay $0x2  }
0x2b: {  	s3 =	sadd.s32 $0x80, s3  }
0x2c: {  	[tilespmem:s3+$0x0] =	vst v17  }
0x2d: {  	v17 =	vld.idx.msk [tilespmem:v18+s17+$0x0], $0xffff;
	_ =	sdelay $0x1  }
0x2e: {  	s5 =	simm.s32 $0x0  }
0x2f: {  	v18 =	vmov s5  }
0x30: {  	s3 =	sadd.s32 $0x80, s3;
	v18 =	vand.u32 $0xFF, v18  }
0x31: {  	s0 =	rddreg [dreg:$0x5];
	[tilespmem:s3+$0x0] =	vst v17;
	v17 =	vadd.s32 v1, v18  }
0x32: {  	[tilespmem:s17], [sflag:$0x9] =	stream.linear.gather [hbm4b:s0+s5], $0xC80, $0x38;
	[tilespmem:$0x1B180] =	vst v63  }
0x33: {  	_ =	swait.ge [sflag:s6], $0xC80  }
0x34: {  	s29 =	simm.s32 $0x1;
	[sflag:s6] =	ssyncset.done $0x0  }
0x35: {  	v18 =	vmov s29;
	[sflag:s6] =	ssyncadd.s32 $0xFFFFF380  }
0x36: {  	v18 =	vand.u32 $0xFF, v18;
	v17 =	vld.idx.msk [tilespmem:v17+s17+$0x0], $0xffff  }
0x37: {  	v19 =	vadd.s32 v1, v18;
	_ =	sdelay $0x2  }
0x38: {  	s3 =	simm.s32 $0x2590  }
0x39: {  	s31 =	simm.s32 $0x2;
	[tilespmem:s3+$0x0] =	vst v17  }
0x3a: {  	s5 =	simm.s32 $0x3;
	v18 =	vmov s31;
	v17 =	vld.idx.msk [tilespmem:v19+s17+$0x0], $0xffff  }
.LBB2_4:
0x3b: {  	p0 =	sne.s32 s5, $0xC7;
	v18 =	vand.u32 $0xFF, v18  }
0x3c: {  	v19 =	vadd.s32 v1, v18  }
.Ltmp1:
0x3d: {  	(pc) =	sbr.rel @p0 .LBB2_4-.Ltmp1, $4  }
0x3e: {  	_ = 	snop  }
0x3f: {  	s3 =	sadd.s32 $0x80, s3  }
0x40: {  	[tilespmem:s3+$0x0] =	vst v17  }
0x41: {  	v18 =	vmov s5;
	s5 =	sadd.s32 $0x1, s5;
	v17 =	vld.idx.msk [tilespmem:v19+s17+$0x0], $0xffff  }
0x42: {  	v18 =	vand.u32 $0xFF, v18  }
0x43: {  	v18 =	vadd.s32 v1, v18;
	_ =	sdelay $0x2  }
0x44: {  	s3 =	sadd.s32 $0x80, s3  }
0x45: {  	[tilespmem:s3+$0x0] =	vst v17  }
0x46: {  	v17 =	vld.idx.msk [tilespmem:v18+s17+$0x0], $0xffff;
	_ =	sdelay $0x1  }
0x47: {  	s5 =	simm.s32 $0x0  }
0x48: {  	v18 =	vmov s5  }
0x49: {  	s3 =	sadd.s32 $0x80, s3;
	v18 =	vand.u32 $0xFF, v18  }
0x4a: {  	s0 =	rddreg [dreg:$0x6];
	[tilespmem:s3+$0x0] =	vst v17;
	v17 =	vadd.s32 v1, v18  }
0x4b: {  	[tilespmem:s17], [sflag:$0x9] =	stream.linear.gather [hbm4b:s0+s5], $0xC80, $0x38;
	[tilespmem:$0x1B180] =	vst v63  }
0x4c: {  	_ =	swait.ge [sflag:s6], $0xC80  }
0x4d: {  	s29 =	simm.s32 $0x1;
	[sflag:s6] =	ssyncset.done $0x0  }
0x4e: {  	v18 =	vmov s29;
	[sflag:s6] =	ssyncadd.s32 $0xFFFFF380  }
0x4f: {  	v18 =	vand.u32 $0xFF, v18;
	v17 =	vld.idx.msk [tilespmem:v17+s17+$0x0], $0xffff  }
0x50: {  	v19 =	vadd.s32 v1, v18;
	_ =	sdelay $0x2  }
0x51: {  	s3 =	simm.s32 $0x25A0  }
0x52: {  	s31 =	simm.s32 $0x2;
	[tilespmem:s3+$0x0] =	vst v17  }
0x53: {  	s5 =	simm.s32 $0x3;
	v18 =	vmov s31;
	v17 =	vld.idx.msk [tilespmem:v19+s17+$0x0], $0xffff  }
.LBB2_6:
0x54: {  	p0 =	sne.s32 s5, $0xC7;
	v18 =	vand.u32 $0xFF, v18  }
0x55: {  	v19 =	vadd.s32 v1, v18  }
.Ltmp2:
0x56: {  	(pc) =	sbr.rel @p0 .LBB2_6-.Ltmp2, $4  }
0x57: {  	_ = 	snop  }
0x58: {  	s3 =	sadd.s32 $0x80, s3  }
0x59: {  	[tilespmem:s3+$0x0] =	vst v17  }
0x5a: {  	v18 =	vmov s5;
	s5 =	sadd.s32 $0x1, s5;
	v17 =	vld.idx.msk [tilespmem:v19+s17+$0x0], $0xffff  }
0x5b: {  	v18 =	vand.u32 $0xFF, v18  }
0x5c: {  	v18 =	vadd.s32 v1, v18;
	_ =	sdelay $0x2  }
0x5d: {  	s3 =	sadd.s32 $0x80, s3  }
0x5e: {  	[tilespmem:s3+$0x0] =	vst v17  }
0x5f: {  	v17 =	vld.idx.msk [tilespmem:v18+s17+$0x0], $0xffff;
	_ =	sdelay $0x1  }
0x60: {  	s5 =	simm.s32 $0x0  }
0x61: {  	v18 =	vmov s5  }
0x62: {  	s3 =	sadd.s32 $0x80, s3;
	v18 =	vand.u32 $0xFF, v18  }
0x63: {  	s0 =	rddreg [dreg:$0x7];
	[tilespmem:s3+$0x0] =	vst v17;
	v17 =	vadd.s32 v1, v18  }
0x64: {  	[tilespmem:s17], [sflag:$0x9] =	stream.linear.gather [hbm4b:s0+s5], $0xC80, $0x38;
	[tilespmem:$0x1B180] =	vst v63  }
0x65: {  	_ =	swait.ge [sflag:s6], $0xC80  }
0x66: {  	s29 =	simm.s32 $0x1;
	[sflag:s6] =	ssyncset.done $0x0  }
0x67: {  	v18 =	vmov s29;
	[sflag:s6] =	ssyncadd.s32 $0xFFFFF380  }
0x68: {  	v18 =	vand.u32 $0xFF, v18;
	v17 =	vld.idx.msk [tilespmem:v17+s17+$0x0], $0xffff  }
0x69: {  	v19 =	vadd.s32 v1, v18;
	_ =	sdelay $0x2  }
0x6a: {  	s3 =	simm.s32 $0x25B0  }
0x6b: {  	s31 =	simm.s32 $0x2;
	[tilespmem:s3+$0x0] =	vst v17  }
0x6c: {  	s5 =	simm.s32 $0x3;
	v18 =	vmov s31;
	v17 =	vld.idx.msk [tilespmem:v19+s17+$0x0], $0xffff  }
.LBB2_8:
0x6d: {  	p0 =	sne.s32 s5, $0xC7;
	v18 =	vand.u32 $0xFF, v18  }
0x6e: {  	v19 =	vadd.s32 v1, v18  }
.Ltmp3:
0x6f: {  	(pc) =	sbr.rel @p0 .LBB2_8-.Ltmp3, $4  }
0x70: {  	_ = 	snop  }
0x71: {  	s3 =	sadd.s32 $0x80, s3  }
0x72: {  	[tilespmem:s3+$0x0] =	vst v17  }
0x73: {  	v18 =	vmov s5;
	s5 =	sadd.s32 $0x1, s5;
	v17 =	vld.idx.msk [tilespmem:v19+s17+$0x0], $0xffff  }
0x74: {  	v18 =	vand.u32 $0xFF, v18  }
0x75: {  	v18 =	vadd.s32 v1, v18;
	_ =	sdelay $0x2  }
0x76: {  	s3 =	sadd.s32 $0x80, s3  }
0x77: {  	[tilespmem:s3+$0x0] =	vst v17  }
0x78: {  	v17 =	vld.idx.msk [tilespmem:v18+s17+$0x0], $0xffff;
	_ =	sdelay $0x1  }
0x79: {  	s5 =	simm.s32 $0x0  }
0x7a: {  	v18 =	vmov s5  }
0x7b: {  	s3 =	sadd.s32 $0x80, s3;
	v18 =	vand.u32 $0xFF, v18  }
0x7c: {  	s0 =	rddreg [dreg:$0x8];
	[tilespmem:s3+$0x0] =	vst v17;
	v17 =	vadd.s32 v1, v18  }
0x7d: {  	[tilespmem:s17], [sflag:$0x9] =	stream.linear.gather [hbm4b:s0+s5], $0xC80, $0x38;
	[tilespmem:$0x1B180] =	vst v63  }
0x7e: {  	_ =	swait.ge [sflag:s6], $0xC80  }
0x7f: {  	s29 =	simm.s32 $0x1;
	[sflag:s6] =	ssyncset.done $0x0  }
0x80: {  	v18 =	vmov s29;
	[sflag:s6] =	ssyncadd.s32 $0xFFFFF380  }
0x81: {  	v18 =	vand.u32 $0xFF, v18;
	v17 =	vld.idx.msk [tilespmem:v17+s17+$0x0], $0xffff  }
0x82: {  	v19 =	vadd.s32 v1, v18;
	_ =	sdelay $0x2  }
0x83: {  	s3 =	simm.s32 $0x25C0  }
0x84: {  	s31 =	simm.s32 $0x2;
	[tilespmem:s3+$0x0] =	vst v17  }
0x85: {  	s5 =	simm.s32 $0x3;
	v18 =	vmov s31;
	v17 =	vld.idx.msk [tilespmem:v19+s17+$0x0], $0xffff  }
.LBB2_10:
0x86: {  	p0 =	sne.s32 s5, $0xC7;
	v18 =	vand.u32 $0xFF, v18  }
0x87: {  	v19 =	vadd.s32 v1, v18  }
.Ltmp4:
0x88: {  	(pc) =	sbr.rel @p0 .LBB2_10-.Ltmp4, $4  }
0x89: {  	_ = 	snop  }
0x8a: {  	s3 =	sadd.s32 $0x80, s3  }
0x8b: {  	[tilespmem:s3+$0x0] =	vst v17  }
0x8c: {  	v18 =	vmov s5;
	s5 =	sadd.s32 $0x1, s5;
	v17 =	vld.idx.msk [tilespmem:v19+s17+$0x0], $0xffff  }
0x8d: {  	v18 =	vand.u32 $0xFF, v18  }
0x8e: {  	v18 =	vadd.s32 v1, v18;
	_ =	sdelay $0x2  }
0x8f: {  	s3 =	sadd.s32 $0x80, s3  }
0x90: {  	[tilespmem:s3+$0x0] =	vst v17  }
0x91: {  	v17 =	vld.idx.msk [tilespmem:v18+s17+$0x0], $0xffff;
	_ =	sdelay $0x1  }
0x92: {  	s5 =	simm.s32 $0x0  }
0x93: {  	v18 =	vmov s5  }
0x94: {  	s3 =	sadd.s32 $0x80, s3;
	v18 =	vand.u32 $0xFF, v18  }
0x95: {  	s0 =	rddreg [dreg:$0x9];
	[tilespmem:s3+$0x0] =	vst v17;
	v17 =	vadd.s32 v1, v18  }
0x96: {  	[tilespmem:s17], [sflag:$0x9] =	stream.linear.gather [hbm4b:s0+s5], $0xC80, $0x38;
	[tilespmem:$0x1B180] =	vst v63  }
0x97: {  	_ =	swait.ge [sflag:s6], $0xC80  }
0x98: {  	s29 =	simm.s32 $0x1;
	[sflag:s6] =	ssyncset.done $0x0  }
0x99: {  	v18 =	vmov s29;
	[sflag:s6] =	ssyncadd.s32 $0xFFFFF380  }
0x9a: {  	v18 =	vand.u32 $0xFF, v18;
	v17 =	vld.idx.msk [tilespmem:v17+s17+$0x0], $0xffff  }
0x9b: {  	v19 =	vadd.s32 v1, v18;
	_ =	sdelay $0x2  }
0x9c: {  	s3 =	simm.s32 $0x25D0  }
0x9d: {  	s31 =	simm.s32 $0x2;
	[tilespmem:s3+$0x0] =	vst v17  }
0x9e: {  	s5 =	simm.s32 $0x3;
	v18 =	vmov s31;
	v17 =	vld.idx.msk [tilespmem:v19+s17+$0x0], $0xffff  }
.LBB2_12:
0x9f: {  	p0 =	sne.s32 s5, $0xC7;
	v18 =	vand.u32 $0xFF, v18  }
0xa0: {  	v19 =	vadd.s32 v1, v18  }
.Ltmp5:
0xa1: {  	(pc) =	sbr.rel @p0 .LBB2_12-.Ltmp5, $4  }
0xa2: {  	_ = 	snop  }
0xa3: {  	s3 =	sadd.s32 $0x80, s3  }
0xa4: {  	[tilespmem:s3+$0x0] =	vst v17  }
0xa5: {  	v18 =	vmov s5;
	s5 =	sadd.s32 $0x1, s5;
	v17 =	vld.idx.msk [tilespmem:v19+s17+$0x0], $0xffff  }
0xa6: {  	v18 =	vand.u32 $0xFF, v18  }
0xa7: {  	v18 =	vadd.s32 v1, v18;
	_ =	sdelay $0x2  }
0xa8: {  	s3 =	sadd.s32 $0x80, s3  }
0xa9: {  	[tilespmem:s3+$0x0] =	vst v17  }
0xaa: {  	v17 =	vld.idx.msk [tilespmem:v18+s17+$0x0], $0xffff;
	_ =	sdelay $0x1  }
0xab: {  	s5 =	simm.s32 $0x0  }
0xac: {  	v18 =	vmov s5  }
0xad: {  	s3 =	sadd.s32 $0x80, s3;
	v18 =	vand.u32 $0xFF, v18  }
0xae: {  	s0 =	rddreg [dreg:$0xa];
	[tilespmem:s3+$0x0] =	vst v17;
	v17 =	vadd.s32 v1, v18  }
0xaf: {  	[tilespmem:s17], [sflag:$0x9] =	stream.linear.gather [hbm4b:s0+s5], $0xC80, $0x38;
	[tilespmem:$0x1B180] =	vst v63  }
0xb0: {  	_ =	swait.ge [sflag:s6], $0xC80  }
0xb1: {  	s29 =	simm.s32 $0x1;
	[sflag:s6] =	ssyncset.done $0x0  }
0xb2: {  	v18 =	vmov s29;
	[sflag:s6] =	ssyncadd.s32 $0xFFFFF380  }
0xb3: {  	v18 =	vand.u32 $0xFF, v18;
	v17 =	vld.idx.msk [tilespmem:v17+s17+$0x0], $0xffff  }
0xb4: {  	v19 =	vadd.s32 v1, v18;
	_ =	sdelay $0x2  }
0xb5: {  	s3 =	simm.s32 $0x25E0  }
0xb6: {  	s31 =	simm.s32 $0x2;
	[tilespmem:s3+$0x0] =	vst v17  }
0xb7: {  	s5 =	simm.s32 $0x3;
	v18 =	vmov s31;
	v17 =	vld.idx.msk [tilespmem:v19+s17+$0x0], $0xffff  }
.LBB2_14:
0xb8: {  	p0 =	sne.s32 s5, $0xC7;
	v18 =	vand.u32 $0xFF, v18  }
0xb9: {  	v19 =	vadd.s32 v1, v18  }
.Ltmp6:
0xba: {  	(pc) =	sbr.rel @p0 .LBB2_14-.Ltmp6, $4  }
0xbb: {  	_ = 	snop  }
0xbc: {  	s3 =	sadd.s32 $0x80, s3  }
0xbd: {  	[tilespmem:s3+$0x0] =	vst v17  }
0xbe: {  	v18 =	vmov s5;
	s5 =	sadd.s32 $0x1, s5;
	v17 =	vld.idx.msk [tilespmem:v19+s17+$0x0], $0xffff  }
0xbf: {  	v18 =	vand.u32 $0xFF, v18  }
0xc0: {  	v18 =	vadd.s32 v1, v18;
	_ =	sdelay $0x2  }
0xc1: {  	s3 =	sadd.s32 $0x80, s3  }
0xc2: {  	[tilespmem:s3+$0x0] =	vst v17  }
0xc3: {  	v17 =	vld.idx.msk [tilespmem:v18+s17+$0x0], $0xffff;
	_ =	sdelay $0x1  }
0xc4: {  	s5 =	simm.s32 $0x0  }
0xc5: {  	v18 =	vmov s5  }
0xc6: {  	s3 =	sadd.s32 $0x80, s3;
	v18 =	vand.u32 $0xFF, v18  }
0xc7: {  	s0 =	rddreg [dreg:$0xb];
	[tilespmem:s3+$0x0] =	vst v17;
	v17 =	vadd.s32 v1, v18  }
0xc8: {  	[tilespmem:s17], [sflag:$0x9] =	stream.linear.gather [hbm4b:s0+s5], $0xC80, $0x38;
	[tilespmem:$0x1B180] =	vst v63  }
0xc9: {  	_ =	swait.ge [sflag:s6], $0xC80  }
0xca: {  	s29 =	simm.s32 $0x1;
	[sflag:s6] =	ssyncset.done $0x0  }
0xcb: {  	v18 =	vmov s29;
	[sflag:s6] =	ssyncadd.s32 $0xFFFFF380  }
0xcc: {  	v18 =	vand.u32 $0xFF, v18;
	v17 =	vld.idx.msk [tilespmem:v17+s17+$0x0], $0xffff  }
0xcd: {  	v19 =	vadd.s32 v1, v18;
	_ =	sdelay $0x2  }
0xce: {  	s3 =	simm.s32 $0x25F0  }
0xcf: {  	s31 =	simm.s32 $0x2;
	[tilespmem:s3+$0x0] =	vst v17  }
0xd0: {  	s5 =	simm.s32 $0x3;
	v18 =	vmov s31;
	v17 =	vld.idx.msk [tilespmem:v19+s17+$0x0], $0xffff  }
.LBB2_16:
0xd1: {  	p0 =	sne.s32 s5, $0xC7;
	v18 =	vand.u32 $0xFF, v18  }
0xd2: {  	v19 =	vadd.s32 v1, v18  }
.Ltmp7:
0xd3: {  	(pc) =	sbr.rel @p0 .LBB2_16-.Ltmp7, $4  }
0xd4: {  	_ = 	snop  }
0xd5: {  	s3 =	sadd.s32 $0x80, s3  }
0xd6: {  	[tilespmem:s3+$0x0] =	vst v17  }
0xd7: {  	v18 =	vmov s5;
	s5 =	sadd.s32 $0x1, s5;
	v17 =	vld.idx.msk [tilespmem:v19+s17+$0x0], $0xffff  }
0xd8: {  	v18 =	vand.u32 $0xFF, v18  }
0xd9: {  	v18 =	vadd.s32 v1, v18;
	_ =	sdelay $0x2  }
0xda: {  	s3 =	sadd.s32 $0x80, s3  }
0xdb: {  	[tilespmem:s3+$0x0] =	vst v17  }
0xdc: {  	v17 =	vld.idx.msk [tilespmem:v18+s17+$0x0], $0xffff;
	_ =	sdelay $0x3  }
0xdd: {  	s3 =	sadd.s32 $0x80, s3  }
0xde: {  	s0 =	simm.s32 $0x80;
	s15 =	simm.s32 $0x8980;
	[tilespmem:s3+$0x0] =	vst v17  }
0xdf: {  	[tilespmem:s15], [sflag:$0x1] =	stream.indirect.gather [hbm4b:s4+s0], $0x20, s7, s0, $0xb8;
	[tilespmem:$0x1B180] =	vst v63  }
0xe0: {  	s16 =	simm.s32 $0x2600;
	s5 =	simm.s32 $0x9980  }
0xe1: {  	[tilespmem:s5], [sflag:$0x1] =	stream.indirect.gather [hbm4b:s4+s0], $0x20, s16, s0, $0xb8;
	[tilespmem:$0x1B180] =	vst v63  }
0xe2: {  	s18 =	simm.s32 $0x2680;
	s19 =	simm.s32 $0xA980  }
0xe3: {  	[tilespmem:s19], [sflag:$0x2] =	stream.indirect.gather [hbm4b:s4+s0], $0x20, s18, s0, $0xb8;
	[tilespmem:$0x1B180] =	vst v63  }
0xe4: {  	s20 =	simm.s32 $0x2700;
	s21 =	simm.s32 $0xB980  }
0xe5: {  	[tilespmem:s21], [sflag:$0x2] =	stream.indirect.gather [hbm4b:s4+s0], $0x20, s20, s0, $0xb8;
	[tilespmem:$0x1B180] =	vst v63  }
0xe6: {  	s24 =	simm.s32 $0x2780;
	s26 =	simm.s32 $0xC980  }
0xe7: {  	[tilespmem:s26], [sflag:$0x3] =	stream.indirect.gather [hbm4b:s4+s0], $0x20, s24, s0, $0xb8;
	[tilespmem:$0x1B180] =	vst v63  }
0xe8: {  	s29 =	simm.s32 $0x2800;
	s31 =	simm.s32 $0xD980;
	s9 =	simm.s32 $0x0  }
0xe9: {  	[tilespmem:s31], [sflag:$0x3] =	stream.indirect.gather [hbm4b:s4+s0], $0x20, s29, s0, $0xb8;
	[tilespmem:$0x1B180] =	vst v63  }
.LBB2_18:
0xea: {  	s0 =	simm.s32 $0x1  }
0xeb: {  	_ =	swait.ge [sflag:s0], $0x2000  }
0xec: {  	s3 =	sshll.u32 s9, $0x8;
	[sflag:s0] =	ssyncset.done $0x0  }
0xed: {  	s12 =	sand.u32 $0x3FFFFF00, s3;
	[sflag:s0] =	ssyncadd.s32 $0xFFFFE000  }
0xee: {  	s10 =	simm.s32 $0x89C0;
	v18 =	vld [tilespmem:s12+$0x0]  }
0xef: {  	v19 =	vld [tilespmem:s10+$0x20];
	_ =	sdelay $0x2  }
0xf0: {  	v17 =	vld [tilespmem:s12+$0x10]  }
0xf1: {  	v20 =	vld [tilespmem:s10+$0xFFFFFFC0]  }
0xf2: {  	v21 =	vld [tilespmem:s10+$0xFFFFFFE0];
	v19 =	vadd.f32 v19, v18  }
0xf3: {  	s5 =	simm.s32 $0x8A40;
	s3 =	simm.s32 $0x109D0;
	v22 =	vld [tilespmem:s10+$0x0]  }
0xf4: {  	[tilespmem:s3+$0x28] =	vst v19;
	v19 =	vld [tilespmem:s5+$0x20]  }
0xf5: {  	v23 =	vld [tilespmem:s10+$0x30]  }
0xf6: {  	v25 =	vld [tilespmem:s5+$0xFFFFFFE0];
	v20 =	vadd.f32 v20, v18  }
0xf7: {  	v24 =	vadd.f32 v21, v18;
	v21 =	vld [tilespmem:s5+$0x0]  }
0xf8: {  	v26 =	vadd.f32 v22, v18;
	v22 =	vld [tilespmem:s5+$0xFFFFFFC0];
	[tilespmem:s3+$0xFFFFFFB0] =	vst v20  }
0xf9: {  	[tilespmem:s3+$0xFFFFFFD8] =	vst v24;
	v20 =	vld [tilespmem:s10+$0xFFFFFFD0];
	v27 =	vadd.f32 v19, v18  }
0xfa: {  	s6 =	simm.s32 $0x10A70;
	[tilespmem:s3+$0x0] =	vst v26;
	v19 =	vld [tilespmem:s10+$0xFFFFFFF0];
	v24 =	vadd.f32 v23, v17  }
0xfb: {  	s7 =	simm.s32 $0x4;
	s8 =	simm.s32 $0x8AC0;
	v25 =	vadd.f32 v25, v18;
	v23 =	vld [tilespmem:s10+$0x10];
	[tilespmem:s6+$0x28] =	vst v27  }
.LBB2_19:
0xfc: {  	v26 =	vld [tilespmem:s8+$0x20];
	v21 =	vadd.f32 v21, v18;
	[tilespmem:s3+$0x38] =	vst v24  }
0xfd: {  	s7 =	sadd.s32 $0x4, s7;
	v22 =	vadd.f32 v22, v18;
	[tilespmem:s6+$0xFFFFFFD8] =	vst v25;
	v24 =	vld [tilespmem:s5+$0x30]  }
0xfe: {  	p0 =	slt.u32 s7, $0x7C;
	v25 =	vld [tilespmem:s8+$0xFFFFFFE0];
	[tilespmem:s6+$0x0] =	vst v21;
	v20 =	vadd.f32 v20, v17  }
.Ltmp8:
0xff: {  	v21 =	vld [tilespmem:s8+$0x0];
	[tilespmem:s6+$0xFFFFFFB0] =	vst v22;
	v19 =	vadd.f32 v19, v17;
	(pc) =	sbr.rel @p0 .LBB2_19-.Ltmp8, $4  }
0x100: {  	v22 =	vld [tilespmem:s8+$0xFFFFFFC0];
	[tilespmem:s3+$0xFFFFFFC0] =	vst v20;
	v23 =	vadd.f32 v23, v17  }
0x101: {  	v26 =	vadd.f32 v26, v18;
	v20 =	vld [tilespmem:s5+$0xFFFFFFD0];
	[tilespmem:s3+$0xFFFFFFE8] =	vst v19  }
0x102: {  	v19 =	vld [tilespmem:s5+$0xFFFFFFF0];
	v24 =	vadd.f32 v24, v17;
	[tilespmem:s3+$0x10] =	vst v23;
	s3 =	smov.u32 s6;
	s6 =	sadd.s32 $0xA0, s6  }
0x103: {  	v25 =	vadd.f32 v25, v18;
	[tilespmem:s6+$0x28] =	vst v26;
	v23 =	vld [tilespmem:s5+$0x10];
	s5 =	smov.u32 s8;
	s8 =	sadd.s32 $0x80, s8  }
0x104: {  	_ = 	snop  }
0x105: {  	v22 =	vadd.f32 v22, v18  }
0x106: {  	v18 =	vadd.f32 v21, v18;
	v21 =	vld [tilespmem:s5+$0x30];
	[tilespmem:s6+$0xFFFFFFD8] =	vst v25  }
0x107: {  	[tilespmem:s6+$0xFFFFFFB0] =	vst v22  }
0x108: {  	[tilespmem:s6+$0x0] =	vst v18;
	v18 =	vadd.f32 v20, v17;
	v20 =	vld [tilespmem:s5+$0xFFFFFFF0]  }
0x109: {  	v19 =	vadd.f32 v19, v17;
	v22 =	vld [tilespmem:s5+$0xFFFFFFD0]  }
0x10a: {  	[tilespmem:s3+$0x38] =	vst v24;
	v24 =	vld [tilespmem:s5+$0x10]  }
0x10b: {  	[tilespmem:s3+$0xFFFFFFE8] =	vst v19;
	v19 =	vadd.f32 v21, v17  }
0x10c: {  	[tilespmem:s3+$0xFFFFFFC0] =	vst v18;
	v18 =	vadd.f32 v23, v17  }
0x10d: {  	[tilespmem:s6+$0x38] =	vst v19;
	v19 =	vadd.f32 v20, v17  }
0x10e: {  	[tilespmem:s3+$0x10] =	vst v18;
	v18 =	vadd.f32 v22, v17  }
0x10f: {  	v17 =	vadd.f32 v24, v17;
	[tilespmem:s6+$0xFFFFFFE8] =	vst v19  }
0x110: {  	[tilespmem:s6+$0xFFFFFFC0] =	vst v18  }
0x111: {  	[tilespmem:s6+$0x10] =	vst v17  }
0x112: {  	s10 =	simm.s32 $0x99F0;
	v18 =	vld [tilespmem:s12+$0x20]  }
0x113: {  	v19 =	vld [tilespmem:s10+$0xFFFFFFF0];
	_ =	sdelay $0x2  }
0x114: {  	v17 =	vld [tilespmem:s12+$0x30]  }
0x115: {  	v20 =	vld [tilespmem:s10+$0xFFFFFF90]  }
0x116: {  	v21 =	vld [tilespmem:s10+$0xFFFFFFB0];
	v19 =	vadd.f32 v19, v18  }
0x117: {  	s3 =	simm.s32 $0x11E08;
	s6 =	simm.s32 $0x9A70;
	v22 =	vld [tilespmem:s10+$0xFFFFFFD0]  }
0x118: {  	[tilespmem:s3+$0xFFFFFFF0] =	vst v19;
	v19 =	vld [tilespmem:s6+$0xFFFFFFF0]  }
0x119: {  	v23 =	vld [tilespmem:s10+$0x0]  }
0x11a: {  	v25 =	vld [tilespmem:s6+$0xFFFFFFB0];
	v20 =	vadd.f32 v20, v18  }
0x11b: {  	v24 =	vadd.f32 v21, v18;
	v21 =	vld [tilespmem:s6+$0xFFFFFFD0]  }
0x11c: {  	v26 =	vadd.f32 v22, v18;
	v22 =	vld [tilespmem:s6+$0xFFFFFF90];
	[tilespmem:s3+$0xFFFFFF78] =	vst v20  }
0x11d: {  	[tilespmem:s3+$0xFFFFFFA0] =	vst v24;
	v20 =	vld [tilespmem:s10+$0xFFFFFFA0];
	v27 =	vadd.f32 v19, v18  }
0x11e: {  	s5 =	simm.s32 $0x11EA8;
	[tilespmem:s3+$0xFFFFFFC8] =	vst v26;
	v19 =	vld [tilespmem:s10+$0xFFFFFFC0];
	v24 =	vadd.f32 v23, v17  }
0x11f: {  	s7 =	simm.s32 $0x4;
	s8 =	simm.s32 $0x9AF0;
	v25 =	vadd.f32 v25, v18;
	v23 =	vld [tilespmem:s10+$0xFFFFFFE0];
	[tilespmem:s5+$0xFFFFFFF0] =	vst v27  }
.LBB2_21:
0x120: {  	v26 =	vld [tilespmem:s8+$0xFFFFFFF0];
	v21 =	vadd.f32 v21, v18;
	[tilespmem:s3+$0x0] =	vst v24  }
0x121: {  	s7 =	sadd.s32 $0x4, s7;
	v22 =	vadd.f32 v22, v18;
	[tilespmem:s5+$0xFFFFFFA0] =	vst v25;
	v24 =	vld [tilespmem:s6+$0x0]  }
0x122: {  	p0 =	slt.u32 s7, $0x7C;
	v25 =	vld [tilespmem:s8+$0xFFFFFFB0];
	[tilespmem:s5+$0xFFFFFFC8] =	vst v21;
	v20 =	vadd.f32 v20, v17  }
.Ltmp9:
0x123: {  	v21 =	vld [tilespmem:s8+$0xFFFFFFD0];
	[tilespmem:s5+$0xFFFFFF78] =	vst v22;
	v19 =	vadd.f32 v19, v17;
	(pc) =	sbr.rel @p0 .LBB2_21-.Ltmp9, $4  }
0x124: {  	v22 =	vld [tilespmem:s8+$0xFFFFFF90];
	[tilespmem:s3+$0xFFFFFF88] =	vst v20;
	v23 =	vadd.f32 v23, v17  }
0x125: {  	v26 =	vadd.f32 v26, v18;
	v20 =	vld [tilespmem:s6+$0xFFFFFFA0];
	[tilespmem:s3+$0xFFFFFFB0] =	vst v19  }
0x126: {  	v19 =	vld [tilespmem:s6+$0xFFFFFFC0];
	v24 =	vadd.f32 v24, v17;
	[tilespmem:s3+$0xFFFFFFD8] =	vst v23;
	s3 =	smov.u32 s5;
	s5 =	sadd.s32 $0xA0, s5  }
0x127: {  	v25 =	vadd.f32 v25, v18;
	[tilespmem:s5+$0xFFFFFFF0] =	vst v26;
	v23 =	vld [tilespmem:s6+$0xFFFFFFE0];
	s6 =	smov.u32 s8;
	s8 =	sadd.s32 $0x80, s8  }
0x128: {  	_ = 	snop  }
0x129: {  	v22 =	vadd.f32 v22, v18;
	_ =	sdelay $0x1  }
0x12a: {  	v18 =	vadd.f32 v21, v18;
	v21 =	vld [tilespmem:s6+$0x0];
	[tilespmem:s5+$0xFFFFFF78] =	vst v22  }
0x12b: {  	[tilespmem:s5+$0xFFFFFFA0] =	vst v25;
	v22 =	vld [tilespmem:s6+$0xFFFFFFA0]  }
0x12c: {  	[tilespmem:s5+$0xFFFFFFC8] =	vst v18;
	v18 =	vadd.f32 v20, v17;
	v20 =	vld [tilespmem:s6+$0xFFFFFFC0]  }
0x12d: {  	[tilespmem:s3+$0x0] =	vst v24;
	v19 =	vadd.f32 v19, v17;
	v24 =	vld [tilespmem:s6+$0xFFFFFFE0]  }
0x12e: {  	[tilespmem:s3+$0xFFFFFF88] =	vst v18;
	v18 =	vadd.f32 v23, v17  }
0x12f: {  	[tilespmem:s3+$0xFFFFFFB0] =	vst v19;
	v19 =	vadd.f32 v21, v17  }
0x130: {  	s7 =	simm.s32 $0x1;
	[tilespmem:s3+$0xFFFFFFD8] =	vst v18;
	v18 =	vadd.f32 v22, v17  }
0x131: {  	s8 =	simm.s32 $0x2;
	[tilespmem:s5+$0x0] =	vst v19;
	v19 =	vadd.f32 v20, v17;
	v20 =	vmov s7  }
0x132: {  	v17 =	vadd.f32 v24, v17;
	v22 =	vand.u32 $0x1D, v20;
	[tilespmem:s5+$0xFFFFFF88] =	vst v18;
	v18 =	vmov s8  }
0x133: {  	p0 =	seq.s32 s9, $0x0;
	[tilespmem:s5+$0xFFFFFFB0] =	vst v19;
	v19 =	vadd.s32 v0, v22;
	v24 =	vand.u32 $0x1E, v18  }
0x134: {  	s10 =	simm.s32 $0x0;
	s3 =	simm.s32 @!p0 $0x5;
	[tilespmem:s5+$0xFFFFFFD8] =	vst v17;
	v17 =	vadd.s32 v0, v24  }
0x135: {  	s11 =	simm.s32 $0x3;
	_ =	swait.ge @!p0 [sflag:s3], $0x2000;
	v18 =	vmov s10  }
0x136: {  	[sflag:s3] =	ssyncset.done @!p0 $0x0;
	v21 =	vand.u32 $0x1C, v18;
	v18 =	vmov s11  }
0x137: {  	[sflag:s3] =	ssyncadd.s32 @!p0 $0xFFFFE000;
	v20 =	vadd.s32 v0, v21;
	v23 =	vand.u32 $0x1F, v18  }
0x138: {  	v18 =	vadd.s32 v0, v23;
	v19 =	vld.idx.msk [tilespmem:v19+s1+$0x0], $0xffff  }
0x139: {  	s13 =	simm.s32 $0x0;
	v25 =	vadd.s32 v2, v22;
	v17 =	vld.idx.msk [tilespmem:v17+s1+$0x0], $0xffff  }
0x13a: {  	s15 =	simm.s32 $0x80;
	v26 =	vadd.s32 v2, v24;
	s3 =	sand.u32 $0xC00, s13  }
0x13b: {  	s7 =	simm.s32 $0x100;
	s5 =	sand.u32 $0x280, s15;
	s16 =	sor.u32 $0x13180, s3  }
0x13c: {  	s18 =	sand.u32 $0x300, s7;
	s3 =	sadd.s32 s5, s16;
	v20 =	vld.idx.msk [tilespmem:v20+s1+$0x0], $0xffff  }
0x13d: {  	v27 =	vadd.s32 v2, v21;
	s11 =	sadd.s32 s18, s16;
	v18 =	vld.idx.msk [tilespmem:v18+s1+$0x0], $0xffff;
	[tilespmem:s3+$0x0] =	vst v19  }
0x13e: {  	v19 =	vadd.s32 v2, v23;
	[tilespmem:s11+$0x0] =	vst v17;
	v17 =	vld.idx.msk [tilespmem:v25+s1+$0x0], $0xffff  }
0x13f: {  	s19 =	simm.s32 $0x180;
	v25 =	vld.idx.msk [tilespmem:v26+s1+$0x0], $0xffff;
	v26 =	vadd.s32 v3, v22  }
0x140: {  	s7 =	sand.u32 $0x380, s19;
	v28 =	vadd.s32 v3, v24;
	s5 =	simm.s32 $0x131C0  }
0x141: {  	s10 =	sadd.s32 s7, s16;
	[tilespmem:s5+$0xFFFFFFC0] =	vst v20  }
0x142: {  	v20 =	vld.idx.msk [tilespmem:v27+s1+$0x0], $0xffff;
	[tilespmem:s10+$0x0] =	vst v18  }
0x143: {  	v18 =	vadd.s32 v3, v21;
	v19 =	vld.idx.msk [tilespmem:v19+s1+$0x0], $0xffff;
	[tilespmem:s3+$0x10] =	vst v17  }
0x144: {  	v17 =	vld.idx.msk [tilespmem:v26+s1+$0x0], $0xffff;
	[tilespmem:s11+$0x10] =	vst v25;
	v25 =	vadd.s32 v3, v23  }
0x145: {  	v27 =	vadd.s32 v4, v22;
	v26 =	vld.idx.msk [tilespmem:v28+s1+$0x0], $0xffff  }
0x146: {  	v28 =	vadd.s32 v4, v24  }
0x147: {  	[tilespmem:s5+$0xFFFFFFD0] =	vst v20  }
0x148: {  	v18 =	vld.idx.msk [tilespmem:v18+s1+$0x0], $0xffff;
	[tilespmem:s10+$0x10] =	vst v19  }
0x149: {  	v19 =	vadd.s32 v4, v21;
	[tilespmem:s3+$0x20] =	vst v17;
	v20 =	vld.idx.msk [tilespmem:v25+s1+$0x0], $0xffff  }
0x14a: {  	s20 =	simm.s32 $0x4;
	v25 =	vld.idx.msk [tilespmem:v27+s1+$0x0], $0xffff;
	[tilespmem:s11+$0x20] =	vst v26;
	v26 =	vadd.s32 v4, v23  }
0x14b: {  	s21 =	simm.s32 $0x5;
	v17 =	vmov s20;
	v27 =	vadd.s32 v5, v22;
	v28 =	vld.idx.msk [tilespmem:v28+s1+$0x0], $0xffff  }
0x14c: {  	v29 =	vmov s21;
	v30 =	vadd.s32 v5, v24;
	v17 =	vand.u32 $0x1C, v17  }
0x14d: {  	s24 =	simm.s32 $0x6;
	[tilespmem:s5+$0xFFFFFFE0] =	vst v18;
	v31 =	vadd.s32 v0, v17;
	v18 =	vand.u32 $0x1D, v29  }
0x14e: {  	v29 =	vmov s24;
	v32 =	vld.idx.msk [tilespmem:v19+s1+$0x0], $0xffff;
	v33 =	vadd.s32 v0, v18;
	[tilespmem:s10+$0x20] =	vst v20  }
0x14f: {  	v34 =	vadd.s32 v5, v21;
	v19 =	vand.u32 $0x1E, v29;
	[tilespmem:s3+$0x30] =	vst v25;
	v25 =	vld.idx.msk [tilespmem:v26+s1+$0x0], $0xffff  }
0x150: {  	s26 =	simm.s32 $0x7;
	v26 =	vadd.s32 v0, v19;
	v27 =	vld.idx.msk [tilespmem:v27+s1+$0x0], $0xffff;
	[tilespmem:s11+$0x30] =	vst v28  }
0x151: {  	v29 =	vadd.s32 v5, v23;
	v20 =	vmov s26;
	v28 =	vld.idx.msk [tilespmem:v30+s1+$0x0], $0xffff  }
0x152: {  	v20 =	vand.u32 $0x1F, v20;
	v30 =	vld.idx.msk [tilespmem:v31+s1+$0x0], $0xffff;
	v31 =	vadd.s32 v6, v22  }
0x153: {  	v35 =	vadd.s32 v0, v20;
	v33 =	vld.idx.msk [tilespmem:v33+s1+$0x0], $0xffff;
	[tilespmem:s5+$0xFFFFFFF0] =	vst v32  }
0x154: {  	v55 =	vadd.s32 v6, v24;
	v32 =	vld.idx.msk [tilespmem:v34+s1+$0x0], $0xffff  }
0x155: {  	s29 =	simm.s32 $0x200;
	v36 =	vadd.s32 v2, v17;
	v26 =	vld.idx.msk [tilespmem:v26+s1+$0x0], $0xffff;
	[tilespmem:s10+$0x30] =	vst v25  }
0x156: {  	s31 =	simm.s32 $0x280;
	s6 =	sand.u32 $0xC00, s29;
	v25 =	vadd.s32 v6, v21;
	[tilespmem:s3+$0x40] =	vst v27;
	v27 =	vld.idx.msk [tilespmem:v29+s1+$0x0], $0xffff  }
0x157: {  	s13 =	sor.u32 $0x13180, s6;
	s6 =	simm.s32 $0x133C0;
	s7 =	sand.u32 $0x280, s31;
	v29 =	vadd.s32 v2, v18;
	v31 =	vld.idx.msk [tilespmem:v31+s1+$0x0], $0xffff;
	[tilespmem:s11+$0x40] =	vst v28  }
0x158: {  	s8 =	simm.s32 $0x300;
	s7 =	sadd.s32 s7, s13;
	[tilespmem:s6+$0xFFFFFFC0] =	vst v30;
	v28 =	vadd.s32 v2, v19;
	v30 =	vld.idx.msk [tilespmem:v35+s1+$0x0], $0xffff  }
0x159: {  	s8 =	sand.u32 $0x300, s8;
	v57 =	vadd.s32 v6, v23;
	[tilespmem:s7+$0x0] =	vst v33;
	v56 =	vld.idx.msk [tilespmem:v55+s1+$0x0], $0xffff  }
0x15a: {  	v59 =	vadd.s32 v7, v22;
	s16 =	sadd.s32 s8, s13;
	v58 =	vld.idx.msk [tilespmem:v36+s1+$0x0], $0xffff;
	[tilespmem:s5+$0x0] =	vst v32  }
0x15b: {  	s8 =	simm.s32 $0x380;
	v60 =	vadd.s32 v2, v20;
	[tilespmem:s16+$0x0] =	vst v26;
	v25 =	vld.idx.msk [tilespmem:v25+s1+$0x0], $0xffff  }
0x15c: {  	s15 =	sand.u32 $0x380, s8;
	v26 =	vadd.s32 v7, v24;
	v29 =	vld.idx.msk [tilespmem:v29+s1+$0x0], $0xffff;
	[tilespmem:s10+$0x40] =	vst v27  }
0x15d: {  	s15 =	sadd.s32 s15, s13;
	v27 =	vadd.s32 v3, v17;
	v28 =	vld.idx.msk [tilespmem:v28+s1+$0x0], $0xffff;
	[tilespmem:s3+$0x50] =	vst v31  }
0x15e: {  	v63 =	vadd.s32 v7, v21;
	[tilespmem:s15+$0x0] =	vst v30;
	v30 =	vld.idx.msk [tilespmem:v57+s1+$0x0], $0xffff  }
0x15f: {  	v31 =	vadd.s32 v3, v18;
	v32 =	vld.idx.msk [tilespmem:v59+s1+$0x0], $0xffff;
	[tilespmem:s11+$0x50] =	vst v56  }
0x160: {  	v61 =	vadd.s32 v3, v19;
	[tilespmem:s6+$0xFFFFFFD0] =	vst v58;
	v36 =	vld.idx.msk [tilespmem:v60+s1+$0x0], $0xffff  }
0x161: {  	v62 =	vadd.s32 v7, v23;
	v26 =	vld.idx.msk [tilespmem:v26+s1+$0x0], $0xffff;
	[tilespmem:s5+$0x10] =	vst v25  }
0x162: {  	v38 =	vadd.s32 v3, v20;
	v25 =	vld.idx.msk [tilespmem:v27+s1+$0x0], $0xffff;
	[tilespmem:s7+$0x10] =	vst v29  }
0x163: {  	v27 =	vadd.s32 v8, v24;
	v34 =	vld.idx.msk [tilespmem:v63+s1+$0x0], $0xffff;
	[tilespmem:s16+$0x10] =	vst v28  }
0x164: {  	v37 =	vld.idx.msk [tilespmem:v31+s1+$0x0], $0xffff;
	v28 =	vadd.s32 v8, v22;
	[tilespmem:s10+$0x50] =	vst v30  }
0x165: {  	v30 =	vadd.s32 v4, v18;
	v39 =	vld.idx.msk [tilespmem:v61+s1+$0x0], $0xffff;
	[tilespmem:s3+$0x60] =	vst v32  }
0x166: {  	v42 =	vadd.s32 v4, v19;
	v41 =	vld.idx.msk [tilespmem:v62+s1+$0x0], $0xffff;
	[tilespmem:s15+$0x10] =	vst v36  }
0x167: {  	v38 =	vld.idx.msk [tilespmem:v38+s1+$0x0], $0xffff;
	[tilespmem:s11+$0x60] =	vst v26  }
0x168: {  	v35 =	vadd.s32 v8, v23;
	v33 =	vld.idx.msk [tilespmem:v27+s1+$0x0], $0xffff;
	[tilespmem:s6+$0xFFFFFFE0] =	vst v25  }
0x169: {  	v32 =	vadd.s32 v8, v21;
	v31 =	vld.idx.msk [tilespmem:v28+s1+$0x0], $0xffff;
	[tilespmem:s7+$0x20] =	vst v37  }
0x16a: {  	s21 =	simm.s32 $0x8;
	v40 =	vadd.s32 v4, v17;
	v29 =	vadd.s32 v5, v18;
	v26 =	vmov v19;
	v36 =	vld.idx.msk [tilespmem:v30+s1+$0x0], $0xffff;
	[tilespmem:s16+$0x20] =	vst v39  }
0x16b: {  	s19 =	smov.u32 s3;
	s13 =	smov.u32 s10;
	s20 =	smov.u32 s11;
	v25 =	vmovc v17;
	v27 =	vmov v20;
	v28 =	vmov v18;
	v39 =	vadd.s32 v4, v20;
	[tilespmem:s10+$0x60] =	vst v41;
	v37 =	vld.idx.msk [tilespmem:v42+s1+$0x0], $0xffff  }
.LBB2_23:
0x16c: {  	s24 =	sadd.s32 $0x1, s21  }
0x16d: {  	v30 =	vmov s21;
	p1 =	slt.u32 s21, $0x1C;
	v41 =	vadd.s32 v5, v25;
	[tilespmem:s5+$0x20] =	vst v34;
	v34 =	vld.idx.msk [tilespmem:v35+s1+$0x0], $0xffff;
	s26 =	smov.u32 s21;
	s21 =	sadd.s32 $0x4, s21  }
0x16e: {  	v42 =	vadd.s32 v5, v26;
	v30 =	vand.u32 $0x1C, v30;
	v35 =	vmov s24;
	s24 =	sadd.s32 $0x2, s26;
	v32 =	vld.idx.msk [tilespmem:v32+s1+$0x0], $0xffff;
	[tilespmem:s20+$0x70] =	vst v33;
	s20 =	smov.u32 s16  }
0x16f: {  	s16 =	sadd.s32 $0x3, s26;
	v33 =	vadd.s32 v0, v30;
	v35 =	vand.u32 $0x1D, v35;
	v43 =	vmov s24;
	v40 =	vld.idx.msk [tilespmem:v40+s1+$0x0], $0xffff;
	[tilespmem:s19+$0x70] =	vst v31;
	s19 =	smov.u32 s7  }
0x170: {  	v44 =	vmov s16;
	v31 =	vadd.s32 v0, v35;
	v43 =	vand.u32 $0x1E, v43;
	[tilespmem:s15+$0x20] =	vst v38  }
0x171: {  	v38 =	vadd.s32 v5, v35;
	v44 =	vand.u32 $0x1F, v44;
	v45 =	vadd.s32 v0, v43;
	[tilespmem:s19+$0x30] =	vst v36;
	v36 =	vld.idx.msk [tilespmem:v39+s1+$0x0], $0xffff  }
0x172: {  	v39 =	vadd.s32 v0, v44;
	v46 =	vld.idx.msk [tilespmem:v29+s1+$0x0], $0xffff;
	[tilespmem:s20+$0x30] =	vst v37;
	v29 =	vmov v38  }
0x173: {  	v38 =	vadd.s32 v5, v27;
	v37 =	vld.idx.msk [tilespmem:v42+s1+$0x0], $0xffff;
	[tilespmem:s13+$0x70] =	vst v34;
	s13 =	smov.u32 s15  }
0x174: {  	v34 =	vadd.s32 v6, v28;
	v33 =	vld.idx.msk [tilespmem:v33+s1+$0x0], $0xffff;
	[tilespmem:s5+$0x30] =	vst v32;
	s5 =	smov.u32 s6  }
0x175: {  	v31 =	vld.idx.msk [tilespmem:v31+s1+$0x0], $0xffff;
	[tilespmem:s6+$0xFFFFFFF0] =	vst v40  }
0x176: {  	s8 =	sadd.s32 $0x200, s8;
	v40 =	vadd.s32 v6, v26;
	v32 =	vld.idx.msk [tilespmem:v41+s1+$0x0], $0xffff  }
0x177: {  	s7 =	sadd.s32 $0xFFFFFE80, s8;
	v41 =	vadd.s32 v2, v30;
	v42 =	vld.idx.msk [tilespmem:v45+s1+$0x0], $0xffff;
	[tilespmem:s13+$0x30] =	vst v36  }
0x178: {  	s7 =	sand.u32 $0xC00, s7;
	s15 =	sadd.s32 $0xFFFFFF00, s8;
	v36 =	vadd.s32 v6, v25;
	[tilespmem:s19+$0x40] =	vst v46;
	v38 =	vld.idx.msk [tilespmem:v38+s1+$0x0], $0xffff  }
0x179: {  	s24 =	sor.u32 $0x13180, s7;
	s15 =	sand.u32 $0x280, s15;
	s6 =	sadd.s32 $0x200, s6;
	v45 =	vadd.s32 v2, v35;
	v34 =	vld.idx.msk [tilespmem:v34+s1+$0x0], $0xffff;
	[tilespmem:s20+$0x40] =	vst v37  }
0x17a: {  	s7 =	sadd.s32 s15, s24;
	s15 =	sadd.s32 $0xFFFFFF80, s8;
	[tilespmem:s6+$0xFFFFFFC0] =	vst v33;
	v33 =	vadd.s32 v2, v43;
	v37 =	vld.idx.msk [tilespmem:v39+s1+$0x0], $0xffff  }
0x17b: {  	s15 =	sand.u32 $0x300, s15;
	v39 =	vadd.s32 v6, v27;
	[tilespmem:s7+$0x0] =	vst v31;
	v31 =	vld.idx.msk [tilespmem:v40+s1+$0x0], $0xffff  }
0x17c: {  	s16 =	sadd.s32 s15, s24;
	v40 =	vld.idx.msk [tilespmem:v41+s1+$0x0], $0xffff;
	[tilespmem:s5+$0x0] =	vst v32;
	v32 =	vadd.s32 v7, v28  }
0x17d: {  	v41 =	vadd.s32 v7, v26;
	[tilespmem:s16+$0x0] =	vst v42;
	v36 =	vld.idx.msk [tilespmem:v36+s1+$0x0], $0xffff  }
0x17e: {  	s15 =	sand.u32 $0x380, s8;
	v42 =	vld.idx.msk [tilespmem:v45+s1+$0x0], $0xffff;
	v45 =	vadd.s32 v2, v44;
	[tilespmem:s13+$0x40] =	vst v38  }
0x17f: {  	s15 =	sadd.s32 s15, s24;
	v38 =	vadd.s32 v3, v30;
	v33 =	vld.idx.msk [tilespmem:v33+s1+$0x0], $0xffff;
	[tilespmem:s19+$0x50] =	vst v34  }
0x180: {  	v34 =	vadd.s32 v3, v35;
	[tilespmem:s15+$0x0] =	vst v37;
	v37 =	vld.idx.msk [tilespmem:v39+s1+$0x0], $0xffff  }
0x181: {  	v39 =	vadd.s32 v3, v43;
	v32 =	vld.idx.msk [tilespmem:v32+s1+$0x0], $0xffff;
	[tilespmem:s20+$0x50] =	vst v31  }
0x182: {  	v31 =	vadd.s32 v7, v25;
	[tilespmem:s6+$0xFFFFFFD0] =	vst v40;
	v40 =	vld.idx.msk [tilespmem:v41+s1+$0x0], $0xffff;
	v41 =	vadd.s32 v7, v27  }
0x183: {  	v45 =	vld.idx.msk [tilespmem:v45+s1+$0x0], $0xffff;
	[tilespmem:s5+$0x10] =	vst v36  }
0x184: {  	v36 =	vld.idx.msk [tilespmem:v38+s1+$0x0], $0xffff;
	[tilespmem:s7+$0x10] =	vst v42;
	v38 =	vadd.s32 v8, v26;
	v26 =	vmov v43  }
0x185: {  	v43 =	vadd.s32 v8, v28;
	v28 =	vmov v35;
	v42 =	vld.idx.msk [tilespmem:v34+s1+$0x0], $0xffff;
	[tilespmem:s16+$0x10] =	vst v33  }
0x186: {  	v46 =	vadd.s32 v3, v44;
	v39 =	vld.idx.msk [tilespmem:v39+s1+$0x0], $0xffff;
	[tilespmem:s13+$0x50] =	vst v37  }
0x187: {  	v37 =	vadd.s32 v4, v28;
	[tilespmem:s19+$0x60] =	vst v32;
	v41 =	vld.idx.msk [tilespmem:v41+s1+$0x0], $0xffff  }
0x188: {  	v47 =	vadd.s32 v4, v26;
	v34 =	vld.idx.msk [tilespmem:v31+s1+$0x0], $0xffff;
	[tilespmem:s20+$0x60] =	vst v40  }
.Ltmp10:
0x189: {  	v35 =	vadd.s32 v8, v27;
	v32 =	vadd.s32 v8, v25;
	v25 =	vmov v30;
	[tilespmem:s15+$0x10] =	vst v45;
	v33 =	vld.idx.msk [tilespmem:v38+s1+$0x0], $0xffff;
	(pc) =	sbr.rel @p1 .LBB2_23-.Ltmp10, $4  }
0x18a: {  	v27 =	vmov v44;
	[tilespmem:s6+$0xFFFFFFE0] =	vst v36;
	v31 =	vld.idx.msk [tilespmem:v43+s1+$0x0], $0xffff  }
0x18b: {  	v40 =	vadd.s32 v4, v25;
	[tilespmem:s7+$0x20] =	vst v42;
	v38 =	vld.idx.msk [tilespmem:v46+s1+$0x0], $0xffff  }
0x18c: {  	v36 =	vld.idx.msk [tilespmem:v37+s1+$0x0], $0xffff;
	[tilespmem:s16+$0x20] =	vst v39  }
0x18d: {  	v39 =	vadd.s32 v4, v27;
	v37 =	vld.idx.msk [tilespmem:v47+s1+$0x0], $0xffff;
	[tilespmem:s13+$0x60] =	vst v41  }
0x18e: {  	_ =	sdelay $0x2  }
0x18f: {  	v30 =	vadd.s32 v5, v26  }
0x190: {  	v55 =	vld.idx.msk [tilespmem:v40+s1+$0x0], $0xffff;
	[tilespmem:s15+$0x20] =	vst v38  }
0x191: {  	v41 =	vadd.s32 v5, v25;
	v38 =	vld.idx.msk [tilespmem:v39+s1+$0x0], $0xffff  }
0x192: {  	v56 =	vadd.s32 v5, v27  }
0x193: {  	[tilespmem:s16+$0x30] =	vst v37  }
0x194: {  	[tilespmem:s7+$0x30] =	vst v36;
	v30 =	vld.idx.msk [tilespmem:v30+s1+$0x0], $0xffff  }
0x195: {  	v57 =	vadd.s32 v6, v26;
	v29 =	vld.idx.msk [tilespmem:v29+s1+$0x0], $0xffff;
	[tilespmem:s6+$0xFFFFFFF0] =	vst v55  }
0x196: {  	v58 =	vadd.s32 v6, v28;
	v39 =	vld.idx.msk [tilespmem:v41+s1+$0x0], $0xffff;
	[tilespmem:s15+$0x30] =	vst v38  }
0x197: {  	v60 =	vadd.s32 v6, v25;
	v38 =	vld.idx.msk [tilespmem:v56+s1+$0x0], $0xffff  }
0x198: {  	v59 =	vadd.s32 v6, v27  }
0x199: {  	[tilespmem:s16+$0x40] =	vst v30  }
0x19a: {  	[tilespmem:s7+$0x40] =	vst v29;
	v29 =	vld.idx.msk [tilespmem:v57+s1+$0x0], $0xffff  }
0x19b: {  	v61 =	vadd.s32 v7, v26;
	v30 =	vld.idx.msk [tilespmem:v58+s1+$0x0], $0xffff;
	[tilespmem:s6+$0x0] =	vst v39  }
0x19c: {  	v62 =	vadd.s32 v7, v28;
	v39 =	vld.idx.msk [tilespmem:v60+s1+$0x0], $0xffff;
	[tilespmem:s15+$0x40] =	vst v38  }
0x19d: {  	v42 =	vadd.s32 v7, v25;
	v38 =	vld.idx.msk [tilespmem:v59+s1+$0x0], $0xffff  }
0x19e: {  	v63 =	vadd.s32 v7, v27;
	[tilespmem:s5+$0x20] =	vst v34  }
0x19f: {  	[tilespmem:s16+$0x50] =	vst v29  }
0x1a0: {  	[tilespmem:s7+$0x50] =	vst v30;
	v29 =	vld.idx.msk [tilespmem:v61+s1+$0x0], $0xffff  }
0x1a1: {  	v26 =	vadd.s32 v8, v26;
	v30 =	vld.idx.msk [tilespmem:v62+s1+$0x0], $0xffff;
	[tilespmem:s6+$0x10] =	vst v39  }
0x1a2: {  	v28 =	vadd.s32 v8, v28;
	v44 =	vld.idx.msk [tilespmem:v42+s1+$0x0], $0xffff;
	[tilespmem:s15+$0x50] =	vst v38  }
0x1a3: {  	[tilespmem:s20+$0x70] =	vst v33;
	v25 =	vadd.s32 v8, v25;
	v43 =	vld.idx.msk [tilespmem:v63+s1+$0x0], $0xffff  }
0x1a4: {  	v27 =	vadd.s32 v8, v27;
	v45 =	vld.idx.msk [tilespmem:v35+s1+$0x0], $0xffff;
	[tilespmem:s19+$0x70] =	vst v31  }
0x1a5: {  	v31 =	vld.idx.msk [tilespmem:v32+s1+$0x0], $0xffff;
	[tilespmem:s16+$0x60] =	vst v29  }
0x1a6: {  	[tilespmem:s7+$0x60] =	vst v30;
	v26 =	vld.idx.msk [tilespmem:v26+s1+$0x0], $0xffff  }
0x1a7: {  	v28 =	vld.idx.msk [tilespmem:v28+s1+$0x0], $0xffff;
	[tilespmem:s6+$0x20] =	vst v44  }
0x1a8: {  	v25 =	vld.idx.msk [tilespmem:v25+s1+$0x0], $0xffff;
	[tilespmem:s15+$0x60] =	vst v43  }
0x1a9: {  	[tilespmem:s13+$0x70] =	vst v45;
	v27 =	vld.idx.msk [tilespmem:v27+s1+$0x0], $0xffff  }
0x1aa: {  	[tilespmem:s5+$0x30] =	vst v31;
	v29 =	vadd.s32 v9, v22  }
0x1ab: {  	[tilespmem:s16+$0x70] =	vst v26;
	v26 =	vadd.s32 v9, v24  }
0x1ac: {  	[tilespmem:s7+$0x70] =	vst v28  }
0x1ad: {  	[tilespmem:s6+$0x30] =	vst v25  }
0x1ae: {  	v25 =	vadd.s32 v9, v21;
	[tilespmem:s15+$0x70] =	vst v27  }
0x1af: {  	v27 =	vadd.s32 v9, v23;
	v28 =	vld.idx.msk [tilespmem:v29+s1+$0x0], $0xffff  }
0x1b0: {  	v26 =	vld.idx.msk [tilespmem:v26+s1+$0x0], $0xffff;
	v29 =	vadd.s32 v10, v22  }
0x1b1: {  	v30 =	vadd.s32 v10, v24;
	_ =	sdelay $0x1  }
0x1b2: {  	v25 =	vld.idx.msk [tilespmem:v25+s1+$0x0], $0xffff  }
0x1b3: {  	v31 =	vadd.s32 v10, v21;
	v27 =	vld.idx.msk [tilespmem:v27+s1+$0x0], $0xffff;
	[tilespmem:s3+$0x1000] =	vst v28  }
0x1b4: {  	[tilespmem:s11+$0x1000] =	vst v26;
	v28 =	vadd.s32 v10, v23;
	v26 =	vld.idx.msk [tilespmem:v29+s1+$0x0], $0xffff  }
0x1b5: {  	v29 =	vld.idx.msk [tilespmem:v30+s1+$0x0], $0xffff;
	v30 =	vadd.s32 v11, v22  }
0x1b6: {  	v46 =	vadd.s32 v11, v24;
	s5 =	simm.s32 $0x141F0  }
0x1b7: {  	[tilespmem:s5+$0xFFFFFF90] =	vst v25  }
0x1b8: {  	v25 =	vld.idx.msk [tilespmem:v31+s1+$0x0], $0xffff;
	[tilespmem:s10+$0x1000] =	vst v27  }
0x1b9: {  	v27 =	vadd.s32 v11, v21;
	v28 =	vld.idx.msk [tilespmem:v28+s1+$0x0], $0xffff;
	[tilespmem:s3+$0x1010] =	vst v26  }
0x1ba: {  	[tilespmem:s11+$0x1010] =	vst v29;
	v29 =	vadd.s32 v11, v23;
	v26 =	vld.idx.msk [tilespmem:v30+s1+$0x0], $0xffff  }
0x1bb: {  	v31 =	vadd.s32 v12, v22;
	v30 =	vld.idx.msk [tilespmem:v46+s1+$0x0], $0xffff  }
0x1bc: {  	v47 =	vadd.s32 v12, v24  }
0x1bd: {  	[tilespmem:s5+$0xFFFFFFA0] =	vst v25  }
0x1be: {  	v49 =	vadd.s32 v9, v18;
	v25 =	vld.idx.msk [tilespmem:v27+s1+$0x0], $0xffff;
	[tilespmem:s10+$0x1010] =	vst v28  }
0x1bf: {  	v27 =	vadd.s32 v12, v21;
	[tilespmem:s3+$0x1020] =	vst v26;
	v26 =	vld.idx.msk [tilespmem:v29+s1+$0x0], $0xffff  }
0x1c0: {  	[tilespmem:s11+$0x1020] =	vst v30;
	v29 =	vadd.s32 v12, v23;
	v28 =	vld.idx.msk [tilespmem:v31+s1+$0x0], $0xffff  }
0x1c1: {  	v30 =	vadd.s32 v13, v22;
	v31 =	vld.idx.msk [tilespmem:v47+s1+$0x0], $0xffff  }
0x1c2: {  	v48 =	vadd.s32 v13, v24  }
0x1c3: {  	v33 =	vld.idx.msk [tilespmem:v49+s1+$0x0], $0xffff;
	[tilespmem:s5+$0xFFFFFFB0] =	vst v25;
	v25 =	vadd.s32 v9, v17  }
0x1c4: {  	s24 =	simm.s32 $0x200;
	v54 =	vadd.s32 v10, v18;
	v27 =	vld.idx.msk [tilespmem:v27+s1+$0x0], $0xffff;
	[tilespmem:s10+$0x1020] =	vst v26  }
0x1c5: {  	s26 =	simm.s32 $0x280;
	s6 =	sand.u32 $0xC00, s24;
	v26 =	vadd.s32 v13, v21;
	[tilespmem:s3+$0x1030] =	vst v28;
	v28 =	vld.idx.msk [tilespmem:v29+s1+$0x0], $0xffff  }
0x1c6: {  	s7 =	sand.u32 $0x280, s26;
	s29 =	sor.u32 $0x13180, s6;
	v29 =	vadd.s32 v9, v19;
	[tilespmem:s11+$0x1030] =	vst v31;
	v30 =	vld.idx.msk [tilespmem:v30+s1+$0x0], $0xffff  }
0x1c7: {  	v50 =	vadd.s32 v13, v23;
	s7 =	sadd.s32 s7, s29;
	v31 =	vld.idx.msk [tilespmem:v48+s1+$0x0], $0xffff  }
0x1c8: {  	v52 =	vadd.s32 v9, v20;
	[tilespmem:s7+$0x1000] =	vst v33;
	v25 =	vld.idx.msk [tilespmem:v25+s1+$0x0], $0xffff  }
0x1c9: {  	v51 =	vadd.s32 v14, v22;
	v32 =	vld.idx.msk [tilespmem:v54+s1+$0x0], $0xffff;
	[tilespmem:s5+$0xFFFFFFC0] =	vst v27  }
0x1ca: {  	v27 =	vadd.s32 v14, v24;
	v26 =	vld.idx.msk [tilespmem:v26+s1+$0x0], $0xffff;
	[tilespmem:s10+$0x1030] =	vst v28  }
0x1cb: {  	v53 =	vadd.s32 v10, v17;
	v29 =	vld.idx.msk [tilespmem:v29+s1+$0x0], $0xffff;
	[tilespmem:s3+$0x1040] =	vst v30  }
0x1cc: {  	s6 =	simm.s32 $0x143F0;
	v28 =	vadd.s32 v14, v21;
	v30 =	vld.idx.msk [tilespmem:v50+s1+$0x0], $0xffff;
	[tilespmem:s11+$0x1040] =	vst v31  }
0x1cd: {  	[tilespmem:s6+$0xFFFFFF90] =	vst v25;
	v25 =	vadd.s32 v10, v19;
	v31 =	vld.idx.msk [tilespmem:v52+s1+$0x0], $0xffff  }
0x1ce: {  	s8 =	simm.s32 $0x300;
	v55 =	vadd.s32 v14, v23;
	v34 =	vld.idx.msk [tilespmem:v51+s1+$0x0], $0xffff  }
0x1cf: {  	s8 =	sand.u32 $0x300, s8;
	v57 =	vadd.s32 v10, v20;
	[tilespmem:s7+$0x1010] =	vst v32;
	v27 =	vld.idx.msk [tilespmem:v27+s1+$0x0], $0xffff  }
0x1d0: {  	s16 =	sadd.s32 s8, s29;
	s8 =	simm.s32 $0x380;
	v56 =	vld.idx.msk [tilespmem:v53+s1+$0x0], $0xffff;
	[tilespmem:s5+$0xFFFFFFD0] =	vst v26;
	v26 =	vadd.s32 v15, v22  }
0x1d1: {  	s31 =	sand.u32 $0x380, s8;
	[tilespmem:s16+$0x1000] =	vst v29;
	v28 =	vld.idx.msk [tilespmem:v28+s1+$0x0], $0xffff;
	v29 =	vadd.s32 v15, v24  }
0x1d2: {  	s13 =	sadd.s32 s31, s29;
	[tilespmem:s10+$0x1040] =	vst v30;
	v30 =	vadd.s32 v11, v17;
	v25 =	vld.idx.msk [tilespmem:v25+s1+$0x0], $0xffff  }
0x1d3: {  	v58 =	vadd.s32 v11, v18;
	[tilespmem:s13+$0x1000] =	vst v31;
	v31 =	vld.idx.msk [tilespmem:v55+s1+$0x0], $0xffff  }
0x1d4: {  	v59 =	vadd.s32 v11, v19;
	[tilespmem:s3+$0x1050] =	vst v34;
	v36 =	vld.idx.msk [tilespmem:v57+s1+$0x0], $0xffff  }
0x1d5: {  	[tilespmem:s11+$0x1050] =	vst v27;
	v27 =	vadd.s32 v15, v23;
	v26 =	vld.idx.msk [tilespmem:v26+s1+$0x0], $0xffff  }
0x1d6: {  	v60 =	vadd.s32 v15, v21;
	[tilespmem:s6+$0xFFFFFFA0] =	vst v56;
	v29 =	vld.idx.msk [tilespmem:v29+s1+$0x0], $0xffff  }
0x1d7: {  	v24 =	vadd.s32 v16, v24;
	[tilespmem:s5+$0xFFFFFFE0] =	vst v28;
	v28 =	vld.idx.msk [tilespmem:v30+s1+$0x0], $0xffff  }
0x1d8: {  	v22 =	vadd.s32 v16, v22;
	v30 =	vld.idx.msk [tilespmem:v58+s1+$0x0], $0xffff;
	[tilespmem:s16+$0x1010] =	vst v25  }
0x1d9: {  	v25 =	vadd.s32 v11, v20;
	v61 =	vld.idx.msk [tilespmem:v59+s1+$0x0], $0xffff;
	[tilespmem:s10+$0x1050] =	vst v31  }
0x1da: {  	v31 =	vadd.s32 v12, v18;
	[tilespmem:s13+$0x1010] =	vst v36;
	v62 =	vld.idx.msk [tilespmem:v27+s1+$0x0], $0xffff  }
0x1db: {  	v63 =	vadd.s32 v12, v19;
	v27 =	vld.idx.msk [tilespmem:v60+s1+$0x0], $0xffff;
	[tilespmem:s11+$0x1060] =	vst v29  }
0x1dc: {  	[tilespmem:s3+$0x1060] =	vst v26;
	v26 =	vld.idx.msk [tilespmem:v24+s1+$0x0], $0xffff  }
0x1dd: {  	v23 =	vadd.s32 v16, v23;
	[tilespmem:s6+$0xFFFFFFB0] =	vst v28;
	v24 =	vld.idx.msk [tilespmem:v22+s1+$0x0], $0xffff  }
0x1de: {  	[tilespmem:s7+$0x1020] =	vst v30;
	v30 =	vld.idx.msk [tilespmem:v25+s1+$0x0], $0xffff;
	v25 =	vadd.s32 v16, v21  }
0x1df: {  	v32 =	vadd.s32 v12, v17;
	v28 =	vld.idx.msk [tilespmem:v31+s1+$0x0], $0xffff;
	[tilespmem:s16+$0x1020] =	vst v61  }
0x1e0: {  	s15 =	simm.s32 $0x8;
	v22 =	vadd.s32 v13, v18;
	v31 =	vadd.s32 v12, v20;
	v29 =	vld.idx.msk [tilespmem:v63+s1+$0x0], $0xffff;
	[tilespmem:s10+$0x1060] =	vst v62  }
.LBB2_25:
0x1e1: {  	s19 =	sadd.s32 $0x1, s15  }
0x1e2: {  	v21 =	vmov s15;
	p1 =	slt.u32 s15, $0x1C;
	v33 =	vadd.s32 v13, v17;
	[tilespmem:s5+$0xFFFFFFF0] =	vst v27;
	v23 =	vld.idx.msk [tilespmem:v23+s1+$0x0], $0xffff;
	s20 =	smov.u32 s15;
	s15 =	sadd.s32 $0x4, s15  }
0x1e3: {  	v34 =	vadd.s32 v13, v19;
	v21 =	vand.u32 $0x1C, v21;
	v27 =	vmov s19;
	s19 =	sadd.s32 $0x2, s20;
	v25 =	vld.idx.msk [tilespmem:v25+s1+$0x0], $0xffff;
	[tilespmem:s11+$0x1070] =	vst v26;
	s11 =	smov.u32 s16  }
0x1e4: {  	s16 =	sadd.s32 $0x3, s20;
	v26 =	vadd.s32 v9, v21;
	v27 =	vand.u32 $0x1D, v27;
	v35 =	vmov s19;
	v32 =	vld.idx.msk [tilespmem:v32+s1+$0x0], $0xffff;
	[tilespmem:s3+$0x1070] =	vst v24;
	s3 =	smov.u32 s7  }
0x1e5: {  	v36 =	vmov s16;
	v24 =	vadd.s32 v9, v27;
	v35 =	vand.u32 $0x1E, v35;
	[tilespmem:s13+$0x1020] =	vst v30  }
0x1e6: {  	v30 =	vadd.s32 v13, v27;
	v36 =	vand.u32 $0x1F, v36;
	v37 =	vadd.s32 v9, v35;
	[tilespmem:s3+$0x1030] =	vst v28;
	v28 =	vld.idx.msk [tilespmem:v31+s1+$0x0], $0xffff  }
0x1e7: {  	v31 =	vadd.s32 v9, v36;
	v38 =	vld.idx.msk [tilespmem:v22+s1+$0x0], $0xffff;
	[tilespmem:s11+$0x1030] =	vst v29;
	v22 =	vmov v30  }
0x1e8: {  	v30 =	vadd.s32 v13, v20;
	v29 =	vld.idx.msk [tilespmem:v34+s1+$0x0], $0xffff;
	[tilespmem:s10+$0x1070] =	vst v23;
	s10 =	smov.u32 s13  }
0x1e9: {  	v23 =	vld.idx.msk [tilespmem:v26+s1+$0x0], $0xffff;
	v26 =	vadd.s32 v14, v18;
	[tilespmem:s5+$0x0] =	vst v25;
	s5 =	smov.u32 s6  }
0x1ea: {  	v24 =	vld.idx.msk [tilespmem:v24+s1+$0x0], $0xffff;
	[tilespmem:s6+$0xFFFFFFC0] =	vst v32  }
0x1eb: {  	s8 =	sadd.s32 $0x200, s8;
	v32 =	vadd.s32 v14, v19;
	v25 =	vld.idx.msk [tilespmem:v33+s1+$0x0], $0xffff  }
0x1ec: {  	s7 =	sadd.s32 $0xFFFFFE80, s8;
	v33 =	vadd.s32 v10, v21;
	v34 =	vld.idx.msk [tilespmem:v37+s1+$0x0], $0xffff;
	[tilespmem:s10+$0x1030] =	vst v28  }
0x1ed: {  	s7 =	sand.u32 $0xC00, s7;
	s13 =	sadd.s32 $0xFFFFFF00, s8;
	v28 =	vadd.s32 v14, v17;
	[tilespmem:s3+$0x1040] =	vst v38;
	v30 =	vld.idx.msk [tilespmem:v30+s1+$0x0], $0xffff  }
0x1ee: {  	s19 =	sor.u32 $0x13180, s7;
	s13 =	sand.u32 $0x280, s13;
	s6 =	sadd.s32 $0x200, s6;
	v37 =	vadd.s32 v10, v27;
	v26 =	vld.idx.msk [tilespmem:v26+s1+$0x0], $0xffff;
	[tilespmem:s11+$0x1040] =	vst v29  }
0x1ef: {  	s7 =	sadd.s32 s13, s19;
	s13 =	sadd.s32 $0xFFFFFF80, s8;
	[tilespmem:s6+$0xFFFFFF90] =	vst v23;
	v23 =	vadd.s32 v10, v35;
	v29 =	vld.idx.msk [tilespmem:v31+s1+$0x0], $0xffff  }
0x1f0: {  	s13 =	sand.u32 $0x300, s13;
	v31 =	vadd.s32 v14, v20;
	[tilespmem:s7+$0x1000] =	vst v24;
	v24 =	vld.idx.msk [tilespmem:v32+s1+$0x0], $0xffff  }
0x1f1: {  	s16 =	sadd.s32 s13, s19;
	v32 =	vld.idx.msk [tilespmem:v33+s1+$0x0], $0xffff;
	[tilespmem:s5+$0xFFFFFFD0] =	vst v25;
	v25 =	vadd.s32 v15, v18  }
0x1f2: {  	v33 =	vadd.s32 v15, v19;
	[tilespmem:s16+$0x1000] =	vst v34;
	v28 =	vld.idx.msk [tilespmem:v28+s1+$0x0], $0xffff  }
0x1f3: {  	s13 =	sand.u32 $0x380, s8;
	v34 =	vld.idx.msk [tilespmem:v37+s1+$0x0], $0xffff;
	v37 =	vadd.s32 v10, v36;
	[tilespmem:s10+$0x1040] =	vst v30  }
0x1f4: {  	s13 =	sadd.s32 s13, s19;
	v30 =	vadd.s32 v11, v21;
	v23 =	vld.idx.msk [tilespmem:v23+s1+$0x0], $0xffff;
	[tilespmem:s3+$0x1050] =	vst v26  }
0x1f5: {  	v26 =	vadd.s32 v11, v27;
	[tilespmem:s13+$0x1000] =	vst v29;
	v29 =	vld.idx.msk [tilespmem:v31+s1+$0x0], $0xffff  }
0x1f6: {  	v31 =	vadd.s32 v11, v35;
	v25 =	vld.idx.msk [tilespmem:v25+s1+$0x0], $0xffff;
	[tilespmem:s11+$0x1050] =	vst v24  }
0x1f7: {  	v24 =	vadd.s32 v15, v17;
	[tilespmem:s6+$0xFFFFFFA0] =	vst v32;
	v32 =	vld.idx.msk [tilespmem:v33+s1+$0x0], $0xffff;
	v33 =	vadd.s32 v15, v20  }
0x1f8: {  	v37 =	vld.idx.msk [tilespmem:v37+s1+$0x0], $0xffff;
	[tilespmem:s5+$0xFFFFFFE0] =	vst v28  }
0x1f9: {  	v28 =	vld.idx.msk [tilespmem:v30+s1+$0x0], $0xffff;
	[tilespmem:s7+$0x1010] =	vst v34;
	v30 =	vadd.s32 v16, v19;
	v19 =	vmov v35  }
0x1fa: {  	v35 =	vadd.s32 v16, v18;
	v18 =	vmov v27;
	v34 =	vld.idx.msk [tilespmem:v26+s1+$0x0], $0xffff;
	[tilespmem:s16+$0x1010] =	vst v23  }
0x1fb: {  	v38 =	vadd.s32 v11, v36;
	v31 =	vld.idx.msk [tilespmem:v31+s1+$0x0], $0xffff;
	[tilespmem:s10+$0x1050] =	vst v29  }
0x1fc: {  	v29 =	vadd.s32 v12, v18;
	[tilespmem:s3+$0x1060] =	vst v25;
	v33 =	vld.idx.msk [tilespmem:v33+s1+$0x0], $0xffff  }
0x1fd: {  	v39 =	vadd.s32 v12, v19;
	v27 =	vld.idx.msk [tilespmem:v24+s1+$0x0], $0xffff;
	[tilespmem:s11+$0x1060] =	vst v32  }
.Ltmp11:
0x1fe: {  	v23 =	vadd.s32 v16, v20;
	v25 =	vadd.s32 v16, v17;
	v17 =	vmov v21;
	[tilespmem:s13+$0x1010] =	vst v37;
	v26 =	vld.idx.msk [tilespmem:v30+s1+$0x0], $0xffff;
	(pc) =	sbr.rel @p1 .LBB2_25-.Ltmp11, $4  }
0x1ff: {  	v20 =	vmov v36;
	[tilespmem:s6+$0xFFFFFFB0] =	vst v28;
	v24 =	vld.idx.msk [tilespmem:v35+s1+$0x0], $0xffff  }
0x200: {  	v32 =	vadd.s32 v12, v17;
	[tilespmem:s7+$0x1020] =	vst v34;
	v30 =	vld.idx.msk [tilespmem:v38+s1+$0x0], $0xffff  }
0x201: {  	v28 =	vld.idx.msk [tilespmem:v29+s1+$0x0], $0xffff;
	[tilespmem:s16+$0x1020] =	vst v31  }
0x202: {  	v31 =	vadd.s32 v12, v20;
	v29 =	vld.idx.msk [tilespmem:v39+s1+$0x0], $0xffff;
	[tilespmem:s10+$0x1060] =	vst v33  }
0x203: {  	_ =	sdelay $0x3  }
0x204: {  	v21 =	vadd.s32 v13, v19;
	v54 =	vld.idx.msk [tilespmem:v32+s1+$0x0], $0xffff;
	[tilespmem:s13+$0x1020] =	vst v30  }
0x205: {  	v33 =	vadd.s32 v13, v17;
	v30 =	vld.idx.msk [tilespmem:v31+s1+$0x0], $0xffff  }
0x206: {  	v55 =	vadd.s32 v13, v20  }
0x207: {  	[tilespmem:s7+$0x1030] =	vst v28  }
0x208: {  	[tilespmem:s16+$0x1030] =	vst v29;
	v22 =	vld.idx.msk [tilespmem:v22+s1+$0x0], $0xffff  }
0x209: {  	v57 =	vadd.s32 v14, v18;
	v21 =	vld.idx.msk [tilespmem:v21+s1+$0x0], $0xffff;
	[tilespmem:s6+$0xFFFFFFC0] =	vst v54  }
0x20a: {  	v56 =	vadd.s32 v14, v19;
	v31 =	vld.idx.msk [tilespmem:v33+s1+$0x0], $0xffff;
	[tilespmem:s13+$0x1030] =	vst v30  }
0x20b: {  	v59 =	vadd.s32 v14, v17;
	v30 =	vld.idx.msk [tilespmem:v55+s1+$0x0], $0xffff  }
0x20c: {  	v58 =	vadd.s32 v14, v20  }
0x20d: {  	[tilespmem:s7+$0x1040] =	vst v22  }
0x20e: {  	[tilespmem:s16+$0x1040] =	vst v21;
	v22 =	vld.idx.msk [tilespmem:v57+s1+$0x0], $0xffff  }
0x20f: {  	v61 =	vadd.s32 v15, v18;
	v21 =	vld.idx.msk [tilespmem:v56+s1+$0x0], $0xffff;
	[tilespmem:s6+$0xFFFFFFD0] =	vst v31  }
0x210: {  	v60 =	vadd.s32 v15, v19;
	v31 =	vld.idx.msk [tilespmem:v59+s1+$0x0], $0xffff;
	[tilespmem:s13+$0x1040] =	vst v30  }
0x211: {  	[tilespmem:s5+$0xFFFFFFF0] =	vst v27;
	v27 =	vadd.s32 v15, v17;
	v30 =	vld.idx.msk [tilespmem:v58+s1+$0x0], $0xffff  }
0x212: {  	v62 =	vadd.s32 v15, v20;
	[tilespmem:s11+$0x1070] =	vst v26  }
0x213: {  	[tilespmem:s7+$0x1050] =	vst v22  }
0x214: {  	[tilespmem:s16+$0x1050] =	vst v21;
	v22 =	vld.idx.msk [tilespmem:v61+s1+$0x0], $0xffff  }
0x215: {  	v18 =	vadd.s32 v16, v18;
	v21 =	vld.idx.msk [tilespmem:v60+s1+$0x0], $0xffff;
	[tilespmem:s6+$0xFFFFFFE0] =	vst v31  }
0x216: {  	v19 =	vadd.s32 v16, v19;
	v26 =	vld.idx.msk [tilespmem:v27+s1+$0x0], $0xffff;
	[tilespmem:s13+$0x1050] =	vst v30  }
0x217: {  	v17 =	vadd.s32 v16, v17;
	v63 =	vld.idx.msk [tilespmem:v62+s1+$0x0], $0xffff  }
0x218: {  	v20 =	vadd.s32 v16, v20;
	v23 =	vld.idx.msk [tilespmem:v23+s1+$0x0], $0xffff;
	[tilespmem:s3+$0x1070] =	vst v24  }
0x219: {  	v24 =	vld.idx.msk [tilespmem:v25+s1+$0x0], $0xffff;
	[tilespmem:s7+$0x1060] =	vst v22  }
0x21a: {  	[tilespmem:s16+$0x1060] =	vst v21;
	v18 =	vld.idx.msk [tilespmem:v18+s1+$0x0], $0xffff  }
0x21b: {  	v19 =	vld.idx.msk [tilespmem:v19+s1+$0x0], $0xffff;
	[tilespmem:s6+$0xFFFFFFF0] =	vst v26  }
0x21c: {  	v17 =	vld.idx.msk [tilespmem:v17+s1+$0x0], $0xffff;
	[tilespmem:s13+$0x1060] =	vst v63  }
0x21d: {  	[tilespmem:s10+$0x1070] =	vst v23;
	v20 =	vld.idx.msk [tilespmem:v20+s1+$0x0], $0xffff  }
0x21e: {  	s15 =	sshll.u32 s9, $0x3;
	[tilespmem:s5+$0x0] =	vst v24  }
0x21f: {  	s10 =	sor.u32 $0x6, s15;
	[tilespmem:s7+$0x1070] =	vst v18  }
0x220: {  	s18 =	sshll.u32 s10, $0x7;
	[tilespmem:s16+$0x1070] =	vst v19  }
0x221: {  	s0 =	simm.s32 $0x80;
	s11 =	sshllo.u32 s9, $0x3;
	s3 =	sand.u32 $0x3FFFFF00, s18;
	[tilespmem:s6+$0x0] =	vst v17  }
0x222: {  	s19 =	simm.s32 $0xE980;
	s20 =	sshll.u32 s11, $0x7;
	s3 =	sadd.s32 $0x2580, s3;
	[tilespmem:s13+$0x1070] =	vst v20  }
0x223: {  	[tilespmem:s19], [sflag:$0x4] =	stream.indirect.gather [hbm4b:s4+s0], $0x20, s3, s0, $0xb8;
	[tilespmem:$0x1B180] =	vst v63  }
0x224: {  	s3 =	sand.u32 $0x3FFFFF80, s20  }
0x225: {  	s21 =	simm.s32 $0xF980;
	s24 =	sshll.u32 s9, $0x14;
	s3 =	sadd.s32 $0x2580, s3  }
0x226: {  	[tilespmem:s21], [sflag:$0x4] =	stream.indirect.gather [hbm4b:s4+s0], $0x20, s3, s0, $0xb8;
	[tilespmem:$0x1B180] =	vst v63  }
0x227: {  	s3 =	sor.u32 s14, s24  }
0x228: {  	s3 =	sshrl.u32 s3, $0x3  }
0x229: {  	s26 =	simm.s32 $0x13180;
	s3 =	sadd.s32 s2, s3  }
0x22a: {  	[hbm4b:s3+s22] =	stream.strided.scatter [tilespmem:s26], [sflag:$0x5], $0x2000, s23, s22, $0x38;
	[tilespmem:$0x1B180] =	vst v63  }
0x22b: {  	s3 =	sor.u32 $0x2, s15;
	_ =	swait.ge [sflag:s25], $0x2000  }
0x22c: {  	s29 =	sshll.u32 s3, $0x5;
	[sflag:s25] =	ssyncset.done $0x0  }
0x22d: {  	s5 =	sand.u32 $0x3FFFFF40, s29;
	[sflag:s25] =	ssyncadd.s32 $0xFFFFE000  }
0x22e: {  	s31 =	simm.s32 $0xA9F0;
	v18 =	vld [tilespmem:s5+$0x0]  }
0x22f: {  	v19 =	vld [tilespmem:s31+$0xFFFFFFF0];
	_ =	sdelay $0x2  }
0x230: {  	v17 =	vld [tilespmem:s5+$0x10]  }
0x231: {  	v20 =	vld [tilespmem:s31+$0xFFFFFF90]  }
0x232: {  	v21 =	vld [tilespmem:s31+$0xFFFFFFB0];
	v19 =	vadd.f32 v19, v18  }
0x233: {  	s6 =	simm.s32 $0xAA70;
	s5 =	simm.s32 $0x109D0;
	v22 =	vld [tilespmem:s31+$0xFFFFFFD0]  }
0x234: {  	[tilespmem:s5+$0x28] =	vst v19;
	v19 =	vld [tilespmem:s6+$0xFFFFFFF0]  }
0x235: {  	v23 =	vld [tilespmem:s31+$0x0]  }
0x236: {  	v25 =	vld [tilespmem:s6+$0xFFFFFFB0];
	v20 =	vadd.f32 v20, v18  }
0x237: {  	v24 =	vadd.f32 v21, v18;
	v21 =	vld [tilespmem:s6+$0xFFFFFFD0]  }
0x238: {  	v26 =	vadd.f32 v22, v18;
	v22 =	vld [tilespmem:s6+$0xFFFFFF90];
	[tilespmem:s5+$0xFFFFFFB0] =	vst v20  }
0x239: {  	[tilespmem:s5+$0xFFFFFFD8] =	vst v24;
	v20 =	vld [tilespmem:s31+$0xFFFFFFA0];
	v27 =	vadd.f32 v19, v18  }
0x23a: {  	s7 =	simm.s32 $0x10A70;
	[tilespmem:s5+$0x0] =	vst v26;
	v19 =	vld [tilespmem:s31+$0xFFFFFFC0];
	v24 =	vadd.f32 v23, v17  }
0x23b: {  	s8 =	simm.s32 $0x4;
	s13 =	simm.s32 $0xAAF0;
	v25 =	vadd.f32 v25, v18;
	v23 =	vld [tilespmem:s31+$0xFFFFFFE0];
	[tilespmem:s7+$0x28] =	vst v27  }
.LBB2_27:
0x23c: {  	v26 =	vld [tilespmem:s13+$0xFFFFFFF0];
	v21 =	vadd.f32 v21, v18;
	[tilespmem:s5+$0x38] =	vst v24  }
0x23d: {  	s8 =	sadd.s32 $0x4, s8;
	v22 =	vadd.f32 v22, v18;
	[tilespmem:s7+$0xFFFFFFD8] =	vst v25;
	v24 =	vld [tilespmem:s6+$0x0]  }
0x23e: {  	p1 =	slt.u32 s8, $0x7C;
	v25 =	vld [tilespmem:s13+$0xFFFFFFB0];
	[tilespmem:s7+$0x0] =	vst v21;
	v20 =	vadd.f32 v20, v17  }
.Ltmp12:
0x23f: {  	v21 =	vld [tilespmem:s13+$0xFFFFFFD0];
	[tilespmem:s7+$0xFFFFFFB0] =	vst v22;
	v19 =	vadd.f32 v19, v17;
	(pc) =	sbr.rel @p1 .LBB2_27-.Ltmp12, $4  }
0x240: {  	v22 =	vld [tilespmem:s13+$0xFFFFFF90];
	[tilespmem:s5+$0xFFFFFFC0] =	vst v20;
	v23 =	vadd.f32 v23, v17  }
0x241: {  	v26 =	vadd.f32 v26, v18;
	v20 =	vld [tilespmem:s6+$0xFFFFFFA0];
	[tilespmem:s5+$0xFFFFFFE8] =	vst v19  }
0x242: {  	v19 =	vld [tilespmem:s6+$0xFFFFFFC0];
	v24 =	vadd.f32 v24, v17;
	[tilespmem:s5+$0x10] =	vst v23;
	s5 =	smov.u32 s7;
	s7 =	sadd.s32 $0xA0, s7  }
0x243: {  	v25 =	vadd.f32 v25, v18;
	[tilespmem:s7+$0x28] =	vst v26;
	v23 =	vld [tilespmem:s6+$0xFFFFFFE0];
	s6 =	smov.u32 s13;
	s13 =	sadd.s32 $0x80, s13  }
0x244: {  	_ = 	snop  }
0x245: {  	v22 =	vadd.f32 v22, v18  }
0x246: {  	v18 =	vadd.f32 v21, v18;
	v21 =	vld [tilespmem:s6+$0x0];
	[tilespmem:s7+$0xFFFFFFD8] =	vst v25  }
0x247: {  	[tilespmem:s7+$0xFFFFFFB0] =	vst v22  }
0x248: {  	[tilespmem:s7+$0x0] =	vst v18;
	v18 =	vadd.f32 v20, v17;
	v20 =	vld [tilespmem:s6+$0xFFFFFFC0]  }
0x249: {  	v19 =	vadd.f32 v19, v17;
	v22 =	vld [tilespmem:s6+$0xFFFFFFA0]  }
0x24a: {  	[tilespmem:s5+$0x38] =	vst v24;
	v24 =	vld [tilespmem:s6+$0xFFFFFFE0]  }
0x24b: {  	[tilespmem:s5+$0xFFFFFFE8] =	vst v19;
	v19 =	vadd.f32 v21, v17  }
0x24c: {  	[tilespmem:s5+$0xFFFFFFC0] =	vst v18;
	v18 =	vadd.f32 v23, v17  }
0x24d: {  	[tilespmem:s7+$0x38] =	vst v19;
	v19 =	vadd.f32 v20, v17  }
0x24e: {  	[tilespmem:s5+$0x10] =	vst v18;
	v18 =	vadd.f32 v22, v17  }
0x24f: {  	v17 =	vadd.f32 v24, v17;
	[tilespmem:s7+$0xFFFFFFE8] =	vst v19  }
0x250: {  	[tilespmem:s7+$0xFFFFFFC0] =	vst v18  }
0x251: {  	[tilespmem:s7+$0x10] =	vst v17  }
0x252: {  	s16 =	simm.s32 $0xB9F0;
	v18 =	vld [tilespmem:s12+$0x60]  }
0x253: {  	v19 =	vld [tilespmem:s16+$0xFFFFFFF0];
	_ =	sdelay $0x2  }
0x254: {  	v17 =	vld [tilespmem:s12+$0x70]  }
0x255: {  	v20 =	vld [tilespmem:s16+$0xFFFFFF90]  }
0x256: {  	v21 =	vld [tilespmem:s16+$0xFFFFFFB0];
	v19 =	vadd.f32 v19, v18  }
0x257: {  	s5 =	simm.s32 $0x11E08;
	s7 =	simm.s32 $0xBA70;
	v22 =	vld [tilespmem:s16+$0xFFFFFFD0]  }
0x258: {  	[tilespmem:s5+$0xFFFFFFF0] =	vst v19;
	v19 =	vld [tilespmem:s7+$0xFFFFFFF0]  }
0x259: {  	v23 =	vld [tilespmem:s16+$0x0]  }
0x25a: {  	v25 =	vld [tilespmem:s7+$0xFFFFFFB0];
	v20 =	vadd.f32 v20, v18  }
0x25b: {  	v24 =	vadd.f32 v21, v18;
	v21 =	vld [tilespmem:s7+$0xFFFFFFD0]  }
0x25c: {  	v26 =	vadd.f32 v22, v18;
	v22 =	vld [tilespmem:s7+$0xFFFFFF90];
	[tilespmem:s5+$0xFFFFFF78] =	vst v20  }
0x25d: {  	[tilespmem:s5+$0xFFFFFFA0] =	vst v24;
	v20 =	vld [tilespmem:s16+$0xFFFFFFA0];
	v27 =	vadd.f32 v19, v18  }
0x25e: {  	s6 =	simm.s32 $0x11EA8;
	[tilespmem:s5+$0xFFFFFFC8] =	vst v26;
	v19 =	vld [tilespmem:s16+$0xFFFFFFC0];
	v24 =	vadd.f32 v23, v17  }
0x25f: {  	s8 =	simm.s32 $0x4;
	s13 =	simm.s32 $0xBAF0;
	v25 =	vadd.f32 v25, v18;
	v23 =	vld [tilespmem:s16+$0xFFFFFFE0];
	[tilespmem:s6+$0xFFFFFFF0] =	vst v27  }
.LBB2_29:
0x260: {  	v26 =	vld [tilespmem:s13+$0xFFFFFFF0];
	v21 =	vadd.f32 v21, v18;
	[tilespmem:s5+$0x0] =	vst v24  }
0x261: {  	s8 =	sadd.s32 $0x4, s8;
	v22 =	vadd.f32 v22, v18;
	[tilespmem:s6+$0xFFFFFFA0] =	vst v25;
	v24 =	vld [tilespmem:s7+$0x0]  }
0x262: {  	p1 =	slt.u32 s8, $0x7C;
	v25 =	vld [tilespmem:s13+$0xFFFFFFB0];
	[tilespmem:s6+$0xFFFFFFC8] =	vst v21;
	v20 =	vadd.f32 v20, v17  }
.Ltmp13:
0x263: {  	v21 =	vld [tilespmem:s13+$0xFFFFFFD0];
	[tilespmem:s6+$0xFFFFFF78] =	vst v22;
	v19 =	vadd.f32 v19, v17;
	(pc) =	sbr.rel @p1 .LBB2_29-.Ltmp13, $4  }
0x264: {  	v22 =	vld [tilespmem:s13+$0xFFFFFF90];
	[tilespmem:s5+$0xFFFFFF88] =	vst v20;
	v23 =	vadd.f32 v23, v17  }
0x265: {  	v26 =	vadd.f32 v26, v18;
	v20 =	vld [tilespmem:s7+$0xFFFFFFA0];
	[tilespmem:s5+$0xFFFFFFB0] =	vst v19  }
0x266: {  	v19 =	vld [tilespmem:s7+$0xFFFFFFC0];
	v24 =	vadd.f32 v24, v17;
	[tilespmem:s5+$0xFFFFFFD8] =	vst v23;
	s5 =	smov.u32 s6;
	s6 =	sadd.s32 $0xA0, s6  }
0x267: {  	v25 =	vadd.f32 v25, v18;
	[tilespmem:s6+$0xFFFFFFF0] =	vst v26;
	v23 =	vld [tilespmem:s7+$0xFFFFFFE0];
	s7 =	smov.u32 s13;
	s13 =	sadd.s32 $0x80, s13  }
0x268: {  	_ = 	snop  }
0x269: {  	v22 =	vadd.f32 v22, v18;
	_ =	sdelay $0x1  }
0x26a: {  	v18 =	vadd.f32 v21, v18;
	v21 =	vld [tilespmem:s7+$0x0];
	[tilespmem:s6+$0xFFFFFF78] =	vst v22  }
0x26b: {  	[tilespmem:s6+$0xFFFFFFA0] =	vst v25;
	v22 =	vld [tilespmem:s7+$0xFFFFFFA0]  }
0x26c: {  	[tilespmem:s6+$0xFFFFFFC8] =	vst v18;
	v18 =	vadd.f32 v20, v17;
	v20 =	vld [tilespmem:s7+$0xFFFFFFC0]  }
0x26d: {  	[tilespmem:s5+$0x0] =	vst v24;
	v19 =	vadd.f32 v19, v17;
	v24 =	vld [tilespmem:s7+$0xFFFFFFE0]  }
0x26e: {  	[tilespmem:s5+$0xFFFFFF88] =	vst v18;
	v18 =	vadd.f32 v23, v17  }
0x26f: {  	[tilespmem:s5+$0xFFFFFFB0] =	vst v19;
	v19 =	vadd.f32 v21, v17  }
0x270: {  	s8 =	simm.s32 $0x1;
	[tilespmem:s5+$0xFFFFFFD8] =	vst v18;
	v18 =	vadd.f32 v22, v17  }
0x271: {  	s13 =	simm.s32 $0x2;
	[tilespmem:s6+$0x0] =	vst v19;
	v19 =	vadd.f32 v20, v17;
	v20 =	vmov s8  }
0x272: {  	v17 =	vadd.f32 v24, v17;
	v23 =	vand.u32 $0x1D, v20;
	[tilespmem:s6+$0xFFFFFF88] =	vst v18;
	v18 =	vmov s13  }
0x273: {  	[tilespmem:s6+$0xFFFFFFB0] =	vst v19;
	v19 =	vadd.s32 v0, v23;
	v24 =	vand.u32 $0x1E, v18  }
0x274: {  	s16 =	simm.s32 $0x0;
	s5 =	simm.s32 @!p0 $0x6;
	[tilespmem:s6+$0xFFFFFFD8] =	vst v17;
	v17 =	vadd.s32 v0, v24  }
0x275: {  	s18 =	simm.s32 $0x3;
	_ =	swait.ge @!p0 [sflag:s5], $0x2000;
	v18 =	vmov s16  }
0x276: {  	[sflag:s5] =	ssyncset.done @!p0 $0x0;
	v21 =	vand.u32 $0x1C, v18;
	v18 =	vmov s18  }
0x277: {  	[sflag:s5] =	ssyncadd.s32 @!p0 $0xFFFFE000;
	v20 =	vadd.s32 v0, v21;
	v22 =	vand.u32 $0x1F, v18  }
0x278: {  	v18 =	vadd.s32 v0, v22;
	v19 =	vld.idx.msk [tilespmem:v19+s1+$0x0], $0xffff  }
0x279: {  	s19 =	simm.s32 $0x0;
	v25 =	vadd.s32 v2, v23;
	v17 =	vld.idx.msk [tilespmem:v17+s1+$0x0], $0xffff  }
0x27a: {  	s20 =	simm.s32 $0x80;
	v26 =	vadd.s32 v2, v24;
	s5 =	sand.u32 $0xC00, s19  }
0x27b: {  	s21 =	simm.s32 $0x100;
	s6 =	sand.u32 $0x280, s20;
	s5 =	sor.u32 $0x13180, s5  }
0x27c: {  	s24 =	sand.u32 $0x300, s21;
	s26 =	sadd.s32 s6, s5;
	v20 =	vld.idx.msk [tilespmem:v20+s1+$0x0], $0xffff  }
0x27d: {  	v27 =	vadd.s32 v2, v21;
	s29 =	sadd.s32 s24, s5;
	v18 =	vld.idx.msk [tilespmem:v18+s1+$0x0], $0xffff;
	[tilespmem:s26+$0x2000] =	vst v19  }
0x27e: {  	v19 =	vadd.s32 v2, v22;
	[tilespmem:s29+$0x2000] =	vst v17;
	v17 =	vld.idx.msk [tilespmem:v25+s1+$0x0], $0xffff  }
0x27f: {  	s0 =	simm.s32 $0x180;
	v25 =	vld.idx.msk [tilespmem:v26+s1+$0x0], $0xffff;
	v26 =	vadd.s32 v3, v23  }
0x280: {  	s7 =	sand.u32 $0x380, s0;
	v28 =	vadd.s32 v3, v24;
	s6 =	simm.s32 $0x151F0  }
0x281: {  	s20 =	sadd.s32 s7, s5;
	[tilespmem:s6+$0xFFFFFF90] =	vst v20  }
0x282: {  	v20 =	vld.idx.msk [tilespmem:v27+s1+$0x0], $0xffff;
	[tilespmem:s20+$0x2000] =	vst v18  }
0x283: {  	v18 =	vadd.s32 v3, v21;
	v19 =	vld.idx.msk [tilespmem:v19+s1+$0x0], $0xffff;
	[tilespmem:s26+$0x2010] =	vst v17  }
0x284: {  	v17 =	vld.idx.msk [tilespmem:v26+s1+$0x0], $0xffff;
	[tilespmem:s29+$0x2010] =	vst v25;
	v25 =	vadd.s32 v3, v22  }
0x285: {  	v27 =	vadd.s32 v4, v23;
	v26 =	vld.idx.msk [tilespmem:v28+s1+$0x0], $0xffff  }
0x286: {  	v28 =	vadd.s32 v4, v24  }
0x287: {  	[tilespmem:s6+$0xFFFFFFA0] =	vst v20  }
0x288: {  	v18 =	vld.idx.msk [tilespmem:v18+s1+$0x0], $0xffff;
	[tilespmem:s20+$0x2010] =	vst v19  }
0x289: {  	v19 =	vadd.s32 v4, v21;
	[tilespmem:s26+$0x2020] =	vst v17;
	v20 =	vld.idx.msk [tilespmem:v25+s1+$0x0], $0xffff  }
0x28a: {  	s7 =	simm.s32 $0x4;
	v25 =	vld.idx.msk [tilespmem:v27+s1+$0x0], $0xffff;
	[tilespmem:s29+$0x2020] =	vst v26;
	v26 =	vadd.s32 v4, v22  }
0x28b: {  	s8 =	simm.s32 $0x5;
	v17 =	vmov s7;
	v27 =	vadd.s32 v5, v23;
	v28 =	vld.idx.msk [tilespmem:v28+s1+$0x0], $0xffff  }
0x28c: {  	v29 =	vmov s8;
	v30 =	vadd.s32 v5, v24;
	v17 =	vand.u32 $0x1C, v17  }
0x28d: {  	s13 =	simm.s32 $0x6;
	[tilespmem:s6+$0xFFFFFFB0] =	vst v18;
	v31 =	vadd.s32 v0, v17;
	v18 =	vand.u32 $0x1D, v29  }
0x28e: {  	v29 =	vmov s13;
	v32 =	vld.idx.msk [tilespmem:v19+s1+$0x0], $0xffff;
	v33 =	vadd.s32 v0, v18;
	[tilespmem:s20+$0x2020] =	vst v20  }
0x28f: {  	v34 =	vadd.s32 v5, v21;
	v19 =	vand.u32 $0x1E, v29;
	[tilespmem:s26+$0x2030] =	vst v25;
	v25 =	vld.idx.msk [tilespmem:v26+s1+$0x0], $0xffff  }
0x290: {  	s16 =	simm.s32 $0x7;
	v26 =	vadd.s32 v0, v19;
	v27 =	vld.idx.msk [tilespmem:v27+s1+$0x0], $0xffff;
	[tilespmem:s29+$0x2030] =	vst v28  }
0x291: {  	v29 =	vadd.s32 v5, v22;
	v20 =	vmov s16;
	v28 =	vld.idx.msk [tilespmem:v30+s1+$0x0], $0xffff  }
0x292: {  	v20 =	vand.u32 $0x1F, v20;
	v30 =	vld.idx.msk [tilespmem:v31+s1+$0x0], $0xffff;
	v31 =	vadd.s32 v6, v23  }
0x293: {  	v35 =	vadd.s32 v0, v20;
	v33 =	vld.idx.msk [tilespmem:v33+s1+$0x0], $0xffff;
	[tilespmem:s6+$0xFFFFFFC0] =	vst v32  }
0x294: {  	v55 =	vadd.s32 v6, v24;
	v32 =	vld.idx.msk [tilespmem:v34+s1+$0x0], $0xffff  }
0x295: {  	s18 =	simm.s32 $0x200;
	v36 =	vadd.s32 v2, v17;
	v26 =	vld.idx.msk [tilespmem:v26+s1+$0x0], $0xffff;
	[tilespmem:s20+$0x2030] =	vst v25  }
0x296: {  	s19 =	simm.s32 $0x280;
	s5 =	sand.u32 $0xC00, s18;
	v25 =	vadd.s32 v6, v21;
	[tilespmem:s26+$0x2040] =	vst v27;
	v27 =	vld.idx.msk [tilespmem:v29+s1+$0x0], $0xffff  }
0x297: {  	s8 =	sand.u32 $0x280, s19;
	s5 =	sor.u32 $0x13180, s5;
	s7 =	simm.s32 $0x153F0;
	v29 =	vadd.s32 v2, v18;
	v31 =	vld.idx.msk [tilespmem:v31+s1+$0x0], $0xffff;
	[tilespmem:s29+$0x2040] =	vst v28  }
0x298: {  	s8 =	sadd.s32 s8, s5;
	s13 =	simm.s32 $0x300;
	[tilespmem:s7+$0xFFFFFF90] =	vst v30;
	v28 =	vadd.s32 v2, v19;
	v30 =	vld.idx.msk [tilespmem:v35+s1+$0x0], $0xffff  }
0x299: {  	v57 =	vadd.s32 v6, v22;
	s13 =	sand.u32 $0x300, s13;
	[tilespmem:s8+$0x2000] =	vst v33;
	v56 =	vld.idx.msk [tilespmem:v55+s1+$0x0], $0xffff  }
0x29a: {  	v59 =	vadd.s32 v7, v23;
	s24 =	sadd.s32 s13, s5;
	v58 =	vld.idx.msk [tilespmem:v36+s1+$0x0], $0xffff;
	[tilespmem:s6+$0xFFFFFFD0] =	vst v32  }
0x29b: {  	s16 =	simm.s32 $0x380;
	v60 =	vadd.s32 v2, v20;
	[tilespmem:s24+$0x2000] =	vst v26;
	v25 =	vld.idx.msk [tilespmem:v25+s1+$0x0], $0xffff  }
0x29c: {  	s21 =	sand.u32 $0x380, s16;
	v26 =	vadd.s32 v7, v24;
	v29 =	vld.idx.msk [tilespmem:v29+s1+$0x0], $0xffff;
	[tilespmem:s20+$0x2040] =	vst v27  }
0x29d: {  	s21 =	sadd.s32 s21, s5;
	v27 =	vadd.s32 v3, v17;
	v28 =	vld.idx.msk [tilespmem:v28+s1+$0x0], $0xffff;
	[tilespmem:s26+$0x2050] =	vst v31  }
0x29e: {  	v63 =	vadd.s32 v7, v21;
	[tilespmem:s21+$0x2000] =	vst v30;
	v30 =	vld.idx.msk [tilespmem:v57+s1+$0x0], $0xffff  }
0x29f: {  	v31 =	vadd.s32 v3, v18;
	v32 =	vld.idx.msk [tilespmem:v59+s1+$0x0], $0xffff;
	[tilespmem:s29+$0x2050] =	vst v56  }
0x2a0: {  	v61 =	vadd.s32 v3, v19;
	[tilespmem:s7+$0xFFFFFFA0] =	vst v58;
	v36 =	vld.idx.msk [tilespmem:v60+s1+$0x0], $0xffff  }
0x2a1: {  	v62 =	vadd.s32 v7, v22;
	v26 =	vld.idx.msk [tilespmem:v26+s1+$0x0], $0xffff;
	[tilespmem:s6+$0xFFFFFFE0] =	vst v25  }
0x2a2: {  	v38 =	vadd.s32 v3, v20;
	v25 =	vld.idx.msk [tilespmem:v27+s1+$0x0], $0xffff;
	[tilespmem:s8+$0x2010] =	vst v29  }
0x2a3: {  	v27 =	vadd.s32 v8, v24;
	v34 =	vld.idx.msk [tilespmem:v63+s1+$0x0], $0xffff;
	[tilespmem:s24+$0x2010] =	vst v28  }
0x2a4: {  	v37 =	vld.idx.msk [tilespmem:v31+s1+$0x0], $0xffff;
	v28 =	vadd.s32 v8, v23;
	[tilespmem:s20+$0x2050] =	vst v30  }
0x2a5: {  	v30 =	vadd.s32 v4, v18;
	v39 =	vld.idx.msk [tilespmem:v61+s1+$0x0], $0xffff;
	[tilespmem:s26+$0x2060] =	vst v32  }
0x2a6: {  	v42 =	vadd.s32 v4, v19;
	v41 =	vld.idx.msk [tilespmem:v62+s1+$0x0], $0xffff;
	[tilespmem:s21+$0x2010] =	vst v36  }
0x2a7: {  	v38 =	vld.idx.msk [tilespmem:v38+s1+$0x0], $0xffff;
	[tilespmem:s29+$0x2060] =	vst v26  }
0x2a8: {  	v35 =	vadd.s32 v8, v22;
	v33 =	vld.idx.msk [tilespmem:v27+s1+$0x0], $0xffff;
	[tilespmem:s7+$0xFFFFFFB0] =	vst v25  }
0x2a9: {  	v32 =	vadd.s32 v8, v21;
	v31 =	vld.idx.msk [tilespmem:v28+s1+$0x0], $0xffff;
	[tilespmem:s8+$0x2020] =	vst v37  }
0x2aa: {  	s31 =	simm.s32 $0x8;
	v40 =	vadd.s32 v4, v17;
	v29 =	vadd.s32 v5, v18;
	v26 =	vmov v19;
	v36 =	vld.idx.msk [tilespmem:v30+s1+$0x0], $0xffff;
	[tilespmem:s24+$0x2020] =	vst v39  }
0x2ab: {  	s19 =	smov.u32 s20;
	s13 =	smov.u32 s26;
	s5 =	smov.u32 s29;
	v25 =	vmovc v17;
	v27 =	vmov v20;
	v28 =	vmov v18;
	v39 =	vadd.s32 v4, v20;
	[tilespmem:s20+$0x2060] =	vst v41;
	v37 =	vld.idx.msk [tilespmem:v42+s1+$0x0], $0xffff  }
.LBB2_31:
0x2ac: {  	s18 =	sadd.s32 $0x1, s31  }
0x2ad: {  	v30 =	vmov s31;
	p1 =	slt.u32 s31, $0x1C;
	v41 =	vadd.s32 v5, v25;
	[tilespmem:s6+$0xFFFFFFF0] =	vst v34;
	v34 =	vld.idx.msk [tilespmem:v35+s1+$0x0], $0xffff;
	s0 =	smov.u32 s31;
	s31 =	sadd.s32 $0x4, s31  }
0x2ae: {  	v42 =	vadd.s32 v5, v26;
	v30 =	vand.u32 $0x1C, v30;
	v35 =	vmov s18;
	s18 =	sadd.s32 $0x2, s0;
	v32 =	vld.idx.msk [tilespmem:v32+s1+$0x0], $0xffff;
	[tilespmem:s5+$0x2070] =	vst v33;
	s5 =	smov.u32 s24  }
0x2af: {  	s0 =	sadd.s32 $0x3, s0;
	v33 =	vadd.s32 v0, v30;
	v35 =	vand.u32 $0x1D, v35;
	v43 =	vmov s18;
	v40 =	vld.idx.msk [tilespmem:v40+s1+$0x0], $0xffff;
	[tilespmem:s13+$0x2070] =	vst v31;
	s13 =	smov.u32 s8  }
0x2b0: {  	v44 =	vmov s0;
	v31 =	vadd.s32 v0, v35;
	v43 =	vand.u32 $0x1E, v43;
	[tilespmem:s21+$0x2020] =	vst v38  }
0x2b1: {  	v38 =	vadd.s32 v5, v35;
	v44 =	vand.u32 $0x1F, v44;
	v45 =	vadd.s32 v0, v43;
	[tilespmem:s13+$0x2030] =	vst v36;
	v36 =	vld.idx.msk [tilespmem:v39+s1+$0x0], $0xffff  }
0x2b2: {  	v39 =	vadd.s32 v0, v44;
	v46 =	vld.idx.msk [tilespmem:v29+s1+$0x0], $0xffff;
	[tilespmem:s5+$0x2030] =	vst v37;
	v29 =	vmov v38  }
0x2b3: {  	v38 =	vadd.s32 v5, v27;
	v37 =	vld.idx.msk [tilespmem:v42+s1+$0x0], $0xffff;
	[tilespmem:s19+$0x2070] =	vst v34;
	s19 =	smov.u32 s21  }
0x2b4: {  	v34 =	vadd.s32 v6, v28;
	v33 =	vld.idx.msk [tilespmem:v33+s1+$0x0], $0xffff;
	[tilespmem:s6+$0x0] =	vst v32;
	s6 =	smov.u32 s7  }
0x2b5: {  	v31 =	vld.idx.msk [tilespmem:v31+s1+$0x0], $0xffff;
	[tilespmem:s7+$0xFFFFFFC0] =	vst v40  }
0x2b6: {  	s16 =	sadd.s32 $0x200, s16;
	v40 =	vadd.s32 v6, v26;
	v32 =	vld.idx.msk [tilespmem:v41+s1+$0x0], $0xffff  }
0x2b7: {  	s0 =	sadd.s32 $0xFFFFFE80, s16;
	v41 =	vadd.s32 v2, v30;
	v42 =	vld.idx.msk [tilespmem:v45+s1+$0x0], $0xffff;
	[tilespmem:s19+$0x2030] =	vst v36  }
0x2b8: {  	s8 =	sadd.s32 $0xFFFFFF00, s16;
	s0 =	sand.u32 $0xC00, s0;
	v36 =	vadd.s32 v6, v25;
	[tilespmem:s13+$0x2040] =	vst v46;
	v38 =	vld.idx.msk [tilespmem:v38+s1+$0x0], $0xffff  }
0x2b9: {  	s8 =	sand.u32 $0x280, s8;
	s0 =	sor.u32 $0x13180, s0;
	s7 =	sadd.s32 $0x200, s7;
	v45 =	vadd.s32 v2, v35;
	v34 =	vld.idx.msk [tilespmem:v34+s1+$0x0], $0xffff;
	[tilespmem:s5+$0x2040] =	vst v37  }
0x2ba: {  	s18 =	sadd.s32 $0xFFFFFF80, s16;
	s8 =	sadd.s32 s8, s0;
	[tilespmem:s7+$0xFFFFFF90] =	vst v33;
	v33 =	vadd.s32 v2, v43;
	v37 =	vld.idx.msk [tilespmem:v39+s1+$0x0], $0xffff  }
0x2bb: {  	s18 =	sand.u32 $0x300, s18;
	v39 =	vadd.s32 v6, v27;
	[tilespmem:s8+$0x2000] =	vst v31;
	v31 =	vld.idx.msk [tilespmem:v40+s1+$0x0], $0xffff  }
0x2bc: {  	s24 =	sadd.s32 s18, s0;
	v40 =	vld.idx.msk [tilespmem:v41+s1+$0x0], $0xffff;
	[tilespmem:s6+$0xFFFFFFD0] =	vst v32;
	v32 =	vadd.s32 v7, v28  }
0x2bd: {  	v41 =	vadd.s32 v7, v26;
	[tilespmem:s24+$0x2000] =	vst v42;
	v36 =	vld.idx.msk [tilespmem:v36+s1+$0x0], $0xffff  }
0x2be: {  	s18 =	sand.u32 $0x380, s16;
	v42 =	vld.idx.msk [tilespmem:v45+s1+$0x0], $0xffff;
	v45 =	vadd.s32 v2, v44;
	[tilespmem:s19+$0x2040] =	vst v38  }
0x2bf: {  	s21 =	sadd.s32 s18, s0;
	v38 =	vadd.s32 v3, v30;
	v33 =	vld.idx.msk [tilespmem:v33+s1+$0x0], $0xffff;
	[tilespmem:s13+$0x2050] =	vst v34  }
0x2c0: {  	v34 =	vadd.s32 v3, v35;
	[tilespmem:s21+$0x2000] =	vst v37;
	v37 =	vld.idx.msk [tilespmem:v39+s1+$0x0], $0xffff  }
0x2c1: {  	v39 =	vadd.s32 v3, v43;
	v32 =	vld.idx.msk [tilespmem:v32+s1+$0x0], $0xffff;
	[tilespmem:s5+$0x2050] =	vst v31  }
0x2c2: {  	v31 =	vadd.s32 v7, v25;
	[tilespmem:s7+$0xFFFFFFA0] =	vst v40;
	v40 =	vld.idx.msk [tilespmem:v41+s1+$0x0], $0xffff;
	v41 =	vadd.s32 v7, v27  }
0x2c3: {  	v45 =	vld.idx.msk [tilespmem:v45+s1+$0x0], $0xffff;
	[tilespmem:s6+$0xFFFFFFE0] =	vst v36  }
0x2c4: {  	v36 =	vld.idx.msk [tilespmem:v38+s1+$0x0], $0xffff;
	[tilespmem:s8+$0x2010] =	vst v42;
	v38 =	vadd.s32 v8, v26;
	v26 =	vmov v43  }
0x2c5: {  	v43 =	vadd.s32 v8, v28;
	v28 =	vmov v35;
	v42 =	vld.idx.msk [tilespmem:v34+s1+$0x0], $0xffff;
	[tilespmem:s24+$0x2010] =	vst v33  }
0x2c6: {  	v46 =	vadd.s32 v3, v44;
	v39 =	vld.idx.msk [tilespmem:v39+s1+$0x0], $0xffff;
	[tilespmem:s19+$0x2050] =	vst v37  }
0x2c7: {  	v37 =	vadd.s32 v4, v28;
	[tilespmem:s13+$0x2060] =	vst v32;
	v41 =	vld.idx.msk [tilespmem:v41+s1+$0x0], $0xffff  }
0x2c8: {  	v47 =	vadd.s32 v4, v26;
	v34 =	vld.idx.msk [tilespmem:v31+s1+$0x0], $0xffff;
	[tilespmem:s5+$0x2060] =	vst v40  }
.Ltmp14:
0x2c9: {  	v35 =	vadd.s32 v8, v27;
	v32 =	vadd.s32 v8, v25;
	v25 =	vmov v30;
	[tilespmem:s21+$0x2010] =	vst v45;
	v33 =	vld.idx.msk [tilespmem:v38+s1+$0x0], $0xffff;
	(pc) =	sbr.rel @p1 .LBB2_31-.Ltmp14, $4  }
0x2ca: {  	v27 =	vmov v44;
	[tilespmem:s7+$0xFFFFFFB0] =	vst v36;
	v31 =	vld.idx.msk [tilespmem:v43+s1+$0x0], $0xffff  }
0x2cb: {  	v40 =	vadd.s32 v4, v25;
	[tilespmem:s8+$0x2020] =	vst v42;
	v38 =	vld.idx.msk [tilespmem:v46+s1+$0x0], $0xffff  }
0x2cc: {  	v36 =	vld.idx.msk [tilespmem:v37+s1+$0x0], $0xffff;
	[tilespmem:s24+$0x2020] =	vst v39  }
0x2cd: {  	v39 =	vadd.s32 v4, v27;
	v37 =	vld.idx.msk [tilespmem:v47+s1+$0x0], $0xffff;
	[tilespmem:s19+$0x2060] =	vst v41  }
0x2ce: {  	_ =	sdelay $0x2  }
0x2cf: {  	v30 =	vadd.s32 v5, v26  }
0x2d0: {  	v55 =	vld.idx.msk [tilespmem:v40+s1+$0x0], $0xffff;
	[tilespmem:s21+$0x2020] =	vst v38  }
0x2d1: {  	v41 =	vadd.s32 v5, v25;
	v38 =	vld.idx.msk [tilespmem:v39+s1+$0x0], $0xffff  }
0x2d2: {  	v56 =	vadd.s32 v5, v27  }
0x2d3: {  	[tilespmem:s24+$0x2030] =	vst v37  }
0x2d4: {  	[tilespmem:s8+$0x2030] =	vst v36;
	v30 =	vld.idx.msk [tilespmem:v30+s1+$0x0], $0xffff  }
0x2d5: {  	v57 =	vadd.s32 v6, v26;
	v29 =	vld.idx.msk [tilespmem:v29+s1+$0x0], $0xffff;
	[tilespmem:s7+$0xFFFFFFC0] =	vst v55  }
0x2d6: {  	v58 =	vadd.s32 v6, v28;
	v39 =	vld.idx.msk [tilespmem:v41+s1+$0x0], $0xffff;
	[tilespmem:s21+$0x2030] =	vst v38  }
0x2d7: {  	v60 =	vadd.s32 v6, v25;
	v38 =	vld.idx.msk [tilespmem:v56+s1+$0x0], $0xffff  }
0x2d8: {  	v59 =	vadd.s32 v6, v27  }
0x2d9: {  	[tilespmem:s24+$0x2040] =	vst v30  }
0x2da: {  	[tilespmem:s8+$0x2040] =	vst v29;
	v29 =	vld.idx.msk [tilespmem:v57+s1+$0x0], $0xffff  }
0x2db: {  	v61 =	vadd.s32 v7, v26;
	v30 =	vld.idx.msk [tilespmem:v58+s1+$0x0], $0xffff;
	[tilespmem:s7+$0xFFFFFFD0] =	vst v39  }
0x2dc: {  	v62 =	vadd.s32 v7, v28;
	v39 =	vld.idx.msk [tilespmem:v60+s1+$0x0], $0xffff;
	[tilespmem:s21+$0x2040] =	vst v38  }
0x2dd: {  	v42 =	vadd.s32 v7, v25;
	v38 =	vld.idx.msk [tilespmem:v59+s1+$0x0], $0xffff  }
0x2de: {  	v63 =	vadd.s32 v7, v27;
	[tilespmem:s6+$0xFFFFFFF0] =	vst v34  }
0x2df: {  	[tilespmem:s24+$0x2050] =	vst v29  }
0x2e0: {  	[tilespmem:s8+$0x2050] =	vst v30;
	v29 =	vld.idx.msk [tilespmem:v61+s1+$0x0], $0xffff  }
0x2e1: {  	v26 =	vadd.s32 v8, v26;
	v30 =	vld.idx.msk [tilespmem:v62+s1+$0x0], $0xffff;
	[tilespmem:s7+$0xFFFFFFE0] =	vst v39  }
0x2e2: {  	v28 =	vadd.s32 v8, v28;
	v44 =	vld.idx.msk [tilespmem:v42+s1+$0x0], $0xffff;
	[tilespmem:s21+$0x2050] =	vst v38  }
0x2e3: {  	[tilespmem:s5+$0x2070] =	vst v33;
	v25 =	vadd.s32 v8, v25;
	v43 =	vld.idx.msk [tilespmem:v63+s1+$0x0], $0xffff  }
0x2e4: {  	v27 =	vadd.s32 v8, v27;
	v45 =	vld.idx.msk [tilespmem:v35+s1+$0x0], $0xffff;
	[tilespmem:s13+$0x2070] =	vst v31  }
0x2e5: {  	v31 =	vld.idx.msk [tilespmem:v32+s1+$0x0], $0xffff;
	[tilespmem:s24+$0x2060] =	vst v29  }
0x2e6: {  	[tilespmem:s8+$0x2060] =	vst v30;
	v26 =	vld.idx.msk [tilespmem:v26+s1+$0x0], $0xffff  }
0x2e7: {  	v28 =	vld.idx.msk [tilespmem:v28+s1+$0x0], $0xffff;
	[tilespmem:s7+$0xFFFFFFF0] =	vst v44  }
0x2e8: {  	v25 =	vld.idx.msk [tilespmem:v25+s1+$0x0], $0xffff;
	[tilespmem:s21+$0x2060] =	vst v43  }
0x2e9: {  	[tilespmem:s19+$0x2070] =	vst v45;
	v27 =	vld.idx.msk [tilespmem:v27+s1+$0x0], $0xffff  }
0x2ea: {  	[tilespmem:s6+$0x0] =	vst v31;
	v29 =	vadd.s32 v9, v23  }
0x2eb: {  	[tilespmem:s24+$0x2070] =	vst v26;
	v26 =	vadd.s32 v9, v24  }
0x2ec: {  	[tilespmem:s8+$0x2070] =	vst v28  }
0x2ed: {  	[tilespmem:s7+$0x0] =	vst v25  }
0x2ee: {  	v25 =	vadd.s32 v9, v21;
	[tilespmem:s21+$0x2070] =	vst v27  }
0x2ef: {  	v27 =	vadd.s32 v9, v22;
	v28 =	vld.idx.msk [tilespmem:v29+s1+$0x0], $0xffff  }
0x2f0: {  	v26 =	vld.idx.msk [tilespmem:v26+s1+$0x0], $0xffff;
	v29 =	vadd.s32 v10, v23  }
0x2f1: {  	v30 =	vadd.s32 v10, v24;
	_ =	sdelay $0x1  }
0x2f2: {  	v25 =	vld.idx.msk [tilespmem:v25+s1+$0x0], $0xffff  }
0x2f3: {  	v31 =	vadd.s32 v10, v21;
	v27 =	vld.idx.msk [tilespmem:v27+s1+$0x0], $0xffff;
	[tilespmem:s26+$0x3000] =	vst v28  }
0x2f4: {  	[tilespmem:s29+$0x3000] =	vst v26;
	v28 =	vadd.s32 v10, v22;
	v26 =	vld.idx.msk [tilespmem:v29+s1+$0x0], $0xffff  }
0x2f5: {  	v29 =	vld.idx.msk [tilespmem:v30+s1+$0x0], $0xffff;
	v30 =	vadd.s32 v11, v23  }
0x2f6: {  	v46 =	vadd.s32 v11, v24;
	s6 =	simm.s32 $0x161F0  }
0x2f7: {  	[tilespmem:s6+$0xFFFFFF90] =	vst v25  }
0x2f8: {  	v25 =	vld.idx.msk [tilespmem:v31+s1+$0x0], $0xffff;
	[tilespmem:s20+$0x3000] =	vst v27  }
0x2f9: {  	v27 =	vadd.s32 v11, v21;
	v28 =	vld.idx.msk [tilespmem:v28+s1+$0x0], $0xffff;
	[tilespmem:s26+$0x3010] =	vst v26  }
0x2fa: {  	[tilespmem:s29+$0x3010] =	vst v29;
	v29 =	vadd.s32 v11, v22;
	v26 =	vld.idx.msk [tilespmem:v30+s1+$0x0], $0xffff  }
0x2fb: {  	v31 =	vadd.s32 v12, v23;
	v30 =	vld.idx.msk [tilespmem:v46+s1+$0x0], $0xffff  }
0x2fc: {  	v47 =	vadd.s32 v12, v24  }
0x2fd: {  	[tilespmem:s6+$0xFFFFFFA0] =	vst v25  }
0x2fe: {  	v49 =	vadd.s32 v9, v18;
	v25 =	vld.idx.msk [tilespmem:v27+s1+$0x0], $0xffff;
	[tilespmem:s20+$0x3010] =	vst v28  }
0x2ff: {  	v27 =	vadd.s32 v12, v21;
	[tilespmem:s26+$0x3020] =	vst v26;
	v26 =	vld.idx.msk [tilespmem:v29+s1+$0x0], $0xffff  }
0x300: {  	[tilespmem:s29+$0x3020] =	vst v30;
	v29 =	vadd.s32 v12, v22;
	v28 =	vld.idx.msk [tilespmem:v31+s1+$0x0], $0xffff  }
0x301: {  	v30 =	vadd.s32 v13, v23;
	v31 =	vld.idx.msk [tilespmem:v47+s1+$0x0], $0xffff  }
0x302: {  	v48 =	vadd.s32 v13, v24  }
0x303: {  	v33 =	vld.idx.msk [tilespmem:v49+s1+$0x0], $0xffff;
	[tilespmem:s6+$0xFFFFFFB0] =	vst v25;
	v25 =	vadd.s32 v9, v17  }
0x304: {  	s0 =	simm.s32 $0x200;
	v54 =	vadd.s32 v10, v18;
	v27 =	vld.idx.msk [tilespmem:v27+s1+$0x0], $0xffff;
	[tilespmem:s20+$0x3020] =	vst v26  }
0x305: {  	s0 =	sand.u32 $0xC00, s0;
	s21 =	simm.s32 $0x280;
	v26 =	vadd.s32 v13, v21;
	[tilespmem:s26+$0x3030] =	vst v28;
	v28 =	vld.idx.msk [tilespmem:v29+s1+$0x0], $0xffff  }
0x306: {  	s0 =	sor.u32 $0x13180, s0;
	s5 =	sand.u32 $0x280, s21;
	v29 =	vadd.s32 v9, v19;
	[tilespmem:s29+$0x3030] =	vst v31;
	v30 =	vld.idx.msk [tilespmem:v30+s1+$0x0], $0xffff  }
0x307: {  	v50 =	vadd.s32 v13, v22;
	s8 =	sadd.s32 s5, s0;
	v31 =	vld.idx.msk [tilespmem:v48+s1+$0x0], $0xffff  }
0x308: {  	v52 =	vadd.s32 v9, v20;
	[tilespmem:s8+$0x3000] =	vst v33;
	v25 =	vld.idx.msk [tilespmem:v25+s1+$0x0], $0xffff  }
0x309: {  	v51 =	vadd.s32 v14, v23;
	v32 =	vld.idx.msk [tilespmem:v54+s1+$0x0], $0xffff;
	[tilespmem:s6+$0xFFFFFFC0] =	vst v27  }
0x30a: {  	v27 =	vadd.s32 v14, v24;
	v26 =	vld.idx.msk [tilespmem:v26+s1+$0x0], $0xffff;
	[tilespmem:s20+$0x3030] =	vst v28  }
0x30b: {  	v53 =	vadd.s32 v10, v17;
	v29 =	vld.idx.msk [tilespmem:v29+s1+$0x0], $0xffff;
	[tilespmem:s26+$0x3040] =	vst v30  }
0x30c: {  	s7 =	simm.s32 $0x163F0;
	v28 =	vadd.s32 v14, v21;
	v30 =	vld.idx.msk [tilespmem:v50+s1+$0x0], $0xffff;
	[tilespmem:s29+$0x3040] =	vst v31  }
0x30d: {  	[tilespmem:s7+$0xFFFFFF90] =	vst v25;
	v25 =	vadd.s32 v10, v19;
	v31 =	vld.idx.msk [tilespmem:v52+s1+$0x0], $0xffff  }
0x30e: {  	v55 =	vadd.s32 v14, v22;
	s24 =	simm.s32 $0x300;
	v34 =	vld.idx.msk [tilespmem:v51+s1+$0x0], $0xffff  }
0x30f: {  	v57 =	vadd.s32 v10, v20;
	s5 =	sand.u32 $0x300, s24;
	[tilespmem:s8+$0x3010] =	vst v32;
	v27 =	vld.idx.msk [tilespmem:v27+s1+$0x0], $0xffff  }
0x310: {  	s16 =	simm.s32 $0x380;
	s5 =	sadd.s32 s5, s0;
	v56 =	vld.idx.msk [tilespmem:v53+s1+$0x0], $0xffff;
	[tilespmem:s6+$0xFFFFFFD0] =	vst v26;
	v26 =	vadd.s32 v15, v23  }
0x311: {  	s31 =	sand.u32 $0x380, s16;
	[tilespmem:s5+$0x3000] =	vst v29;
	v28 =	vld.idx.msk [tilespmem:v28+s1+$0x0], $0xffff;
	v29 =	vadd.s32 v15, v24  }
0x312: {  	s13 =	sadd.s32 s31, s0;
	[tilespmem:s20+$0x3040] =	vst v30;
	v30 =	vadd.s32 v11, v17;
	v25 =	vld.idx.msk [tilespmem:v25+s1+$0x0], $0xffff  }
0x313: {  	v58 =	vadd.s32 v11, v18;
	[tilespmem:s13+$0x3000] =	vst v31;
	v31 =	vld.idx.msk [tilespmem:v55+s1+$0x0], $0xffff  }
0x314: {  	v59 =	vadd.s32 v11, v19;
	[tilespmem:s26+$0x3050] =	vst v34;
	v36 =	vld.idx.msk [tilespmem:v57+s1+$0x0], $0xffff  }
0x315: {  	[tilespmem:s29+$0x3050] =	vst v27;
	v27 =	vadd.s32 v15, v22;
	v26 =	vld.idx.msk [tilespmem:v26+s1+$0x0], $0xffff  }
0x316: {  	v60 =	vadd.s32 v15, v21;
	[tilespmem:s7+$0xFFFFFFA0] =	vst v56;
	v29 =	vld.idx.msk [tilespmem:v29+s1+$0x0], $0xffff  }
0x317: {  	v24 =	vadd.s32 v16, v24;
	[tilespmem:s6+$0xFFFFFFE0] =	vst v28;
	v28 =	vld.idx.msk [tilespmem:v30+s1+$0x0], $0xffff  }
0x318: {  	v23 =	vadd.s32 v16, v23;
	v30 =	vld.idx.msk [tilespmem:v58+s1+$0x0], $0xffff;
	[tilespmem:s5+$0x3010] =	vst v25  }
0x319: {  	v25 =	vadd.s32 v11, v20;
	v61 =	vld.idx.msk [tilespmem:v59+s1+$0x0], $0xffff;
	[tilespmem:s20+$0x3050] =	vst v31  }
0x31a: {  	v31 =	vadd.s32 v12, v18;
	[tilespmem:s13+$0x3010] =	vst v36;
	v62 =	vld.idx.msk [tilespmem:v27+s1+$0x0], $0xffff  }
0x31b: {  	v63 =	vadd.s32 v12, v19;
	v27 =	vld.idx.msk [tilespmem:v60+s1+$0x0], $0xffff;
	[tilespmem:s29+$0x3060] =	vst v29  }
0x31c: {  	[tilespmem:s26+$0x3060] =	vst v26;
	v26 =	vld.idx.msk [tilespmem:v24+s1+$0x0], $0xffff  }
0x31d: {  	v22 =	vadd.s32 v16, v22;
	[tilespmem:s7+$0xFFFFFFB0] =	vst v28;
	v24 =	vld.idx.msk [tilespmem:v23+s1+$0x0], $0xffff  }
0x31e: {  	[tilespmem:s8+$0x3020] =	vst v30;
	v30 =	vld.idx.msk [tilespmem:v25+s1+$0x0], $0xffff;
	v25 =	vadd.s32 v16, v21  }
0x31f: {  	v32 =	vadd.s32 v12, v17;
	v28 =	vld.idx.msk [tilespmem:v31+s1+$0x0], $0xffff;
	[tilespmem:s5+$0x3020] =	vst v61  }
0x320: {  	s19 =	simm.s32 $0x8;
	v23 =	vadd.s32 v13, v18;
	v31 =	vadd.s32 v12, v20;
	v29 =	vld.idx.msk [tilespmem:v63+s1+$0x0], $0xffff;
	[tilespmem:s20+$0x3060] =	vst v62  }
.LBB2_33:
0x321: {  	s0 =	sadd.s32 $0x1, s19  }
0x322: {  	v21 =	vmov s19;
	p1 =	slt.u32 s19, $0x1C;
	v33 =	vadd.s32 v13, v17;
	[tilespmem:s6+$0xFFFFFFF0] =	vst v27;
	v22 =	vld.idx.msk [tilespmem:v22+s1+$0x0], $0xffff;
	s18 =	smov.u32 s19;
	s19 =	sadd.s32 $0x4, s19  }
0x323: {  	v34 =	vadd.s32 v13, v19;
	v21 =	vand.u32 $0x1C, v21;
	v27 =	vmov s0;
	s0 =	sadd.s32 $0x2, s18;
	v25 =	vld.idx.msk [tilespmem:v25+s1+$0x0], $0xffff;
	[tilespmem:s29+$0x3070] =	vst v26;
	s29 =	smov.u32 s5  }
0x324: {  	v26 =	vadd.s32 v9, v21;
	v27 =	vand.u32 $0x1D, v27;
	v35 =	vmov s0;
	s0 =	sadd.s32 $0x3, s18;
	v32 =	vld.idx.msk [tilespmem:v32+s1+$0x0], $0xffff;
	[tilespmem:s26+$0x3070] =	vst v24;
	s26 =	smov.u32 s8  }
0x325: {  	v24 =	vadd.s32 v9, v27;
	v35 =	vand.u32 $0x1E, v35;
	v36 =	vmov s0;
	[tilespmem:s13+$0x3020] =	vst v30  }
0x326: {  	v30 =	vadd.s32 v13, v27;
	v37 =	vadd.s32 v9, v35;
	v36 =	vand.u32 $0x1F, v36;
	[tilespmem:s26+$0x3030] =	vst v28;
	v28 =	vld.idx.msk [tilespmem:v31+s1+$0x0], $0xffff  }
0x327: {  	v31 =	vadd.s32 v9, v36;
	v38 =	vld.idx.msk [tilespmem:v23+s1+$0x0], $0xffff;
	[tilespmem:s29+$0x3030] =	vst v29;
	v23 =	vmov v30  }
0x328: {  	v30 =	vadd.s32 v13, v20;
	v29 =	vld.idx.msk [tilespmem:v34+s1+$0x0], $0xffff;
	[tilespmem:s20+$0x3070] =	vst v22;
	s20 =	smov.u32 s13  }
0x329: {  	v22 =	vld.idx.msk [tilespmem:v26+s1+$0x0], $0xffff;
	v26 =	vadd.s32 v14, v18;
	[tilespmem:s6+$0x0] =	vst v25;
	s6 =	smov.u32 s7  }
0x32a: {  	v24 =	vld.idx.msk [tilespmem:v24+s1+$0x0], $0xffff;
	[tilespmem:s7+$0xFFFFFFC0] =	vst v32  }
0x32b: {  	s16 =	sadd.s32 $0x200, s16;
	v32 =	vadd.s32 v14, v19;
	v25 =	vld.idx.msk [tilespmem:v33+s1+$0x0], $0xffff  }
0x32c: {  	s0 =	sadd.s32 $0xFFFFFE80, s16;
	v33 =	vadd.s32 v10, v21;
	v34 =	vld.idx.msk [tilespmem:v37+s1+$0x0], $0xffff;
	[tilespmem:s20+$0x3030] =	vst v28  }
0x32d: {  	s5 =	sadd.s32 $0xFFFFFF00, s16;
	s0 =	sand.u32 $0xC00, s0;
	v28 =	vadd.s32 v14, v17;
	[tilespmem:s26+$0x3040] =	vst v38;
	v30 =	vld.idx.msk [tilespmem:v30+s1+$0x0], $0xffff  }
0x32e: {  	s5 =	sand.u32 $0x280, s5;
	s0 =	sor.u32 $0x13180, s0;
	s7 =	sadd.s32 $0x200, s7;
	v37 =	vadd.s32 v10, v27;
	v26 =	vld.idx.msk [tilespmem:v26+s1+$0x0], $0xffff;
	[tilespmem:s29+$0x3040] =	vst v29  }
0x32f: {  	s8 =	sadd.s32 s5, s0;
	s5 =	sadd.s32 $0xFFFFFF80, s16;
	[tilespmem:s7+$0xFFFFFF90] =	vst v22;
	v22 =	vadd.s32 v10, v35;
	v29 =	vld.idx.msk [tilespmem:v31+s1+$0x0], $0xffff  }
0x330: {  	s5 =	sand.u32 $0x300, s5;
	v31 =	vadd.s32 v14, v20;
	[tilespmem:s8+$0x3000] =	vst v24;
	v24 =	vld.idx.msk [tilespmem:v32+s1+$0x0], $0xffff  }
0x331: {  	s5 =	sadd.s32 s5, s0;
	v32 =	vld.idx.msk [tilespmem:v33+s1+$0x0], $0xffff;
	[tilespmem:s6+$0xFFFFFFD0] =	vst v25;
	v25 =	vadd.s32 v15, v18  }
0x332: {  	v33 =	vadd.s32 v15, v19;
	[tilespmem:s5+$0x3000] =	vst v34;
	v28 =	vld.idx.msk [tilespmem:v28+s1+$0x0], $0xffff  }
0x333: {  	s13 =	sand.u32 $0x380, s16;
	v34 =	vld.idx.msk [tilespmem:v37+s1+$0x0], $0xffff;
	v37 =	vadd.s32 v10, v36;
	[tilespmem:s20+$0x3040] =	vst v30  }
0x334: {  	s13 =	sadd.s32 s13, s0;
	v30 =	vadd.s32 v11, v21;
	v22 =	vld.idx.msk [tilespmem:v22+s1+$0x0], $0xffff;
	[tilespmem:s26+$0x3050] =	vst v26  }
0x335: {  	v26 =	vadd.s32 v11, v27;
	[tilespmem:s13+$0x3000] =	vst v29;
	v29 =	vld.idx.msk [tilespmem:v31+s1+$0x0], $0xffff  }
0x336: {  	v31 =	vadd.s32 v11, v35;
	v25 =	vld.idx.msk [tilespmem:v25+s1+$0x0], $0xffff;
	[tilespmem:s29+$0x3050] =	vst v24  }
0x337: {  	v24 =	vadd.s32 v15, v17;
	[tilespmem:s7+$0xFFFFFFA0] =	vst v32;
	v32 =	vld.idx.msk [tilespmem:v33+s1+$0x0], $0xffff;
	v33 =	vadd.s32 v15, v20  }
0x338: {  	v37 =	vld.idx.msk [tilespmem:v37+s1+$0x0], $0xffff;
	[tilespmem:s6+$0xFFFFFFE0] =	vst v28  }
0x339: {  	v28 =	vld.idx.msk [tilespmem:v30+s1+$0x0], $0xffff;
	[tilespmem:s8+$0x3010] =	vst v34;
	v30 =	vadd.s32 v16, v19;
	v19 =	vmov v35  }
0x33a: {  	v35 =	vadd.s32 v16, v18;
	v18 =	vmov v27;
	v34 =	vld.idx.msk [tilespmem:v26+s1+$0x0], $0xffff;
	[tilespmem:s5+$0x3010] =	vst v22  }
0x33b: {  	v38 =	vadd.s32 v11, v36;
	v31 =	vld.idx.msk [tilespmem:v31+s1+$0x0], $0xffff;
	[tilespmem:s20+$0x3050] =	vst v29  }
0x33c: {  	v29 =	vadd.s32 v12, v18;
	[tilespmem:s26+$0x3060] =	vst v25;
	v33 =	vld.idx.msk [tilespmem:v33+s1+$0x0], $0xffff  }
0x33d: {  	v39 =	vadd.s32 v12, v19;
	v27 =	vld.idx.msk [tilespmem:v24+s1+$0x0], $0xffff;
	[tilespmem:s29+$0x3060] =	vst v32  }
.Ltmp15:
0x33e: {  	v22 =	vadd.s32 v16, v20;
	v25 =	vadd.s32 v16, v17;
	v17 =	vmov v21;
	[tilespmem:s13+$0x3010] =	vst v37;
	v26 =	vld.idx.msk [tilespmem:v30+s1+$0x0], $0xffff;
	(pc) =	sbr.rel @p1 .LBB2_33-.Ltmp15, $4  }
0x33f: {  	v20 =	vmov v36;
	[tilespmem:s7+$0xFFFFFFB0] =	vst v28;
	v24 =	vld.idx.msk [tilespmem:v35+s1+$0x0], $0xffff  }
0x340: {  	v32 =	vadd.s32 v12, v17;
	[tilespmem:s8+$0x3020] =	vst v34;
	v30 =	vld.idx.msk [tilespmem:v38+s1+$0x0], $0xffff  }
0x341: {  	v28 =	vld.idx.msk [tilespmem:v29+s1+$0x0], $0xffff;
	[tilespmem:s5+$0x3020] =	vst v31  }
0x342: {  	v31 =	vadd.s32 v12, v20;
	v29 =	vld.idx.msk [tilespmem:v39+s1+$0x0], $0xffff;
	[tilespmem:s20+$0x3060] =	vst v33  }
0x343: {  	_ =	sdelay $0x2  }
0x344: {  	[tilespmem:s13+$0x3020] =	vst v30  }
0x345: {  	v21 =	vadd.s32 v13, v19;
	v30 =	vld.idx.msk [tilespmem:v31+s1+$0x0], $0xffff  }
0x346: {  	v54 =	vld.idx.msk [tilespmem:v32+s1+$0x0], $0xffff;
	v55 =	vadd.s32 v13, v20  }
0x347: {  	v33 =	vadd.s32 v13, v17  }
0x348: {  	[tilespmem:s8+$0x3030] =	vst v28  }
0x349: {  	[tilespmem:s5+$0x3030] =	vst v29;
	v23 =	vld.idx.msk [tilespmem:v23+s1+$0x0], $0xffff  }
0x34a: {  	v57 =	vadd.s32 v14, v18;
	v21 =	vld.idx.msk [tilespmem:v21+s1+$0x0], $0xffff;
	[tilespmem:s13+$0x3030] =	vst v30  }
0x34b: {  	v56 =	vadd.s32 v14, v19;
	[tilespmem:s7+$0xFFFFFFC0] =	vst v54;
	v30 =	vld.idx.msk [tilespmem:v55+s1+$0x0], $0xffff  }
0x34c: {  	v58 =	vadd.s32 v14, v20;
	v31 =	vld.idx.msk [tilespmem:v33+s1+$0x0], $0xffff  }
0x34d: {  	v59 =	vadd.s32 v14, v17  }
0x34e: {  	[tilespmem:s8+$0x3040] =	vst v23  }
0x34f: {  	[tilespmem:s5+$0x3040] =	vst v21;
	v23 =	vld.idx.msk [tilespmem:v57+s1+$0x0], $0xffff  }
0x350: {  	v61 =	vadd.s32 v15, v18;
	v21 =	vld.idx.msk [tilespmem:v56+s1+$0x0], $0xffff;
	[tilespmem:s13+$0x3040] =	vst v30  }
0x351: {  	v60 =	vadd.s32 v15, v19;
	[tilespmem:s7+$0xFFFFFFD0] =	vst v31;
	v30 =	vld.idx.msk [tilespmem:v58+s1+$0x0], $0xffff  }
0x352: {  	v62 =	vadd.s32 v15, v20;
	v31 =	vld.idx.msk [tilespmem:v59+s1+$0x0], $0xffff  }
0x353: {  	[tilespmem:s6+$0xFFFFFFF0] =	vst v27;
	v27 =	vadd.s32 v15, v17  }
0x354: {  	[tilespmem:s8+$0x3050] =	vst v23  }
0x355: {  	[tilespmem:s5+$0x3050] =	vst v21;
	v23 =	vld.idx.msk [tilespmem:v61+s1+$0x0], $0xffff  }
0x356: {  	v18 =	vadd.s32 v16, v18;
	v21 =	vld.idx.msk [tilespmem:v60+s1+$0x0], $0xffff;
	[tilespmem:s13+$0x3050] =	vst v30  }
0x357: {  	v19 =	vadd.s32 v16, v19;
	[tilespmem:s7+$0xFFFFFFE0] =	vst v31;
	v63 =	vld.idx.msk [tilespmem:v62+s1+$0x0], $0xffff  }
0x358: {  	[tilespmem:s29+$0x3070] =	vst v26;
	v20 =	vadd.s32 v16, v20;
	v26 =	vld.idx.msk [tilespmem:v27+s1+$0x0], $0xffff  }
0x359: {  	v22 =	vld.idx.msk [tilespmem:v22+s1+$0x0], $0xffff;
	v17 =	vadd.s32 v16, v17;
	[tilespmem:s26+$0x3070] =	vst v24  }
0x35a: {  	v24 =	vld.idx.msk [tilespmem:v25+s1+$0x0], $0xffff;
	[tilespmem:s8+$0x3060] =	vst v23  }
0x35b: {  	[tilespmem:s5+$0x3060] =	vst v21;
	v18 =	vld.idx.msk [tilespmem:v18+s1+$0x0], $0xffff  }
0x35c: {  	v19 =	vld.idx.msk [tilespmem:v19+s1+$0x0], $0xffff;
	[tilespmem:s13+$0x3060] =	vst v63  }
0x35d: {  	[tilespmem:s7+$0xFFFFFFF0] =	vst v26;
	v20 =	vld.idx.msk [tilespmem:v20+s1+$0x0], $0xffff  }
0x35e: {  	[tilespmem:s20+$0x3070] =	vst v22;
	v17 =	vld.idx.msk [tilespmem:v17+s1+$0x0], $0xffff  }
0x35f: {  	[tilespmem:s6+$0x0] =	vst v24  }
0x360: {  	p1 =	seq.s32 s9, $0x18;
	[tilespmem:s8+$0x3070] =	vst v18  }
0x361: {  	s0 =	sshll.u32 @!p1 s9, $0xA;
	[tilespmem:s5+$0x3070] =	vst v19  }
0x362: {  	[tilespmem:s13+$0x3070] =	vst v20;
	s13 =	sand.u32 @!p1 $0x3FFFFC00, s0  }
0x363: {  	s6 =	simm.s32 @!p1 $0x8980;
	s5 =	simm.s32 @!p1 $0x80;
	[tilespmem:s7+$0x0] =	vst v17;
	s0 =	sadd.s32 @!p1 $0x2980, s13  }
0x364: {  	[tilespmem:s6], [sflag:$0x1] =	stream.indirect.gather @!p1 [hbm4b:s4+s5], $0x20, s0, s5, $0xb8;
	[tilespmem:$0x1B180] =	vst v63  }
0x365: {  	s26 =	sshll.u32 s3, $0x11;
	s0 =	sadd.s32 @!p1 $0x2A00, s13;
	s6 =	simm.s32 @!p1 $0x9980  }
0x366: {  	[tilespmem:s6], [sflag:$0x1] =	stream.indirect.gather @!p1 [hbm4b:s4+s5], $0x20, s0, s5, $0xb8;
	[tilespmem:$0x1B180] =	vst v63  }
0x367: {  	s0 =	sor.u32 s14, s26  }
0x368: {  	s0 =	sshrl.u32 s0, $0x3  }
0x369: {  	s29 =	simm.s32 $0x15180;
	s0 =	sadd.s32 s2, s0  }
0x36a: {  	[hbm4b:s0+s22] =	stream.strided.scatter [tilespmem:s29], [sflag:$0x6], $0x2000, s23, s22, $0x38;
	[tilespmem:$0x1B180] =	vst v63  }
0x36b: {  	s3 =	sor.u32 $0x4, s15;
	_ =	swait.ge [sflag:s28], $0x2000  }
0x36c: {  	s31 =	sshll.u32 s3, $0x5;
	[sflag:s28] =	ssyncset.done $0x0  }
0x36d: {  	s0 =	sand.u32 $0x3FFFFFE0, s31;
	[sflag:s28] =	ssyncadd.s32 $0xFFFFE000  }
0x36e: {  	s16 =	simm.s32 $0xC9F0;
	v18 =	vld [tilespmem:s0+$0x0]  }
0x36f: {  	v19 =	vld [tilespmem:s16+$0xFFFFFFF0];
	_ =	sdelay $0x2  }
0x370: {  	v17 =	vld [tilespmem:s0+$0x10]  }
0x371: {  	v20 =	vld [tilespmem:s16+$0xFFFFFF90]  }
0x372: {  	v21 =	vld [tilespmem:s16+$0xFFFFFFB0];
	v19 =	vadd.f32 v19, v18  }
0x373: {  	s5 =	simm.s32 $0x109D0;
	s6 =	simm.s32 $0xCA70;
	v22 =	vld [tilespmem:s16+$0xFFFFFFD0]  }
0x374: {  	[tilespmem:s5+$0x28] =	vst v19;
	v19 =	vld [tilespmem:s6+$0xFFFFFFF0]  }
0x375: {  	v23 =	vld [tilespmem:s16+$0x0]  }
0x376: {  	v25 =	vld [tilespmem:s6+$0xFFFFFFB0];
	v20 =	vadd.f32 v20, v18  }
0x377: {  	v24 =	vadd.f32 v21, v18;
	v21 =	vld [tilespmem:s6+$0xFFFFFFD0]  }
0x378: {  	v26 =	vadd.f32 v22, v18;
	v22 =	vld [tilespmem:s6+$0xFFFFFF90];
	[tilespmem:s5+$0xFFFFFFB0] =	vst v20  }
0x379: {  	[tilespmem:s5+$0xFFFFFFD8] =	vst v24;
	v20 =	vld [tilespmem:s16+$0xFFFFFFA0];
	v27 =	vadd.f32 v19, v18  }
0x37a: {  	s7 =	simm.s32 $0x10A70;
	[tilespmem:s5+$0x0] =	vst v26;
	v19 =	vld [tilespmem:s16+$0xFFFFFFC0];
	v24 =	vadd.f32 v23, v17  }
0x37b: {  	s15 =	simm.s32 $0xCAF0;
	s8 =	simm.s32 $0x4;
	v25 =	vadd.f32 v25, v18;
	v23 =	vld [tilespmem:s16+$0xFFFFFFE0];
	[tilespmem:s7+$0x28] =	vst v27  }
.LBB2_35:
0x37c: {  	v26 =	vld [tilespmem:s15+$0xFFFFFFF0];
	v21 =	vadd.f32 v21, v18;
	[tilespmem:s5+$0x38] =	vst v24  }
0x37d: {  	s8 =	sadd.s32 $0x4, s8;
	v22 =	vadd.f32 v22, v18;
	[tilespmem:s7+$0xFFFFFFD8] =	vst v25;
	v24 =	vld [tilespmem:s6+$0x0]  }
0x37e: {  	p2 =	slt.u32 s8, $0x7C;
	v25 =	vld [tilespmem:s15+$0xFFFFFFB0];
	[tilespmem:s7+$0x0] =	vst v21;
	v20 =	vadd.f32 v20, v17  }
.Ltmp16:
0x37f: {  	v21 =	vld [tilespmem:s15+$0xFFFFFFD0];
	[tilespmem:s7+$0xFFFFFFB0] =	vst v22;
	v19 =	vadd.f32 v19, v17;
	(pc) =	sbr.rel @p2 .LBB2_35-.Ltmp16, $4  }
0x380: {  	v22 =	vld [tilespmem:s15+$0xFFFFFF90];
	[tilespmem:s5+$0xFFFFFFC0] =	vst v20;
	v23 =	vadd.f32 v23, v17  }
0x381: {  	v26 =	vadd.f32 v26, v18;
	v20 =	vld [tilespmem:s6+$0xFFFFFFA0];
	[tilespmem:s5+$0xFFFFFFE8] =	vst v19  }
0x382: {  	v19 =	vld [tilespmem:s6+$0xFFFFFFC0];
	v24 =	vadd.f32 v24, v17;
	[tilespmem:s5+$0x10] =	vst v23;
	s5 =	smov.u32 s7;
	s7 =	sadd.s32 $0xA0, s7  }
0x383: {  	v25 =	vadd.f32 v25, v18;
	[tilespmem:s7+$0x28] =	vst v26;
	v23 =	vld [tilespmem:s6+$0xFFFFFFE0];
	s6 =	smov.u32 s15;
	s15 =	sadd.s32 $0x80, s15  }
0x384: {  	_ = 	snop  }
0x385: {  	v22 =	vadd.f32 v22, v18  }
0x386: {  	v18 =	vadd.f32 v21, v18;
	v21 =	vld [tilespmem:s6+$0x0];
	[tilespmem:s7+$0xFFFFFFD8] =	vst v25  }
0x387: {  	[tilespmem:s7+$0xFFFFFFB0] =	vst v22  }
0x388: {  	[tilespmem:s7+$0x0] =	vst v18;
	v18 =	vadd.f32 v20, v17;
	v20 =	vld [tilespmem:s6+$0xFFFFFFC0]  }
0x389: {  	v19 =	vadd.f32 v19, v17;
	v22 =	vld [tilespmem:s6+$0xFFFFFFA0]  }
0x38a: {  	[tilespmem:s5+$0x38] =	vst v24;
	v24 =	vld [tilespmem:s6+$0xFFFFFFE0]  }
0x38b: {  	[tilespmem:s5+$0xFFFFFFE8] =	vst v19;
	v19 =	vadd.f32 v21, v17  }
0x38c: {  	[tilespmem:s5+$0xFFFFFFC0] =	vst v18;
	v18 =	vadd.f32 v23, v17  }
0x38d: {  	[tilespmem:s7+$0x38] =	vst v19;
	v19 =	vadd.f32 v20, v17  }
0x38e: {  	[tilespmem:s5+$0x10] =	vst v18;
	v18 =	vadd.f32 v22, v17  }
0x38f: {  	v17 =	vadd.f32 v24, v17;
	[tilespmem:s7+$0xFFFFFFE8] =	vst v19  }
0x390: {  	[tilespmem:s7+$0xFFFFFFC0] =	vst v18  }
0x391: {  	[tilespmem:s7+$0x10] =	vst v17  }
0x392: {  	s0 =	simm.s32 $0xD980;
	v18 =	vld [tilespmem:s12+$0xA0]  }
0x393: {  	v19 =	vld [tilespmem:s0+$0x60];
	_ =	sdelay $0x2  }
0x394: {  	v17 =	vld [tilespmem:s12+$0xB0]  }
0x395: {  	v20 =	vld [tilespmem:s0+$0x0]  }
0x396: {  	v21 =	vld [tilespmem:s0+$0x20];
	v19 =	vadd.f32 v19, v18  }
0x397: {  	s5 =	simm.s32 $0x11E08;
	s7 =	simm.s32 $0xDA00;
	v22 =	vld [tilespmem:s0+$0x40]  }
0x398: {  	[tilespmem:s5+$0xFFFFFFF0] =	vst v19;
	v19 =	vld [tilespmem:s7+$0x60]  }
0x399: {  	v23 =	vld [tilespmem:s0+$0x70]  }
0x39a: {  	v25 =	vld [tilespmem:s7+$0x20];
	v20 =	vadd.f32 v20, v18  }
0x39b: {  	v24 =	vadd.f32 v21, v18;
	v21 =	vld [tilespmem:s7+$0x40]  }
0x39c: {  	v26 =	vadd.f32 v22, v18;
	v22 =	vld [tilespmem:s7+$0x0];
	[tilespmem:s5+$0xFFFFFF78] =	vst v20  }
0x39d: {  	[tilespmem:s5+$0xFFFFFFA0] =	vst v24;
	v20 =	vld [tilespmem:s0+$0x10];
	v27 =	vadd.f32 v19, v18  }
0x39e: {  	s6 =	simm.s32 $0x11EA8;
	[tilespmem:s5+$0xFFFFFFC8] =	vst v26;
	v19 =	vld [tilespmem:s0+$0x30];
	v24 =	vadd.f32 v23, v17  }
0x39f: {  	s8 =	simm.s32 $0x4;
	s12 =	simm.s32 $0xDA80;
	v25 =	vadd.f32 v25, v18;
	v23 =	vld [tilespmem:s0+$0x50];
	[tilespmem:s6+$0xFFFFFFF0] =	vst v27  }
.LBB2_37:
0x3a0: {  	v26 =	vld [tilespmem:s12+$0x60];
	v21 =	vadd.f32 v21, v18;
	[tilespmem:s5+$0x0] =	vst v24  }
0x3a1: {  	s8 =	sadd.s32 $0x4, s8;
	v22 =	vadd.f32 v22, v18;
	[tilespmem:s6+$0xFFFFFFA0] =	vst v25;
	v24 =	vld [tilespmem:s7+$0x70]  }
0x3a2: {  	p2 =	slt.u32 s8, $0x7C;
	v25 =	vld [tilespmem:s12+$0x20];
	[tilespmem:s6+$0xFFFFFFC8] =	vst v21;
	v20 =	vadd.f32 v20, v17  }
.Ltmp17:
0x3a3: {  	v21 =	vld [tilespmem:s12+$0x40];
	[tilespmem:s6+$0xFFFFFF78] =	vst v22;
	v19 =	vadd.f32 v19, v17;
	(pc) =	sbr.rel @p2 .LBB2_37-.Ltmp17, $4  }
0x3a4: {  	v22 =	vld [tilespmem:s12+$0x0];
	[tilespmem:s5+$0xFFFFFF88] =	vst v20;
	v23 =	vadd.f32 v23, v17  }
0x3a5: {  	v26 =	vadd.f32 v26, v18;
	v20 =	vld [tilespmem:s7+$0x10];
	[tilespmem:s5+$0xFFFFFFB0] =	vst v19  }
0x3a6: {  	v19 =	vld [tilespmem:s7+$0x30];
	v24 =	vadd.f32 v24, v17;
	[tilespmem:s5+$0xFFFFFFD8] =	vst v23;
	s5 =	smov.u32 s6;
	s6 =	sadd.s32 $0xA0, s6  }
0x3a7: {  	v25 =	vadd.f32 v25, v18;
	[tilespmem:s6+$0xFFFFFFF0] =	vst v26;
	v23 =	vld [tilespmem:s7+$0x50];
	s7 =	smov.u32 s12;
	s12 =	sadd.s32 $0x80, s12  }
0x3a8: {  	_ = 	snop  }
0x3a9: {  	v22 =	vadd.f32 v22, v18;
	_ =	sdelay $0x1  }
0x3aa: {  	v18 =	vadd.f32 v21, v18;
	v21 =	vld [tilespmem:s7+$0x70];
	[tilespmem:s6+$0xFFFFFF78] =	vst v22  }
0x3ab: {  	[tilespmem:s6+$0xFFFFFFA0] =	vst v25;
	v22 =	vld [tilespmem:s7+$0x10]  }
0x3ac: {  	[tilespmem:s6+$0xFFFFFFC8] =	vst v18;
	v18 =	vadd.f32 v20, v17;
	v20 =	vld [tilespmem:s7+$0x30]  }
0x3ad: {  	[tilespmem:s5+$0x0] =	vst v24;
	v19 =	vadd.f32 v19, v17;
	v24 =	vld [tilespmem:s7+$0x50]  }
0x3ae: {  	[tilespmem:s5+$0xFFFFFF88] =	vst v18;
	v18 =	vadd.f32 v23, v17  }
0x3af: {  	[tilespmem:s5+$0xFFFFFFB0] =	vst v19;
	v19 =	vadd.f32 v21, v17  }
0x3b0: {  	s0 =	simm.s32 $0x1;
	[tilespmem:s5+$0xFFFFFFD8] =	vst v18;
	v18 =	vadd.f32 v22, v17  }
0x3b1: {  	s5 =	simm.s32 $0x2;
	[tilespmem:s6+$0x0] =	vst v19;
	v19 =	vadd.f32 v20, v17;
	v20 =	vmov s0  }
0x3b2: {  	v17 =	vadd.f32 v24, v17;
	v23 =	vand.u32 $0x1D, v20;
	[tilespmem:s6+$0xFFFFFF88] =	vst v18;
	v18 =	vmov s5  }
0x3b3: {  	[tilespmem:s6+$0xFFFFFFB0] =	vst v19;
	v19 =	vadd.s32 v0, v23;
	v24 =	vand.u32 $0x1E, v18  }
0x3b4: {  	s0 =	simm.s32 @!p0 $0x7;
	[tilespmem:s6+$0xFFFFFFD8] =	vst v17;
	s6 =	simm.s32 $0x0;
	v17 =	vadd.s32 v0, v24  }
0x3b5: {  	s7 =	simm.s32 $0x3;
	_ =	swait.ge @!p0 [sflag:s0], $0x2000;
	v18 =	vmov s6  }
0x3b6: {  	[sflag:s0] =	ssyncset.done @!p0 $0x0;
	v21 =	vand.u32 $0x1C, v18;
	v18 =	vmov s7  }
0x3b7: {  	[sflag:s0] =	ssyncadd.s32 @!p0 $0xFFFFE000;
	v20 =	vadd.s32 v0, v21;
	v22 =	vand.u32 $0x1F, v18  }
0x3b8: {  	v18 =	vadd.s32 v0, v22;
	v19 =	vld.idx.msk [tilespmem:v19+s1+$0x0], $0xffff  }
0x3b9: {  	s8 =	simm.s32 $0x0;
	v25 =	vadd.s32 v2, v23;
	v17 =	vld.idx.msk [tilespmem:v17+s1+$0x0], $0xffff  }
0x3ba: {  	s12 =	simm.s32 $0x80;
	v26 =	vadd.s32 v2, v24;
	s0 =	sand.u32 $0xC00, s8  }
0x3bb: {  	s15 =	simm.s32 $0x100;
	s5 =	sand.u32 $0x280, s12;
	s0 =	sor.u32 $0x13180, s0  }
0x3bc: {  	s16 =	sand.u32 $0x300, s15;
	s12 =	sadd.s32 s5, s0;
	v20 =	vld.idx.msk [tilespmem:v20+s1+$0x0], $0xffff  }
0x3bd: {  	v27 =	vadd.s32 v2, v21;
	s5 =	sadd.s32 s16, s0;
	v18 =	vld.idx.msk [tilespmem:v18+s1+$0x0], $0xffff;
	[tilespmem:s12+$0x4000] =	vst v19  }
0x3be: {  	v19 =	vadd.s32 v2, v22;
	[tilespmem:s5+$0x4000] =	vst v17;
	v17 =	vld.idx.msk [tilespmem:v25+s1+$0x0], $0xffff  }
0x3bf: {  	s18 =	simm.s32 $0x180;
	v25 =	vld.idx.msk [tilespmem:v26+s1+$0x0], $0xffff;
	v26 =	vadd.s32 v3, v23  }
0x3c0: {  	s6 =	simm.s32 $0x171F0;
	s7 =	sand.u32 $0x380, s18;
	v28 =	vadd.s32 v3, v24  }
0x3c1: {  	s15 =	sadd.s32 s7, s0;
	[tilespmem:s6+$0xFFFFFF90] =	vst v20  }
0x3c2: {  	v20 =	vld.idx.msk [tilespmem:v27+s1+$0x0], $0xffff;
	[tilespmem:s15+$0x4000] =	vst v18  }
0x3c3: {  	v18 =	vadd.s32 v3, v21;
	v19 =	vld.idx.msk [tilespmem:v19+s1+$0x0], $0xffff;
	[tilespmem:s12+$0x4010] =	vst v17  }
0x3c4: {  	v17 =	vld.idx.msk [tilespmem:v26+s1+$0x0], $0xffff;
	[tilespmem:s5+$0x4010] =	vst v25;
	v25 =	vadd.s32 v3, v22  }
0x3c5: {  	v27 =	vadd.s32 v4, v23;
	v26 =	vld.idx.msk [tilespmem:v28+s1+$0x0], $0xffff  }
0x3c6: {  	v28 =	vadd.s32 v4, v24  }
0x3c7: {  	[tilespmem:s6+$0xFFFFFFA0] =	vst v20  }
0x3c8: {  	v18 =	vld.idx.msk [tilespmem:v18+s1+$0x0], $0xffff;
	[tilespmem:s15+$0x4010] =	vst v19  }
0x3c9: {  	v19 =	vadd.s32 v4, v21;
	[tilespmem:s12+$0x4020] =	vst v17;
	v20 =	vld.idx.msk [tilespmem:v25+s1+$0x0], $0xffff  }
0x3ca: {  	s19 =	simm.s32 $0x4;
	v25 =	vld.idx.msk [tilespmem:v27+s1+$0x0], $0xffff;
	[tilespmem:s5+$0x4020] =	vst v26;
	v26 =	vadd.s32 v4, v22  }
0x3cb: {  	s20 =	simm.s32 $0x5;
	v17 =	vmov s19;
	v27 =	vadd.s32 v5, v23;
	v28 =	vld.idx.msk [tilespmem:v28+s1+$0x0], $0xffff  }
0x3cc: {  	v29 =	vmov s20;
	v30 =	vadd.s32 v5, v24;
	v17 =	vand.u32 $0x1C, v17  }
0x3cd: {  	s21 =	simm.s32 $0x6;
	[tilespmem:s6+$0xFFFFFFB0] =	vst v18;
	v31 =	vadd.s32 v0, v17;
	v18 =	vand.u32 $0x1D, v29  }
0x3ce: {  	v29 =	vmov s21;
	v32 =	vld.idx.msk [tilespmem:v19+s1+$0x0], $0xffff;
	v33 =	vadd.s32 v0, v18;
	[tilespmem:s15+$0x4020] =	vst v20  }
0x3cf: {  	v34 =	vadd.s32 v5, v21;
	v19 =	vand.u32 $0x1E, v29;
	[tilespmem:s12+$0x4030] =	vst v25;
	v25 =	vld.idx.msk [tilespmem:v26+s1+$0x0], $0xffff  }
0x3d0: {  	s24 =	simm.s32 $0x7;
	v26 =	vadd.s32 v0, v19;
	v27 =	vld.idx.msk [tilespmem:v27+s1+$0x0], $0xffff;
	[tilespmem:s5+$0x4030] =	vst v28  }
0x3d1: {  	v29 =	vadd.s32 v5, v22;
	v20 =	vmov s24;
	v28 =	vld.idx.msk [tilespmem:v30+s1+$0x0], $0xffff  }
0x3d2: {  	v20 =	vand.u32 $0x1F, v20;
	v30 =	vld.idx.msk [tilespmem:v31+s1+$0x0], $0xffff;
	v31 =	vadd.s32 v6, v23  }
0x3d3: {  	v35 =	vadd.s32 v0, v20;
	v33 =	vld.idx.msk [tilespmem:v33+s1+$0x0], $0xffff;
	[tilespmem:s6+$0xFFFFFFC0] =	vst v32  }
0x3d4: {  	v55 =	vadd.s32 v6, v24;
	v32 =	vld.idx.msk [tilespmem:v34+s1+$0x0], $0xffff  }
0x3d5: {  	s26 =	simm.s32 $0x200;
	v36 =	vadd.s32 v2, v17;
	v26 =	vld.idx.msk [tilespmem:v26+s1+$0x0], $0xffff;
	[tilespmem:s15+$0x4030] =	vst v25  }
0x3d6: {  	s31 =	simm.s32 $0x280;
	s0 =	sand.u32 $0xC00, s26;
	v25 =	vadd.s32 v6, v21;
	[tilespmem:s12+$0x4040] =	vst v27;
	v27 =	vld.idx.msk [tilespmem:v29+s1+$0x0], $0xffff  }
0x3d7: {  	s8 =	sand.u32 $0x280, s31;
	s7 =	simm.s32 $0x173F0;
	s0 =	sor.u32 $0x13180, s0;
	v29 =	vadd.s32 v2, v18;
	v31 =	vld.idx.msk [tilespmem:v31+s1+$0x0], $0xffff;
	[tilespmem:s5+$0x4040] =	vst v28  }
0x3d8: {  	s16 =	simm.s32 $0x300;
	s8 =	sadd.s32 s8, s0;
	[tilespmem:s7+$0xFFFFFF90] =	vst v30;
	v28 =	vadd.s32 v2, v19;
	v30 =	vld.idx.msk [tilespmem:v35+s1+$0x0], $0xffff  }
0x3d9: {  	v57 =	vadd.s32 v6, v22;
	s16 =	sand.u32 $0x300, s16;
	[tilespmem:s8+$0x4000] =	vst v33;
	v56 =	vld.idx.msk [tilespmem:v55+s1+$0x0], $0xffff  }
0x3da: {  	v59 =	vadd.s32 v7, v23;
	s21 =	sadd.s32 s16, s0;
	v58 =	vld.idx.msk [tilespmem:v36+s1+$0x0], $0xffff;
	[tilespmem:s6+$0xFFFFFFD0] =	vst v32  }
0x3db: {  	s16 =	simm.s32 $0x380;
	v60 =	vadd.s32 v2, v20;
	[tilespmem:s21+$0x4000] =	vst v26;
	v25 =	vld.idx.msk [tilespmem:v25+s1+$0x0], $0xffff  }
0x3dc: {  	s18 =	sand.u32 $0x380, s16;
	v26 =	vadd.s32 v7, v24;
	v29 =	vld.idx.msk [tilespmem:v29+s1+$0x0], $0xffff;
	[tilespmem:s15+$0x4040] =	vst v27  }
0x3dd: {  	s20 =	sadd.s32 s18, s0;
	v27 =	vadd.s32 v3, v17;
	v28 =	vld.idx.msk [tilespmem:v28+s1+$0x0], $0xffff;
	[tilespmem:s12+$0x4050] =	vst v31  }
0x3de: {  	v63 =	vadd.s32 v7, v21;
	[tilespmem:s20+$0x4000] =	vst v30;
	v30 =	vld.idx.msk [tilespmem:v57+s1+$0x0], $0xffff  }
0x3df: {  	v31 =	vadd.s32 v3, v18;
	v32 =	vld.idx.msk [tilespmem:v59+s1+$0x0], $0xffff;
	[tilespmem:s5+$0x4050] =	vst v56  }
0x3e0: {  	v61 =	vadd.s32 v3, v19;
	[tilespmem:s7+$0xFFFFFFA0] =	vst v58;
	v36 =	vld.idx.msk [tilespmem:v60+s1+$0x0], $0xffff  }
0x3e1: {  	v62 =	vadd.s32 v7, v22;
	v26 =	vld.idx.msk [tilespmem:v26+s1+$0x0], $0xffff;
	[tilespmem:s6+$0xFFFFFFE0] =	vst v25  }
0x3e2: {  	v38 =	vadd.s32 v3, v20;
	v25 =	vld.idx.msk [tilespmem:v27+s1+$0x0], $0xffff;
	[tilespmem:s8+$0x4010] =	vst v29  }
0x3e3: {  	v27 =	vadd.s32 v8, v24;
	v34 =	vld.idx.msk [tilespmem:v63+s1+$0x0], $0xffff;
	[tilespmem:s21+$0x4010] =	vst v28  }
0x3e4: {  	v37 =	vld.idx.msk [tilespmem:v31+s1+$0x0], $0xffff;
	v28 =	vadd.s32 v8, v23;
	[tilespmem:s15+$0x4050] =	vst v30  }
0x3e5: {  	v30 =	vadd.s32 v4, v18;
	v39 =	vld.idx.msk [tilespmem:v61+s1+$0x0], $0xffff;
	[tilespmem:s12+$0x4060] =	vst v32  }
0x3e6: {  	v42 =	vadd.s32 v4, v19;
	v41 =	vld.idx.msk [tilespmem:v62+s1+$0x0], $0xffff;
	[tilespmem:s20+$0x4010] =	vst v36  }
0x3e7: {  	v38 =	vld.idx.msk [tilespmem:v38+s1+$0x0], $0xffff;
	[tilespmem:s5+$0x4060] =	vst v26  }
0x3e8: {  	v35 =	vadd.s32 v8, v22;
	v33 =	vld.idx.msk [tilespmem:v27+s1+$0x0], $0xffff;
	[tilespmem:s7+$0xFFFFFFB0] =	vst v25  }
0x3e9: {  	v32 =	vadd.s32 v8, v21;
	v31 =	vld.idx.msk [tilespmem:v28+s1+$0x0], $0xffff;
	[tilespmem:s8+$0x4020] =	vst v37  }
0x3ea: {  	s29 =	simm.s32 $0x8;
	v40 =	vadd.s32 v4, v17;
	v29 =	vadd.s32 v5, v18;
	v26 =	vmov v19;
	v36 =	vld.idx.msk [tilespmem:v30+s1+$0x0], $0xffff;
	[tilespmem:s21+$0x4020] =	vst v39  }
0x3eb: {  	s26 =	smov.u32 s5;
	s19 =	smov.u32 s15;
	s24 =	smov.u32 s12;
	v25 =	vmovc v17;
	v27 =	vmov v20;
	v28 =	vmov v18;
	v39 =	vadd.s32 v4, v20;
	[tilespmem:s15+$0x4060] =	vst v41;
	v37 =	vld.idx.msk [tilespmem:v42+s1+$0x0], $0xffff  }
.LBB2_39:
0x3ec: {  	s0 =	sadd.s32 $0x1, s29  }
0x3ed: {  	v30 =	vmov s29;
	p2 =	slt.u32 s29, $0x1C;
	v41 =	vadd.s32 v5, v25;
	[tilespmem:s6+$0xFFFFFFF0] =	vst v34;
	v34 =	vld.idx.msk [tilespmem:v35+s1+$0x0], $0xffff;
	s18 =	smov.u32 s29;
	s29 =	sadd.s32 $0x4, s29  }
0x3ee: {  	v42 =	vadd.s32 v5, v26;
	v30 =	vand.u32 $0x1C, v30;
	v35 =	vmov s0;
	s0 =	sadd.s32 $0x2, s18;
	v32 =	vld.idx.msk [tilespmem:v32+s1+$0x0], $0xffff;
	[tilespmem:s26+$0x4070] =	vst v33;
	s26 =	smov.u32 s21  }
0x3ef: {  	v33 =	vadd.s32 v0, v30;
	v35 =	vand.u32 $0x1D, v35;
	v43 =	vmov s0;
	s0 =	sadd.s32 $0x3, s18;
	v40 =	vld.idx.msk [tilespmem:v40+s1+$0x0], $0xffff;
	[tilespmem:s24+$0x4070] =	vst v31;
	s24 =	smov.u32 s8  }
0x3f0: {  	v31 =	vadd.s32 v0, v35;
	v43 =	vand.u32 $0x1E, v43;
	v44 =	vmov s0;
	[tilespmem:s20+$0x4020] =	vst v38  }
0x3f1: {  	v38 =	vadd.s32 v5, v35;
	v45 =	vadd.s32 v0, v43;
	v44 =	vand.u32 $0x1F, v44;
	[tilespmem:s24+$0x4030] =	vst v36;
	v36 =	vld.idx.msk [tilespmem:v39+s1+$0x0], $0xffff  }
0x3f2: {  	v39 =	vadd.s32 v0, v44;
	v46 =	vld.idx.msk [tilespmem:v29+s1+$0x0], $0xffff;
	[tilespmem:s26+$0x4030] =	vst v37;
	v29 =	vmov v38  }
0x3f3: {  	v38 =	vadd.s32 v5, v27;
	v37 =	vld.idx.msk [tilespmem:v42+s1+$0x0], $0xffff;
	[tilespmem:s19+$0x4070] =	vst v34;
	s19 =	smov.u32 s20  }
0x3f4: {  	v34 =	vadd.s32 v6, v28;
	v33 =	vld.idx.msk [tilespmem:v33+s1+$0x0], $0xffff;
	[tilespmem:s6+$0x0] =	vst v32;
	s6 =	smov.u32 s7  }
0x3f5: {  	v31 =	vld.idx.msk [tilespmem:v31+s1+$0x0], $0xffff;
	[tilespmem:s7+$0xFFFFFFC0] =	vst v40  }
0x3f6: {  	s16 =	sadd.s32 $0x200, s16;
	v40 =	vadd.s32 v6, v26;
	v32 =	vld.idx.msk [tilespmem:v41+s1+$0x0], $0xffff  }
0x3f7: {  	s0 =	sadd.s32 $0xFFFFFE80, s16;
	v41 =	vadd.s32 v2, v30;
	v42 =	vld.idx.msk [tilespmem:v45+s1+$0x0], $0xffff;
	[tilespmem:s19+$0x4030] =	vst v36  }
0x3f8: {  	s8 =	sadd.s32 $0xFFFFFF00, s16;
	s0 =	sand.u32 $0xC00, s0;
	v36 =	vadd.s32 v6, v25;
	[tilespmem:s24+$0x4040] =	vst v46;
	v38 =	vld.idx.msk [tilespmem:v38+s1+$0x0], $0xffff  }
0x3f9: {  	s8 =	sand.u32 $0x280, s8;
	s0 =	sor.u32 $0x13180, s0;
	s7 =	sadd.s32 $0x200, s7;
	v45 =	vadd.s32 v2, v35;
	v34 =	vld.idx.msk [tilespmem:v34+s1+$0x0], $0xffff;
	[tilespmem:s26+$0x4040] =	vst v37  }
0x3fa: {  	s18 =	sadd.s32 $0xFFFFFF80, s16;
	s8 =	sadd.s32 s8, s0;
	[tilespmem:s7+$0xFFFFFF90] =	vst v33;
	v33 =	vadd.s32 v2, v43;
	v37 =	vld.idx.msk [tilespmem:v39+s1+$0x0], $0xffff  }
0x3fb: {  	s18 =	sand.u32 $0x300, s18;
	v39 =	vadd.s32 v6, v27;
	[tilespmem:s8+$0x4000] =	vst v31;
	v31 =	vld.idx.msk [tilespmem:v40+s1+$0x0], $0xffff  }
0x3fc: {  	s21 =	sadd.s32 s18, s0;
	v40 =	vld.idx.msk [tilespmem:v41+s1+$0x0], $0xffff;
	[tilespmem:s6+$0xFFFFFFD0] =	vst v32;
	v32 =	vadd.s32 v7, v28  }
0x3fd: {  	v41 =	vadd.s32 v7, v26;
	[tilespmem:s21+$0x4000] =	vst v42;
	v36 =	vld.idx.msk [tilespmem:v36+s1+$0x0], $0xffff  }
0x3fe: {  	s18 =	sand.u32 $0x380, s16;
	v42 =	vld.idx.msk [tilespmem:v45+s1+$0x0], $0xffff;
	v45 =	vadd.s32 v2, v44;
	[tilespmem:s19+$0x4040] =	vst v38  }
0x3ff: {  	s20 =	sadd.s32 s18, s0;
	v38 =	vadd.s32 v3, v30;
	v33 =	vld.idx.msk [tilespmem:v33+s1+$0x0], $0xffff;
	[tilespmem:s24+$0x4050] =	vst v34  }
0x400: {  	v34 =	vadd.s32 v3, v35;
	[tilespmem:s20+$0x4000] =	vst v37;
	v37 =	vld.idx.msk [tilespmem:v39+s1+$0x0], $0xffff  }
0x401: {  	v39 =	vadd.s32 v3, v43;
	v32 =	vld.idx.msk [tilespmem:v32+s1+$0x0], $0xffff;
	[tilespmem:s26+$0x4050] =	vst v31  }
0x402: {  	v31 =	vadd.s32 v7, v25;
	[tilespmem:s7+$0xFFFFFFA0] =	vst v40;
	v40 =	vld.idx.msk [tilespmem:v41+s1+$0x0], $0xffff;
	v41 =	vadd.s32 v7, v27  }
0x403: {  	v45 =	vld.idx.msk [tilespmem:v45+s1+$0x0], $0xffff;
	[tilespmem:s6+$0xFFFFFFE0] =	vst v36  }
0x404: {  	v36 =	vld.idx.msk [tilespmem:v38+s1+$0x0], $0xffff;
	[tilespmem:s8+$0x4010] =	vst v42;
	v38 =	vadd.s32 v8, v26;
	v26 =	vmov v43  }
0x405: {  	v43 =	vadd.s32 v8, v28;
	v28 =	vmov v35;
	v42 =	vld.idx.msk [tilespmem:v34+s1+$0x0], $0xffff;
	[tilespmem:s21+$0x4010] =	vst v33  }
0x406: {  	v46 =	vadd.s32 v3, v44;
	v39 =	vld.idx.msk [tilespmem:v39+s1+$0x0], $0xffff;
	[tilespmem:s19+$0x4050] =	vst v37  }
0x407: {  	v37 =	vadd.s32 v4, v28;
	[tilespmem:s24+$0x4060] =	vst v32;
	v41 =	vld.idx.msk [tilespmem:v41+s1+$0x0], $0xffff  }
0x408: {  	v47 =	vadd.s32 v4, v26;
	v34 =	vld.idx.msk [tilespmem:v31+s1+$0x0], $0xffff;
	[tilespmem:s26+$0x4060] =	vst v40  }
.Ltmp18:
0x409: {  	v35 =	vadd.s32 v8, v27;
	v32 =	vadd.s32 v8, v25;
	v25 =	vmov v30;
	[tilespmem:s20+$0x4010] =	vst v45;
	v33 =	vld.idx.msk [tilespmem:v38+s1+$0x0], $0xffff;
	(pc) =	sbr.rel @p2 .LBB2_39-.Ltmp18, $4  }
0x40a: {  	v27 =	vmov v44;
	[tilespmem:s7+$0xFFFFFFB0] =	vst v36;
	v31 =	vld.idx.msk [tilespmem:v43+s1+$0x0], $0xffff  }
0x40b: {  	v40 =	vadd.s32 v4, v25;
	[tilespmem:s8+$0x4020] =	vst v42;
	v38 =	vld.idx.msk [tilespmem:v46+s1+$0x0], $0xffff  }
0x40c: {  	v36 =	vld.idx.msk [tilespmem:v37+s1+$0x0], $0xffff;
	[tilespmem:s21+$0x4020] =	vst v39  }
0x40d: {  	v39 =	vadd.s32 v4, v27;
	v37 =	vld.idx.msk [tilespmem:v47+s1+$0x0], $0xffff;
	[tilespmem:s19+$0x4060] =	vst v41  }
0x40e: {  	_ =	sdelay $0x2  }
0x40f: {  	v30 =	vadd.s32 v5, v26  }
0x410: {  	v55 =	vld.idx.msk [tilespmem:v40+s1+$0x0], $0xffff;
	[tilespmem:s20+$0x4020] =	vst v38  }
0x411: {  	v41 =	vadd.s32 v5, v25;
	v38 =	vld.idx.msk [tilespmem:v39+s1+$0x0], $0xffff  }
0x412: {  	v56 =	vadd.s32 v5, v27  }
0x413: {  	[tilespmem:s21+$0x4030] =	vst v37  }
0x414: {  	[tilespmem:s8+$0x4030] =	vst v36;
	v30 =	vld.idx.msk [tilespmem:v30+s1+$0x0], $0xffff  }
0x415: {  	v57 =	vadd.s32 v6, v26;
	v29 =	vld.idx.msk [tilespmem:v29+s1+$0x0], $0xffff;
	[tilespmem:s7+$0xFFFFFFC0] =	vst v55  }
0x416: {  	v58 =	vadd.s32 v6, v28;
	v39 =	vld.idx.msk [tilespmem:v41+s1+$0x0], $0xffff;
	[tilespmem:s20+$0x4030] =	vst v38  }
0x417: {  	v60 =	vadd.s32 v6, v25;
	v38 =	vld.idx.msk [tilespmem:v56+s1+$0x0], $0xffff  }
0x418: {  	v59 =	vadd.s32 v6, v27  }
0x419: {  	[tilespmem:s21+$0x4040] =	vst v30  }
0x41a: {  	[tilespmem:s8+$0x4040] =	vst v29;
	v29 =	vld.idx.msk [tilespmem:v57+s1+$0x0], $0xffff  }
0x41b: {  	v61 =	vadd.s32 v7, v26;
	v30 =	vld.idx.msk [tilespmem:v58+s1+$0x0], $0xffff;
	[tilespmem:s7+$0xFFFFFFD0] =	vst v39  }
0x41c: {  	v62 =	vadd.s32 v7, v28;
	v39 =	vld.idx.msk [tilespmem:v60+s1+$0x0], $0xffff;
	[tilespmem:s20+$0x4040] =	vst v38  }
0x41d: {  	v42 =	vadd.s32 v7, v25;
	v38 =	vld.idx.msk [tilespmem:v59+s1+$0x0], $0xffff  }
0x41e: {  	v63 =	vadd.s32 v7, v27;
	[tilespmem:s6+$0xFFFFFFF0] =	vst v34  }
0x41f: {  	[tilespmem:s21+$0x4050] =	vst v29  }
0x420: {  	[tilespmem:s8+$0x4050] =	vst v30;
	v29 =	vld.idx.msk [tilespmem:v61+s1+$0x0], $0xffff  }
0x421: {  	v26 =	vadd.s32 v8, v26;
	v30 =	vld.idx.msk [tilespmem:v62+s1+$0x0], $0xffff;
	[tilespmem:s7+$0xFFFFFFE0] =	vst v39  }
0x422: {  	v28 =	vadd.s32 v8, v28;
	v44 =	vld.idx.msk [tilespmem:v42+s1+$0x0], $0xffff;
	[tilespmem:s20+$0x4050] =	vst v38  }
0x423: {  	[tilespmem:s26+$0x4070] =	vst v33;
	v25 =	vadd.s32 v8, v25;
	v43 =	vld.idx.msk [tilespmem:v63+s1+$0x0], $0xffff  }
0x424: {  	v27 =	vadd.s32 v8, v27;
	v45 =	vld.idx.msk [tilespmem:v35+s1+$0x0], $0xffff;
	[tilespmem:s24+$0x4070] =	vst v31  }
0x425: {  	v31 =	vld.idx.msk [tilespmem:v32+s1+$0x0], $0xffff;
	[tilespmem:s21+$0x4060] =	vst v29  }
0x426: {  	[tilespmem:s8+$0x4060] =	vst v30;
	v26 =	vld.idx.msk [tilespmem:v26+s1+$0x0], $0xffff  }
0x427: {  	v28 =	vld.idx.msk [tilespmem:v28+s1+$0x0], $0xffff;
	[tilespmem:s7+$0xFFFFFFF0] =	vst v44  }
0x428: {  	v25 =	vld.idx.msk [tilespmem:v25+s1+$0x0], $0xffff;
	[tilespmem:s20+$0x4060] =	vst v43  }
0x429: {  	[tilespmem:s19+$0x4070] =	vst v45;
	v27 =	vld.idx.msk [tilespmem:v27+s1+$0x0], $0xffff  }
0x42a: {  	[tilespmem:s6+$0x0] =	vst v31;
	v29 =	vadd.s32 v9, v23  }
0x42b: {  	[tilespmem:s21+$0x4070] =	vst v26;
	v26 =	vadd.s32 v9, v24  }
0x42c: {  	[tilespmem:s8+$0x4070] =	vst v28  }
0x42d: {  	[tilespmem:s7+$0x0] =	vst v25  }
0x42e: {  	v25 =	vadd.s32 v9, v21;
	[tilespmem:s20+$0x4070] =	vst v27  }
0x42f: {  	v27 =	vadd.s32 v9, v22;
	v28 =	vld.idx.msk [tilespmem:v29+s1+$0x0], $0xffff  }
0x430: {  	v26 =	vld.idx.msk [tilespmem:v26+s1+$0x0], $0xffff;
	v29 =	vadd.s32 v10, v23  }
0x431: {  	v30 =	vadd.s32 v10, v24;
	_ =	sdelay $0x1  }
0x432: {  	v25 =	vld.idx.msk [tilespmem:v25+s1+$0x0], $0xffff  }
0x433: {  	v31 =	vadd.s32 v10, v21;
	v27 =	vld.idx.msk [tilespmem:v27+s1+$0x0], $0xffff;
	[tilespmem:s12+$0x5000] =	vst v28  }
0x434: {  	[tilespmem:s5+$0x5000] =	vst v26;
	v28 =	vadd.s32 v10, v22;
	v26 =	vld.idx.msk [tilespmem:v29+s1+$0x0], $0xffff  }
0x435: {  	v29 =	vld.idx.msk [tilespmem:v30+s1+$0x0], $0xffff;
	v30 =	vadd.s32 v11, v23  }
0x436: {  	v46 =	vadd.s32 v11, v24;
	s6 =	simm.s32 $0x181F0  }
0x437: {  	[tilespmem:s6+$0xFFFFFF90] =	vst v25  }
0x438: {  	v25 =	vld.idx.msk [tilespmem:v31+s1+$0x0], $0xffff;
	[tilespmem:s15+$0x5000] =	vst v27  }
0x439: {  	v27 =	vadd.s32 v11, v21;
	v28 =	vld.idx.msk [tilespmem:v28+s1+$0x0], $0xffff;
	[tilespmem:s12+$0x5010] =	vst v26  }
0x43a: {  	[tilespmem:s5+$0x5010] =	vst v29;
	v29 =	vadd.s32 v11, v22;
	v26 =	vld.idx.msk [tilespmem:v30+s1+$0x0], $0xffff  }
0x43b: {  	v31 =	vadd.s32 v12, v23;
	v30 =	vld.idx.msk [tilespmem:v46+s1+$0x0], $0xffff  }
0x43c: {  	v47 =	vadd.s32 v12, v24  }
0x43d: {  	[tilespmem:s6+$0xFFFFFFA0] =	vst v25  }
0x43e: {  	v49 =	vadd.s32 v9, v18;
	v25 =	vld.idx.msk [tilespmem:v27+s1+$0x0], $0xffff;
	[tilespmem:s15+$0x5010] =	vst v28  }
0x43f: {  	v27 =	vadd.s32 v12, v21;
	[tilespmem:s12+$0x5020] =	vst v26;
	v26 =	vld.idx.msk [tilespmem:v29+s1+$0x0], $0xffff  }
0x440: {  	[tilespmem:s5+$0x5020] =	vst v30;
	v29 =	vadd.s32 v12, v22;
	v28 =	vld.idx.msk [tilespmem:v31+s1+$0x0], $0xffff  }
0x441: {  	v30 =	vadd.s32 v13, v23;
	v31 =	vld.idx.msk [tilespmem:v47+s1+$0x0], $0xffff  }
0x442: {  	v48 =	vadd.s32 v13, v24  }
0x443: {  	v33 =	vld.idx.msk [tilespmem:v49+s1+$0x0], $0xffff;
	[tilespmem:s6+$0xFFFFFFB0] =	vst v25;
	v25 =	vadd.s32 v9, v17  }
0x444: {  	s0 =	simm.s32 $0x200;
	v54 =	vadd.s32 v10, v18;
	v27 =	vld.idx.msk [tilespmem:v27+s1+$0x0], $0xffff;
	[tilespmem:s15+$0x5020] =	vst v26  }
0x445: {  	s29 =	simm.s32 $0x280;
	s0 =	sand.u32 $0xC00, s0;
	v26 =	vadd.s32 v13, v21;
	[tilespmem:s12+$0x5030] =	vst v28;
	v28 =	vld.idx.msk [tilespmem:v29+s1+$0x0], $0xffff  }
0x446: {  	s31 =	sand.u32 $0x280, s29;
	s0 =	sor.u32 $0x13180, s0;
	v29 =	vadd.s32 v9, v19;
	[tilespmem:s5+$0x5030] =	vst v31;
	v30 =	vld.idx.msk [tilespmem:v30+s1+$0x0], $0xffff  }
0x447: {  	v50 =	vadd.s32 v13, v22;
	s8 =	sadd.s32 s31, s0;
	v31 =	vld.idx.msk [tilespmem:v48+s1+$0x0], $0xffff  }
0x448: {  	v52 =	vadd.s32 v9, v20;
	[tilespmem:s8+$0x5000] =	vst v33;
	v25 =	vld.idx.msk [tilespmem:v25+s1+$0x0], $0xffff  }
0x449: {  	v51 =	vadd.s32 v14, v23;
	v32 =	vld.idx.msk [tilespmem:v54+s1+$0x0], $0xffff;
	[tilespmem:s6+$0xFFFFFFC0] =	vst v27  }
0x44a: {  	v27 =	vadd.s32 v14, v24;
	v26 =	vld.idx.msk [tilespmem:v26+s1+$0x0], $0xffff;
	[tilespmem:s15+$0x5030] =	vst v28  }
0x44b: {  	v53 =	vadd.s32 v10, v17;
	v29 =	vld.idx.msk [tilespmem:v29+s1+$0x0], $0xffff;
	[tilespmem:s12+$0x5040] =	vst v30  }
0x44c: {  	s7 =	simm.s32 $0x183F0;
	v28 =	vadd.s32 v14, v21;
	v30 =	vld.idx.msk [tilespmem:v50+s1+$0x0], $0xffff;
	[tilespmem:s5+$0x5040] =	vst v31  }
0x44d: {  	[tilespmem:s7+$0xFFFFFF90] =	vst v25;
	v25 =	vadd.s32 v10, v19;
	v31 =	vld.idx.msk [tilespmem:v52+s1+$0x0], $0xffff  }
0x44e: {  	s16 =	simm.s32 $0x300;
	v55 =	vadd.s32 v14, v22;
	v34 =	vld.idx.msk [tilespmem:v51+s1+$0x0], $0xffff  }
0x44f: {  	s16 =	sand.u32 $0x300, s16;
	v57 =	vadd.s32 v10, v20;
	[tilespmem:s8+$0x5010] =	vst v32;
	v27 =	vld.idx.msk [tilespmem:v27+s1+$0x0], $0xffff  }
0x450: {  	s20 =	sadd.s32 s16, s0;
	s16 =	simm.s32 $0x380;
	v56 =	vld.idx.msk [tilespmem:v53+s1+$0x0], $0xffff;
	[tilespmem:s6+$0xFFFFFFD0] =	vst v26;
	v26 =	vadd.s32 v15, v23  }
0x451: {  	s18 =	sand.u32 $0x380, s16;
	[tilespmem:s20+$0x5000] =	vst v29;
	v28 =	vld.idx.msk [tilespmem:v28+s1+$0x0], $0xffff;
	v29 =	vadd.s32 v15, v24  }
0x452: {  	s19 =	sadd.s32 s18, s0;
	[tilespmem:s15+$0x5040] =	vst v30;
	v30 =	vadd.s32 v11, v17;
	v25 =	vld.idx.msk [tilespmem:v25+s1+$0x0], $0xffff  }
0x453: {  	v58 =	vadd.s32 v11, v18;
	[tilespmem:s19+$0x5000] =	vst v31;
	v31 =	vld.idx.msk [tilespmem:v55+s1+$0x0], $0xffff  }
0x454: {  	v59 =	vadd.s32 v11, v19;
	[tilespmem:s12+$0x5050] =	vst v34;
	v36 =	vld.idx.msk [tilespmem:v57+s1+$0x0], $0xffff  }
0x455: {  	[tilespmem:s5+$0x5050] =	vst v27;
	v27 =	vadd.s32 v15, v22;
	v26 =	vld.idx.msk [tilespmem:v26+s1+$0x0], $0xffff  }
0x456: {  	v60 =	vadd.s32 v15, v21;
	[tilespmem:s7+$0xFFFFFFA0] =	vst v56;
	v29 =	vld.idx.msk [tilespmem:v29+s1+$0x0], $0xffff  }
0x457: {  	v24 =	vadd.s32 v16, v24;
	[tilespmem:s6+$0xFFFFFFE0] =	vst v28;
	v28 =	vld.idx.msk [tilespmem:v30+s1+$0x0], $0xffff  }
0x458: {  	v23 =	vadd.s32 v16, v23;
	v30 =	vld.idx.msk [tilespmem:v58+s1+$0x0], $0xffff;
	[tilespmem:s20+$0x5010] =	vst v25  }
0x459: {  	v25 =	vadd.s32 v11, v20;
	v61 =	vld.idx.msk [tilespmem:v59+s1+$0x0], $0xffff;
	[tilespmem:s15+$0x5050] =	vst v31  }
0x45a: {  	v31 =	vadd.s32 v12, v18;
	[tilespmem:s19+$0x5010] =	vst v36;
	v62 =	vld.idx.msk [tilespmem:v27+s1+$0x0], $0xffff  }
0x45b: {  	v63 =	vadd.s32 v12, v19;
	v27 =	vld.idx.msk [tilespmem:v60+s1+$0x0], $0xffff;
	[tilespmem:s5+$0x5060] =	vst v29  }
0x45c: {  	[tilespmem:s12+$0x5060] =	vst v26;
	v26 =	vld.idx.msk [tilespmem:v24+s1+$0x0], $0xffff  }
0x45d: {  	v22 =	vadd.s32 v16, v22;
	[tilespmem:s7+$0xFFFFFFB0] =	vst v28;
	v24 =	vld.idx.msk [tilespmem:v23+s1+$0x0], $0xffff  }
0x45e: {  	[tilespmem:s8+$0x5020] =	vst v30;
	v30 =	vld.idx.msk [tilespmem:v25+s1+$0x0], $0xffff;
	v25 =	vadd.s32 v16, v21  }
0x45f: {  	v32 =	vadd.s32 v12, v17;
	v28 =	vld.idx.msk [tilespmem:v31+s1+$0x0], $0xffff;
	[tilespmem:s20+$0x5020] =	vst v61  }
0x460: {  	s21 =	simm.s32 $0x8;
	v23 =	vadd.s32 v13, v18;
	v31 =	vadd.s32 v12, v20;
	v29 =	vld.idx.msk [tilespmem:v63+s1+$0x0], $0xffff;
	[tilespmem:s15+$0x5060] =	vst v62  }
.LBB2_41:
0x461: {  	s0 =	sadd.s32 $0x1, s21  }
0x462: {  	v21 =	vmov s21;
	p2 =	slt.u32 s21, $0x1C;
	v33 =	vadd.s32 v13, v17;
	[tilespmem:s6+$0xFFFFFFF0] =	vst v27;
	v22 =	vld.idx.msk [tilespmem:v22+s1+$0x0], $0xffff;
	s18 =	smov.u32 s21;
	s21 =	sadd.s32 $0x4, s21  }
0x463: {  	v34 =	vadd.s32 v13, v19;
	v21 =	vand.u32 $0x1C, v21;
	v27 =	vmov s0;
	s0 =	sadd.s32 $0x2, s18;
	v25 =	vld.idx.msk [tilespmem:v25+s1+$0x0], $0xffff;
	[tilespmem:s5+$0x5070] =	vst v26;
	s5 =	smov.u32 s20  }
0x464: {  	v26 =	vadd.s32 v9, v21;
	v27 =	vand.u32 $0x1D, v27;
	v35 =	vmov s0;
	s0 =	sadd.s32 $0x3, s18;
	v32 =	vld.idx.msk [tilespmem:v32+s1+$0x0], $0xffff;
	[tilespmem:s12+$0x5070] =	vst v24;
	s12 =	smov.u32 s8  }
0x465: {  	v24 =	vadd.s32 v9, v27;
	v35 =	vand.u32 $0x1E, v35;
	v36 =	vmov s0;
	[tilespmem:s19+$0x5020] =	vst v30  }
0x466: {  	v30 =	vadd.s32 v13, v27;
	v37 =	vadd.s32 v9, v35;
	v36 =	vand.u32 $0x1F, v36;
	[tilespmem:s12+$0x5030] =	vst v28;
	v28 =	vld.idx.msk [tilespmem:v31+s1+$0x0], $0xffff  }
0x467: {  	v31 =	vadd.s32 v9, v36;
	v38 =	vld.idx.msk [tilespmem:v23+s1+$0x0], $0xffff;
	[tilespmem:s5+$0x5030] =	vst v29;
	v23 =	vmov v30  }
0x468: {  	v30 =	vadd.s32 v13, v20;
	v29 =	vld.idx.msk [tilespmem:v34+s1+$0x0], $0xffff;
	[tilespmem:s15+$0x5070] =	vst v22;
	s15 =	smov.u32 s19  }
0x469: {  	v22 =	vld.idx.msk [tilespmem:v26+s1+$0x0], $0xffff;
	v26 =	vadd.s32 v14, v18;
	[tilespmem:s6+$0x0] =	vst v25;
	s6 =	smov.u32 s7  }
0x46a: {  	v24 =	vld.idx.msk [tilespmem:v24+s1+$0x0], $0xffff;
	[tilespmem:s7+$0xFFFFFFC0] =	vst v32  }
0x46b: {  	s16 =	sadd.s32 $0x200, s16;
	v32 =	vadd.s32 v14, v19;
	v25 =	vld.idx.msk [tilespmem:v33+s1+$0x0], $0xffff  }
0x46c: {  	s0 =	sadd.s32 $0xFFFFFE80, s16;
	v33 =	vadd.s32 v10, v21;
	v34 =	vld.idx.msk [tilespmem:v37+s1+$0x0], $0xffff;
	[tilespmem:s15+$0x5030] =	vst v28  }
0x46d: {  	s8 =	sadd.s32 $0xFFFFFF00, s16;
	s0 =	sand.u32 $0xC00, s0;
	v28 =	vadd.s32 v14, v17;
	[tilespmem:s12+$0x5040] =	vst v38;
	v30 =	vld.idx.msk [tilespmem:v30+s1+$0x0], $0xffff  }
0x46e: {  	s8 =	sand.u32 $0x280, s8;
	s0 =	sor.u32 $0x13180, s0;
	s7 =	sadd.s32 $0x200, s7;
	v37 =	vadd.s32 v10, v27;
	v26 =	vld.idx.msk [tilespmem:v26+s1+$0x0], $0xffff;
	[tilespmem:s5+$0x5040] =	vst v29  }
0x46f: {  	s18 =	sadd.s32 $0xFFFFFF80, s16;
	s8 =	sadd.s32 s8, s0;
	[tilespmem:s7+$0xFFFFFF90] =	vst v22;
	v22 =	vadd.s32 v10, v35;
	v29 =	vld.idx.msk [tilespmem:v31+s1+$0x0], $0xffff  }
0x470: {  	s18 =	sand.u32 $0x300, s18;
	v31 =	vadd.s32 v14, v20;
	[tilespmem:s8+$0x5000] =	vst v24;
	v24 =	vld.idx.msk [tilespmem:v32+s1+$0x0], $0xffff  }
0x471: {  	s20 =	sadd.s32 s18, s0;
	v32 =	vld.idx.msk [tilespmem:v33+s1+$0x0], $0xffff;
	[tilespmem:s6+$0xFFFFFFD0] =	vst v25;
	v25 =	vadd.s32 v15, v18  }
0x472: {  	v33 =	vadd.s32 v15, v19;
	[tilespmem:s20+$0x5000] =	vst v34;
	v28 =	vld.idx.msk [tilespmem:v28+s1+$0x0], $0xffff  }
0x473: {  	s18 =	sand.u32 $0x380, s16;
	v34 =	vld.idx.msk [tilespmem:v37+s1+$0x0], $0xffff;
	v37 =	vadd.s32 v10, v36;
	[tilespmem:s15+$0x5040] =	vst v30  }
0x474: {  	s19 =	sadd.s32 s18, s0;
	v30 =	vadd.s32 v11, v21;
	v22 =	vld.idx.msk [tilespmem:v22+s1+$0x0], $0xffff;
	[tilespmem:s12+$0x5050] =	vst v26  }
0x475: {  	v26 =	vadd.s32 v11, v27;
	[tilespmem:s19+$0x5000] =	vst v29;
	v29 =	vld.idx.msk [tilespmem:v31+s1+$0x0], $0xffff  }
0x476: {  	v31 =	vadd.s32 v11, v35;
	v25 =	vld.idx.msk [tilespmem:v25+s1+$0x0], $0xffff;
	[tilespmem:s5+$0x5050] =	vst v24  }
0x477: {  	v24 =	vadd.s32 v15, v17;
	[tilespmem:s7+$0xFFFFFFA0] =	vst v32;
	v32 =	vld.idx.msk [tilespmem:v33+s1+$0x0], $0xffff;
	v33 =	vadd.s32 v15, v20  }
0x478: {  	v37 =	vld.idx.msk [tilespmem:v37+s1+$0x0], $0xffff;
	[tilespmem:s6+$0xFFFFFFE0] =	vst v28  }
0x479: {  	v28 =	vld.idx.msk [tilespmem:v30+s1+$0x0], $0xffff;
	[tilespmem:s8+$0x5010] =	vst v34;
	v30 =	vadd.s32 v16, v19;
	v19 =	vmov v35  }
0x47a: {  	v35 =	vadd.s32 v16, v18;
	v18 =	vmov v27;
	v34 =	vld.idx.msk [tilespmem:v26+s1+$0x0], $0xffff;
	[tilespmem:s20+$0x5010] =	vst v22  }
0x47b: {  	v38 =	vadd.s32 v11, v36;
	v31 =	vld.idx.msk [tilespmem:v31+s1+$0x0], $0xffff;
	[tilespmem:s15+$0x5050] =	vst v29  }
0x47c: {  	v29 =	vadd.s32 v12, v18;
	[tilespmem:s12+$0x5060] =	vst v25;
	v33 =	vld.idx.msk [tilespmem:v33+s1+$0x0], $0xffff  }
0x47d: {  	v39 =	vadd.s32 v12, v19;
	v27 =	vld.idx.msk [tilespmem:v24+s1+$0x0], $0xffff;
	[tilespmem:s5+$0x5060] =	vst v32  }
.Ltmp19:
0x47e: {  	v22 =	vadd.s32 v16, v20;
	v25 =	vadd.s32 v16, v17;
	v17 =	vmov v21;
	[tilespmem:s19+$0x5010] =	vst v37;
	v26 =	vld.idx.msk [tilespmem:v30+s1+$0x0], $0xffff;
	(pc) =	sbr.rel @p2 .LBB2_41-.Ltmp19, $4  }
0x47f: {  	v20 =	vmov v36;
	[tilespmem:s7+$0xFFFFFFB0] =	vst v28;
	v24 =	vld.idx.msk [tilespmem:v35+s1+$0x0], $0xffff  }
0x480: {  	v32 =	vadd.s32 v12, v17;
	[tilespmem:s8+$0x5020] =	vst v34;
	v30 =	vld.idx.msk [tilespmem:v38+s1+$0x0], $0xffff  }
0x481: {  	v28 =	vld.idx.msk [tilespmem:v29+s1+$0x0], $0xffff;
	[tilespmem:s20+$0x5020] =	vst v31  }
0x482: {  	v31 =	vadd.s32 v12, v20;
	v29 =	vld.idx.msk [tilespmem:v39+s1+$0x0], $0xffff;
	[tilespmem:s15+$0x5060] =	vst v33  }
0x483: {  	_ =	sdelay $0x3  }
0x484: {  	v21 =	vadd.s32 v13, v19;
	v54 =	vld.idx.msk [tilespmem:v32+s1+$0x0], $0xffff;
	[tilespmem:s19+$0x5020] =	vst v30  }
0x485: {  	v33 =	vadd.s32 v13, v17;
	v30 =	vld.idx.msk [tilespmem:v31+s1+$0x0], $0xffff  }
0x486: {  	v55 =	vadd.s32 v13, v20  }
0x487: {  	[tilespmem:s8+$0x5030] =	vst v28  }
0x488: {  	[tilespmem:s20+$0x5030] =	vst v29;
	v23 =	vld.idx.msk [tilespmem:v23+s1+$0x0], $0xffff  }
0x489: {  	v57 =	vadd.s32 v14, v18;
	v21 =	vld.idx.msk [tilespmem:v21+s1+$0x0], $0xffff;
	[tilespmem:s7+$0xFFFFFFC0] =	vst v54  }
0x48a: {  	v56 =	vadd.s32 v14, v19;
	v31 =	vld.idx.msk [tilespmem:v33+s1+$0x0], $0xffff;
	[tilespmem:s19+$0x5030] =	vst v30  }
0x48b: {  	v59 =	vadd.s32 v14, v17;
	v30 =	vld.idx.msk [tilespmem:v55+s1+$0x0], $0xffff  }
0x48c: {  	v58 =	vadd.s32 v14, v20  }
0x48d: {  	[tilespmem:s8+$0x5040] =	vst v23  }
0x48e: {  	[tilespmem:s20+$0x5040] =	vst v21;
	v23 =	vld.idx.msk [tilespmem:v57+s1+$0x0], $0xffff  }
0x48f: {  	v61 =	vadd.s32 v15, v18;
	v21 =	vld.idx.msk [tilespmem:v56+s1+$0x0], $0xffff;
	[tilespmem:s7+$0xFFFFFFD0] =	vst v31  }
0x490: {  	v60 =	vadd.s32 v15, v19;
	v31 =	vld.idx.msk [tilespmem:v59+s1+$0x0], $0xffff;
	[tilespmem:s19+$0x5040] =	vst v30  }
0x491: {  	[tilespmem:s6+$0xFFFFFFF0] =	vst v27;
	v27 =	vadd.s32 v15, v17;
	v30 =	vld.idx.msk [tilespmem:v58+s1+$0x0], $0xffff  }
0x492: {  	v62 =	vadd.s32 v15, v20;
	[tilespmem:s5+$0x5070] =	vst v26  }
0x493: {  	[tilespmem:s8+$0x5050] =	vst v23  }
0x494: {  	[tilespmem:s20+$0x5050] =	vst v21;
	v23 =	vld.idx.msk [tilespmem:v61+s1+$0x0], $0xffff  }
0x495: {  	v18 =	vadd.s32 v16, v18;
	v21 =	vld.idx.msk [tilespmem:v60+s1+$0x0], $0xffff;
	[tilespmem:s7+$0xFFFFFFE0] =	vst v31  }
0x496: {  	v19 =	vadd.s32 v16, v19;
	v26 =	vld.idx.msk [tilespmem:v27+s1+$0x0], $0xffff;
	[tilespmem:s19+$0x5050] =	vst v30  }
0x497: {  	v17 =	vadd.s32 v16, v17;
	v63 =	vld.idx.msk [tilespmem:v62+s1+$0x0], $0xffff  }
0x498: {  	v20 =	vadd.s32 v16, v20;
	v22 =	vld.idx.msk [tilespmem:v22+s1+$0x0], $0xffff;
	[tilespmem:s12+$0x5070] =	vst v24  }
0x499: {  	v24 =	vld.idx.msk [tilespmem:v25+s1+$0x0], $0xffff;
	[tilespmem:s8+$0x5060] =	vst v23  }
0x49a: {  	[tilespmem:s20+$0x5060] =	vst v21;
	v18 =	vld.idx.msk [tilespmem:v18+s1+$0x0], $0xffff  }
0x49b: {  	v19 =	vld.idx.msk [tilespmem:v19+s1+$0x0], $0xffff;
	[tilespmem:s7+$0xFFFFFFF0] =	vst v26  }
0x49c: {  	v17 =	vld.idx.msk [tilespmem:v17+s1+$0x0], $0xffff;
	[tilespmem:s19+$0x5060] =	vst v63  }
0x49d: {  	[tilespmem:s15+$0x5070] =	vst v22;
	v20 =	vld.idx.msk [tilespmem:v20+s1+$0x0], $0xffff  }
0x49e: {  	[tilespmem:s6+$0x0] =	vst v24  }
0x49f: {  	[tilespmem:s8+$0x5070] =	vst v18  }
0x4a0: {  	[tilespmem:s20+$0x5070] =	vst v19  }
0x4a1: {  	[tilespmem:s7+$0x0] =	vst v17  }
0x4a2: {  	s0 =	sadd.s32 @!p1 $0x2A80, s13;
	s5 =	simm.s32 @!p1 $0x80;
	s6 =	simm.s32 @!p1 $0xA980;
	[tilespmem:s19+$0x5070] =	vst v20  }
0x4a3: {  	[tilespmem:s6], [sflag:$0x2] =	stream.indirect.gather @!p1 [hbm4b:s4+s5], $0x20, s0, s5, $0xb8;
	[tilespmem:$0x1B180] =	vst v63  }
0x4a4: {  	s24 =	sshll.u32 s3, $0x11;
	s0 =	sadd.s32 @!p1 $0x2B00, s13;
	s6 =	simm.s32 @!p1 $0xB980  }
0x4a5: {  	[tilespmem:s6], [sflag:$0x2] =	stream.indirect.gather @!p1 [hbm4b:s4+s5], $0x20, s0, s5, $0xb8;
	[tilespmem:$0x1B180] =	vst v63  }
0x4a6: {  	s0 =	sor.u32 s14, s24  }
0x4a7: {  	s0 =	sshrl.u32 s0, $0x3  }
0x4a8: {  	s26 =	simm.s32 $0x17180;
	s0 =	sadd.s32 s2, s0  }
0x4a9: {  	[hbm4b:s0+s22] =	stream.strided.scatter [tilespmem:s26], [sflag:$0x7], $0x2000, s23, s22, $0x38;
	[tilespmem:$0x1B180] =	vst v63  }
0x4aa: {  	_ =	swait.ge [sflag:s30], $0x2000  }
0x4ab: {  	s29 =	sshll.u32 s10, $0x5;
	[sflag:s30] =	ssyncset.done $0x0  }
0x4ac: {  	s0 =	sand.u32 $0x3FFFFFE0, s29;
	[sflag:s30] =	ssyncadd.s32 $0xFFFFE000  }
0x4ad: {  	s31 =	simm.s32 $0xE9F0;
	v18 =	vld [tilespmem:s0+$0x0]  }
0x4ae: {  	v19 =	vld [tilespmem:s31+$0xFFFFFFF0];
	_ =	sdelay $0x2  }
0x4af: {  	v17 =	vld [tilespmem:s0+$0x10]  }
0x4b0: {  	v20 =	vld [tilespmem:s31+$0xFFFFFF90]  }
0x4b1: {  	v21 =	vld [tilespmem:s31+$0xFFFFFFB0];
	v19 =	vadd.f32 v19, v18  }
0x4b2: {  	s3 =	simm.s32 $0x109D0;
	s5 =	simm.s32 $0xEA70;
	v22 =	vld [tilespmem:s31+$0xFFFFFFD0]  }
0x4b3: {  	[tilespmem:s3+$0x28] =	vst v19;
	v19 =	vld [tilespmem:s5+$0xFFFFFFF0]  }
0x4b4: {  	v23 =	vld [tilespmem:s31+$0x0]  }
0x4b5: {  	v25 =	vld [tilespmem:s5+$0xFFFFFFB0];
	v20 =	vadd.f32 v20, v18  }
0x4b6: {  	v24 =	vadd.f32 v21, v18;
	v21 =	vld [tilespmem:s5+$0xFFFFFFD0]  }
0x4b7: {  	v26 =	vadd.f32 v22, v18;
	v22 =	vld [tilespmem:s5+$0xFFFFFF90];
	[tilespmem:s3+$0xFFFFFFB0] =	vst v20  }
0x4b8: {  	[tilespmem:s3+$0xFFFFFFD8] =	vst v24;
	v20 =	vld [tilespmem:s31+$0xFFFFFFA0];
	v27 =	vadd.f32 v19, v18  }
0x4b9: {  	s6 =	simm.s32 $0x10A70;
	[tilespmem:s3+$0x0] =	vst v26;
	v19 =	vld [tilespmem:s31+$0xFFFFFFC0];
	v24 =	vadd.f32 v23, v17  }
0x4ba: {  	s8 =	simm.s32 $0xEAF0;
	s7 =	simm.s32 $0x4;
	v25 =	vadd.f32 v25, v18;
	v23 =	vld [tilespmem:s31+$0xFFFFFFE0];
	[tilespmem:s6+$0x28] =	vst v27  }
.LBB2_43:
0x4bb: {  	v26 =	vld [tilespmem:s8+$0xFFFFFFF0];
	v21 =	vadd.f32 v21, v18;
	[tilespmem:s3+$0x38] =	vst v24  }
0x4bc: {  	s7 =	sadd.s32 $0x4, s7;
	v22 =	vadd.f32 v22, v18;
	[tilespmem:s6+$0xFFFFFFD8] =	vst v25;
	v24 =	vld [tilespmem:s5+$0x0]  }
0x4bd: {  	p2 =	slt.u32 s7, $0x7C;
	v25 =	vld [tilespmem:s8+$0xFFFFFFB0];
	[tilespmem:s6+$0x0] =	vst v21;
	v20 =	vadd.f32 v20, v17  }
.Ltmp20:
0x4be: {  	v21 =	vld [tilespmem:s8+$0xFFFFFFD0];
	[tilespmem:s6+$0xFFFFFFB0] =	vst v22;
	v19 =	vadd.f32 v19, v17;
	(pc) =	sbr.rel @p2 .LBB2_43-.Ltmp20, $4  }
0x4bf: {  	v22 =	vld [tilespmem:s8+$0xFFFFFF90];
	[tilespmem:s3+$0xFFFFFFC0] =	vst v20;
	v23 =	vadd.f32 v23, v17  }
0x4c0: {  	v26 =	vadd.f32 v26, v18;
	v20 =	vld [tilespmem:s5+$0xFFFFFFA0];
	[tilespmem:s3+$0xFFFFFFE8] =	vst v19  }
0x4c1: {  	v19 =	vld [tilespmem:s5+$0xFFFFFFC0];
	v24 =	vadd.f32 v24, v17;
	[tilespmem:s3+$0x10] =	vst v23;
	s3 =	smov.u32 s6;
	s6 =	sadd.s32 $0xA0, s6  }
0x4c2: {  	v25 =	vadd.f32 v25, v18;
	[tilespmem:s6+$0x28] =	vst v26;
	v23 =	vld [tilespmem:s5+$0xFFFFFFE0];
	s5 =	smov.u32 s8;
	s8 =	sadd.s32 $0x80, s8  }
0x4c3: {  	_ = 	snop  }
0x4c4: {  	v22 =	vadd.f32 v22, v18  }
0x4c5: {  	v18 =	vadd.f32 v21, v18;
	v21 =	vld [tilespmem:s5+$0x0];
	[tilespmem:s6+$0xFFFFFFD8] =	vst v25  }
0x4c6: {  	[tilespmem:s6+$0xFFFFFFB0] =	vst v22  }
0x4c7: {  	[tilespmem:s6+$0x0] =	vst v18;
	v18 =	vadd.f32 v20, v17;
	v20 =	vld [tilespmem:s5+$0xFFFFFFC0]  }
0x4c8: {  	v19 =	vadd.f32 v19, v17;
	v22 =	vld [tilespmem:s5+$0xFFFFFFA0]  }
0x4c9: {  	[tilespmem:s3+$0x38] =	vst v24;
	v24 =	vld [tilespmem:s5+$0xFFFFFFE0]  }
0x4ca: {  	[tilespmem:s3+$0xFFFFFFE8] =	vst v19;
	v19 =	vadd.f32 v21, v17  }
0x4cb: {  	[tilespmem:s3+$0xFFFFFFC0] =	vst v18;
	v18 =	vadd.f32 v23, v17  }
0x4cc: {  	[tilespmem:s6+$0x38] =	vst v19;
	v19 =	vadd.f32 v20, v17  }
0x4cd: {  	[tilespmem:s3+$0x10] =	vst v18;
	v18 =	vadd.f32 v22, v17  }
0x4ce: {  	v17 =	vadd.f32 v24, v17;
	[tilespmem:s6+$0xFFFFFFE8] =	vst v19  }
0x4cf: {  	s0 =	sshll.u32 s11, $0x5;
	[tilespmem:s6+$0xFFFFFFC0] =	vst v18  }
0x4d0: {  	s0 =	sand.u32 $0x3FFFFFE0, s0;
	[tilespmem:s6+$0x10] =	vst v17  }
0x4d1: {  	s31 =	simm.s32 $0xF980;
	v18 =	vld [tilespmem:s0+$0x0]  }
0x4d2: {  	v19 =	vld [tilespmem:s31+$0x60];
	_ =	sdelay $0x2  }
0x4d3: {  	v17 =	vld [tilespmem:s0+$0x10]  }
0x4d4: {  	v20 =	vld [tilespmem:s31+$0x0]  }
0x4d5: {  	v21 =	vld [tilespmem:s31+$0x20];
	v19 =	vadd.f32 v19, v18  }
0x4d6: {  	s3 =	simm.s32 $0x11E08;
	s6 =	simm.s32 $0xFA00;
	v22 =	vld [tilespmem:s31+$0x40]  }
0x4d7: {  	[tilespmem:s3+$0xFFFFFFF0] =	vst v19;
	v19 =	vld [tilespmem:s6+$0x60]  }
0x4d8: {  	v23 =	vld [tilespmem:s31+$0x70]  }
0x4d9: {  	v25 =	vld [tilespmem:s6+$0x20];
	v20 =	vadd.f32 v20, v18  }
0x4da: {  	v24 =	vadd.f32 v21, v18;
	v21 =	vld [tilespmem:s6+$0x40]  }
0x4db: {  	v26 =	vadd.f32 v22, v18;
	v22 =	vld [tilespmem:s6+$0x0];
	[tilespmem:s3+$0xFFFFFF78] =	vst v20  }
0x4dc: {  	[tilespmem:s3+$0xFFFFFFA0] =	vst v24;
	v20 =	vld [tilespmem:s31+$0x10];
	v27 =	vadd.f32 v19, v18  }
0x4dd: {  	s5 =	simm.s32 $0x11EA8;
	[tilespmem:s3+$0xFFFFFFC8] =	vst v26;
	v19 =	vld [tilespmem:s31+$0x30];
	v24 =	vadd.f32 v23, v17  }
0x4de: {  	s7 =	simm.s32 $0x4;
	s8 =	simm.s32 $0xFA80;
	v25 =	vadd.f32 v25, v18;
	v23 =	vld [tilespmem:s31+$0x50];
	[tilespmem:s5+$0xFFFFFFF0] =	vst v27  }
.LBB2_45:
0x4df: {  	v26 =	vld [tilespmem:s8+$0x60];
	v21 =	vadd.f32 v21, v18;
	[tilespmem:s3+$0x0] =	vst v24  }
0x4e0: {  	s7 =	sadd.s32 $0x4, s7;
	v22 =	vadd.f32 v22, v18;
	[tilespmem:s5+$0xFFFFFFA0] =	vst v25;
	v24 =	vld [tilespmem:s6+$0x70]  }
0x4e1: {  	p2 =	slt.u32 s7, $0x7C;
	v25 =	vld [tilespmem:s8+$0x20];
	[tilespmem:s5+$0xFFFFFFC8] =	vst v21;
	v20 =	vadd.f32 v20, v17  }
.Ltmp21:
0x4e2: {  	v21 =	vld [tilespmem:s8+$0x40];
	[tilespmem:s5+$0xFFFFFF78] =	vst v22;
	v19 =	vadd.f32 v19, v17;
	(pc) =	sbr.rel @p2 .LBB2_45-.Ltmp21, $4  }
0x4e3: {  	v22 =	vld [tilespmem:s8+$0x0];
	[tilespmem:s3+$0xFFFFFF88] =	vst v20;
	v23 =	vadd.f32 v23, v17  }
0x4e4: {  	v26 =	vadd.f32 v26, v18;
	v20 =	vld [tilespmem:s6+$0x10];
	[tilespmem:s3+$0xFFFFFFB0] =	vst v19  }
0x4e5: {  	v19 =	vld [tilespmem:s6+$0x30];
	v24 =	vadd.f32 v24, v17;
	[tilespmem:s3+$0xFFFFFFD8] =	vst v23;
	s3 =	smov.u32 s5;
	s5 =	sadd.s32 $0xA0, s5  }
0x4e6: {  	v25 =	vadd.f32 v25, v18;
	[tilespmem:s5+$0xFFFFFFF0] =	vst v26;
	v23 =	vld [tilespmem:s6+$0x50];
	s6 =	smov.u32 s8;
	s8 =	sadd.s32 $0x80, s8  }
0x4e7: {  	_ = 	snop  }
0x4e8: {  	v22 =	vadd.f32 v22, v18;
	_ =	sdelay $0x1  }
0x4e9: {  	v18 =	vadd.f32 v21, v18;
	v21 =	vld [tilespmem:s6+$0x70];
	[tilespmem:s5+$0xFFFFFF78] =	vst v22  }
0x4ea: {  	[tilespmem:s5+$0xFFFFFFA0] =	vst v25;
	v22 =	vld [tilespmem:s6+$0x10]  }
0x4eb: {  	[tilespmem:s5+$0xFFFFFFC8] =	vst v18;
	v18 =	vadd.f32 v20, v17;
	v20 =	vld [tilespmem:s6+$0x30]  }
0x4ec: {  	[tilespmem:s3+$0x0] =	vst v24;
	v19 =	vadd.f32 v19, v17;
	v24 =	vld [tilespmem:s6+$0x50]  }
0x4ed: {  	[tilespmem:s3+$0xFFFFFF88] =	vst v18;
	v18 =	vadd.f32 v23, v17  }
0x4ee: {  	[tilespmem:s3+$0xFFFFFFB0] =	vst v19;
	v19 =	vadd.f32 v21, v17  }
0x4ef: {  	s0 =	simm.s32 $0x1;
	[tilespmem:s3+$0xFFFFFFD8] =	vst v18;
	v18 =	vadd.f32 v22, v17  }
0x4f0: {  	s11 =	simm.s32 $0x2;
	[tilespmem:s5+$0x0] =	vst v19;
	v19 =	vadd.f32 v20, v17;
	v20 =	vmov s0  }
0x4f1: {  	v17 =	vadd.f32 v24, v17;
	v23 =	vand.u32 $0x1D, v20;
	[tilespmem:s5+$0xFFFFFF88] =	vst v18;
	v18 =	vmov s11  }
0x4f2: {  	[tilespmem:s5+$0xFFFFFFB0] =	vst v19;
	v19 =	vadd.s32 v0, v23;
	v24 =	vand.u32 $0x1E, v18  }
0x4f3: {  	s12 =	simm.s32 $0x0;
	s0 =	simm.s32 @!p0 $0x8;
	[tilespmem:s5+$0xFFFFFFD8] =	vst v17;
	v17 =	vadd.s32 v0, v24  }
0x4f4: {  	s15 =	simm.s32 $0x3;
	_ =	swait.ge @!p0 [sflag:s0], $0x2000;
	v18 =	vmov s12  }
0x4f5: {  	[sflag:s0] =	ssyncset.done @!p0 $0x0;
	v21 =	vand.u32 $0x1C, v18;
	v18 =	vmov s15  }
0x4f6: {  	[sflag:s0] =	ssyncadd.s32 @!p0 $0xFFFFE000;
	v20 =	vadd.s32 v0, v21;
	v22 =	vand.u32 $0x1F, v18  }
0x4f7: {  	v18 =	vadd.s32 v0, v22;
	v19 =	vld.idx.msk [tilespmem:v19+s1+$0x0], $0xffff  }
0x4f8: {  	s16 =	simm.s32 $0x0;
	v25 =	vadd.s32 v2, v23;
	v17 =	vld.idx.msk [tilespmem:v17+s1+$0x0], $0xffff  }
0x4f9: {  	s18 =	simm.s32 $0x80;
	v26 =	vadd.s32 v2, v24;
	s0 =	sand.u32 $0xC00, s16  }
0x4fa: {  	s19 =	simm.s32 $0x100;
	s3 =	sand.u32 $0x280, s18;
	s0 =	sor.u32 $0x13180, s0  }
0x4fb: {  	s5 =	sand.u32 $0x300, s19;
	s3 =	sadd.s32 s3, s0;
	v20 =	vld.idx.msk [tilespmem:v20+s1+$0x0], $0xffff  }
0x4fc: {  	v27 =	vadd.s32 v2, v21;
	s5 =	sadd.s32 s5, s0;
	v18 =	vld.idx.msk [tilespmem:v18+s1+$0x0], $0xffff;
	[tilespmem:s3+$0x6000] =	vst v19  }
0x4fd: {  	v19 =	vadd.s32 v2, v22;
	[tilespmem:s5+$0x6000] =	vst v17;
	v17 =	vld.idx.msk [tilespmem:v25+s1+$0x0], $0xffff  }
0x4fe: {  	s7 =	simm.s32 $0x180;
	v25 =	vld.idx.msk [tilespmem:v26+s1+$0x0], $0xffff;
	v26 =	vadd.s32 v3, v23  }
0x4ff: {  	s7 =	sand.u32 $0x380, s7;
	s6 =	simm.s32 $0x191F0;
	v28 =	vadd.s32 v3, v24  }
0x500: {  	s11 =	sadd.s32 s7, s0;
	[tilespmem:s6+$0xFFFFFF90] =	vst v20  }
0x501: {  	v20 =	vld.idx.msk [tilespmem:v27+s1+$0x0], $0xffff;
	[tilespmem:s11+$0x6000] =	vst v18  }
0x502: {  	v18 =	vadd.s32 v3, v21;
	v19 =	vld.idx.msk [tilespmem:v19+s1+$0x0], $0xffff;
	[tilespmem:s3+$0x6010] =	vst v17  }
0x503: {  	v17 =	vld.idx.msk [tilespmem:v26+s1+$0x0], $0xffff;
	[tilespmem:s5+$0x6010] =	vst v25;
	v25 =	vadd.s32 v3, v22  }
0x504: {  	v27 =	vadd.s32 v4, v23;
	v26 =	vld.idx.msk [tilespmem:v28+s1+$0x0], $0xffff  }
0x505: {  	v28 =	vadd.s32 v4, v24  }
0x506: {  	[tilespmem:s6+$0xFFFFFFA0] =	vst v20  }
0x507: {  	v18 =	vld.idx.msk [tilespmem:v18+s1+$0x0], $0xffff;
	[tilespmem:s11+$0x6010] =	vst v19  }
0x508: {  	v19 =	vadd.s32 v4, v21;
	[tilespmem:s3+$0x6020] =	vst v17;
	v20 =	vld.idx.msk [tilespmem:v25+s1+$0x0], $0xffff  }
0x509: {  	s20 =	simm.s32 $0x4;
	v25 =	vld.idx.msk [tilespmem:v27+s1+$0x0], $0xffff;
	[tilespmem:s5+$0x6020] =	vst v26;
	v26 =	vadd.s32 v4, v22  }
0x50a: {  	s21 =	simm.s32 $0x5;
	v17 =	vmov s20;
	v27 =	vadd.s32 v5, v23;
	v28 =	vld.idx.msk [tilespmem:v28+s1+$0x0], $0xffff  }
0x50b: {  	v29 =	vmov s21;
	v30 =	vadd.s32 v5, v24;
	v17 =	vand.u32 $0x1C, v17  }
0x50c: {  	s24 =	simm.s32 $0x6;
	[tilespmem:s6+$0xFFFFFFB0] =	vst v18;
	v31 =	vadd.s32 v0, v17;
	v18 =	vand.u32 $0x1D, v29  }
0x50d: {  	v29 =	vmov s24;
	v32 =	vld.idx.msk [tilespmem:v19+s1+$0x0], $0xffff;
	v33 =	vadd.s32 v0, v18;
	[tilespmem:s11+$0x6020] =	vst v20  }
0x50e: {  	v34 =	vadd.s32 v5, v21;
	v19 =	vand.u32 $0x1E, v29;
	[tilespmem:s3+$0x6030] =	vst v25;
	v25 =	vld.idx.msk [tilespmem:v26+s1+$0x0], $0xffff  }
0x50f: {  	s26 =	simm.s32 $0x7;
	v26 =	vadd.s32 v0, v19;
	v27 =	vld.idx.msk [tilespmem:v27+s1+$0x0], $0xffff;
	[tilespmem:s5+$0x6030] =	vst v28  }
0x510: {  	v29 =	vadd.s32 v5, v22;
	v20 =	vmov s26;
	v28 =	vld.idx.msk [tilespmem:v30+s1+$0x0], $0xffff  }
0x511: {  	v20 =	vand.u32 $0x1F, v20;
	v30 =	vld.idx.msk [tilespmem:v31+s1+$0x0], $0xffff;
	v31 =	vadd.s32 v6, v23  }
0x512: {  	v35 =	vadd.s32 v0, v20;
	v33 =	vld.idx.msk [tilespmem:v33+s1+$0x0], $0xffff;
	[tilespmem:s6+$0xFFFFFFC0] =	vst v32  }
0x513: {  	v55 =	vadd.s32 v6, v24;
	v32 =	vld.idx.msk [tilespmem:v34+s1+$0x0], $0xffff  }
0x514: {  	s29 =	simm.s32 $0x200;
	v36 =	vadd.s32 v2, v17;
	v26 =	vld.idx.msk [tilespmem:v26+s1+$0x0], $0xffff;
	[tilespmem:s11+$0x6030] =	vst v25  }
0x515: {  	s31 =	simm.s32 $0x280;
	s0 =	sand.u32 $0xC00, s29;
	v25 =	vadd.s32 v6, v21;
	[tilespmem:s3+$0x6040] =	vst v27;
	v27 =	vld.idx.msk [tilespmem:v29+s1+$0x0], $0xffff  }
0x516: {  	s8 =	sand.u32 $0x280, s31;
	s7 =	simm.s32 $0x193F0;
	s0 =	sor.u32 $0x13180, s0;
	v29 =	vadd.s32 v2, v18;
	v31 =	vld.idx.msk [tilespmem:v31+s1+$0x0], $0xffff;
	[tilespmem:s5+$0x6040] =	vst v28  }
0x517: {  	s12 =	simm.s32 $0x300;
	s8 =	sadd.s32 s8, s0;
	[tilespmem:s7+$0xFFFFFF90] =	vst v30;
	v28 =	vadd.s32 v2, v19;
	v30 =	vld.idx.msk [tilespmem:v35+s1+$0x0], $0xffff  }
0x518: {  	s12 =	sand.u32 $0x300, s12;
	v57 =	vadd.s32 v6, v22;
	[tilespmem:s8+$0x6000] =	vst v33;
	v56 =	vld.idx.msk [tilespmem:v55+s1+$0x0], $0xffff  }
0x519: {  	v59 =	vadd.s32 v7, v23;
	s19 =	sadd.s32 s12, s0;
	v58 =	vld.idx.msk [tilespmem:v36+s1+$0x0], $0xffff;
	[tilespmem:s6+$0xFFFFFFD0] =	vst v32  }
0x51a: {  	s12 =	simm.s32 $0x380;
	v60 =	vadd.s32 v2, v20;
	[tilespmem:s19+$0x6000] =	vst v26;
	v25 =	vld.idx.msk [tilespmem:v25+s1+$0x0], $0xffff  }
0x51b: {  	s15 =	sand.u32 $0x380, s12;
	v26 =	vadd.s32 v7, v24;
	v29 =	vld.idx.msk [tilespmem:v29+s1+$0x0], $0xffff;
	[tilespmem:s11+$0x6040] =	vst v27  }
0x51c: {  	s16 =	sadd.s32 s15, s0;
	v27 =	vadd.s32 v3, v17;
	v28 =	vld.idx.msk [tilespmem:v28+s1+$0x0], $0xffff;
	[tilespmem:s3+$0x6050] =	vst v31  }
0x51d: {  	v63 =	vadd.s32 v7, v21;
	[tilespmem:s16+$0x6000] =	vst v30;
	v30 =	vld.idx.msk [tilespmem:v57+s1+$0x0], $0xffff  }
0x51e: {  	v31 =	vadd.s32 v3, v18;
	v32 =	vld.idx.msk [tilespmem:v59+s1+$0x0], $0xffff;
	[tilespmem:s5+$0x6050] =	vst v56  }
0x51f: {  	v61 =	vadd.s32 v3, v19;
	[tilespmem:s7+$0xFFFFFFA0] =	vst v58;
	v36 =	vld.idx.msk [tilespmem:v60+s1+$0x0], $0xffff  }
0x520: {  	v62 =	vadd.s32 v7, v22;
	v26 =	vld.idx.msk [tilespmem:v26+s1+$0x0], $0xffff;
	[tilespmem:s6+$0xFFFFFFE0] =	vst v25  }
0x521: {  	v38 =	vadd.s32 v3, v20;
	v25 =	vld.idx.msk [tilespmem:v27+s1+$0x0], $0xffff;
	[tilespmem:s8+$0x6010] =	vst v29  }
0x522: {  	v27 =	vadd.s32 v8, v24;
	v34 =	vld.idx.msk [tilespmem:v63+s1+$0x0], $0xffff;
	[tilespmem:s19+$0x6010] =	vst v28  }
0x523: {  	v37 =	vld.idx.msk [tilespmem:v31+s1+$0x0], $0xffff;
	v28 =	vadd.s32 v8, v23;
	[tilespmem:s11+$0x6050] =	vst v30  }
0x524: {  	v30 =	vadd.s32 v4, v18;
	v39 =	vld.idx.msk [tilespmem:v61+s1+$0x0], $0xffff;
	[tilespmem:s3+$0x6060] =	vst v32  }
0x525: {  	v42 =	vadd.s32 v4, v19;
	v41 =	vld.idx.msk [tilespmem:v62+s1+$0x0], $0xffff;
	[tilespmem:s16+$0x6010] =	vst v36  }
0x526: {  	v38 =	vld.idx.msk [tilespmem:v38+s1+$0x0], $0xffff;
	[tilespmem:s5+$0x6060] =	vst v26  }
0x527: {  	v35 =	vadd.s32 v8, v22;
	v33 =	vld.idx.msk [tilespmem:v27+s1+$0x0], $0xffff;
	[tilespmem:s7+$0xFFFFFFB0] =	vst v25  }
0x528: {  	v32 =	vadd.s32 v8, v21;
	v31 =	vld.idx.msk [tilespmem:v28+s1+$0x0], $0xffff;
	[tilespmem:s8+$0x6020] =	vst v37  }
0x529: {  	s21 =	smov.u32 s5;
	v40 =	vadd.s32 v4, v17;
	v29 =	vadd.s32 v5, v18;
	v26 =	vmov v19;
	v36 =	vld.idx.msk [tilespmem:v30+s1+$0x0], $0xffff;
	[tilespmem:s19+$0x6020] =	vst v39  }
0x52a: {  	s15 =	smov.u32 s11;
	s20 =	smov.u32 s3;
	s24 =	simm.s32 $0x8;
	v25 =	vmovc v17;
	v27 =	vmov v20;
	v28 =	vmov v18;
	v39 =	vadd.s32 v4, v20;
	[tilespmem:s11+$0x6060] =	vst v41;
	v37 =	vld.idx.msk [tilespmem:v42+s1+$0x0], $0xffff  }
.LBB2_47:
0x52b: {  	s0 =	sadd.s32 $0x1, s24  }
0x52c: {  	v30 =	vmov s24;
	p0 =	slt.u32 s24, $0x1C;
	v41 =	vadd.s32 v5, v25;
	[tilespmem:s6+$0xFFFFFFF0] =	vst v34;
	v34 =	vld.idx.msk [tilespmem:v35+s1+$0x0], $0xffff;
	s18 =	smov.u32 s24;
	s24 =	sadd.s32 $0x4, s24  }
0x52d: {  	v42 =	vadd.s32 v5, v26;
	v30 =	vand.u32 $0x1C, v30;
	v35 =	vmov s0;
	s0 =	sadd.s32 $0x2, s18;
	v32 =	vld.idx.msk [tilespmem:v32+s1+$0x0], $0xffff;
	[tilespmem:s21+$0x6070] =	vst v33;
	s21 =	smov.u32 s19  }
0x52e: {  	v33 =	vadd.s32 v0, v30;
	v35 =	vand.u32 $0x1D, v35;
	v43 =	vmov s0;
	s0 =	sadd.s32 $0x3, s18;
	v40 =	vld.idx.msk [tilespmem:v40+s1+$0x0], $0xffff;
	[tilespmem:s20+$0x6070] =	vst v31;
	s20 =	smov.u32 s8  }
0x52f: {  	v31 =	vadd.s32 v0, v35;
	v43 =	vand.u32 $0x1E, v43;
	v44 =	vmov s0;
	[tilespmem:s16+$0x6020] =	vst v38  }
0x530: {  	v38 =	vadd.s32 v5, v35;
	v45 =	vadd.s32 v0, v43;
	v44 =	vand.u32 $0x1F, v44;
	[tilespmem:s20+$0x6030] =	vst v36;
	v36 =	vld.idx.msk [tilespmem:v39+s1+$0x0], $0xffff  }
0x531: {  	v39 =	vadd.s32 v0, v44;
	v46 =	vld.idx.msk [tilespmem:v29+s1+$0x0], $0xffff;
	[tilespmem:s21+$0x6030] =	vst v37;
	v29 =	vmov v38  }
0x532: {  	v38 =	vadd.s32 v5, v27;
	v37 =	vld.idx.msk [tilespmem:v42+s1+$0x0], $0xffff;
	[tilespmem:s15+$0x6070] =	vst v34;
	s15 =	smov.u32 s16  }
0x533: {  	v34 =	vadd.s32 v6, v28;
	v33 =	vld.idx.msk [tilespmem:v33+s1+$0x0], $0xffff;
	[tilespmem:s6+$0x0] =	vst v32;
	s6 =	smov.u32 s7  }
0x534: {  	v31 =	vld.idx.msk [tilespmem:v31+s1+$0x0], $0xffff;
	[tilespmem:s7+$0xFFFFFFC0] =	vst v40  }
0x535: {  	s12 =	sadd.s32 $0x200, s12;
	v40 =	vadd.s32 v6, v26;
	v32 =	vld.idx.msk [tilespmem:v41+s1+$0x0], $0xffff  }
0x536: {  	s0 =	sadd.s32 $0xFFFFFE80, s12;
	v41 =	vadd.s32 v2, v30;
	v42 =	vld.idx.msk [tilespmem:v45+s1+$0x0], $0xffff;
	[tilespmem:s15+$0x6030] =	vst v36  }
0x537: {  	s8 =	sadd.s32 $0xFFFFFF00, s12;
	s0 =	sand.u32 $0xC00, s0;
	v36 =	vadd.s32 v6, v25;
	[tilespmem:s20+$0x6040] =	vst v46;
	v38 =	vld.idx.msk [tilespmem:v38+s1+$0x0], $0xffff  }
0x538: {  	s8 =	sand.u32 $0x280, s8;
	s0 =	sor.u32 $0x13180, s0;
	s7 =	sadd.s32 $0x200, s7;
	v45 =	vadd.s32 v2, v35;
	v34 =	vld.idx.msk [tilespmem:v34+s1+$0x0], $0xffff;
	[tilespmem:s21+$0x6040] =	vst v37  }
0x539: {  	s8 =	sadd.s32 s8, s0;
	s16 =	sadd.s32 $0xFFFFFF80, s12;
	[tilespmem:s7+$0xFFFFFF90] =	vst v33;
	v33 =	vadd.s32 v2, v43;
	v37 =	vld.idx.msk [tilespmem:v39+s1+$0x0], $0xffff  }
0x53a: {  	s16 =	sand.u32 $0x300, s16;
	v39 =	vadd.s32 v6, v27;
	[tilespmem:s8+$0x6000] =	vst v31;
	v31 =	vld.idx.msk [tilespmem:v40+s1+$0x0], $0xffff  }
0x53b: {  	s19 =	sadd.s32 s16, s0;
	v40 =	vld.idx.msk [tilespmem:v41+s1+$0x0], $0xffff;
	[tilespmem:s6+$0xFFFFFFD0] =	vst v32;
	v32 =	vadd.s32 v7, v28  }
0x53c: {  	v41 =	vadd.s32 v7, v26;
	[tilespmem:s19+$0x6000] =	vst v42;
	v36 =	vld.idx.msk [tilespmem:v36+s1+$0x0], $0xffff  }
0x53d: {  	s16 =	sand.u32 $0x380, s12;
	v42 =	vld.idx.msk [tilespmem:v45+s1+$0x0], $0xffff;
	v45 =	vadd.s32 v2, v44;
	[tilespmem:s15+$0x6040] =	vst v38  }
0x53e: {  	s16 =	sadd.s32 s16, s0;
	v38 =	vadd.s32 v3, v30;
	v33 =	vld.idx.msk [tilespmem:v33+s1+$0x0], $0xffff;
	[tilespmem:s20+$0x6050] =	vst v34  }
0x53f: {  	v34 =	vadd.s32 v3, v35;
	[tilespmem:s16+$0x6000] =	vst v37;
	v37 =	vld.idx.msk [tilespmem:v39+s1+$0x0], $0xffff  }
0x540: {  	v39 =	vadd.s32 v3, v43;
	v32 =	vld.idx.msk [tilespmem:v32+s1+$0x0], $0xffff;
	[tilespmem:s21+$0x6050] =	vst v31  }
0x541: {  	v31 =	vadd.s32 v7, v25;
	[tilespmem:s7+$0xFFFFFFA0] =	vst v40;
	v40 =	vld.idx.msk [tilespmem:v41+s1+$0x0], $0xffff;
	v41 =	vadd.s32 v7, v27  }
0x542: {  	v45 =	vld.idx.msk [tilespmem:v45+s1+$0x0], $0xffff;
	[tilespmem:s6+$0xFFFFFFE0] =	vst v36  }
0x543: {  	v36 =	vld.idx.msk [tilespmem:v38+s1+$0x0], $0xffff;
	[tilespmem:s8+$0x6010] =	vst v42;
	v38 =	vadd.s32 v8, v26;
	v26 =	vmov v43  }
0x544: {  	v43 =	vadd.s32 v8, v28;
	v28 =	vmov v35;
	v42 =	vld.idx.msk [tilespmem:v34+s1+$0x0], $0xffff;
	[tilespmem:s19+$0x6010] =	vst v33  }
0x545: {  	v46 =	vadd.s32 v3, v44;
	v39 =	vld.idx.msk [tilespmem:v39+s1+$0x0], $0xffff;
	[tilespmem:s15+$0x6050] =	vst v37  }
0x546: {  	v37 =	vadd.s32 v4, v28;
	[tilespmem:s20+$0x6060] =	vst v32;
	v41 =	vld.idx.msk [tilespmem:v41+s1+$0x0], $0xffff  }
0x547: {  	v47 =	vadd.s32 v4, v26;
	v34 =	vld.idx.msk [tilespmem:v31+s1+$0x0], $0xffff;
	[tilespmem:s21+$0x6060] =	vst v40  }
.Ltmp22:
0x548: {  	v35 =	vadd.s32 v8, v27;
	v32 =	vadd.s32 v8, v25;
	v25 =	vmov v30;
	[tilespmem:s16+$0x6010] =	vst v45;
	v33 =	vld.idx.msk [tilespmem:v38+s1+$0x0], $0xffff;
	(pc) =	sbr.rel @p0 .LBB2_47-.Ltmp22, $4  }
0x549: {  	v27 =	vmov v44;
	[tilespmem:s7+$0xFFFFFFB0] =	vst v36;
	v31 =	vld.idx.msk [tilespmem:v43+s1+$0x0], $0xffff  }
0x54a: {  	v40 =	vadd.s32 v4, v25;
	[tilespmem:s8+$0x6020] =	vst v42;
	v38 =	vld.idx.msk [tilespmem:v46+s1+$0x0], $0xffff  }
0x54b: {  	v36 =	vld.idx.msk [tilespmem:v37+s1+$0x0], $0xffff;
	[tilespmem:s19+$0x6020] =	vst v39  }
0x54c: {  	v39 =	vadd.s32 v4, v27;
	v37 =	vld.idx.msk [tilespmem:v47+s1+$0x0], $0xffff;
	[tilespmem:s15+$0x6060] =	vst v41  }
0x54d: {  	_ =	sdelay $0x2  }
0x54e: {  	v30 =	vadd.s32 v5, v26  }
0x54f: {  	v55 =	vld.idx.msk [tilespmem:v40+s1+$0x0], $0xffff;
	[tilespmem:s16+$0x6020] =	vst v38  }
0x550: {  	v41 =	vadd.s32 v5, v25;
	v38 =	vld.idx.msk [tilespmem:v39+s1+$0x0], $0xffff  }
0x551: {  	v56 =	vadd.s32 v5, v27  }
0x552: {  	[tilespmem:s19+$0x6030] =	vst v37  }
0x553: {  	[tilespmem:s8+$0x6030] =	vst v36;
	v30 =	vld.idx.msk [tilespmem:v30+s1+$0x0], $0xffff  }
0x554: {  	v57 =	vadd.s32 v6, v26;
	v29 =	vld.idx.msk [tilespmem:v29+s1+$0x0], $0xffff;
	[tilespmem:s7+$0xFFFFFFC0] =	vst v55  }
0x555: {  	v58 =	vadd.s32 v6, v28;
	v39 =	vld.idx.msk [tilespmem:v41+s1+$0x0], $0xffff;
	[tilespmem:s16+$0x6030] =	vst v38  }
0x556: {  	v60 =	vadd.s32 v6, v25;
	v38 =	vld.idx.msk [tilespmem:v56+s1+$0x0], $0xffff  }
0x557: {  	v59 =	vadd.s32 v6, v27  }
0x558: {  	[tilespmem:s19+$0x6040] =	vst v30  }
0x559: {  	[tilespmem:s8+$0x6040] =	vst v29;
	v29 =	vld.idx.msk [tilespmem:v57+s1+$0x0], $0xffff  }
0x55a: {  	v61 =	vadd.s32 v7, v26;
	v30 =	vld.idx.msk [tilespmem:v58+s1+$0x0], $0xffff;
	[tilespmem:s7+$0xFFFFFFD0] =	vst v39  }
0x55b: {  	v62 =	vadd.s32 v7, v28;
	v39 =	vld.idx.msk [tilespmem:v60+s1+$0x0], $0xffff;
	[tilespmem:s16+$0x6040] =	vst v38  }
0x55c: {  	v42 =	vadd.s32 v7, v25;
	v38 =	vld.idx.msk [tilespmem:v59+s1+$0x0], $0xffff  }
0x55d: {  	v63 =	vadd.s32 v7, v27;
	[tilespmem:s6+$0xFFFFFFF0] =	vst v34  }
0x55e: {  	[tilespmem:s19+$0x6050] =	vst v29  }
0x55f: {  	[tilespmem:s8+$0x6050] =	vst v30;
	v29 =	vld.idx.msk [tilespmem:v61+s1+$0x0], $0xffff  }
0x560: {  	v26 =	vadd.s32 v8, v26;
	v30 =	vld.idx.msk [tilespmem:v62+s1+$0x0], $0xffff;
	[tilespmem:s7+$0xFFFFFFE0] =	vst v39  }
0x561: {  	v28 =	vadd.s32 v8, v28;
	v44 =	vld.idx.msk [tilespmem:v42+s1+$0x0], $0xffff;
	[tilespmem:s16+$0x6050] =	vst v38  }
0x562: {  	[tilespmem:s21+$0x6070] =	vst v33;
	v25 =	vadd.s32 v8, v25;
	v43 =	vld.idx.msk [tilespmem:v63+s1+$0x0], $0xffff  }
0x563: {  	v27 =	vadd.s32 v8, v27;
	v45 =	vld.idx.msk [tilespmem:v35+s1+$0x0], $0xffff;
	[tilespmem:s20+$0x6070] =	vst v31  }
0x564: {  	v31 =	vld.idx.msk [tilespmem:v32+s1+$0x0], $0xffff;
	[tilespmem:s19+$0x6060] =	vst v29  }
0x565: {  	[tilespmem:s8+$0x6060] =	vst v30;
	v26 =	vld.idx.msk [tilespmem:v26+s1+$0x0], $0xffff  }
0x566: {  	v28 =	vld.idx.msk [tilespmem:v28+s1+$0x0], $0xffff;
	[tilespmem:s7+$0xFFFFFFF0] =	vst v44  }
0x567: {  	v25 =	vld.idx.msk [tilespmem:v25+s1+$0x0], $0xffff;
	[tilespmem:s16+$0x6060] =	vst v43  }
0x568: {  	[tilespmem:s15+$0x6070] =	vst v45;
	v27 =	vld.idx.msk [tilespmem:v27+s1+$0x0], $0xffff  }
0x569: {  	[tilespmem:s6+$0x0] =	vst v31;
	v29 =	vadd.s32 v9, v23  }
0x56a: {  	[tilespmem:s19+$0x6070] =	vst v26;
	v26 =	vadd.s32 v9, v24  }
0x56b: {  	[tilespmem:s8+$0x6070] =	vst v28  }
0x56c: {  	[tilespmem:s7+$0x0] =	vst v25  }
0x56d: {  	v25 =	vadd.s32 v9, v21;
	[tilespmem:s16+$0x6070] =	vst v27  }
0x56e: {  	v27 =	vadd.s32 v9, v22;
	v28 =	vld.idx.msk [tilespmem:v29+s1+$0x0], $0xffff  }
0x56f: {  	v26 =	vld.idx.msk [tilespmem:v26+s1+$0x0], $0xffff;
	v29 =	vadd.s32 v10, v23  }
0x570: {  	v30 =	vadd.s32 v10, v24;
	_ =	sdelay $0x1  }
0x571: {  	v25 =	vld.idx.msk [tilespmem:v25+s1+$0x0], $0xffff  }
0x572: {  	v31 =	vadd.s32 v10, v21;
	v27 =	vld.idx.msk [tilespmem:v27+s1+$0x0], $0xffff;
	[tilespmem:s3+$0x7000] =	vst v28  }
0x573: {  	[tilespmem:s5+$0x7000] =	vst v26;
	v28 =	vadd.s32 v10, v22;
	v26 =	vld.idx.msk [tilespmem:v29+s1+$0x0], $0xffff  }
0x574: {  	v29 =	vld.idx.msk [tilespmem:v30+s1+$0x0], $0xffff;
	v30 =	vadd.s32 v11, v23  }
0x575: {  	v46 =	vadd.s32 v11, v24;
	s6 =	simm.s32 $0x1A1F0  }
0x576: {  	[tilespmem:s6+$0xFFFFFF90] =	vst v25  }
0x577: {  	v25 =	vld.idx.msk [tilespmem:v31+s1+$0x0], $0xffff;
	[tilespmem:s11+$0x7000] =	vst v27  }
0x578: {  	v27 =	vadd.s32 v11, v21;
	v28 =	vld.idx.msk [tilespmem:v28+s1+$0x0], $0xffff;
	[tilespmem:s3+$0x7010] =	vst v26  }
0x579: {  	[tilespmem:s5+$0x7010] =	vst v29;
	v29 =	vadd.s32 v11, v22;
	v26 =	vld.idx.msk [tilespmem:v30+s1+$0x0], $0xffff  }
0x57a: {  	v31 =	vadd.s32 v12, v23;
	v30 =	vld.idx.msk [tilespmem:v46+s1+$0x0], $0xffff  }
0x57b: {  	v47 =	vadd.s32 v12, v24  }
0x57c: {  	[tilespmem:s6+$0xFFFFFFA0] =	vst v25  }
0x57d: {  	v49 =	vadd.s32 v9, v18;
	v25 =	vld.idx.msk [tilespmem:v27+s1+$0x0], $0xffff;
	[tilespmem:s11+$0x7010] =	vst v28  }
0x57e: {  	v27 =	vadd.s32 v12, v21;
	[tilespmem:s3+$0x7020] =	vst v26;
	v26 =	vld.idx.msk [tilespmem:v29+s1+$0x0], $0xffff  }
0x57f: {  	[tilespmem:s5+$0x7020] =	vst v30;
	v29 =	vadd.s32 v12, v22;
	v28 =	vld.idx.msk [tilespmem:v31+s1+$0x0], $0xffff  }
0x580: {  	v30 =	vadd.s32 v13, v23;
	v31 =	vld.idx.msk [tilespmem:v47+s1+$0x0], $0xffff  }
0x581: {  	v48 =	vadd.s32 v13, v24  }
0x582: {  	v33 =	vld.idx.msk [tilespmem:v49+s1+$0x0], $0xffff;
	[tilespmem:s6+$0xFFFFFFB0] =	vst v25;
	v25 =	vadd.s32 v9, v17  }
0x583: {  	s0 =	simm.s32 $0x200;
	v54 =	vadd.s32 v10, v18;
	v27 =	vld.idx.msk [tilespmem:v27+s1+$0x0], $0xffff;
	[tilespmem:s11+$0x7020] =	vst v26  }
0x584: {  	s26 =	simm.s32 $0x280;
	s0 =	sand.u32 $0xC00, s0;
	v26 =	vadd.s32 v13, v21;
	[tilespmem:s3+$0x7030] =	vst v28;
	v28 =	vld.idx.msk [tilespmem:v29+s1+$0x0], $0xffff  }
0x585: {  	s29 =	sand.u32 $0x280, s26;
	s0 =	sor.u32 $0x13180, s0;
	v29 =	vadd.s32 v9, v19;
	[tilespmem:s5+$0x7030] =	vst v31;
	v30 =	vld.idx.msk [tilespmem:v30+s1+$0x0], $0xffff  }
0x586: {  	v50 =	vadd.s32 v13, v22;
	s8 =	sadd.s32 s29, s0;
	v31 =	vld.idx.msk [tilespmem:v48+s1+$0x0], $0xffff  }
0x587: {  	v52 =	vadd.s32 v9, v20;
	[tilespmem:s8+$0x7000] =	vst v33;
	v25 =	vld.idx.msk [tilespmem:v25+s1+$0x0], $0xffff  }
0x588: {  	v51 =	vadd.s32 v14, v23;
	v32 =	vld.idx.msk [tilespmem:v54+s1+$0x0], $0xffff;
	[tilespmem:s6+$0xFFFFFFC0] =	vst v27  }
0x589: {  	v27 =	vadd.s32 v14, v24;
	v26 =	vld.idx.msk [tilespmem:v26+s1+$0x0], $0xffff;
	[tilespmem:s11+$0x7030] =	vst v28  }
0x58a: {  	v53 =	vadd.s32 v10, v17;
	v29 =	vld.idx.msk [tilespmem:v29+s1+$0x0], $0xffff;
	[tilespmem:s3+$0x7040] =	vst v30  }
0x58b: {  	s7 =	simm.s32 $0x1A3F0;
	v28 =	vadd.s32 v14, v21;
	v30 =	vld.idx.msk [tilespmem:v50+s1+$0x0], $0xffff;
	[tilespmem:s5+$0x7040] =	vst v31  }
0x58c: {  	[tilespmem:s7+$0xFFFFFF90] =	vst v25;
	v25 =	vadd.s32 v10, v19;
	v31 =	vld.idx.msk [tilespmem:v52+s1+$0x0], $0xffff  }
0x58d: {  	s12 =	simm.s32 $0x300;
	v55 =	vadd.s32 v14, v22;
	v34 =	vld.idx.msk [tilespmem:v51+s1+$0x0], $0xffff  }
0x58e: {  	s12 =	sand.u32 $0x300, s12;
	v57 =	vadd.s32 v10, v20;
	[tilespmem:s8+$0x7010] =	vst v32;
	v27 =	vld.idx.msk [tilespmem:v27+s1+$0x0], $0xffff  }
0x58f: {  	s16 =	sadd.s32 s12, s0;
	s12 =	simm.s32 $0x380;
	v56 =	vld.idx.msk [tilespmem:v53+s1+$0x0], $0xffff;
	[tilespmem:s6+$0xFFFFFFD0] =	vst v26;
	v26 =	vadd.s32 v15, v23  }
0x590: {  	s31 =	sand.u32 $0x380, s12;
	[tilespmem:s16+$0x7000] =	vst v29;
	v28 =	vld.idx.msk [tilespmem:v28+s1+$0x0], $0xffff;
	v29 =	vadd.s32 v15, v24  }
0x591: {  	s15 =	sadd.s32 s31, s0;
	[tilespmem:s11+$0x7040] =	vst v30;
	v30 =	vadd.s32 v11, v17;
	v25 =	vld.idx.msk [tilespmem:v25+s1+$0x0], $0xffff  }
0x592: {  	v58 =	vadd.s32 v11, v18;
	[tilespmem:s15+$0x7000] =	vst v31;
	v31 =	vld.idx.msk [tilespmem:v55+s1+$0x0], $0xffff  }
0x593: {  	v59 =	vadd.s32 v11, v19;
	[tilespmem:s3+$0x7050] =	vst v34;
	v36 =	vld.idx.msk [tilespmem:v57+s1+$0x0], $0xffff  }
0x594: {  	[tilespmem:s5+$0x7050] =	vst v27;
	v27 =	vadd.s32 v15, v22;
	v26 =	vld.idx.msk [tilespmem:v26+s1+$0x0], $0xffff  }
0x595: {  	v60 =	vadd.s32 v15, v21;
	[tilespmem:s7+$0xFFFFFFA0] =	vst v56;
	v29 =	vld.idx.msk [tilespmem:v29+s1+$0x0], $0xffff  }
0x596: {  	v24 =	vadd.s32 v16, v24;
	[tilespmem:s6+$0xFFFFFFE0] =	vst v28;
	v28 =	vld.idx.msk [tilespmem:v30+s1+$0x0], $0xffff  }
0x597: {  	v23 =	vadd.s32 v16, v23;
	v30 =	vld.idx.msk [tilespmem:v58+s1+$0x0], $0xffff;
	[tilespmem:s16+$0x7010] =	vst v25  }
0x598: {  	v25 =	vadd.s32 v11, v20;
	v61 =	vld.idx.msk [tilespmem:v59+s1+$0x0], $0xffff;
	[tilespmem:s11+$0x7050] =	vst v31  }
0x599: {  	v31 =	vadd.s32 v12, v18;
	[tilespmem:s15+$0x7010] =	vst v36;
	v62 =	vld.idx.msk [tilespmem:v27+s1+$0x0], $0xffff  }
0x59a: {  	v63 =	vadd.s32 v12, v19;
	v27 =	vld.idx.msk [tilespmem:v60+s1+$0x0], $0xffff;
	[tilespmem:s5+$0x7060] =	vst v29  }
0x59b: {  	[tilespmem:s3+$0x7060] =	vst v26;
	v26 =	vld.idx.msk [tilespmem:v24+s1+$0x0], $0xffff  }
0x59c: {  	v22 =	vadd.s32 v16, v22;
	[tilespmem:s7+$0xFFFFFFB0] =	vst v28;
	v24 =	vld.idx.msk [tilespmem:v23+s1+$0x0], $0xffff  }
0x59d: {  	[tilespmem:s8+$0x7020] =	vst v30;
	v30 =	vld.idx.msk [tilespmem:v25+s1+$0x0], $0xffff;
	v25 =	vadd.s32 v16, v21  }
0x59e: {  	v32 =	vadd.s32 v12, v17;
	v28 =	vld.idx.msk [tilespmem:v31+s1+$0x0], $0xffff;
	[tilespmem:s16+$0x7020] =	vst v61  }
0x59f: {  	s19 =	simm.s32 $0x8;
	v23 =	vadd.s32 v13, v18;
	v31 =	vadd.s32 v12, v20;
	v29 =	vld.idx.msk [tilespmem:v63+s1+$0x0], $0xffff;
	[tilespmem:s11+$0x7060] =	vst v62  }
.LBB2_49:
0x5a0: {  	s0 =	sadd.s32 $0x1, s19  }
0x5a1: {  	v21 =	vmov s19;
	p0 =	slt.u32 s19, $0x1C;
	v33 =	vadd.s32 v13, v17;
	[tilespmem:s6+$0xFFFFFFF0] =	vst v27;
	v22 =	vld.idx.msk [tilespmem:v22+s1+$0x0], $0xffff;
	s18 =	smov.u32 s19;
	s19 =	sadd.s32 $0x4, s19  }
0x5a2: {  	v34 =	vadd.s32 v13, v19;
	v21 =	vand.u32 $0x1C, v21;
	v27 =	vmov s0;
	s0 =	sadd.s32 $0x2, s18;
	v25 =	vld.idx.msk [tilespmem:v25+s1+$0x0], $0xffff;
	[tilespmem:s5+$0x7070] =	vst v26;
	s5 =	smov.u32 s16  }
0x5a3: {  	v26 =	vadd.s32 v9, v21;
	v27 =	vand.u32 $0x1D, v27;
	v35 =	vmov s0;
	s0 =	sadd.s32 $0x3, s18;
	v32 =	vld.idx.msk [tilespmem:v32+s1+$0x0], $0xffff;
	[tilespmem:s3+$0x7070] =	vst v24;
	s3 =	smov.u32 s8  }
0x5a4: {  	v24 =	vadd.s32 v9, v27;
	v35 =	vand.u32 $0x1E, v35;
	v36 =	vmov s0;
	[tilespmem:s15+$0x7020] =	vst v30  }
0x5a5: {  	v30 =	vadd.s32 v13, v27;
	v37 =	vadd.s32 v9, v35;
	v36 =	vand.u32 $0x1F, v36;
	[tilespmem:s3+$0x7030] =	vst v28;
	v28 =	vld.idx.msk [tilespmem:v31+s1+$0x0], $0xffff  }
0x5a6: {  	v31 =	vadd.s32 v9, v36;
	v38 =	vld.idx.msk [tilespmem:v23+s1+$0x0], $0xffff;
	[tilespmem:s5+$0x7030] =	vst v29;
	v23 =	vmov v30  }
0x5a7: {  	v30 =	vadd.s32 v13, v20;
	v29 =	vld.idx.msk [tilespmem:v34+s1+$0x0], $0xffff;
	[tilespmem:s11+$0x7070] =	vst v22;
	s11 =	smov.u32 s15  }
0x5a8: {  	v22 =	vld.idx.msk [tilespmem:v26+s1+$0x0], $0xffff;
	v26 =	vadd.s32 v14, v18;
	[tilespmem:s6+$0x0] =	vst v25;
	s6 =	smov.u32 s7  }
0x5a9: {  	v24 =	vld.idx.msk [tilespmem:v24+s1+$0x0], $0xffff;
	[tilespmem:s7+$0xFFFFFFC0] =	vst v32  }
0x5aa: {  	s12 =	sadd.s32 $0x200, s12;
	v32 =	vadd.s32 v14, v19;
	v25 =	vld.idx.msk [tilespmem:v33+s1+$0x0], $0xffff  }
0x5ab: {  	s0 =	sadd.s32 $0xFFFFFE80, s12;
	v33 =	vadd.s32 v10, v21;
	v34 =	vld.idx.msk [tilespmem:v37+s1+$0x0], $0xffff;
	[tilespmem:s11+$0x7030] =	vst v28  }
0x5ac: {  	s8 =	sadd.s32 $0xFFFFFF00, s12;
	s0 =	sand.u32 $0xC00, s0;
	v28 =	vadd.s32 v14, v17;
	[tilespmem:s3+$0x7040] =	vst v38;
	v30 =	vld.idx.msk [tilespmem:v30+s1+$0x0], $0xffff  }
0x5ad: {  	s8 =	sand.u32 $0x280, s8;
	s0 =	sor.u32 $0x13180, s0;
	s7 =	sadd.s32 $0x200, s7;
	v37 =	vadd.s32 v10, v27;
	v26 =	vld.idx.msk [tilespmem:v26+s1+$0x0], $0xffff;
	[tilespmem:s5+$0x7040] =	vst v29  }
0x5ae: {  	s8 =	sadd.s32 s8, s0;
	s15 =	sadd.s32 $0xFFFFFF80, s12;
	[tilespmem:s7+$0xFFFFFF90] =	vst v22;
	v22 =	vadd.s32 v10, v35;
	v29 =	vld.idx.msk [tilespmem:v31+s1+$0x0], $0xffff  }
0x5af: {  	s15 =	sand.u32 $0x300, s15;
	v31 =	vadd.s32 v14, v20;
	[tilespmem:s8+$0x7000] =	vst v24;
	v24 =	vld.idx.msk [tilespmem:v32+s1+$0x0], $0xffff  }
0x5b0: {  	s16 =	sadd.s32 s15, s0;
	v32 =	vld.idx.msk [tilespmem:v33+s1+$0x0], $0xffff;
	[tilespmem:s6+$0xFFFFFFD0] =	vst v25;
	v25 =	vadd.s32 v15, v18  }
0x5b1: {  	v33 =	vadd.s32 v15, v19;
	[tilespmem:s16+$0x7000] =	vst v34;
	v28 =	vld.idx.msk [tilespmem:v28+s1+$0x0], $0xffff  }
0x5b2: {  	s15 =	sand.u32 $0x380, s12;
	v34 =	vld.idx.msk [tilespmem:v37+s1+$0x0], $0xffff;
	v37 =	vadd.s32 v10, v36;
	[tilespmem:s11+$0x7040] =	vst v30  }
0x5b3: {  	s15 =	sadd.s32 s15, s0;
	v30 =	vadd.s32 v11, v21;
	v22 =	vld.idx.msk [tilespmem:v22+s1+$0x0], $0xffff;
	[tilespmem:s3+$0x7050] =	vst v26  }
0x5b4: {  	v26 =	vadd.s32 v11, v27;
	[tilespmem:s15+$0x7000] =	vst v29;
	v29 =	vld.idx.msk [tilespmem:v31+s1+$0x0], $0xffff  }
0x5b5: {  	v31 =	vadd.s32 v11, v35;
	v25 =	vld.idx.msk [tilespmem:v25+s1+$0x0], $0xffff;
	[tilespmem:s5+$0x7050] =	vst v24  }
0x5b6: {  	v24 =	vadd.s32 v15, v17;
	[tilespmem:s7+$0xFFFFFFA0] =	vst v32;
	v32 =	vld.idx.msk [tilespmem:v33+s1+$0x0], $0xffff;
	v33 =	vadd.s32 v15, v20  }
0x5b7: {  	v37 =	vld.idx.msk [tilespmem:v37+s1+$0x0], $0xffff;
	[tilespmem:s6+$0xFFFFFFE0] =	vst v28  }
0x5b8: {  	v28 =	vld.idx.msk [tilespmem:v30+s1+$0x0], $0xffff;
	[tilespmem:s8+$0x7010] =	vst v34;
	v30 =	vadd.s32 v16, v19;
	v19 =	vmov v35  }
0x5b9: {  	v35 =	vadd.s32 v16, v18;
	v18 =	vmov v27;
	v34 =	vld.idx.msk [tilespmem:v26+s1+$0x0], $0xffff;
	[tilespmem:s16+$0x7010] =	vst v22  }
0x5ba: {  	v38 =	vadd.s32 v11, v36;
	v31 =	vld.idx.msk [tilespmem:v31+s1+$0x0], $0xffff;
	[tilespmem:s11+$0x7050] =	vst v29  }
0x5bb: {  	v29 =	vadd.s32 v12, v18;
	[tilespmem:s3+$0x7060] =	vst v25;
	v33 =	vld.idx.msk [tilespmem:v33+s1+$0x0], $0xffff  }
0x5bc: {  	v39 =	vadd.s32 v12, v19;
	v27 =	vld.idx.msk [tilespmem:v24+s1+$0x0], $0xffff;
	[tilespmem:s5+$0x7060] =	vst v32  }
.Ltmp23:
0x5bd: {  	v22 =	vadd.s32 v16, v20;
	v25 =	vadd.s32 v16, v17;
	v17 =	vmov v21;
	[tilespmem:s15+$0x7010] =	vst v37;
	v26 =	vld.idx.msk [tilespmem:v30+s1+$0x0], $0xffff;
	(pc) =	sbr.rel @p0 .LBB2_49-.Ltmp23, $4  }
0x5be: {  	v20 =	vmov v36;
	[tilespmem:s7+$0xFFFFFFB0] =	vst v28;
	v24 =	vld.idx.msk [tilespmem:v35+s1+$0x0], $0xffff  }
0x5bf: {  	v32 =	vadd.s32 v12, v17;
	[tilespmem:s8+$0x7020] =	vst v34;
	v30 =	vld.idx.msk [tilespmem:v38+s1+$0x0], $0xffff  }
0x5c0: {  	v28 =	vld.idx.msk [tilespmem:v29+s1+$0x0], $0xffff;
	[tilespmem:s16+$0x7020] =	vst v31  }
0x5c1: {  	v31 =	vadd.s32 v12, v20;
	v29 =	vld.idx.msk [tilespmem:v39+s1+$0x0], $0xffff;
	[tilespmem:s11+$0x7060] =	vst v33  }
0x5c2: {  	_ =	sdelay $0x3  }
0x5c3: {  	v21 =	vadd.s32 v13, v19;
	v50 =	vld.idx.msk [tilespmem:v32+s1+$0x0], $0xffff;
	[tilespmem:s15+$0x7020] =	vst v30  }
0x5c4: {  	v33 =	vadd.s32 v13, v17;
	v30 =	vld.idx.msk [tilespmem:v31+s1+$0x0], $0xffff  }
0x5c5: {  	v51 =	vadd.s32 v13, v20  }
0x5c6: {  	[tilespmem:s8+$0x7030] =	vst v28  }
0x5c7: {  	[tilespmem:s16+$0x7030] =	vst v29;
	v23 =	vld.idx.msk [tilespmem:v23+s1+$0x0], $0xffff  }
0x5c8: {  	v53 =	vadd.s32 v14, v18;
	v21 =	vld.idx.msk [tilespmem:v21+s1+$0x0], $0xffff;
	[tilespmem:s7+$0xFFFFFFC0] =	vst v50  }
0x5c9: {  	v52 =	vadd.s32 v14, v19;
	v31 =	vld.idx.msk [tilespmem:v33+s1+$0x0], $0xffff;
	[tilespmem:s15+$0x7030] =	vst v30  }
0x5ca: {  	v55 =	vadd.s32 v14, v17;
	v30 =	vld.idx.msk [tilespmem:v51+s1+$0x0], $0xffff  }
0x5cb: {  	v54 =	vadd.s32 v14, v20  }
0x5cc: {  	[tilespmem:s8+$0x7040] =	vst v23  }
0x5cd: {  	[tilespmem:s16+$0x7040] =	vst v21;
	v23 =	vld.idx.msk [tilespmem:v53+s1+$0x0], $0xffff  }
0x5ce: {  	v57 =	vadd.s32 v15, v18;
	v21 =	vld.idx.msk [tilespmem:v52+s1+$0x0], $0xffff;
	[tilespmem:s7+$0xFFFFFFD0] =	vst v31  }
0x5cf: {  	v56 =	vadd.s32 v15, v19;
	v31 =	vld.idx.msk [tilespmem:v55+s1+$0x0], $0xffff;
	[tilespmem:s15+$0x7040] =	vst v30  }
0x5d0: {  	v59 =	vadd.s32 v15, v17;
	v30 =	vld.idx.msk [tilespmem:v54+s1+$0x0], $0xffff  }
0x5d1: {  	v58 =	vadd.s32 v15, v20;
	[tilespmem:s6+$0xFFFFFFF0] =	vst v27  }
0x5d2: {  	[tilespmem:s8+$0x7050] =	vst v23  }
0x5d3: {  	[tilespmem:s16+$0x7050] =	vst v21;
	v23 =	vld.idx.msk [tilespmem:v57+s1+$0x0], $0xffff  }
0x5d4: {  	v18 =	vadd.s32 v16, v18;
	v21 =	vld.idx.msk [tilespmem:v56+s1+$0x0], $0xffff;
	[tilespmem:s7+$0xFFFFFFE0] =	vst v31  }
0x5d5: {  	v19 =	vadd.s32 v16, v19;
	v61 =	vld.idx.msk [tilespmem:v59+s1+$0x0], $0xffff;
	[tilespmem:s15+$0x7050] =	vst v30  }
0x5d6: {  	[tilespmem:s5+$0x7070] =	vst v26;
	v17 =	vadd.s32 v16, v17;
	v60 =	vld.idx.msk [tilespmem:v58+s1+$0x0], $0xffff  }
0x5d7: {  	v62 =	vadd.s32 v16, v20;
	v22 =	vld.idx.msk [tilespmem:v22+s1+$0x0], $0xffff;
	[tilespmem:s3+$0x7070] =	vst v24  }
0x5d8: {  	v63 =	vld.idx.msk [tilespmem:v25+s1+$0x0], $0xffff;
	[tilespmem:s8+$0x7060] =	vst v23  }
0x5d9: {  	[tilespmem:s16+$0x7060] =	vst v21;
	v18 =	vld.idx.msk [tilespmem:v18+s1+$0x0], $0xffff  }
0x5da: {  	v19 =	vld.idx.msk [tilespmem:v19+s1+$0x0], $0xffff;
	[tilespmem:s7+$0xFFFFFFF0] =	vst v61  }
0x5db: {  	v17 =	vld.idx.msk [tilespmem:v17+s1+$0x0], $0xffff;
	[tilespmem:s15+$0x7060] =	vst v60  }
0x5dc: {  	[tilespmem:s11+$0x7070] =	vst v22;
	v20 =	vld.idx.msk [tilespmem:v62+s1+$0x0], $0xffff  }
0x5dd: {  	[tilespmem:s6+$0x0] =	vst v63  }
0x5de: {  	[tilespmem:s8+$0x7070] =	vst v18  }
0x5df: {  	[tilespmem:s16+$0x7070] =	vst v19  }
0x5e0: {  	s0 =	sadd.s32 @!p1 $0x2B80, s13;
	[tilespmem:s7+$0x0] =	vst v17  }
0x5e1: {  	s5 =	simm.s32 @!p1 $0xC980;
	s9 =	sadd.s32 $0x1, s9;
	s3 =	simm.s32 @!p1 $0x80;
	[tilespmem:s15+$0x7070] =	vst v20  }
0x5e2: {  	[tilespmem:s5], [sflag:$0x3] =	stream.indirect.gather @!p1 [hbm4b:s4+s3], $0x20, s0, s3, $0xb8;
	[tilespmem:$0x1B180] =	vst v63  }
0x5e3: {  	p0 =	sne.s32 s9, $0x19;
	s0 =	sadd.s32 @!p1 $0x2C00, s13;
	s5 =	simm.s32 @!p1 $0xD980  }
0x5e4: {  	[tilespmem:s5], [sflag:$0x3] =	stream.indirect.gather @!p1 [hbm4b:s4+s3], $0x20, s0, s3, $0xb8;
	[tilespmem:$0x1B180] =	vst v63  }
.Ltmp24:
0x5e5: {  	s29 =	sshll.u32 s10, $0x11;
	(pc) =	sbr.rel @p0 .LBB2_18-.Ltmp24, $4  }
0x5e6: {  	s0 =	sor.u32 s14, s29  }
0x5e7: {  	s0 =	sshrl.u32 s0, $0x3  }
0x5e8: {  	s31 =	simm.s32 $0x19180;
	s0 =	sadd.s32 s2, s0  }
0x5e9: {  	[hbm4b:s0+s22] =	stream.strided.scatter [tilespmem:s31], [sflag:$0x8], $0x2000, s23, s22, $0x38;
	[tilespmem:$0x1B180] =	vst v63  }
0x5ea: {  	s0 =	simm.s32 $0x5  }
0x5eb: {  	_ =	swait.ge [sflag:s0], $0x2000  }
0x5ec: {  	[sflag:s0] =	ssyncset.done $0x0  }
0x5ed: {  	s26 =	simm.s32 $0x6;
	[sflag:s0] =	ssyncadd.s32 $0xFFFFE000  }
0x5ee: {  	_ =	swait.ge [sflag:s26], $0x2000  }
0x5ef: {  	[sflag:s26] =	ssyncset.done $0x0  }
0x5f0: {  	s29 =	simm.s32 $0x7;
	[sflag:s26] =	ssyncadd.s32 $0xFFFFE000  }
0x5f1: {  	_ =	swait.ge [sflag:s29], $0x2000  }
0x5f2: {  	[sflag:s29] =	ssyncset.done $0x0  }
0x5f3: {  	s3 =	simm.s32 $0x8;
	[sflag:s29] =	ssyncadd.s32 $0xFFFFE000  }
0x5f4: {  	_ =	swait.ge [sflag:s3], $0x2000  }
0x5f5: {  	s5 =	rddreg [dreg:$0xd]  }
0x5f6: {  	s31 =	rddreg [dreg:$0xc];
	s5 =	sadd.s32 $0x1, s5  }
0x5f7: {  	p0 =	sne.s32 s5, s31  }
.Ltmp25:
0x5f8: {  	_ = 	snop;
	(pc) =	sbr.rel @p0 .LBB2_1-.Ltmp25, $3  }
0x5f9: {  	_ =	sdelay $0x1  }
0x5fa: {  	[sflag:s3] =	ssyncset.done $0x0  }
0x5fb: {  	s6 =	simm.s32 $0x9;
	s7 =	simm.s32 $0x2580;
	[sflag:s3] =	ssyncadd.s32 $0xFFFFE000  }
0x5fc: {  	_ =	sfence.sel $0x180000  }
0x5fd: {  	[bflag:$0x0] =	sbarrier.arrive $0xFFFF  }
0x5fe: {  	_ =	strace $0x90000047  }
0x5ff: {  	s0 =	stileid.u32;
	[bflag:$0x2] =	sbarrier.arrive $0xFFFF  }
0x600: {  	p0 =	sne.s32 s0, $0x0;
	s0 =	rddreg [dreg:$0x2]  }
0x601: {  	s0 =	sadd.s32 @!p0 $0x100000, s0  }
0x602: {  	[sflag:s0] =	ssyncadd.tile.s32 @!p0 $0x1;
	_ =	shalt  }
.Lfunc_end2:
_tile_overlayer_lowered:
.L_overlay_start_2:
0x603: {  	(tag) =	ssettag $0x2  }
0x604: {  	s0 =	rddreg [dreg:$0x0];
	s2 =	stileid.u32  }
0x605: {  	s1 =	rddreg [dreg:$0x1];
	p0 =	sne.s32 s2, $0x0  }
0x606: {  	s3 =	rddreg [dreg:$0x2];
	[bflag:$0x3] =	sbarrier.arrive $0xFFFF;
	s2 =	simm.s32 @!p0 $0x1C09  }
0x607: {  	[timem:s3], [sflag:s2] =	dma.local @!p0 [hbm:s0], s1  }
0x608: {  	s0 =	simm.s32 @!p0 $0x9  }
0x609: {  	_ =	swait.ge @!p0 [sflag:s0], s1  }
0x60a: {  	s1 =	ssub.s32 @!p0 $0x0, s1;
	[sflag:s0] =	ssyncset.done @!p0 $0x0  }
0x60b: {  	[sflag:s0] =	ssyncadd.s32 @!p0 s1  }
0x60c: {  	[bflag:$0x3] =	sbarrier.arrive $0xFFFF  }
0x60d: {  	_ =	shalt  }

</sc_bundles>
